<compile_context>
chip_gen: v7x
topology: tpu7x:2x2x1
jax: 0.10.2.dev20260603
libtpu: 0.0.44.dev20260713+nightly
codegen_flags: <defaults>
</compile_context>

<pallas_src>
import functools

import jax
import jax.numpy as jnp
from jax import lax
from jax.experimental import pallas as pl
from jax.experimental.pallas import tpu as pltpu
from jax.experimental.pallas import tpu_sc as plsc

_NUM_FIELDS = 26
_FIELD_WIDTH = 38462
_EMBED_DIM = 32
_BATCH = 16384

_LANES = 16
_NW = 32
_NG = _BATCH // 128
_WINA = 38400
_WINB = 256
_WIN = _WINA + _WINB
_TAIL_START = 999936


def _body(xt_hbm, tab_hbm, tail_hbm, out_hbm, win_v, idx_v, outb_v, *sems):
    wsem = sems[0:2]
    isem = sems[2:4]
    osem = sems[4:6]
    wid = lax.axis_index("s") * 2 + lax.axis_index("c")
    cg = wid // 8
    ci = lax.rem(wid, 8)

    def fire_win(f, b):
        off = f * _FIELD_WIDTH
        d = lax.rem(off, 128)
        start = pl.multiple_of(off - d, 128)
        last = f == _NUM_FIELDS - 1
        for c in range(8):
            @pl.when(ci == c)
            def _(c=c):
                pltpu.async_copy(tab_hbm.at[cg, c, pl.ds(start, _WINA)],
                                 win_v.at[pl.ds(b * _WIN, _WINA)], wsem[b])

                @pl.when(jnp.logical_not(last))
                def _():
                    pltpu.async_copy(
                        tab_hbm.at[cg, c, pl.ds(start + _WINA, _WINB)],
                        win_v.at[pl.ds(b * _WIN + _WINA, _WINB)], wsem[b])

                @pl.when(last)
                def _():
                    pltpu.async_copy(tail_hbm.at[cg, c],
                                     win_v.at[pl.ds(b * _WIN + _WINA, 128)],
                                     wsem[b])

    def wait_win(f, b):
        last = f == _NUM_FIELDS - 1
        pltpu.make_async_copy(tab_hbm.at[0, 0, pl.ds(0, _WINA)],
                              win_v.at[pl.ds(b * _WIN, _WINA)],
                              wsem[b]).wait()

        @pl.when(jnp.logical_not(last))
        def _():
            pltpu.make_async_copy(tab_hbm.at[0, 0, pl.ds(0, _WINB)],
                                  win_v.at[pl.ds(b * _WIN + _WINA, _WINB)],
                                  wsem[b]).wait()

        @pl.when(last)
        def _():
            pltpu.make_async_copy(tab_hbm.at[0, 0, pl.ds(0, 128)],
                                  win_v.at[pl.ds(b * _WIN + _WINA, 128)],
                                  wsem[b]).wait()

    def fire_idx(f, b):
        for ff in range(_NUM_FIELDS):
            @pl.when(f == ff)
            def _(ff=ff):
                pltpu.async_copy(xt_hbm.at[ff],
                                 idx_v.at[pl.ds(b * _BATCH, _BATCH)], isem[b])

    def wait_idx(b):
        pltpu.make_async_copy(xt_hbm.at[0],
                              idx_v.at[pl.ds(b * _BATCH, _BATCH)],
                              isem[b]).wait()

    def wait_store(h):
        pltpu.make_async_copy(out_hbm.at[0, 0, pl.ds(0, 64), 0, :],
                              outb_v.at[h], osem[h]).wait()

    def fire_store(f, h):
        for c in range(8):
            @pl.when(ci == c)
            def _(c=c):
                pltpu.async_copy(outb_v.at[h],
                                 out_hbm.at[f, cg, pl.ds(64 * h, 64), c, :],
                                 osem[h])

    def process(f, b):
        wait_win(f, b)
        wait_idx(b)
        d = lax.rem(f * _FIELD_WIDTH, 128)
        for h in range(2):
            @pl.when(f >= 1)
            def _(h=h):
                wait_store(h)

            @plsc.parallel_loop(0, 64, step=1)
            def r_step(r, h=h):
                for j in range(8):
                    sl = pl.ds(j * _LANES, _LANES)
                    base = b * _BATCH + (64 * h + r) * 128 + j * _LANES
                    outb_v[h, r, sl] = plsc.load_gather(
                        win_v, [idx_v[pl.ds(base, _LANES)] + (d + b * _WIN)])
            fire_store(f, h)

    fire_win(0, 0)
    fire_idx(0, 0)

    def g_step(g, carry):
        f0 = 2 * g
        fire_win(f0 + 1, 1)
        fire_idx(f0 + 1, 1)
        process(f0, 0)

        @pl.when(f0 + 2 < _NUM_FIELDS)
        def _():
            fire_win(f0 + 2, 0)
            fire_idx(f0 + 2, 0)

        process(f0 + 1, 1)
        return carry

    lax.fori_loop(0, _NUM_FIELDS // 2, g_step, 0)
    for h in range(2):
        wait_store(h)


@functools.partial(jax.jit, static_argnums=())
def kernel(x, table):
    xt = x.astype(jnp.int32).T
    tab = table.T.reshape(4, 8, table.shape[0])
    tail = jnp.pad(
        lax.slice(table.T, (0, _TAIL_START), (_EMBED_DIM, table.shape[0])),
        ((0, 0), (0, 128 - (table.shape[0] - _TAIL_START))),
    ).reshape(4, 8, 128)
    mesh = plsc.VectorSubcoreMesh(core_axis_name="c", subcore_axis_name="s")
    run = pl.kernel(
        _body,
        out_type=jax.ShapeDtypeStruct((_NUM_FIELDS, 4, _NG, 8, 128),
                                      jnp.float32),
        mesh=mesh,
        scratch_types=[
            pltpu.VMEM((2 * _WIN,), jnp.float32),
            pltpu.VMEM((2 * _BATCH,), jnp.int32),
            pltpu.VMEM((2, 64, 128), jnp.float32),
        ] + [pltpu.SemaphoreType.DMA] * 6,
        compiler_params=pltpu.CompilerParams(needs_layout_passes=False),
    )
    out5 = run(xt, tab, tail)
    return out5.transpose(2, 4, 0, 1, 3).reshape(_BATCH, _NUM_FIELDS,
                                                 _EMBED_DIM)

# --- scband reference (transcript-rebuilt; emitter-appended) ---
"""Pipeline reference for scband-sparse-embedding-33689723470093 (READ-ONLY COPY).

The authoritative reference and input builder live on the scoring server;
editing this copy changes nothing except your own understanding.
"""

import jax, jax.numpy as jnp
import numpy as np

FIELDS = [38462] * 26
EMBED_DIM = 32
TOTAL = int(sum(FIELDS))
OFFSETS = np.asarray((0, *np.cumsum(FIELDS)[:-1]), dtype=np.int32)
BATCH = 16384


def setup_inputs(seed: int = 0) -> dict:
    key = jax.random.key(seed)
    k1, k2 = jax.random.split(key)
    x = jax.random.randint(k1, (BATCH, len(FIELDS)), 0, FIELDS[0])
    table = jax.random.normal(k2, (TOTAL, EMBED_DIM), dtype=jnp.float32)
    return {"x": x, "table": table}


def reference(x, table):
    # x: int[N, sparse_num_field]; add per-field offsets, then embedding gather
    idx = x + jnp.asarray(OFFSETS, dtype=x.dtype)
    z = jnp.take(table, idx, axis=0)  # [N, sparse_num_field, embed_dim]
    return z

if __name__ == "__main__":
    import jax
    _d = setup_inputs()
    print(jax.jit(kernel)(*tuple(_d.values())))

</pallas_src>

<mosaic_0001>
#map = affine_map<(d0, d1) -> (0, 0)>
#map1 = affine_map<(d0, d1) -> (0, 0, 0)>
#map2 = affine_map<(d0, d1) -> (0, 0, 0, 0, 0)>
module attributes {stable_mosaic.version = 14 : i64} {
  func.func @_body(%arg0: i32, %arg1: i32, %arg2: memref<26x16384xi32, #tpu.memory_space<hbm>>, %arg3: memref<4x8x1000012xf32, #tpu.memory_space<hbm>>, %arg4: memref<4x8x128xf32, #tpu.memory_space<hbm>>, %arg5: memref<26x4x128x8x128xf32, #tpu.memory_space<hbm>>, %arg6: memref<77312xf32, #tpu.memory_space<vmem>>, %arg7: memref<32768xi32, #tpu.memory_space<vmem>>, %arg8: memref<2x64x128xf32, #tpu.memory_space<vmem>>, %arg9: memref<!tpu.dma_semaphore, #tpu.memory_space<semaphore_mem>>, %arg10: memref<!tpu.dma_semaphore, #tpu.memory_space<semaphore_mem>>, %arg11: memref<!tpu.dma_semaphore, #tpu.memory_space<semaphore_mem>>, %arg12: memref<!tpu.dma_semaphore, #tpu.memory_space<semaphore_mem>>, %arg13: memref<!tpu.dma_semaphore, #tpu.memory_space<semaphore_mem>>, %arg14: memref<!tpu.dma_semaphore, #tpu.memory_space<semaphore_mem>>) attributes {dimension_semantics = [#tpu.dimension_semantics<core_parallel>, #tpu.dimension_semantics<subcore_parallel>], iteration_bounds = array<i64: 2, 16>, scalar_prefetch = 0 : i64, scratch_operands = 9 : i64, tpu.core_type = #tpu.core_type<sc_vector_subcore>, window_params = [{transform_indices = #map}, {transform_indices = #map1}, {transform_indices = #map1}, {transform_indices = #map2}]} {
    %mul3A = arith.constant 2 : i32
    %mul3A_0 = arith.muli %arg1, %mul3A : i32
    %add3A = arith.addi %mul3A_0, %arg0 : i32
    %jit3A = arith.constant 8 : i32
    %div3A = arith.divsi %add3A, %jit3A : i32
    %sign3A = arith.constant 0 : i32
    %sign3A_1 = arith.cmpi sgt, %add3A, %sign3A : i32
    %sign3A_2 = arith.extui %sign3A_1 : i1 to i32
    %sign3A_3 = arith.constant 0 : i32
    %sign3A_4 = arith.cmpi slt, %add3A, %sign3A_3 : i32
    %sign3A_5 = arith.extui %sign3A_4 : i1 to i32
    %sign3A_6 = arith.subi %sign3A_2, %sign3A_5 : i32
    %sign3A_7 = arith.constant 0 : i32
    %sign3A_8 = arith.cmpi sgt, %jit3A, %sign3A_7 : i32
    %sign3A_9 = arith.extui %sign3A_8 : i1 to i32
    %sign3A_10 = arith.constant 0 : i32
    %sign3A_11 = arith.cmpi slt, %jit3A, %sign3A_10 : i32
    %sign3A_12 = arith.extui %sign3A_11 : i1 to i32
    %sign3A_13 = arith.subi %sign3A_9, %sign3A_12 : i32
    %ne3A = arith.cmpi ne, %sign3A_6, %sign3A_13 : i32
    %rem3A = arith.remsi %add3A, %jit3A : i32
    %ne3A_14 = arith.constant 0 : i32
    %ne3A_15 = arith.cmpi ne, %rem3A, %ne3A_14 : i32
    %and3A = arith.andi %ne3A, %ne3A_15 : i1
    %sub3A = arith.constant 1 : i32
    %sub3A_16 = arith.subi %div3A, %sub3A : i32
    %select_n3A = arith.select %and3A, %sub3A_16, %div3A : i32
    %rem3A_17 = arith.constant 8 : i32
    %rem3A_18 = arith.remsi %add3A, %rem3A_17 : i32
    %rem3A_19 = arith.constant 0 : i32
    %rem3A_20 = arith.constant 128 : i32
    %rem3A_21 = arith.remsi %rem3A_19, %rem3A_20 : i32
    %sub3A_22 = arith.constant 0 : i32
    %sub3A_23 = arith.subi %sub3A_22, %rem3A_21 : i32
    %multiple_of3A = tpu.assume_multiple %sub3A_23, 128 : i32
    %eq3A = arith.constant 0 : i32
    %eq3A_24 = arith.cmpi eq, %rem3A_18, %eq3A : i32
    %convert_element_type3A = arith.extui %eq3A_24 : i1 to i32
    %cond3A = arith.constant 0 : i32
    %cond3A_25 = arith.cmpi ne, %convert_element_type3A, %cond3A : i32
    scf.if %cond3A_25 {
      %dma_start3A_115 = arith.constant 0 : i32
      %dma_start3A_116 = arith.constant 0 : i32
      %dma_start3A_117 = tpu.memref_slice %arg6[%dma_start3A_116] : memref<77312xf32, #tpu.memory_space<vmem>> -> memref<38400xf32, #tpu.memory_space<vmem>>
      %dma_start3A_118 = tpu.memref_slice %arg3[%select_n3A, %dma_start3A_115, %multiple_of3A] : memref<4x8x1000012xf32, #tpu.memory_space<hbm>> -> memref<1x1x38400xf32, #tpu.memory_space<hbm>>
      %dma_start3A_119 = tpu.memref_squeeze %dma_start3A_118 : memref<1x1x38400xf32, #tpu.memory_space<hbm>> -> memref<38400xf32, #tpu.memory_space<hbm>>
      %dma_start3A_120 = arith.constant 0 : i32
      %dma_start3A_121 = tpu.memref_slice %arg6[%dma_start3A_120] : memref<77312xf32, #tpu.memory_space<vmem>> -> memref<38400xf32, #tpu.memory_space<vmem>>
      %dma_start3A_122 = tpu.memref_slice %arg3[%select_n3A, %dma_start3A_115, %multiple_of3A] : memref<4x8x1000012xf32, #tpu.memory_space<hbm>> -> memref<1x1x38400xf32, #tpu.memory_space<hbm>>
      %dma_start3A_123 = tpu.memref_squeeze %dma_start3A_122 : memref<1x1x38400xf32, #tpu.memory_space<hbm>> -> memref<38400xf32, #tpu.memory_space<hbm>>
      tpu.enqueue_dma source(%dma_start3A_123 : memref<38400xf32, #tpu.memory_space<hbm>>) target(%dma_start3A_121 : memref<38400xf32, #tpu.memory_space<vmem>>) target_semaphore(%arg9 : memref<!tpu.dma_semaphore, #tpu.memory_space<semaphore_mem>>)
      %not3A = arith.constant false
      %not3A_124 = arith.constant true
      %not3A_125 = arith.xori %not3A, %not3A_124 : i1
      %convert_element_type3A_126 = arith.extui %not3A_125 : i1 to i32
      %cond3A_127 = arith.constant 0 : i32
      %cond3A_128 = arith.cmpi ne, %convert_element_type3A_126, %cond3A_127 : i32
      scf.if %cond3A_128 {
        %add3A_129 = arith.constant 38400 : i32
        %add3A_130 = arith.addi %multiple_of3A, %add3A_129 : i32
        %dma_start3A_131 = arith.constant 0 : i32
        %dma_start3A_132 = arith.constant 38400 : i32
        %dma_start3A_133 = tpu.memref_slice %arg6[%dma_start3A_132] : memref<77312xf32, #tpu.memory_space<vmem>> -> memref<256xf32, #tpu.memory_space<vmem>>
        %dma_start3A_134 = tpu.memref_slice %arg3[%select_n3A, %dma_start3A_131, %add3A_130] : memref<4x8x1000012xf32, #tpu.memory_space<hbm>> -> memref<1x1x256xf32, #tpu.memory_space<hbm>>
        %dma_start3A_135 = tpu.memref_squeeze %dma_start3A_134 : memref<1x1x256xf32, #tpu.memory_space<hbm>> -> memref<256xf32, #tpu.memory_space<hbm>>
        %dma_start3A_136 = arith.constant 38400 : i32
        %dma_start3A_137 = tpu.memref_slice %arg6[%dma_start3A_136] : memref<77312xf32, #tpu.memory_space<vmem>> -> memref<256xf32, #tpu.memory_space<vmem>>
        %dma_start3A_138 = tpu.memref_slice %arg3[%select_n3A, %dma_start3A_131, %add3A_130] : memref<4x8x1000012xf32, #tpu.memory_space<hbm>> -> memref<1x1x256xf32, #tpu.memory_space<hbm>>
        %dma_start3A_139 = tpu.memref_squeeze %dma_start3A_138 : memref<1x1x256xf32, #tpu.memory_space<hbm>> -> memref<256xf32, #tpu.memory_space<hbm>>
        tpu.enqueue_dma source(%dma_start3A_139 : memref<256xf32, #tpu.memory_space<hbm>>) target(%dma_start3A_137 : memref<256xf32, #tpu.memory_space<vmem>>) target_semaphore(%arg9 : memref<!tpu.dma_semaphore, #tpu.memory_space<semaphore_mem>>)
      } else {
      }
    } else {
    }
    %eq3A_26 = arith.constant 1 : i32
    %eq3A_27 = arith.cmpi eq, %rem3A_18, %eq3A_26 : i32
    %convert_element_type3A_28 = arith.extui %eq3A_27 : i1 to i32
    %cond3A_29 = arith.constant 0 : i32
    %cond3A_30 = arith.cmpi ne, %convert_element_type3A_28, %cond3A_29 : i32
    scf.if %cond3A_30 {
      %dma_start3A_115 = arith.constant 1 : i32
      %dma_start3A_116 = arith.constant 0 : i32
      %dma_start3A_117 = tpu.memref_slice %arg6[%dma_start3A_116] : memref<77312xf32, #tpu.memory_space<vmem>> -> memref<38400xf32, #tpu.memory_space<vmem>>
      %dma_start3A_118 = tpu.memref_slice %arg3[%select_n3A, %dma_start3A_115, %multiple_of3A] : memref<4x8x1000012xf32, #tpu.memory_space<hbm>> -> memref<1x1x38400xf32, #tpu.memory_space<hbm>>
      %dma_start3A_119 = tpu.memref_squeeze %dma_start3A_118 : memref<1x1x38400xf32, #tpu.memory_space<hbm>> -> memref<38400xf32, #tpu.memory_space<hbm>>
      %dma_start3A_120 = arith.constant 0 : i32
      %dma_start3A_121 = tpu.memref_slice %arg6[%dma_start3A_120] : memref<77312xf32, #tpu.memory_space<vmem>> -> memref<38400xf32, #tpu.memory_space<vmem>>
      %dma_start3A_122 = tpu.memref_slice %arg3[%select_n3A, %dma_start3A_115, %multiple_of3A] : memref<4x8x1000012xf32, #tpu.memory_space<hbm>> -> memref<1x1x38400xf32, #tpu.memory_space<hbm>>
      %dma_start3A_123 = tpu.memref_squeeze %dma_start3A_122 : memref<1x1x38400xf32, #tpu.memory_space<hbm>> -> memref<38400xf32, #tpu.memory_space<hbm>>
      tpu.enqueue_dma source(%dma_start3A_123 : memref<38400xf32, #tpu.memory_space<hbm>>) target(%dma_start3A_121 : memref<38400xf32, #tpu.memory_space<vmem>>) target_semaphore(%arg9 : memref<!tpu.dma_semaphore, #tpu.memory_space<semaphore_mem>>)
      %not3A = arith.constant false
      %not3A_124 = arith.constant true
      %not3A_125 = arith.xori %not3A, %not3A_124 : i1
      %convert_element_type3A_126 = arith.extui %not3A_125 : i1 to i32
      %cond3A_127 = arith.constant 0 : i32
      %cond3A_128 = arith.cmpi ne, %convert_element_type3A_126, %cond3A_127 : i32
      scf.if %cond3A_128 {
        %add3A_129 = arith.constant 38400 : i32
        %add3A_130 = arith.addi %multiple_of3A, %add3A_129 : i32
        %dma_start3A_131 = arith.constant 1 : i32
        %dma_start3A_132 = arith.constant 38400 : i32
        %dma_start3A_133 = tpu.memref_slice %arg6[%dma_start3A_132] : memref<77312xf32, #tpu.memory_space<vmem>> -> memref<256xf32, #tpu.memory_space<vmem>>
        %dma_start3A_134 = tpu.memref_slice %arg3[%select_n3A, %dma_start3A_131, %add3A_130] : memref<4x8x1000012xf32, #tpu.memory_space<hbm>> -> memref<1x1x256xf32, #tpu.memory_space<hbm>>
        %dma_start3A_135 = tpu.memref_squeeze %dma_start3A_134 : memref<1x1x256xf32, #tpu.memory_space<hbm>> -> memref<256xf32, #tpu.memory_space<hbm>>
        %dma_start3A_136 = arith.constant 38400 : i32
        %dma_start3A_137 = tpu.memref_slice %arg6[%dma_start3A_136] : memref<77312xf32, #tpu.memory_space<vmem>> -> memref<256xf32, #tpu.memory_space<vmem>>
        %dma_start3A_138 = tpu.memref_slice %arg3[%select_n3A, %dma_start3A_131, %add3A_130] : memref<4x8x1000012xf32, #tpu.memory_space<hbm>> -> memref<1x1x256xf32, #tpu.memory_space<hbm>>
        %dma_start3A_139 = tpu.memref_squeeze %dma_start3A_138 : memref<1x1x256xf32, #tpu.memory_space<hbm>> -> memref<256xf32, #tpu.memory_space<hbm>>
        tpu.enqueue_dma source(%dma_start3A_139 : memref<256xf32, #tpu.memory_space<hbm>>) target(%dma_start3A_137 : memref<256xf32, #tpu.memory_space<vmem>>) target_semaphore(%arg9 : memref<!tpu.dma_semaphore, #tpu.memory_space<semaphore_mem>>)
      } else {
      }
    } else {
    }
    %eq3A_31 = arith.constant 2 : i32
    %eq3A_32 = arith.cmpi eq, %rem3A_18, %eq3A_31 : i32
    %convert_element_type3A_33 = arith.extui %eq3A_32 : i1 to i32
    %cond3A_34 = arith.constant 0 : i32
    %cond3A_35 = arith.cmpi ne, %convert_element_type3A_33, %cond3A_34 : i32
    scf.if %cond3A_35 {
      %dma_start3A_115 = arith.constant 2 : i32
      %dma_start3A_116 = arith.constant 0 : i32
      %dma_start3A_117 = tpu.memref_slice %arg6[%dma_start3A_116] : memref<77312xf32, #tpu.memory_space<vmem>> -> memref<38400xf32, #tpu.memory_space<vmem>>
      %dma_start3A_118 = tpu.memref_slice %arg3[%select_n3A, %dma_start3A_115, %multiple_of3A] : memref<4x8x1000012xf32, #tpu.memory_space<hbm>> -> memref<1x1x38400xf32, #tpu.memory_space<hbm>>
      %dma_start3A_119 = tpu.memref_squeeze %dma_start3A_118 : memref<1x1x38400xf32, #tpu.memory_space<hbm>> -> memref<38400xf32, #tpu.memory_space<hbm>>
      %dma_start3A_120 = arith.constant 0 : i32
      %dma_start3A_121 = tpu.memref_slice %arg6[%dma_start3A_120] : memref<77312xf32, #tpu.memory_space<vmem>> -> memref<38400xf32, #tpu.memory_space<vmem>>
      %dma_start3A_122 = tpu.memref_slice %arg3[%select_n3A, %dma_start3A_115, %multiple_of3A] : memref<4x8x1000012xf32, #tpu.memory_space<hbm>> -> memref<1x1x38400xf32, #tpu.memory_space<hbm>>
      %dma_start3A_123 = tpu.memref_squeeze %dma_start3A_122 : memref<1x1x38400xf32, #tpu.memory_space<hbm>> -> memref<38400xf32, #tpu.memory_space<hbm>>
      tpu.enqueue_dma source(%dma_start3A_123 : memref<38400xf32, #tpu.memory_space<hbm>>) target(%dma_start3A_121 : memref<38400xf32, #tpu.memory_space<vmem>>) target_semaphore(%arg9 : memref<!tpu.dma_semaphore, #tpu.memory_space<semaphore_mem>>)
      %not3A = arith.constant false
      %not3A_124 = arith.constant true
      %not3A_125 = arith.xori %not3A, %not3A_124 : i1
      %convert_element_type3A_126 = arith.extui %not3A_125 : i1 to i32
      %cond3A_127 = arith.constant 0 : i32
      %cond3A_128 = arith.cmpi ne, %convert_element_type3A_126, %cond3A_127 : i32
      scf.if %cond3A_128 {
        %add3A_129 = arith.constant 38400 : i32
        %add3A_130 = arith.addi %multiple_of3A, %add3A_129 : i32
        %dma_start3A_131 = arith.constant 2 : i32
        %dma_start3A_132 = arith.constant 38400 : i32
        %dma_start3A_133 = tpu.memref_slice %arg6[%dma_start3A_132] : memref<77312xf32, #tpu.memory_space<vmem>> -> memref<256xf32, #tpu.memory_space<vmem>>
        %dma_start3A_134 = tpu.memref_slice %arg3[%select_n3A, %dma_start3A_131, %add3A_130] : memref<4x8x1000012xf32, #tpu.memory_space<hbm>> -> memref<1x1x256xf32, #tpu.memory_space<hbm>>
        %dma_start3A_135 = tpu.memref_squeeze %dma_start3A_134 : memref<1x1x256xf32, #tpu.memory_space<hbm>> -> memref<256xf32, #tpu.memory_space<hbm>>
        %dma_start3A_136 = arith.constant 38400 : i32
        %dma_start3A_137 = tpu.memref_slice %arg6[%dma_start3A_136] : memref<77312xf32, #tpu.memory_space<vmem>> -> memref<256xf32, #tpu.memory_space<vmem>>
        %dma_start3A_138 = tpu.memref_slice %arg3[%select_n3A, %dma_start3A_131, %add3A_130] : memref<4x8x1000012xf32, #tpu.memory_space<hbm>> -> memref<1x1x256xf32, #tpu.memory_space<hbm>>
        %dma_start3A_139 = tpu.memref_squeeze %dma_start3A_138 : memref<1x1x256xf32, #tpu.memory_space<hbm>> -> memref<256xf32, #tpu.memory_space<hbm>>
        tpu.enqueue_dma source(%dma_start3A_139 : memref<256xf32, #tpu.memory_space<hbm>>) target(%dma_start3A_137 : memref<256xf32, #tpu.memory_space<vmem>>) target_semaphore(%arg9 : memref<!tpu.dma_semaphore, #tpu.memory_space<semaphore_mem>>)
      } else {
      }
    } else {
    }
    %eq3A_36 = arith.constant 3 : i32
    %eq3A_37 = arith.cmpi eq, %rem3A_18, %eq3A_36 : i32
    %convert_element_type3A_38 = arith.extui %eq3A_37 : i1 to i32
    %cond3A_39 = arith.constant 0 : i32
    %cond3A_40 = arith.cmpi ne, %convert_element_type3A_38, %cond3A_39 : i32
    scf.if %cond3A_40 {
      %dma_start3A_115 = arith.constant 3 : i32
      %dma_start3A_116 = arith.constant 0 : i32
      %dma_start3A_117 = tpu.memref_slice %arg6[%dma_start3A_116] : memref<77312xf32, #tpu.memory_space<vmem>> -> memref<38400xf32, #tpu.memory_space<vmem>>
      %dma_start3A_118 = tpu.memref_slice %arg3[%select_n3A, %dma_start3A_115, %multiple_of3A] : memref<4x8x1000012xf32, #tpu.memory_space<hbm>> -> memref<1x1x38400xf32, #tpu.memory_space<hbm>>
      %dma_start3A_119 = tpu.memref_squeeze %dma_start3A_118 : memref<1x1x38400xf32, #tpu.memory_space<hbm>> -> memref<38400xf32, #tpu.memory_space<hbm>>
      %dma_start3A_120 = arith.constant 0 : i32
      %dma_start3A_121 = tpu.memref_slice %arg6[%dma_start3A_120] : memref<77312xf32, #tpu.memory_space<vmem>> -> memref<38400xf32, #tpu.memory_space<vmem>>
      %dma_start3A_122 = tpu.memref_slice %arg3[%select_n3A, %dma_start3A_115, %multiple_of3A] : memref<4x8x1000012xf32, #tpu.memory_space<hbm>> -> memref<1x1x38400xf32, #tpu.memory_space<hbm>>
      %dma_start3A_123 = tpu.memref_squeeze %dma_start3A_122 : memref<1x1x38400xf32, #tpu.memory_space<hbm>> -> memref<38400xf32, #tpu.memory_space<hbm>>
      tpu.enqueue_dma source(%dma_start3A_123 : memref<38400xf32, #tpu.memory_space<hbm>>) target(%dma_start3A_121 : memref<38400xf32, #tpu.memory_space<vmem>>) target_semaphore(%arg9 : memref<!tpu.dma_semaphore, #tpu.memory_space<semaphore_mem>>)
      %not3A = arith.constant false
      %not3A_124 = arith.constant true
      %not3A_125 = arith.xori %not3A, %not3A_124 : i1
      %convert_element_type3A_126 = arith.extui %not3A_125 : i1 to i32
      %cond3A_127 = arith.constant 0 : i32
      %cond3A_128 = arith.cmpi ne, %convert_element_type3A_126, %cond3A_127 : i32
      scf.if %cond3A_128 {
        %add3A_129 = arith.constant 38400 : i32
        %add3A_130 = arith.addi %multiple_of3A, %add3A_129 : i32
        %dma_start3A_131 = arith.constant 3 : i32
        %dma_start3A_132 = arith.constant 38400 : i32
        %dma_start3A_133 = tpu.memref_slice %arg6[%dma_start3A_132] : memref<77312xf32, #tpu.memory_space<vmem>> -> memref<256xf32, #tpu.memory_space<vmem>>
        %dma_start3A_134 = tpu.memref_slice %arg3[%select_n3A, %dma_start3A_131, %add3A_130] : memref<4x8x1000012xf32, #tpu.memory_space<hbm>> -> memref<1x1x256xf32, #tpu.memory_space<hbm>>
        %dma_start3A_135 = tpu.memref_squeeze %dma_start3A_134 : memref<1x1x256xf32, #tpu.memory_space<hbm>> -> memref<256xf32, #tpu.memory_space<hbm>>
        %dma_start3A_136 = arith.constant 38400 : i32
        %dma_start3A_137 = tpu.memref_slice %arg6[%dma_start3A_136] : memref<77312xf32, #tpu.memory_space<vmem>> -> memref<256xf32, #tpu.memory_space<vmem>>
        %dma_start3A_138 = tpu.memref_slice %arg3[%select_n3A, %dma_start3A_131, %add3A_130] : memref<4x8x1000012xf32, #tpu.memory_space<hbm>> -> memref<1x1x256xf32, #tpu.memory_space<hbm>>
        %dma_start3A_139 = tpu.memref_squeeze %dma_start3A_138 : memref<1x1x256xf32, #tpu.memory_space<hbm>> -> memref<256xf32, #tpu.memory_space<hbm>>
        tpu.enqueue_dma source(%dma_start3A_139 : memref<256xf32, #tpu.memory_space<hbm>>) target(%dma_start3A_137 : memref<256xf32, #tpu.memory_space<vmem>>) target_semaphore(%arg9 : memref<!tpu.dma_semaphore, #tpu.memory_space<semaphore_mem>>)
      } else {
      }
    } else {
    }
    %eq3A_41 = arith.constant 4 : i32
    %eq3A_42 = arith.cmpi eq, %rem3A_18, %eq3A_41 : i32
    %convert_element_type3A_43 = arith.extui %eq3A_42 : i1 to i32
    %cond3A_44 = arith.constant 0 : i32
    %cond3A_45 = arith.cmpi ne, %convert_element_type3A_43, %cond3A_44 : i32
    scf.if %cond3A_45 {
      %dma_start3A_115 = arith.constant 4 : i32
      %dma_start3A_116 = arith.constant 0 : i32
      %dma_start3A_117 = tpu.memref_slice %arg6[%dma_start3A_116] : memref<77312xf32, #tpu.memory_space<vmem>> -> memref<38400xf32, #tpu.memory_space<vmem>>
      %dma_start3A_118 = tpu.memref_slice %arg3[%select_n3A, %dma_start3A_115, %multiple_of3A] : memref<4x8x1000012xf32, #tpu.memory_space<hbm>> -> memref<1x1x38400xf32, #tpu.memory_space<hbm>>
      %dma_start3A_119 = tpu.memref_squeeze %dma_start3A_118 : memref<1x1x38400xf32, #tpu.memory_space<hbm>> -> memref<38400xf32, #tpu.memory_space<hbm>>
      %dma_start3A_120 = arith.constant 0 : i32
      %dma_start3A_121 = tpu.memref_slice %arg6[%dma_start3A_120] : memref<77312xf32, #tpu.memory_space<vmem>> -> memref<38400xf32, #tpu.memory_space<vmem>>
      %dma_start3A_122 = tpu.memref_slice %arg3[%select_n3A, %dma_start3A_115, %multiple_of3A] : memref<4x8x1000012xf32, #tpu.memory_space<hbm>> -> memref<1x1x38400xf32, #tpu.memory_space<hbm>>
      %dma_start3A_123 = tpu.memref_squeeze %dma_start3A_122 : memref<1x1x38400xf32, #tpu.memory_space<hbm>> -> memref<38400xf32, #tpu.memory_space<hbm>>
      tpu.enqueue_dma source(%dma_start3A_123 : memref<38400xf32, #tpu.memory_space<hbm>>) target(%dma_start3A_121 : memref<38400xf32, #tpu.memory_space<vmem>>) target_semaphore(%arg9 : memref<!tpu.dma_semaphore, #tpu.memory_space<semaphore_mem>>)
      %not3A = arith.constant false
      %not3A_124 = arith.constant true
      %not3A_125 = arith.xori %not3A, %not3A_124 : i1
      %convert_element_type3A_126 = arith.extui %not3A_125 : i1 to i32
      %cond3A_127 = arith.constant 0 : i32
      %cond3A_128 = arith.cmpi ne, %convert_element_type3A_126, %cond3A_127 : i32
      scf.if %cond3A_128 {
        %add3A_129 = arith.constant 38400 : i32
        %add3A_130 = arith.addi %multiple_of3A, %add3A_129 : i32
        %dma_start3A_131 = arith.constant 4 : i32
        %dma_start3A_132 = arith.constant 38400 : i32
        %dma_start3A_133 = tpu.memref_slice %arg6[%dma_start3A_132] : memref<77312xf32, #tpu.memory_space<vmem>> -> memref<256xf32, #tpu.memory_space<vmem>>
        %dma_start3A_134 = tpu.memref_slice %arg3[%select_n3A, %dma_start3A_131, %add3A_130] : memref<4x8x1000012xf32, #tpu.memory_space<hbm>> -> memref<1x1x256xf32, #tpu.memory_space<hbm>>
        %dma_start3A_135 = tpu.memref_squeeze %dma_start3A_134 : memref<1x1x256xf32, #tpu.memory_space<hbm>> -> memref<256xf32, #tpu.memory_space<hbm>>
        %dma_start3A_136 = arith.constant 38400 : i32
        %dma_start3A_137 = tpu.memref_slice %arg6[%dma_start3A_136] : memref<77312xf32, #tpu.memory_space<vmem>> -> memref<256xf32, #tpu.memory_space<vmem>>
        %dma_start3A_138 = tpu.memref_slice %arg3[%select_n3A, %dma_start3A_131, %add3A_130] : memref<4x8x1000012xf32, #tpu.memory_space<hbm>> -> memref<1x1x256xf32, #tpu.memory_space<hbm>>
        %dma_start3A_139 = tpu.memref_squeeze %dma_start3A_138 : memref<1x1x256xf32, #tpu.memory_space<hbm>> -> memref<256xf32, #tpu.memory_space<hbm>>
        tpu.enqueue_dma source(%dma_start3A_139 : memref<256xf32, #tpu.memory_space<hbm>>) target(%dma_start3A_137 : memref<256xf32, #tpu.memory_space<vmem>>) target_semaphore(%arg9 : memref<!tpu.dma_semaphore, #tpu.memory_space<semaphore_mem>>)
      } else {
      }
    } else {
    }
    %eq3A_46 = arith.constant 5 : i32
    %eq3A_47 = arith.cmpi eq, %rem3A_18, %eq3A_46 : i32
    %convert_element_type3A_48 = arith.extui %eq3A_47 : i1 to i32
    %cond3A_49 = arith.constant 0 : i32
    %cond3A_50 = arith.cmpi ne, %convert_element_type3A_48, %cond3A_49 : i32
    scf.if %cond3A_50 {
      %dma_start3A_115 = arith.constant 5 : i32
      %dma_start3A_116 = arith.constant 0 : i32
      %dma_start3A_117 = tpu.memref_slice %arg6[%dma_start3A_116] : memref<77312xf32, #tpu.memory_space<vmem>> -> memref<38400xf32, #tpu.memory_space<vmem>>
      %dma_start3A_118 = tpu.memref_slice %arg3[%select_n3A, %dma_start3A_115, %multiple_of3A] : memref<4x8x1000012xf32, #tpu.memory_space<hbm>> -> memref<1x1x38400xf32, #tpu.memory_space<hbm>>
      %dma_start3A_119 = tpu.memref_squeeze %dma_start3A_118 : memref<1x1x38400xf32, #tpu.memory_space<hbm>> -> memref<38400xf32, #tpu.memory_space<hbm>>
      %dma_start3A_120 = arith.constant 0 : i32
      %dma_start3A_121 = tpu.memref_slice %arg6[%dma_start3A_120] : memref<77312xf32, #tpu.memory_space<vmem>> -> memref<38400xf32, #tpu.memory_space<vmem>>
      %dma_start3A_122 = tpu.memref_slice %arg3[%select_n3A, %dma_start3A_115, %multiple_of3A] : memref<4x8x1000012xf32, #tpu.memory_space<hbm>> -> memref<1x1x38400xf32, #tpu.memory_space<hbm>>
      %dma_start3A_123 = tpu.memref_squeeze %dma_start3A_122 : memref<1x1x38400xf32, #tpu.memory_space<hbm>> -> memref<38400xf32, #tpu.memory_space<hbm>>
      tpu.enqueue_dma source(%dma_start3A_123 : memref<38400xf32, #tpu.memory_space<hbm>>) target(%dma_start3A_121 : memref<38400xf32, #tpu.memory_space<vmem>>) target_semaphore(%arg9 : memref<!tpu.dma_semaphore, #tpu.memory_space<semaphore_mem>>)
      %not3A = arith.constant false
      %not3A_124 = arith.constant true
      %not3A_125 = arith.xori %not3A, %not3A_124 : i1
      %convert_element_type3A_126 = arith.extui %not3A_125 : i1 to i32
      %cond3A_127 = arith.constant 0 : i32
      %cond3A_128 = arith.cmpi ne, %convert_element_type3A_126, %cond3A_127 : i32
      scf.if %cond3A_128 {
        %add3A_129 = arith.constant 38400 : i32
        %add3A_130 = arith.addi %multiple_of3A, %add3A_129 : i32
        %dma_start3A_131 = arith.constant 5 : i32
        %dma_start3A_132 = arith.constant 38400 : i32
        %dma_start3A_133 = tpu.memref_slice %arg6[%dma_start3A_132] : memref<77312xf32, #tpu.memory_space<vmem>> -> memref<256xf32, #tpu.memory_space<vmem>>
        %dma_start3A_134 = tpu.memref_slice %arg3[%select_n3A, %dma_start3A_131, %add3A_130] : memref<4x8x1000012xf32, #tpu.memory_space<hbm>> -> memref<1x1x256xf32, #tpu.memory_space<hbm>>
        %dma_start3A_135 = tpu.memref_squeeze %dma_start3A_134 : memref<1x1x256xf32, #tpu.memory_space<hbm>> -> memref<256xf32, #tpu.memory_space<hbm>>
        %dma_start3A_136 = arith.constant 38400 : i32
        %dma_start3A_137 = tpu.memref_slice %arg6[%dma_start3A_136] : memref<77312xf32, #tpu.memory_space<vmem>> -> memref<256xf32, #tpu.memory_space<vmem>>
        %dma_start3A_138 = tpu.memref_slice %arg3[%select_n3A, %dma_start3A_131, %add3A_130] : memref<4x8x1000012xf32, #tpu.memory_space<hbm>> -> memref<1x1x256xf32, #tpu.memory_space<hbm>>
        %dma_start3A_139 = tpu.memref_squeeze %dma_start3A_138 : memref<1x1x256xf32, #tpu.memory_space<hbm>> -> memref<256xf32, #tpu.memory_space<hbm>>
        tpu.enqueue_dma source(%dma_start3A_139 : memref<256xf32, #tpu.memory_space<hbm>>) target(%dma_start3A_137 : memref<256xf32, #tpu.memory_space<vmem>>) target_semaphore(%arg9 : memref<!tpu.dma_semaphore, #tpu.memory_space<semaphore_mem>>)
      } else {
      }
    } else {
    }
    %eq3A_51 = arith.constant 6 : i32
    %eq3A_52 = arith.cmpi eq, %rem3A_18, %eq3A_51 : i32
    %convert_element_type3A_53 = arith.extui %eq3A_52 : i1 to i32
    %cond3A_54 = arith.constant 0 : i32
    %cond3A_55 = arith.cmpi ne, %convert_element_type3A_53, %cond3A_54 : i32
    scf.if %cond3A_55 {
      %dma_start3A_115 = arith.constant 6 : i32
      %dma_start3A_116 = arith.constant 0 : i32
      %dma_start3A_117 = tpu.memref_slice %arg6[%dma_start3A_116] : memref<77312xf32, #tpu.memory_space<vmem>> -> memref<38400xf32, #tpu.memory_space<vmem>>
      %dma_start3A_118 = tpu.memref_slice %arg3[%select_n3A, %dma_start3A_115, %multiple_of3A] : memref<4x8x1000012xf32, #tpu.memory_space<hbm>> -> memref<1x1x38400xf32, #tpu.memory_space<hbm>>
      %dma_start3A_119 = tpu.memref_squeeze %dma_start3A_118 : memref<1x1x38400xf32, #tpu.memory_space<hbm>> -> memref<38400xf32, #tpu.memory_space<hbm>>
      %dma_start3A_120 = arith.constant 0 : i32
      %dma_start3A_121 = tpu.memref_slice %arg6[%dma_start3A_120] : memref<77312xf32, #tpu.memory_space<vmem>> -> memref<38400xf32, #tpu.memory_space<vmem>>
      %dma_start3A_122 = tpu.memref_slice %arg3[%select_n3A, %dma_start3A_115, %multiple_of3A] : memref<4x8x1000012xf32, #tpu.memory_space<hbm>> -> memref<1x1x38400xf32, #tpu.memory_space<hbm>>
      %dma_start3A_123 = tpu.memref_squeeze %dma_start3A_122 : memref<1x1x38400xf32, #tpu.memory_space<hbm>> -> memref<38400xf32, #tpu.memory_space<hbm>>
      tpu.enqueue_dma source(%dma_start3A_123 : memref<38400xf32, #tpu.memory_space<hbm>>) target(%dma_start3A_121 : memref<38400xf32, #tpu.memory_space<vmem>>) target_semaphore(%arg9 : memref<!tpu.dma_semaphore, #tpu.memory_space<semaphore_mem>>)
      %not3A = arith.constant false
      %not3A_124 = arith.constant true
      %not3A_125 = arith.xori %not3A, %not3A_124 : i1
      %convert_element_type3A_126 = arith.extui %not3A_125 : i1 to i32
      %cond3A_127 = arith.constant 0 : i32
      %cond3A_128 = arith.cmpi ne, %convert_element_type3A_126, %cond3A_127 : i32
      scf.if %cond3A_128 {
        %add3A_129 = arith.constant 38400 : i32
        %add3A_130 = arith.addi %multiple_of3A, %add3A_129 : i32
        %dma_start3A_131 = arith.constant 6 : i32
        %dma_start3A_132 = arith.constant 38400 : i32
        %dma_start3A_133 = tpu.memref_slice %arg6[%dma_start3A_132] : memref<77312xf32, #tpu.memory_space<vmem>> -> memref<256xf32, #tpu.memory_space<vmem>>
        %dma_start3A_134 = tpu.memref_slice %arg3[%select_n3A, %dma_start3A_131, %add3A_130] : memref<4x8x1000012xf32, #tpu.memory_space<hbm>> -> memref<1x1x256xf32, #tpu.memory_space<hbm>>
        %dma_start3A_135 = tpu.memref_squeeze %dma_start3A_134 : memref<1x1x256xf32, #tpu.memory_space<hbm>> -> memref<256xf32, #tpu.memory_space<hbm>>
        %dma_start3A_136 = arith.constant 38400 : i32
        %dma_start3A_137 = tpu.memref_slice %arg6[%dma_start3A_136] : memref<77312xf32, #tpu.memory_space<vmem>> -> memref<256xf32, #tpu.memory_space<vmem>>
        %dma_start3A_138 = tpu.memref_slice %arg3[%select_n3A, %dma_start3A_131, %add3A_130] : memref<4x8x1000012xf32, #tpu.memory_space<hbm>> -> memref<1x1x256xf32, #tpu.memory_space<hbm>>
        %dma_start3A_139 = tpu.memref_squeeze %dma_start3A_138 : memref<1x1x256xf32, #tpu.memory_space<hbm>> -> memref<256xf32, #tpu.memory_space<hbm>>
        tpu.enqueue_dma source(%dma_start3A_139 : memref<256xf32, #tpu.memory_space<hbm>>) target(%dma_start3A_137 : memref<256xf32, #tpu.memory_space<vmem>>) target_semaphore(%arg9 : memref<!tpu.dma_semaphore, #tpu.memory_space<semaphore_mem>>)
      } else {
      }
    } else {
    }
    %eq3A_56 = arith.constant 7 : i32
    %eq3A_57 = arith.cmpi eq, %rem3A_18, %eq3A_56 : i32
    %convert_element_type3A_58 = arith.extui %eq3A_57 : i1 to i32
    %cond3A_59 = arith.constant 0 : i32
    %cond3A_60 = arith.cmpi ne, %convert_element_type3A_58, %cond3A_59 : i32
    scf.if %cond3A_60 {
      %dma_start3A_115 = arith.constant 7 : i32
      %dma_start3A_116 = arith.constant 0 : i32
      %dma_start3A_117 = tpu.memref_slice %arg6[%dma_start3A_116] : memref<77312xf32, #tpu.memory_space<vmem>> -> memref<38400xf32, #tpu.memory_space<vmem>>
      %dma_start3A_118 = tpu.memref_slice %arg3[%select_n3A, %dma_start3A_115, %multiple_of3A] : memref<4x8x1000012xf32, #tpu.memory_space<hbm>> -> memref<1x1x38400xf32, #tpu.memory_space<hbm>>
      %dma_start3A_119 = tpu.memref_squeeze %dma_start3A_118 : memref<1x1x38400xf32, #tpu.memory_space<hbm>> -> memref<38400xf32, #tpu.memory_space<hbm>>
      %dma_start3A_120 = arith.constant 0 : i32
      %dma_start3A_121 = tpu.memref_slice %arg6[%dma_start3A_120] : memref<77312xf32, #tpu.memory_space<vmem>> -> memref<38400xf32, #tpu.memory_space<vmem>>
      %dma_start3A_122 = tpu.memref_slice %arg3[%select_n3A, %dma_start3A_115, %multiple_of3A] : memref<4x8x1000012xf32, #tpu.memory_space<hbm>> -> memref<1x1x38400xf32, #tpu.memory_space<hbm>>
      %dma_start3A_123 = tpu.memref_squeeze %dma_start3A_122 : memref<1x1x38400xf32, #tpu.memory_space<hbm>> -> memref<38400xf32, #tpu.memory_space<hbm>>
      tpu.enqueue_dma source(%dma_start3A_123 : memref<38400xf32, #tpu.memory_space<hbm>>) target(%dma_start3A_121 : memref<38400xf32, #tpu.memory_space<vmem>>) target_semaphore(%arg9 : memref<!tpu.dma_semaphore, #tpu.memory_space<semaphore_mem>>)
      %not3A = arith.constant false
      %not3A_124 = arith.constant true
      %not3A_125 = arith.xori %not3A, %not3A_124 : i1
      %convert_element_type3A_126 = arith.extui %not3A_125 : i1 to i32
      %cond3A_127 = arith.constant 0 : i32
      %cond3A_128 = arith.cmpi ne, %convert_element_type3A_126, %cond3A_127 : i32
      scf.if %cond3A_128 {
        %add3A_129 = arith.constant 38400 : i32
        %add3A_130 = arith.addi %multiple_of3A, %add3A_129 : i32
        %dma_start3A_131 = arith.constant 7 : i32
        %dma_start3A_132 = arith.constant 38400 : i32
        %dma_start3A_133 = tpu.memref_slice %arg6[%dma_start3A_132] : memref<77312xf32, #tpu.memory_space<vmem>> -> memref<256xf32, #tpu.memory_space<vmem>>
        %dma_start3A_134 = tpu.memref_slice %arg3[%select_n3A, %dma_start3A_131, %add3A_130] : memref<4x8x1000012xf32, #tpu.memory_space<hbm>> -> memref<1x1x256xf32, #tpu.memory_space<hbm>>
        %dma_start3A_135 = tpu.memref_squeeze %dma_start3A_134 : memref<1x1x256xf32, #tpu.memory_space<hbm>> -> memref<256xf32, #tpu.memory_space<hbm>>
        %dma_start3A_136 = arith.constant 38400 : i32
        %dma_start3A_137 = tpu.memref_slice %arg6[%dma_start3A_136] : memref<77312xf32, #tpu.memory_space<vmem>> -> memref<256xf32, #tpu.memory_space<vmem>>
        %dma_start3A_138 = tpu.memref_slice %arg3[%select_n3A, %dma_start3A_131, %add3A_130] : memref<4x8x1000012xf32, #tpu.memory_space<hbm>> -> memref<1x1x256xf32, #tpu.memory_space<hbm>>
        %dma_start3A_139 = tpu.memref_squeeze %dma_start3A_138 : memref<1x1x256xf32, #tpu.memory_space<hbm>> -> memref<256xf32, #tpu.memory_space<hbm>>
        tpu.enqueue_dma source(%dma_start3A_139 : memref<256xf32, #tpu.memory_space<hbm>>) target(%dma_start3A_137 : memref<256xf32, #tpu.memory_space<vmem>>) target_semaphore(%arg9 : memref<!tpu.dma_semaphore, #tpu.memory_space<semaphore_mem>>)
      } else {
      }
    } else {
    }
    %dma_start3A = arith.constant 0 : i32
    %dma_start3A_61 = arith.constant 0 : i32
    %dma_start3A_62 = tpu.memref_slice %arg7[%dma_start3A_61] : memref<32768xi32, #tpu.memory_space<vmem>> -> memref<16384xi32, #tpu.memory_space<vmem>>
    %dma_start3A_63 = arith.constant 0 : i32
    %dma_start3A_64 = tpu.memref_slice %arg2[%dma_start3A, %dma_start3A_63] : memref<26x16384xi32, #tpu.memory_space<hbm>> -> memref<1x16384xi32, #tpu.memory_space<hbm>>
    %dma_start3A_65 = tpu.memref_squeeze %dma_start3A_64 : memref<1x16384xi32, #tpu.memory_space<hbm>> -> memref<16384xi32, #tpu.memory_space<hbm>>
    %dma_start3A_66 = arith.constant 0 : i32
    %dma_start3A_67 = tpu.memref_slice %arg7[%dma_start3A_66] : memref<32768xi32, #tpu.memory_space<vmem>> -> memref<16384xi32, #tpu.memory_space<vmem>>
    %dma_start3A_68 = arith.constant 0 : i32
    %dma_start3A_69 = tpu.memref_slice %arg2[%dma_start3A, %dma_start3A_68] : memref<26x16384xi32, #tpu.memory_space<hbm>> -> memref<1x16384xi32, #tpu.memory_space<hbm>>
    %dma_start3A_70 = tpu.memref_squeeze %dma_start3A_69 : memref<1x16384xi32, #tpu.memory_space<hbm>> -> memref<16384xi32, #tpu.memory_space<hbm>>
    tpu.enqueue_dma source(%dma_start3A_70 : memref<16384xi32, #tpu.memory_space<hbm>>) target(%dma_start3A_67 : memref<16384xi32, #tpu.memory_space<vmem>>) target_semaphore(%arg11 : memref<!tpu.dma_semaphore, #tpu.memory_space<semaphore_mem>>)
    %scan3A = arith.constant 0 : i32
    %scan3A_71 = arith.constant 0 : i32
    %scan3A_72 = arith.constant 13 : i32
    %scan3A_73 = arith.addi %scan3A_71, %scan3A_72 : i32
    %scan3A_74 = arith.constant 1 : i32
    scf.for %scan3A_115 = %scan3A_71 to %scan3A_73 step %scan3A_74  : i32 {
      %mul3A_116 = arith.constant 2 : i32
      %mul3A_117 = arith.muli %mul3A_116, %scan3A_115 : i32
      %add3A_118 = arith.constant 1 : i32
      %add3A_119 = arith.addi %mul3A_117, %add3A_118 : i32
      %mul3A_120 = arith.constant 38462 : i32
      %mul3A_121 = arith.muli %add3A_119, %mul3A_120 : i32
      %rem3A_122 = arith.constant 128 : i32
      %rem3A_123 = arith.remsi %mul3A_121, %rem3A_122 : i32
      %sub3A_124 = arith.subi %mul3A_121, %rem3A_123 : i32
      %multiple_of3A_125 = tpu.assume_multiple %sub3A_124, 128 : i32
      %eq3A_126 = arith.constant 25 : i32
      %eq3A_127 = arith.cmpi eq, %add3A_119, %eq3A_126 : i32
      %eq3A_128 = arith.constant 0 : i32
      %eq3A_129 = arith.cmpi eq, %rem3A_18, %eq3A_128 : i32
      %convert_element_type3A_130 = arith.extui %eq3A_129 : i1 to i32
      %cond3A_131 = arith.constant 0 : i32
      %cond3A_132 = arith.cmpi ne, %convert_element_type3A_130, %cond3A_131 : i32
      scf.if %cond3A_132 {
        %dma_start3A_571 = arith.constant 0 : i32
        %dma_start3A_572 = arith.constant 38656 : i32
        %dma_start3A_573 = tpu.memref_slice %arg6[%dma_start3A_572] : memref<77312xf32, #tpu.memory_space<vmem>> -> memref<38400xf32, #tpu.memory_space<vmem>>
        %dma_start3A_574 = tpu.memref_slice %arg3[%select_n3A, %dma_start3A_571, %multiple_of3A_125] : memref<4x8x1000012xf32, #tpu.memory_space<hbm>> -> memref<1x1x38400xf32, #tpu.memory_space<hbm>>
        %dma_start3A_575 = tpu.memref_squeeze %dma_start3A_574 : memref<1x1x38400xf32, #tpu.memory_space<hbm>> -> memref<38400xf32, #tpu.memory_space<hbm>>
        %dma_start3A_576 = arith.constant 38656 : i32
        %dma_start3A_577 = tpu.memref_slice %arg6[%dma_start3A_576] : memref<77312xf32, #tpu.memory_space<vmem>> -> memref<38400xf32, #tpu.memory_space<vmem>>
        %dma_start3A_578 = tpu.memref_slice %arg3[%select_n3A, %dma_start3A_571, %multiple_of3A_125] : memref<4x8x1000012xf32, #tpu.memory_space<hbm>> -> memref<1x1x38400xf32, #tpu.memory_space<hbm>>
        %dma_start3A_579 = tpu.memref_squeeze %dma_start3A_578 : memref<1x1x38400xf32, #tpu.memory_space<hbm>> -> memref<38400xf32, #tpu.memory_space<hbm>>
        tpu.enqueue_dma source(%dma_start3A_579 : memref<38400xf32, #tpu.memory_space<hbm>>) target(%dma_start3A_577 : memref<38400xf32, #tpu.memory_space<vmem>>) target_semaphore(%arg10 : memref<!tpu.dma_semaphore, #tpu.memory_space<semaphore_mem>>)
        %not3A_580 = arith.constant true
        %not3A_581 = arith.xori %eq3A_127, %not3A_580 : i1
        %convert_element_type3A_582 = arith.extui %not3A_581 : i1 to i32
        %cond3A_583 = arith.constant 0 : i32
        %cond3A_584 = arith.cmpi ne, %convert_element_type3A_582, %cond3A_583 : i32
        scf.if %cond3A_584 {
          %add3A_588 = arith.constant 38400 : i32
          %add3A_589 = arith.addi %multiple_of3A_125, %add3A_588 : i32
          %dma_start3A_590 = arith.constant 0 : i32
          %dma_start3A_591 = arith.constant 77056 : i32
          %dma_start3A_592 = tpu.memref_slice %arg6[%dma_start3A_591] : memref<77312xf32, #tpu.memory_space<vmem>> -> memref<256xf32, #tpu.memory_space<vmem>>
          %dma_start3A_593 = tpu.memref_slice %arg3[%select_n3A, %dma_start3A_590, %add3A_589] : memref<4x8x1000012xf32, #tpu.memory_space<hbm>> -> memref<1x1x256xf32, #tpu.memory_space<hbm>>
          %dma_start3A_594 = tpu.memref_squeeze %dma_start3A_593 : memref<1x1x256xf32, #tpu.memory_space<hbm>> -> memref<256xf32, #tpu.memory_space<hbm>>
          %dma_start3A_595 = arith.constant 77056 : i32
          %dma_start3A_596 = tpu.memref_slice %arg6[%dma_start3A_595] : memref<77312xf32, #tpu.memory_space<vmem>> -> memref<256xf32, #tpu.memory_space<vmem>>
          %dma_start3A_597 = tpu.memref_slice %arg3[%select_n3A, %dma_start3A_590, %add3A_589] : memref<4x8x1000012xf32, #tpu.memory_space<hbm>> -> memref<1x1x256xf32, #tpu.memory_space<hbm>>
          %dma_start3A_598 = tpu.memref_squeeze %dma_start3A_597 : memref<1x1x256xf32, #tpu.memory_space<hbm>> -> memref<256xf32, #tpu.memory_space<hbm>>
          tpu.enqueue_dma source(%dma_start3A_598 : memref<256xf32, #tpu.memory_space<hbm>>) target(%dma_start3A_596 : memref<256xf32, #tpu.memory_space<vmem>>) target_semaphore(%arg10 : memref<!tpu.dma_semaphore, #tpu.memory_space<semaphore_mem>>)
        } else {
        }
        %convert_element_type3A_585 = arith.extui %eq3A_127 : i1 to i32
        %cond3A_586 = arith.constant 0 : i32
        %cond3A_587 = arith.cmpi ne, %convert_element_type3A_585, %cond3A_586 : i32
        scf.if %cond3A_587 {
          %dma_start3A_588 = arith.constant 0 : i32
          %dma_start3A_589 = arith.constant 77056 : i32
          %dma_start3A_590 = tpu.memref_slice %arg6[%dma_start3A_589] : memref<77312xf32, #tpu.memory_space<vmem>> -> memref<128xf32, #tpu.memory_space<vmem>>
          %dma_start3A_591 = arith.constant 0 : i32
          %dma_start3A_592 = tpu.memref_slice %arg4[%select_n3A, %dma_start3A_588, %dma_start3A_591] : memref<4x8x128xf32, #tpu.memory_space<hbm>> -> memref<1x1x128xf32, #tpu.memory_space<hbm>>
          %dma_start3A_593 = tpu.memref_squeeze %dma_start3A_592 : memref<1x1x128xf32, #tpu.memory_space<hbm>> -> memref<128xf32, #tpu.memory_space<hbm>>
          %dma_start3A_594 = arith.constant 77056 : i32
          %dma_start3A_595 = tpu.memref_slice %arg6[%dma_start3A_594] : memref<77312xf32, #tpu.memory_space<vmem>> -> memref<128xf32, #tpu.memory_space<vmem>>
          %dma_start3A_596 = arith.constant 0 : i32
          %dma_start3A_597 = tpu.memref_slice %arg4[%select_n3A, %dma_start3A_588, %dma_start3A_596] : memref<4x8x128xf32, #tpu.memory_space<hbm>> -> memref<1x1x128xf32, #tpu.memory_space<hbm>>
          %dma_start3A_598 = tpu.memref_squeeze %dma_start3A_597 : memref<1x1x128xf32, #tpu.memory_space<hbm>> -> memref<128xf32, #tpu.memory_space<hbm>>
          tpu.enqueue_dma source(%dma_start3A_598 : memref<128xf32, #tpu.memory_space<hbm>>) target(%dma_start3A_595 : memref<128xf32, #tpu.memory_space<vmem>>) target_semaphore(%arg10 : memref<!tpu.dma_semaphore, #tpu.memory_space<semaphore_mem>>)
        } else {
        }
      } else {
      }
      %eq3A_133 = arith.constant 1 : i32
      %eq3A_134 = arith.cmpi eq, %rem3A_18, %eq3A_133 : i32
      %convert_element_type3A_135 = arith.extui %eq3A_134 : i1 to i32
      %cond3A_136 = arith.constant 0 : i32
      %cond3A_137 = arith.cmpi ne, %convert_element_type3A_135, %cond3A_136 : i32
      scf.if %cond3A_137 {
        %dma_start3A_571 = arith.constant 1 : i32
        %dma_start3A_572 = arith.constant 38656 : i32
        %dma_start3A_573 = tpu.memref_slice %arg6[%dma_start3A_572] : memref<77312xf32, #tpu.memory_space<vmem>> -> memref<38400xf32, #tpu.memory_space<vmem>>
        %dma_start3A_574 = tpu.memref_slice %arg3[%select_n3A, %dma_start3A_571, %multiple_of3A_125] : memref<4x8x1000012xf32, #tpu.memory_space<hbm>> -> memref<1x1x38400xf32, #tpu.memory_space<hbm>>
        %dma_start3A_575 = tpu.memref_squeeze %dma_start3A_574 : memref<1x1x38400xf32, #tpu.memory_space<hbm>> -> memref<38400xf32, #tpu.memory_space<hbm>>
        %dma_start3A_576 = arith.constant 38656 : i32
        %dma_start3A_577 = tpu.memref_slice %arg6[%dma_start3A_576] : memref<77312xf32, #tpu.memory_space<vmem>> -> memref<38400xf32, #tpu.memory_space<vmem>>
        %dma_start3A_578 = tpu.memref_slice %arg3[%select_n3A, %dma_start3A_571, %multiple_of3A_125] : memref<4x8x1000012xf32, #tpu.memory_space<hbm>> -> memref<1x1x38400xf32, #tpu.memory_space<hbm>>
        %dma_start3A_579 = tpu.memref_squeeze %dma_start3A_578 : memref<1x1x38400xf32, #tpu.memory_space<hbm>> -> memref<38400xf32, #tpu.memory_space<hbm>>
        tpu.enqueue_dma source(%dma_start3A_579 : memref<38400xf32, #tpu.memory_space<hbm>>) target(%dma_start3A_577 : memref<38400xf32, #tpu.memory_space<vmem>>) target_semaphore(%arg10 : memref<!tpu.dma_semaphore, #tpu.memory_space<semaphore_mem>>)
        %not3A_580 = arith.constant true
        %not3A_581 = arith.xori %eq3A_127, %not3A_580 : i1
        %convert_element_type3A_582 = arith.extui %not3A_581 : i1 to i32
        %cond3A_583 = arith.constant 0 : i32
        %cond3A_584 = arith.cmpi ne, %convert_element_type3A_582, %cond3A_583 : i32
        scf.if %cond3A_584 {
          %add3A_588 = arith.constant 38400 : i32
          %add3A_589 = arith.addi %multiple_of3A_125, %add3A_588 : i32
          %dma_start3A_590 = arith.constant 1 : i32
          %dma_start3A_591 = arith.constant 77056 : i32
          %dma_start3A_592 = tpu.memref_slice %arg6[%dma_start3A_591] : memref<77312xf32, #tpu.memory_space<vmem>> -> memref<256xf32, #tpu.memory_space<vmem>>
          %dma_start3A_593 = tpu.memref_slice %arg3[%select_n3A, %dma_start3A_590, %add3A_589] : memref<4x8x1000012xf32, #tpu.memory_space<hbm>> -> memref<1x1x256xf32, #tpu.memory_space<hbm>>
          %dma_start3A_594 = tpu.memref_squeeze %dma_start3A_593 : memref<1x1x256xf32, #tpu.memory_space<hbm>> -> memref<256xf32, #tpu.memory_space<hbm>>
          %dma_start3A_595 = arith.constant 77056 : i32
          %dma_start3A_596 = tpu.memref_slice %arg6[%dma_start3A_595] : memref<77312xf32, #tpu.memory_space<vmem>> -> memref<256xf32, #tpu.memory_space<vmem>>
          %dma_start3A_597 = tpu.memref_slice %arg3[%select_n3A, %dma_start3A_590, %add3A_589] : memref<4x8x1000012xf32, #tpu.memory_space<hbm>> -> memref<1x1x256xf32, #tpu.memory_space<hbm>>
          %dma_start3A_598 = tpu.memref_squeeze %dma_start3A_597 : memref<1x1x256xf32, #tpu.memory_space<hbm>> -> memref<256xf32, #tpu.memory_space<hbm>>
          tpu.enqueue_dma source(%dma_start3A_598 : memref<256xf32, #tpu.memory_space<hbm>>) target(%dma_start3A_596 : memref<256xf32, #tpu.memory_space<vmem>>) target_semaphore(%arg10 : memref<!tpu.dma_semaphore, #tpu.memory_space<semaphore_mem>>)
        } else {
        }
        %convert_element_type3A_585 = arith.extui %eq3A_127 : i1 to i32
        %cond3A_586 = arith.constant 0 : i32
        %cond3A_587 = arith.cmpi ne, %convert_element_type3A_585, %cond3A_586 : i32
        scf.if %cond3A_587 {
          %dma_start3A_588 = arith.constant 1 : i32
          %dma_start3A_589 = arith.constant 77056 : i32
          %dma_start3A_590 = tpu.memref_slice %arg6[%dma_start3A_589] : memref<77312xf32, #tpu.memory_space<vmem>> -> memref<128xf32, #tpu.memory_space<vmem>>
          %dma_start3A_591 = arith.constant 0 : i32
          %dma_start3A_592 = tpu.memref_slice %arg4[%select_n3A, %dma_start3A_588, %dma_start3A_591] : memref<4x8x128xf32, #tpu.memory_space<hbm>> -> memref<1x1x128xf32, #tpu.memory_space<hbm>>
          %dma_start3A_593 = tpu.memref_squeeze %dma_start3A_592 : memref<1x1x128xf32, #tpu.memory_space<hbm>> -> memref<128xf32, #tpu.memory_space<hbm>>
          %dma_start3A_594 = arith.constant 77056 : i32
          %dma_start3A_595 = tpu.memref_slice %arg6[%dma_start3A_594] : memref<77312xf32, #tpu.memory_space<vmem>> -> memref<128xf32, #tpu.memory_space<vmem>>
          %dma_start3A_596 = arith.constant 0 : i32
          %dma_start3A_597 = tpu.memref_slice %arg4[%select_n3A, %dma_start3A_588, %dma_start3A_596] : memref<4x8x128xf32, #tpu.memory_space<hbm>> -> memref<1x1x128xf32, #tpu.memory_space<hbm>>
          %dma_start3A_598 = tpu.memref_squeeze %dma_start3A_597 : memref<1x1x128xf32, #tpu.memory_space<hbm>> -> memref<128xf32, #tpu.memory_space<hbm>>
          tpu.enqueue_dma source(%dma_start3A_598 : memref<128xf32, #tpu.memory_space<hbm>>) target(%dma_start3A_595 : memref<128xf32, #tpu.memory_space<vmem>>) target_semaphore(%arg10 : memref<!tpu.dma_semaphore, #tpu.memory_space<semaphore_mem>>)
        } else {
        }
      } else {
      }
      %eq3A_138 = arith.constant 2 : i32
      %eq3A_139 = arith.cmpi eq, %rem3A_18, %eq3A_138 : i32
      %convert_element_type3A_140 = arith.extui %eq3A_139 : i1 to i32
      %cond3A_141 = arith.constant 0 : i32
      %cond3A_142 = arith.cmpi ne, %convert_element_type3A_140, %cond3A_141 : i32
      scf.if %cond3A_142 {
        %dma_start3A_571 = arith.constant 2 : i32
        %dma_start3A_572 = arith.constant 38656 : i32
        %dma_start3A_573 = tpu.memref_slice %arg6[%dma_start3A_572] : memref<77312xf32, #tpu.memory_space<vmem>> -> memref<38400xf32, #tpu.memory_space<vmem>>
        %dma_start3A_574 = tpu.memref_slice %arg3[%select_n3A, %dma_start3A_571, %multiple_of3A_125] : memref<4x8x1000012xf32, #tpu.memory_space<hbm>> -> memref<1x1x38400xf32, #tpu.memory_space<hbm>>
        %dma_start3A_575 = tpu.memref_squeeze %dma_start3A_574 : memref<1x1x38400xf32, #tpu.memory_space<hbm>> -> memref<38400xf32, #tpu.memory_space<hbm>>
        %dma_start3A_576 = arith.constant 38656 : i32
        %dma_start3A_577 = tpu.memref_slice %arg6[%dma_start3A_576] : memref<77312xf32, #tpu.memory_space<vmem>> -> memref<38400xf32, #tpu.memory_space<vmem>>
        %dma_start3A_578 = tpu.memref_slice %arg3[%select_n3A, %dma_start3A_571, %multiple_of3A_125] : memref<4x8x1000012xf32, #tpu.memory_space<hbm>> -> memref<1x1x38400xf32, #tpu.memory_space<hbm>>
        %dma_start3A_579 = tpu.memref_squeeze %dma_start3A_578 : memref<1x1x38400xf32, #tpu.memory_space<hbm>> -> memref<38400xf32, #tpu.memory_space<hbm>>
        tpu.enqueue_dma source(%dma_start3A_579 : memref<38400xf32, #tpu.memory_space<hbm>>) target(%dma_start3A_577 : memref<38400xf32, #tpu.memory_space<vmem>>) target_semaphore(%arg10 : memref<!tpu.dma_semaphore, #tpu.memory_space<semaphore_mem>>)
        %not3A_580 = arith.constant true
        %not3A_581 = arith.xori %eq3A_127, %not3A_580 : i1
        %convert_element_type3A_582 = arith.extui %not3A_581 : i1 to i32
        %cond3A_583 = arith.constant 0 : i32
        %cond3A_584 = arith.cmpi ne, %convert_element_type3A_582, %cond3A_583 : i32
        scf.if %cond3A_584 {
          %add3A_588 = arith.constant 38400 : i32
          %add3A_589 = arith.addi %multiple_of3A_125, %add3A_588 : i32
          %dma_start3A_590 = arith.constant 2 : i32
          %dma_start3A_591 = arith.constant 77056 : i32
          %dma_start3A_592 = tpu.memref_slice %arg6[%dma_start3A_591] : memref<77312xf32, #tpu.memory_space<vmem>> -> memref<256xf32, #tpu.memory_space<vmem>>
          %dma_start3A_593 = tpu.memref_slice %arg3[%select_n3A, %dma_start3A_590, %add3A_589] : memref<4x8x1000012xf32, #tpu.memory_space<hbm>> -> memref<1x1x256xf32, #tpu.memory_space<hbm>>
          %dma_start3A_594 = tpu.memref_squeeze %dma_start3A_593 : memref<1x1x256xf32, #tpu.memory_space<hbm>> -> memref<256xf32, #tpu.memory_space<hbm>>
          %dma_start3A_595 = arith.constant 77056 : i32
          %dma_start3A_596 = tpu.memref_slice %arg6[%dma_start3A_595] : memref<77312xf32, #tpu.memory_space<vmem>> -> memref<256xf32, #tpu.memory_space<vmem>>
          %dma_start3A_597 = tpu.memref_slice %arg3[%select_n3A, %dma_start3A_590, %add3A_589] : memref<4x8x1000012xf32, #tpu.memory_space<hbm>> -> memref<1x1x256xf32, #tpu.memory_space<hbm>>
          %dma_start3A_598 = tpu.memref_squeeze %dma_start3A_597 : memref<1x1x256xf32, #tpu.memory_space<hbm>> -> memref<256xf32, #tpu.memory_space<hbm>>
          tpu.enqueue_dma source(%dma_start3A_598 : memref<256xf32, #tpu.memory_space<hbm>>) target(%dma_start3A_596 : memref<256xf32, #tpu.memory_space<vmem>>) target_semaphore(%arg10 : memref<!tpu.dma_semaphore, #tpu.memory_space<semaphore_mem>>)
        } else {
        }
        %convert_element_type3A_585 = arith.extui %eq3A_127 : i1 to i32
        %cond3A_586 = arith.constant 0 : i32
        %cond3A_587 = arith.cmpi ne, %convert_element_type3A_585, %cond3A_586 : i32
        scf.if %cond3A_587 {
          %dma_start3A_588 = arith.constant 2 : i32
          %dma_start3A_589 = arith.constant 77056 : i32
          %dma_start3A_590 = tpu.memref_slice %arg6[%dma_start3A_589] : memref<77312xf32, #tpu.memory_space<vmem>> -> memref<128xf32, #tpu.memory_space<vmem>>
          %dma_start3A_591 = arith.constant 0 : i32
          %dma_start3A_592 = tpu.memref_slice %arg4[%select_n3A, %dma_start3A_588, %dma_start3A_591] : memref<4x8x128xf32, #tpu.memory_space<hbm>> -> memref<1x1x128xf32, #tpu.memory_space<hbm>>
          %dma_start3A_593 = tpu.memref_squeeze %dma_start3A_592 : memref<1x1x128xf32, #tpu.memory_space<hbm>> -> memref<128xf32, #tpu.memory_space<hbm>>
          %dma_start3A_594 = arith.constant 77056 : i32
          %dma_start3A_595 = tpu.memref_slice %arg6[%dma_start3A_594] : memref<77312xf32, #tpu.memory_space<vmem>> -> memref<128xf32, #tpu.memory_space<vmem>>
          %dma_start3A_596 = arith.constant 0 : i32
          %dma_start3A_597 = tpu.memref_slice %arg4[%select_n3A, %dma_start3A_588, %dma_start3A_596] : memref<4x8x128xf32, #tpu.memory_space<hbm>> -> memref<1x1x128xf32, #tpu.memory_space<hbm>>
          %dma_start3A_598 = tpu.memref_squeeze %dma_start3A_597 : memref<1x1x128xf32, #tpu.memory_space<hbm>> -> memref<128xf32, #tpu.memory_space<hbm>>
          tpu.enqueue_dma source(%dma_start3A_598 : memref<128xf32, #tpu.memory_space<hbm>>) target(%dma_start3A_595 : memref<128xf32, #tpu.memory_space<vmem>>) target_semaphore(%arg10 : memref<!tpu.dma_semaphore, #tpu.memory_space<semaphore_mem>>)
        } else {
        }
      } else {
      }
      %eq3A_143 = arith.constant 3 : i32
      %eq3A_144 = arith.cmpi eq, %rem3A_18, %eq3A_143 : i32
      %convert_element_type3A_145 = arith.extui %eq3A_144 : i1 to i32
      %cond3A_146 = arith.constant 0 : i32
      %cond3A_147 = arith.cmpi ne, %convert_element_type3A_145, %cond3A_146 : i32
      scf.if %cond3A_147 {
        %dma_start3A_571 = arith.constant 3 : i32
        %dma_start3A_572 = arith.constant 38656 : i32
        %dma_start3A_573 = tpu.memref_slice %arg6[%dma_start3A_572] : memref<77312xf32, #tpu.memory_space<vmem>> -> memref<38400xf32, #tpu.memory_space<vmem>>
        %dma_start3A_574 = tpu.memref_slice %arg3[%select_n3A, %dma_start3A_571, %multiple_of3A_125] : memref<4x8x1000012xf32, #tpu.memory_space<hbm>> -> memref<1x1x38400xf32, #tpu.memory_space<hbm>>
        %dma_start3A_575 = tpu.memref_squeeze %dma_start3A_574 : memref<1x1x38400xf32, #tpu.memory_space<hbm>> -> memref<38400xf32, #tpu.memory_space<hbm>>
        %dma_start3A_576 = arith.constant 38656 : i32
        %dma_start3A_577 = tpu.memref_slice %arg6[%dma_start3A_576] : memref<77312xf32, #tpu.memory_space<vmem>> -> memref<38400xf32, #tpu.memory_space<vmem>>
        %dma_start3A_578 = tpu.memref_slice %arg3[%select_n3A, %dma_start3A_571, %multiple_of3A_125] : memref<4x8x1000012xf32, #tpu.memory_space<hbm>> -> memref<1x1x38400xf32, #tpu.memory_space<hbm>>
        %dma_start3A_579 = tpu.memref_squeeze %dma_start3A_578 : memref<1x1x38400xf32, #tpu.memory_space<hbm>> -> memref<38400xf32, #tpu.memory_space<hbm>>
        tpu.enqueue_dma source(%dma_start3A_579 : memref<38400xf32, #tpu.memory_space<hbm>>) target(%dma_start3A_577 : memref<38400xf32, #tpu.memory_space<vmem>>) target_semaphore(%arg10 : memref<!tpu.dma_semaphore, #tpu.memory_space<semaphore_mem>>)
        %not3A_580 = arith.constant true
        %not3A_581 = arith.xori %eq3A_127, %not3A_580 : i1
        %convert_element_type3A_582 = arith.extui %not3A_581 : i1 to i32
        %cond3A_583 = arith.constant 0 : i32
        %cond3A_584 = arith.cmpi ne, %convert_element_type3A_582, %cond3A_583 : i32
        scf.if %cond3A_584 {
          %add3A_588 = arith.constant 38400 : i32
          %add3A_589 = arith.addi %multiple_of3A_125, %add3A_588 : i32
          %dma_start3A_590 = arith.constant 3 : i32
          %dma_start3A_591 = arith.constant 77056 : i32
          %dma_start3A_592 = tpu.memref_slice %arg6[%dma_start3A_591] : memref<77312xf32, #tpu.memory_space<vmem>> -> memref<256xf32, #tpu.memory_space<vmem>>
          %dma_start3A_593 = tpu.memref_slice %arg3[%select_n3A, %dma_start3A_590, %add3A_589] : memref<4x8x1000012xf32, #tpu.memory_space<hbm>> -> memref<1x1x256xf32, #tpu.memory_space<hbm>>
          %dma_start3A_594 = tpu.memref_squeeze %dma_start3A_593 : memref<1x1x256xf32, #tpu.memory_space<hbm>> -> memref<256xf32, #tpu.memory_space<hbm>>
          %dma_start3A_595 = arith.constant 77056 : i32
          %dma_start3A_596 = tpu.memref_slice %arg6[%dma_start3A_595] : memref<77312xf32, #tpu.memory_space<vmem>> -> memref<256xf32, #tpu.memory_space<vmem>>
          %dma_start3A_597 = tpu.memref_slice %arg3[%select_n3A, %dma_start3A_590, %add3A_589] : memref<4x8x1000012xf32, #tpu.memory_space<hbm>> -> memref<1x1x256xf32, #tpu.memory_space<hbm>>
          %dma_start3A_598 = tpu.memref_squeeze %dma_start3A_597 : memref<1x1x256xf32, #tpu.memory_space<hbm>> -> memref<256xf32, #tpu.memory_space<hbm>>
          tpu.enqueue_dma source(%dma_start3A_598 : memref<256xf32, #tpu.memory_space<hbm>>) target(%dma_start3A_596 : memref<256xf32, #tpu.memory_space<vmem>>) target_semaphore(%arg10 : memref<!tpu.dma_semaphore, #tpu.memory_space<semaphore_mem>>)
        } else {
        }
        %convert_element_type3A_585 = arith.extui %eq3A_127 : i1 to i32
        %cond3A_586 = arith.constant 0 : i32
        %cond3A_587 = arith.cmpi ne, %convert_element_type3A_585, %cond3A_586 : i32
        scf.if %cond3A_587 {
          %dma_start3A_588 = arith.constant 3 : i32
          %dma_start3A_589 = arith.constant 77056 : i32
          %dma_start3A_590 = tpu.memref_slice %arg6[%dma_start3A_589] : memref<77312xf32, #tpu.memory_space<vmem>> -> memref<128xf32, #tpu.memory_space<vmem>>
          %dma_start3A_591 = arith.constant 0 : i32
          %dma_start3A_592 = tpu.memref_slice %arg4[%select_n3A, %dma_start3A_588, %dma_start3A_591] : memref<4x8x128xf32, #tpu.memory_space<hbm>> -> memref<1x1x128xf32, #tpu.memory_space<hbm>>
          %dma_start3A_593 = tpu.memref_squeeze %dma_start3A_592 : memref<1x1x128xf32, #tpu.memory_space<hbm>> -> memref<128xf32, #tpu.memory_space<hbm>>
          %dma_start3A_594 = arith.constant 77056 : i32
          %dma_start3A_595 = tpu.memref_slice %arg6[%dma_start3A_594] : memref<77312xf32, #tpu.memory_space<vmem>> -> memref<128xf32, #tpu.memory_space<vmem>>
          %dma_start3A_596 = arith.constant 0 : i32
          %dma_start3A_597 = tpu.memref_slice %arg4[%select_n3A, %dma_start3A_588, %dma_start3A_596] : memref<4x8x128xf32, #tpu.memory_space<hbm>> -> memref<1x1x128xf32, #tpu.memory_space<hbm>>
          %dma_start3A_598 = tpu.memref_squeeze %dma_start3A_597 : memref<1x1x128xf32, #tpu.memory_space<hbm>> -> memref<128xf32, #tpu.memory_space<hbm>>
          tpu.enqueue_dma source(%dma_start3A_598 : memref<128xf32, #tpu.memory_space<hbm>>) target(%dma_start3A_595 : memref<128xf32, #tpu.memory_space<vmem>>) target_semaphore(%arg10 : memref<!tpu.dma_semaphore, #tpu.memory_space<semaphore_mem>>)
        } else {
        }
      } else {
      }
      %eq3A_148 = arith.constant 4 : i32
      %eq3A_149 = arith.cmpi eq, %rem3A_18, %eq3A_148 : i32
      %convert_element_type3A_150 = arith.extui %eq3A_149 : i1 to i32
      %cond3A_151 = arith.constant 0 : i32
      %cond3A_152 = arith.cmpi ne, %convert_element_type3A_150, %cond3A_151 : i32
      scf.if %cond3A_152 {
        %dma_start3A_571 = arith.constant 4 : i32
        %dma_start3A_572 = arith.constant 38656 : i32
        %dma_start3A_573 = tpu.memref_slice %arg6[%dma_start3A_572] : memref<77312xf32, #tpu.memory_space<vmem>> -> memref<38400xf32, #tpu.memory_space<vmem>>
        %dma_start3A_574 = tpu.memref_slice %arg3[%select_n3A, %dma_start3A_571, %multiple_of3A_125] : memref<4x8x1000012xf32, #tpu.memory_space<hbm>> -> memref<1x1x38400xf32, #tpu.memory_space<hbm>>
        %dma_start3A_575 = tpu.memref_squeeze %dma_start3A_574 : memref<1x1x38400xf32, #tpu.memory_space<hbm>> -> memref<38400xf32, #tpu.memory_space<hbm>>
        %dma_start3A_576 = arith.constant 38656 : i32
        %dma_start3A_577 = tpu.memref_slice %arg6[%dma_start3A_576] : memref<77312xf32, #tpu.memory_space<vmem>> -> memref<38400xf32, #tpu.memory_space<vmem>>
        %dma_start3A_578 = tpu.memref_slice %arg3[%select_n3A, %dma_start3A_571, %multiple_of3A_125] : memref<4x8x1000012xf32, #tpu.memory_space<hbm>> -> memref<1x1x38400xf32, #tpu.memory_space<hbm>>
        %dma_start3A_579 = tpu.memref_squeeze %dma_start3A_578 : memref<1x1x38400xf32, #tpu.memory_space<hbm>> -> memref<38400xf32, #tpu.memory_space<hbm>>
        tpu.enqueue_dma source(%dma_start3A_579 : memref<38400xf32, #tpu.memory_space<hbm>>) target(%dma_start3A_577 : memref<38400xf32, #tpu.memory_space<vmem>>) target_semaphore(%arg10 : memref<!tpu.dma_semaphore, #tpu.memory_space<semaphore_mem>>)
        %not3A_580 = arith.constant true
        %not3A_581 = arith.xori %eq3A_127, %not3A_580 : i1
        %convert_element_type3A_582 = arith.extui %not3A_581 : i1 to i32
        %cond3A_583 = arith.constant 0 : i32
        %cond3A_584 = arith.cmpi ne, %convert_element_type3A_582, %cond3A_583 : i32
        scf.if %cond3A_584 {
          %add3A_588 = arith.constant 38400 : i32
          %add3A_589 = arith.addi %multiple_of3A_125, %add3A_588 : i32
          %dma_start3A_590 = arith.constant 4 : i32
          %dma_start3A_591 = arith.constant 77056 : i32
          %dma_start3A_592 = tpu.memref_slice %arg6[%dma_start3A_591] : memref<77312xf32, #tpu.memory_space<vmem>> -> memref<256xf32, #tpu.memory_space<vmem>>
          %dma_start3A_593 = tpu.memref_slice %arg3[%select_n3A, %dma_start3A_590, %add3A_589] : memref<4x8x1000012xf32, #tpu.memory_space<hbm>> -> memref<1x1x256xf32, #tpu.memory_space<hbm>>
          %dma_start3A_594 = tpu.memref_squeeze %dma_start3A_593 : memref<1x1x256xf32, #tpu.memory_space<hbm>> -> memref<256xf32, #tpu.memory_space<hbm>>
          %dma_start3A_595 = arith.constant 77056 : i32
          %dma_start3A_596 = tpu.memref_slice %arg6[%dma_start3A_595] : memref<77312xf32, #tpu.memory_space<vmem>> -> memref<256xf32, #tpu.memory_space<vmem>>
          %dma_start3A_597 = tpu.memref_slice %arg3[%select_n3A, %dma_start3A_590, %add3A_589] : memref<4x8x1000012xf32, #tpu.memory_space<hbm>> -> memref<1x1x256xf32, #tpu.memory_space<hbm>>
          %dma_start3A_598 = tpu.memref_squeeze %dma_start3A_597 : memref<1x1x256xf32, #tpu.memory_space<hbm>> -> memref<256xf32, #tpu.memory_space<hbm>>
          tpu.enqueue_dma source(%dma_start3A_598 : memref<256xf32, #tpu.memory_space<hbm>>) target(%dma_start3A_596 : memref<256xf32, #tpu.memory_space<vmem>>) target_semaphore(%arg10 : memref<!tpu.dma_semaphore, #tpu.memory_space<semaphore_mem>>)
        } else {
        }
        %convert_element_type3A_585 = arith.extui %eq3A_127 : i1 to i32
        %cond3A_586 = arith.constant 0 : i32
        %cond3A_587 = arith.cmpi ne, %convert_element_type3A_585, %cond3A_586 : i32
        scf.if %cond3A_587 {
          %dma_start3A_588 = arith.constant 4 : i32
          %dma_start3A_589 = arith.constant 77056 : i32
          %dma_start3A_590 = tpu.memref_slice %arg6[%dma_start3A_589] : memref<77312xf32, #tpu.memory_space<vmem>> -> memref<128xf32, #tpu.memory_space<vmem>>
          %dma_start3A_591 = arith.constant 0 : i32
          %dma_start3A_592 = tpu.memref_slice %arg4[%select_n3A, %dma_start3A_588, %dma_start3A_591] : memref<4x8x128xf32, #tpu.memory_space<hbm>> -> memref<1x1x128xf32, #tpu.memory_space<hbm>>
          %dma_start3A_593 = tpu.memref_squeeze %dma_start3A_592 : memref<1x1x128xf32, #tpu.memory_space<hbm>> -> memref<128xf32, #tpu.memory_space<hbm>>
          %dma_start3A_594 = arith.constant 77056 : i32
          %dma_start3A_595 = tpu.memref_slice %arg6[%dma_start3A_594] : memref<77312xf32, #tpu.memory_space<vmem>> -> memref<128xf32, #tpu.memory_space<vmem>>
          %dma_start3A_596 = arith.constant 0 : i32
          %dma_start3A_597 = tpu.memref_slice %arg4[%select_n3A, %dma_start3A_588, %dma_start3A_596] : memref<4x8x128xf32, #tpu.memory_space<hbm>> -> memref<1x1x128xf32, #tpu.memory_space<hbm>>
          %dma_start3A_598 = tpu.memref_squeeze %dma_start3A_597 : memref<1x1x128xf32, #tpu.memory_space<hbm>> -> memref<128xf32, #tpu.memory_space<hbm>>
          tpu.enqueue_dma source(%dma_start3A_598 : memref<128xf32, #tpu.memory_space<hbm>>) target(%dma_start3A_595 : memref<128xf32, #tpu.memory_space<vmem>>) target_semaphore(%arg10 : memref<!tpu.dma_semaphore, #tpu.memory_space<semaphore_mem>>)
        } else {
        }
      } else {
      }
      %eq3A_153 = arith.constant 5 : i32
      %eq3A_154 = arith.cmpi eq, %rem3A_18, %eq3A_153 : i32
      %convert_element_type3A_155 = arith.extui %eq3A_154 : i1 to i32
      %cond3A_156 = arith.constant 0 : i32
      %cond3A_157 = arith.cmpi ne, %convert_element_type3A_155, %cond3A_156 : i32
      scf.if %cond3A_157 {
        %dma_start3A_571 = arith.constant 5 : i32
        %dma_start3A_572 = arith.constant 38656 : i32
        %dma_start3A_573 = tpu.memref_slice %arg6[%dma_start3A_572] : memref<77312xf32, #tpu.memory_space<vmem>> -> memref<38400xf32, #tpu.memory_space<vmem>>
        %dma_start3A_574 = tpu.memref_slice %arg3[%select_n3A, %dma_start3A_571, %multiple_of3A_125] : memref<4x8x1000012xf32, #tpu.memory_space<hbm>> -> memref<1x1x38400xf32, #tpu.memory_space<hbm>>
        %dma_start3A_575 = tpu.memref_squeeze %dma_start3A_574 : memref<1x1x38400xf32, #tpu.memory_space<hbm>> -> memref<38400xf32, #tpu.memory_space<hbm>>
        %dma_start3A_576 = arith.constant 38656 : i32
        %dma_start3A_577 = tpu.memref_slice %arg6[%dma_start3A_576] : memref<77312xf32, #tpu.memory_space<vmem>> -> memref<38400xf32, #tpu.memory_space<vmem>>
        %dma_start3A_578 = tpu.memref_slice %arg3[%select_n3A, %dma_start3A_571, %multiple_of3A_125] : memref<4x8x1000012xf32, #tpu.memory_space<hbm>> -> memref<1x1x38400xf32, #tpu.memory_space<hbm>>
        %dma_start3A_579 = tpu.memref_squeeze %dma_start3A_578 : memref<1x1x38400xf32, #tpu.memory_space<hbm>> -> memref<38400xf32, #tpu.memory_space<hbm>>
        tpu.enqueue_dma source(%dma_start3A_579 : memref<38400xf32, #tpu.memory_space<hbm>>) target(%dma_start3A_577 : memref<38400xf32, #tpu.memory_space<vmem>>) target_semaphore(%arg10 : memref<!tpu.dma_semaphore, #tpu.memory_space<semaphore_mem>>)
        %not3A_580 = arith.constant true
        %not3A_581 = arith.xori %eq3A_127, %not3A_580 : i1
        %convert_element_type3A_582 = arith.extui %not3A_581 : i1 to i32
        %cond3A_583 = arith.constant 0 : i32
        %cond3A_584 = arith.cmpi ne, %convert_element_type3A_582, %cond3A_583 : i32
        scf.if %cond3A_584 {
          %add3A_588 = arith.constant 38400 : i32
          %add3A_589 = arith.addi %multiple_of3A_125, %add3A_588 : i32
          %dma_start3A_590 = arith.constant 5 : i32
          %dma_start3A_591 = arith.constant 77056 : i32
          %dma_start3A_592 = tpu.memref_slice %arg6[%dma_start3A_591] : memref<77312xf32, #tpu.memory_space<vmem>> -> memref<256xf32, #tpu.memory_space<vmem>>
          %dma_start3A_593 = tpu.memref_slice %arg3[%select_n3A, %dma_start3A_590, %add3A_589] : memref<4x8x1000012xf32, #tpu.memory_space<hbm>> -> memref<1x1x256xf32, #tpu.memory_space<hbm>>
          %dma_start3A_594 = tpu.memref_squeeze %dma_start3A_593 : memref<1x1x256xf32, #tpu.memory_space<hbm>> -> memref<256xf32, #tpu.memory_space<hbm>>
          %dma_start3A_595 = arith.constant 77056 : i32
          %dma_start3A_596 = tpu.memref_slice %arg6[%dma_start3A_595] : memref<77312xf32, #tpu.memory_space<vmem>> -> memref<256xf32, #tpu.memory_space<vmem>>
          %dma_start3A_597 = tpu.memref_slice %arg3[%select_n3A, %dma_start3A_590, %add3A_589] : memref<4x8x1000012xf32, #tpu.memory_space<hbm>> -> memref<1x1x256xf32, #tpu.memory_space<hbm>>
          %dma_start3A_598 = tpu.memref_squeeze %dma_start3A_597 : memref<1x1x256xf32, #tpu.memory_space<hbm>> -> memref<256xf32, #tpu.memory_space<hbm>>
          tpu.enqueue_dma source(%dma_start3A_598 : memref<256xf32, #tpu.memory_space<hbm>>) target(%dma_start3A_596 : memref<256xf32, #tpu.memory_space<vmem>>) target_semaphore(%arg10 : memref<!tpu.dma_semaphore, #tpu.memory_space<semaphore_mem>>)
        } else {
        }
        %convert_element_type3A_585 = arith.extui %eq3A_127 : i1 to i32
        %cond3A_586 = arith.constant 0 : i32
        %cond3A_587 = arith.cmpi ne, %convert_element_type3A_585, %cond3A_586 : i32
        scf.if %cond3A_587 {
          %dma_start3A_588 = arith.constant 5 : i32
          %dma_start3A_589 = arith.constant 77056 : i32
          %dma_start3A_590 = tpu.memref_slice %arg6[%dma_start3A_589] : memref<77312xf32, #tpu.memory_space<vmem>> -> memref<128xf32, #tpu.memory_space<vmem>>
          %dma_start3A_591 = arith.constant 0 : i32
          %dma_start3A_592 = tpu.memref_slice %arg4[%select_n3A, %dma_start3A_588, %dma_start3A_591] : memref<4x8x128xf32, #tpu.memory_space<hbm>> -> memref<1x1x128xf32, #tpu.memory_space<hbm>>
          %dma_start3A_593 = tpu.memref_squeeze %dma_start3A_592 : memref<1x1x128xf32, #tpu.memory_space<hbm>> -> memref<128xf32, #tpu.memory_space<hbm>>
          %dma_start3A_594 = arith.constant 77056 : i32
          %dma_start3A_595 = tpu.memref_slice %arg6[%dma_start3A_594] : memref<77312xf32, #tpu.memory_space<vmem>> -> memref<128xf32, #tpu.memory_space<vmem>>
          %dma_start3A_596 = arith.constant 0 : i32
          %dma_start3A_597 = tpu.memref_slice %arg4[%select_n3A, %dma_start3A_588, %dma_start3A_596] : memref<4x8x128xf32, #tpu.memory_space<hbm>> -> memref<1x1x128xf32, #tpu.memory_space<hbm>>
          %dma_start3A_598 = tpu.memref_squeeze %dma_start3A_597 : memref<1x1x128xf32, #tpu.memory_space<hbm>> -> memref<128xf32, #tpu.memory_space<hbm>>
          tpu.enqueue_dma source(%dma_start3A_598 : memref<128xf32, #tpu.memory_space<hbm>>) target(%dma_start3A_595 : memref<128xf32, #tpu.memory_space<vmem>>) target_semaphore(%arg10 : memref<!tpu.dma_semaphore, #tpu.memory_space<semaphore_mem>>)
        } else {
        }
      } else {
      }
      %eq3A_158 = arith.constant 6 : i32
      %eq3A_159 = arith.cmpi eq, %rem3A_18, %eq3A_158 : i32
      %convert_element_type3A_160 = arith.extui %eq3A_159 : i1 to i32
      %cond3A_161 = arith.constant 0 : i32
      %cond3A_162 = arith.cmpi ne, %convert_element_type3A_160, %cond3A_161 : i32
      scf.if %cond3A_162 {
        %dma_start3A_571 = arith.constant 6 : i32
        %dma_start3A_572 = arith.constant 38656 : i32
        %dma_start3A_573 = tpu.memref_slice %arg6[%dma_start3A_572] : memref<77312xf32, #tpu.memory_space<vmem>> -> memref<38400xf32, #tpu.memory_space<vmem>>
        %dma_start3A_574 = tpu.memref_slice %arg3[%select_n3A, %dma_start3A_571, %multiple_of3A_125] : memref<4x8x1000012xf32, #tpu.memory_space<hbm>> -> memref<1x1x38400xf32, #tpu.memory_space<hbm>>
        %dma_start3A_575 = tpu.memref_squeeze %dma_start3A_574 : memref<1x1x38400xf32, #tpu.memory_space<hbm>> -> memref<38400xf32, #tpu.memory_space<hbm>>
        %dma_start3A_576 = arith.constant 38656 : i32
        %dma_start3A_577 = tpu.memref_slice %arg6[%dma_start3A_576] : memref<77312xf32, #tpu.memory_space<vmem>> -> memref<38400xf32, #tpu.memory_space<vmem>>
        %dma_start3A_578 = tpu.memref_slice %arg3[%select_n3A, %dma_start3A_571, %multiple_of3A_125] : memref<4x8x1000012xf32, #tpu.memory_space<hbm>> -> memref<1x1x38400xf32, #tpu.memory_space<hbm>>
        %dma_start3A_579 = tpu.memref_squeeze %dma_start3A_578 : memref<1x1x38400xf32, #tpu.memory_space<hbm>> -> memref<38400xf32, #tpu.memory_space<hbm>>
        tpu.enqueue_dma source(%dma_start3A_579 : memref<38400xf32, #tpu.memory_space<hbm>>) target(%dma_start3A_577 : memref<38400xf32, #tpu.memory_space<vmem>>) target_semaphore(%arg10 : memref<!tpu.dma_semaphore, #tpu.memory_space<semaphore_mem>>)
        %not3A_580 = arith.constant true
        %not3A_581 = arith.xori %eq3A_127, %not3A_580 : i1
        %convert_element_type3A_582 = arith.extui %not3A_581 : i1 to i32
        %cond3A_583 = arith.constant 0 : i32
        %cond3A_584 = arith.cmpi ne, %convert_element_type3A_582, %cond3A_583 : i32
        scf.if %cond3A_584 {
          %add3A_588 = arith.constant 38400 : i32
          %add3A_589 = arith.addi %multiple_of3A_125, %add3A_588 : i32
          %dma_start3A_590 = arith.constant 6 : i32
          %dma_start3A_591 = arith.constant 77056 : i32
          %dma_start3A_592 = tpu.memref_slice %arg6[%dma_start3A_591] : memref<77312xf32, #tpu.memory_space<vmem>> -> memref<256xf32, #tpu.memory_space<vmem>>
          %dma_start3A_593 = tpu.memref_slice %arg3[%select_n3A, %dma_start3A_590, %add3A_589] : memref<4x8x1000012xf32, #tpu.memory_space<hbm>> -> memref<1x1x256xf32, #tpu.memory_space<hbm>>
          %dma_start3A_594 = tpu.memref_squeeze %dma_start3A_593 : memref<1x1x256xf32, #tpu.memory_space<hbm>> -> memref<256xf32, #tpu.memory_space<hbm>>
          %dma_start3A_595 = arith.constant 77056 : i32
          %dma_start3A_596 = tpu.memref_slice %arg6[%dma_start3A_595] : memref<77312xf32, #tpu.memory_space<vmem>> -> memref<256xf32, #tpu.memory_space<vmem>>
          %dma_start3A_597 = tpu.memref_slice %arg3[%select_n3A, %dma_start3A_590, %add3A_589] : memref<4x8x1000012xf32, #tpu.memory_space<hbm>> -> memref<1x1x256xf32, #tpu.memory_space<hbm>>
          %dma_start3A_598 = tpu.memref_squeeze %dma_start3A_597 : memref<1x1x256xf32, #tpu.memory_space<hbm>> -> memref<256xf32, #tpu.memory_space<hbm>>
          tpu.enqueue_dma source(%dma_start3A_598 : memref<256xf32, #tpu.memory_space<hbm>>) target(%dma_start3A_596 : memref<256xf32, #tpu.memory_space<vmem>>) target_semaphore(%arg10 : memref<!tpu.dma_semaphore, #tpu.memory_space<semaphore_mem>>)
        } else {
        }
        %convert_element_type3A_585 = arith.extui %eq3A_127 : i1 to i32
        %cond3A_586 = arith.constant 0 : i32
        %cond3A_587 = arith.cmpi ne, %convert_element_type3A_585, %cond3A_586 : i32
        scf.if %cond3A_587 {
          %dma_start3A_588 = arith.constant 6 : i32
          %dma_start3A_589 = arith.constant 77056 : i32
          %dma_start3A_590 = tpu.memref_slice %arg6[%dma_start3A_589] : memref<77312xf32, #tpu.memory_space<vmem>> -> memref<128xf32, #tpu.memory_space<vmem>>
          %dma_start3A_591 = arith.constant 0 : i32
          %dma_start3A_592 = tpu.memref_slice %arg4[%select_n3A, %dma_start3A_588, %dma_start3A_591] : memref<4x8x128xf32, #tpu.memory_space<hbm>> -> memref<1x1x128xf32, #tpu.memory_space<hbm>>
          %dma_start3A_593 = tpu.memref_squeeze %dma_start3A_592 : memref<1x1x128xf32, #tpu.memory_space<hbm>> -> memref<128xf32, #tpu.memory_space<hbm>>
          %dma_start3A_594 = arith.constant 77056 : i32
          %dma_start3A_595 = tpu.memref_slice %arg6[%dma_start3A_594] : memref<77312xf32, #tpu.memory_space<vmem>> -> memref<128xf32, #tpu.memory_space<vmem>>
          %dma_start3A_596 = arith.constant 0 : i32
          %dma_start3A_597 = tpu.memref_slice %arg4[%select_n3A, %dma_start3A_588, %dma_start3A_596] : memref<4x8x128xf32, #tpu.memory_space<hbm>> -> memref<1x1x128xf32, #tpu.memory_space<hbm>>
          %dma_start3A_598 = tpu.memref_squeeze %dma_start3A_597 : memref<1x1x128xf32, #tpu.memory_space<hbm>> -> memref<128xf32, #tpu.memory_space<hbm>>
          tpu.enqueue_dma source(%dma_start3A_598 : memref<128xf32, #tpu.memory_space<hbm>>) target(%dma_start3A_595 : memref<128xf32, #tpu.memory_space<vmem>>) target_semaphore(%arg10 : memref<!tpu.dma_semaphore, #tpu.memory_space<semaphore_mem>>)
        } else {
        }
      } else {
      }
      %eq3A_163 = arith.constant 7 : i32
      %eq3A_164 = arith.cmpi eq, %rem3A_18, %eq3A_163 : i32
      %convert_element_type3A_165 = arith.extui %eq3A_164 : i1 to i32
      %cond3A_166 = arith.constant 0 : i32
      %cond3A_167 = arith.cmpi ne, %convert_element_type3A_165, %cond3A_166 : i32
      scf.if %cond3A_167 {
        %dma_start3A_571 = arith.constant 7 : i32
        %dma_start3A_572 = arith.constant 38656 : i32
        %dma_start3A_573 = tpu.memref_slice %arg6[%dma_start3A_572] : memref<77312xf32, #tpu.memory_space<vmem>> -> memref<38400xf32, #tpu.memory_space<vmem>>
        %dma_start3A_574 = tpu.memref_slice %arg3[%select_n3A, %dma_start3A_571, %multiple_of3A_125] : memref<4x8x1000012xf32, #tpu.memory_space<hbm>> -> memref<1x1x38400xf32, #tpu.memory_space<hbm>>
        %dma_start3A_575 = tpu.memref_squeeze %dma_start3A_574 : memref<1x1x38400xf32, #tpu.memory_space<hbm>> -> memref<38400xf32, #tpu.memory_space<hbm>>
        %dma_start3A_576 = arith.constant 38656 : i32
        %dma_start3A_577 = tpu.memref_slice %arg6[%dma_start3A_576] : memref<77312xf32, #tpu.memory_space<vmem>> -> memref<38400xf32, #tpu.memory_space<vmem>>
        %dma_start3A_578 = tpu.memref_slice %arg3[%select_n3A, %dma_start3A_571, %multiple_of3A_125] : memref<4x8x1000012xf32, #tpu.memory_space<hbm>> -> memref<1x1x38400xf32, #tpu.memory_space<hbm>>
        %dma_start3A_579 = tpu.memref_squeeze %dma_start3A_578 : memref<1x1x38400xf32, #tpu.memory_space<hbm>> -> memref<38400xf32, #tpu.memory_space<hbm>>
        tpu.enqueue_dma source(%dma_start3A_579 : memref<38400xf32, #tpu.memory_space<hbm>>) target(%dma_start3A_577 : memref<38400xf32, #tpu.memory_space<vmem>>) target_semaphore(%arg10 : memref<!tpu.dma_semaphore, #tpu.memory_space<semaphore_mem>>)
        %not3A_580 = arith.constant true
        %not3A_581 = arith.xori %eq3A_127, %not3A_580 : i1
        %convert_element_type3A_582 = arith.extui %not3A_581 : i1 to i32
        %cond3A_583 = arith.constant 0 : i32
        %cond3A_584 = arith.cmpi ne, %convert_element_type3A_582, %cond3A_583 : i32
        scf.if %cond3A_584 {
          %add3A_588 = arith.constant 38400 : i32
          %add3A_589 = arith.addi %multiple_of3A_125, %add3A_588 : i32
          %dma_start3A_590 = arith.constant 7 : i32
          %dma_start3A_591 = arith.constant 77056 : i32
          %dma_start3A_592 = tpu.memref_slice %arg6[%dma_start3A_591] : memref<77312xf32, #tpu.memory_space<vmem>> -> memref<256xf32, #tpu.memory_space<vmem>>
          %dma_start3A_593 = tpu.memref_slice %arg3[%select_n3A, %dma_start3A_590, %add3A_589] : memref<4x8x1000012xf32, #tpu.memory_space<hbm>> -> memref<1x1x256xf32, #tpu.memory_space<hbm>>
          %dma_start3A_594 = tpu.memref_squeeze %dma_start3A_593 : memref<1x1x256xf32, #tpu.memory_space<hbm>> -> memref<256xf32, #tpu.memory_space<hbm>>
          %dma_start3A_595 = arith.constant 77056 : i32
          %dma_start3A_596 = tpu.memref_slice %arg6[%dma_start3A_595] : memref<77312xf32, #tpu.memory_space<vmem>> -> memref<256xf32, #tpu.memory_space<vmem>>
          %dma_start3A_597 = tpu.memref_slice %arg3[%select_n3A, %dma_start3A_590, %add3A_589] : memref<4x8x1000012xf32, #tpu.memory_space<hbm>> -> memref<1x1x256xf32, #tpu.memory_space<hbm>>
          %dma_start3A_598 = tpu.memref_squeeze %dma_start3A_597 : memref<1x1x256xf32, #tpu.memory_space<hbm>> -> memref<256xf32, #tpu.memory_space<hbm>>
          tpu.enqueue_dma source(%dma_start3A_598 : memref<256xf32, #tpu.memory_space<hbm>>) target(%dma_start3A_596 : memref<256xf32, #tpu.memory_space<vmem>>) target_semaphore(%arg10 : memref<!tpu.dma_semaphore, #tpu.memory_space<semaphore_mem>>)
        } else {
        }
        %convert_element_type3A_585 = arith.extui %eq3A_127 : i1 to i32
        %cond3A_586 = arith.constant 0 : i32
        %cond3A_587 = arith.cmpi ne, %convert_element_type3A_585, %cond3A_586 : i32
        scf.if %cond3A_587 {
          %dma_start3A_588 = arith.constant 7 : i32
          %dma_start3A_589 = arith.constant 77056 : i32
          %dma_start3A_590 = tpu.memref_slice %arg6[%dma_start3A_589] : memref<77312xf32, #tpu.memory_space<vmem>> -> memref<128xf32, #tpu.memory_space<vmem>>
          %dma_start3A_591 = arith.constant 0 : i32
          %dma_start3A_592 = tpu.memref_slice %arg4[%select_n3A, %dma_start3A_588, %dma_start3A_591] : memref<4x8x128xf32, #tpu.memory_space<hbm>> -> memref<1x1x128xf32, #tpu.memory_space<hbm>>
          %dma_start3A_593 = tpu.memref_squeeze %dma_start3A_592 : memref<1x1x128xf32, #tpu.memory_space<hbm>> -> memref<128xf32, #tpu.memory_space<hbm>>
          %dma_start3A_594 = arith.constant 77056 : i32
          %dma_start3A_595 = tpu.memref_slice %arg6[%dma_start3A_594] : memref<77312xf32, #tpu.memory_space<vmem>> -> memref<128xf32, #tpu.memory_space<vmem>>
          %dma_start3A_596 = arith.constant 0 : i32
          %dma_start3A_597 = tpu.memref_slice %arg4[%select_n3A, %dma_start3A_588, %dma_start3A_596] : memref<4x8x128xf32, #tpu.memory_space<hbm>> -> memref<1x1x128xf32, #tpu.memory_space<hbm>>
          %dma_start3A_598 = tpu.memref_squeeze %dma_start3A_597 : memref<1x1x128xf32, #tpu.memory_space<hbm>> -> memref<128xf32, #tpu.memory_space<hbm>>
          tpu.enqueue_dma source(%dma_start3A_598 : memref<128xf32, #tpu.memory_space<hbm>>) target(%dma_start3A_595 : memref<128xf32, #tpu.memory_space<vmem>>) target_semaphore(%arg10 : memref<!tpu.dma_semaphore, #tpu.memory_space<semaphore_mem>>)
        } else {
        }
      } else {
      }
      %add3A_168 = arith.constant 1 : i32
      %add3A_169 = arith.addi %mul3A_117, %add3A_168 : i32
      %eq3A_170 = arith.constant 0 : i32
      %eq3A_171 = arith.cmpi eq, %add3A_169, %eq3A_170 : i32
      %convert_element_type3A_172 = arith.extui %eq3A_171 : i1 to i32
      %cond3A_173 = arith.constant 0 : i32
      %cond3A_174 = arith.cmpi ne, %convert_element_type3A_172, %cond3A_173 : i32
      scf.if %cond3A_174 {
        %dma_start3A_571 = arith.constant 0 : i32
        %dma_start3A_572 = arith.constant 16384 : i32
        %dma_start3A_573 = tpu.memref_slice %arg7[%dma_start3A_572] : memref<32768xi32, #tpu.memory_space<vmem>> -> memref<16384xi32, #tpu.memory_space<vmem>>
        %dma_start3A_574 = arith.constant 0 : i32
        %dma_start3A_575 = tpu.memref_slice %arg2[%dma_start3A_571, %dma_start3A_574] : memref<26x16384xi32, #tpu.memory_space<hbm>> -> memref<1x16384xi32, #tpu.memory_space<hbm>>
        %dma_start3A_576 = tpu.memref_squeeze %dma_start3A_575 : memref<1x16384xi32, #tpu.memory_space<hbm>> -> memref<16384xi32, #tpu.memory_space<hbm>>
        %dma_start3A_577 = arith.constant 16384 : i32
        %dma_start3A_578 = tpu.memref_slice %arg7[%dma_start3A_577] : memref<32768xi32, #tpu.memory_space<vmem>> -> memref<16384xi32, #tpu.memory_space<vmem>>
        %dma_start3A_579 = arith.constant 0 : i32
        %dma_start3A_580 = tpu.memref_slice %arg2[%dma_start3A_571, %dma_start3A_579] : memref<26x16384xi32, #tpu.memory_space<hbm>> -> memref<1x16384xi32, #tpu.memory_space<hbm>>
        %dma_start3A_581 = tpu.memref_squeeze %dma_start3A_580 : memref<1x16384xi32, #tpu.memory_space<hbm>> -> memref<16384xi32, #tpu.memory_space<hbm>>
        tpu.enqueue_dma source(%dma_start3A_581 : memref<16384xi32, #tpu.memory_space<hbm>>) target(%dma_start3A_578 : memref<16384xi32, #tpu.memory_space<vmem>>) target_semaphore(%arg12 : memref<!tpu.dma_semaphore, #tpu.memory_space<semaphore_mem>>)
      } else {
      }
      %eq3A_175 = arith.constant 1 : i32
      %eq3A_176 = arith.cmpi eq, %add3A_169, %eq3A_175 : i32
      %convert_element_type3A_177 = arith.extui %eq3A_176 : i1 to i32
      %cond3A_178 = arith.constant 0 : i32
      %cond3A_179 = arith.cmpi ne, %convert_element_type3A_177, %cond3A_178 : i32
      scf.if %cond3A_179 {
        %dma_start3A_571 = arith.constant 1 : i32
        %dma_start3A_572 = arith.constant 16384 : i32
        %dma_start3A_573 = tpu.memref_slice %arg7[%dma_start3A_572] : memref<32768xi32, #tpu.memory_space<vmem>> -> memref<16384xi32, #tpu.memory_space<vmem>>
        %dma_start3A_574 = arith.constant 0 : i32
        %dma_start3A_575 = tpu.memref_slice %arg2[%dma_start3A_571, %dma_start3A_574] : memref<26x16384xi32, #tpu.memory_space<hbm>> -> memref<1x16384xi32, #tpu.memory_space<hbm>>
        %dma_start3A_576 = tpu.memref_squeeze %dma_start3A_575 : memref<1x16384xi32, #tpu.memory_space<hbm>> -> memref<16384xi32, #tpu.memory_space<hbm>>
        %dma_start3A_577 = arith.constant 16384 : i32
        %dma_start3A_578 = tpu.memref_slice %arg7[%dma_start3A_577] : memref<32768xi32, #tpu.memory_space<vmem>> -> memref<16384xi32, #tpu.memory_space<vmem>>
        %dma_start3A_579 = arith.constant 0 : i32
        %dma_start3A_580 = tpu.memref_slice %arg2[%dma_start3A_571, %dma_start3A_579] : memref<26x16384xi32, #tpu.memory_space<hbm>> -> memref<1x16384xi32, #tpu.memory_space<hbm>>
        %dma_start3A_581 = tpu.memref_squeeze %dma_start3A_580 : memref<1x16384xi32, #tpu.memory_space<hbm>> -> memref<16384xi32, #tpu.memory_space<hbm>>
        tpu.enqueue_dma source(%dma_start3A_581 : memref<16384xi32, #tpu.memory_space<hbm>>) target(%dma_start3A_578 : memref<16384xi32, #tpu.memory_space<vmem>>) target_semaphore(%arg12 : memref<!tpu.dma_semaphore, #tpu.memory_space<semaphore_mem>>)
      } else {
      }
      %eq3A_180 = arith.constant 2 : i32
      %eq3A_181 = arith.cmpi eq, %add3A_169, %eq3A_180 : i32
      %convert_element_type3A_182 = arith.extui %eq3A_181 : i1 to i32
      %cond3A_183 = arith.constant 0 : i32
      %cond3A_184 = arith.cmpi ne, %convert_element_type3A_182, %cond3A_183 : i32
      scf.if %cond3A_184 {
        %dma_start3A_571 = arith.constant 2 : i32
        %dma_start3A_572 = arith.constant 16384 : i32
        %dma_start3A_573 = tpu.memref_slice %arg7[%dma_start3A_572] : memref<32768xi32, #tpu.memory_space<vmem>> -> memref<16384xi32, #tpu.memory_space<vmem>>
        %dma_start3A_574 = arith.constant 0 : i32
        %dma_start3A_575 = tpu.memref_slice %arg2[%dma_start3A_571, %dma_start3A_574] : memref<26x16384xi32, #tpu.memory_space<hbm>> -> memref<1x16384xi32, #tpu.memory_space<hbm>>
        %dma_start3A_576 = tpu.memref_squeeze %dma_start3A_575 : memref<1x16384xi32, #tpu.memory_space<hbm>> -> memref<16384xi32, #tpu.memory_space<hbm>>
        %dma_start3A_577 = arith.constant 16384 : i32
        %dma_start3A_578 = tpu.memref_slice %arg7[%dma_start3A_577] : memref<32768xi32, #tpu.memory_space<vmem>> -> memref<16384xi32, #tpu.memory_space<vmem>>
        %dma_start3A_579 = arith.constant 0 : i32
        %dma_start3A_580 = tpu.memref_slice %arg2[%dma_start3A_571, %dma_start3A_579] : memref<26x16384xi32, #tpu.memory_space<hbm>> -> memref<1x16384xi32, #tpu.memory_space<hbm>>
        %dma_start3A_581 = tpu.memref_squeeze %dma_start3A_580 : memref<1x16384xi32, #tpu.memory_space<hbm>> -> memref<16384xi32, #tpu.memory_space<hbm>>
        tpu.enqueue_dma source(%dma_start3A_581 : memref<16384xi32, #tpu.memory_space<hbm>>) target(%dma_start3A_578 : memref<16384xi32, #tpu.memory_space<vmem>>) target_semaphore(%arg12 : memref<!tpu.dma_semaphore, #tpu.memory_space<semaphore_mem>>)
      } else {
      }
      %eq3A_185 = arith.constant 3 : i32
      %eq3A_186 = arith.cmpi eq, %add3A_169, %eq3A_185 : i32
      %convert_element_type3A_187 = arith.extui %eq3A_186 : i1 to i32
      %cond3A_188 = arith.constant 0 : i32
      %cond3A_189 = arith.cmpi ne, %convert_element_type3A_187, %cond3A_188 : i32
      scf.if %cond3A_189 {
        %dma_start3A_571 = arith.constant 3 : i32
        %dma_start3A_572 = arith.constant 16384 : i32
        %dma_start3A_573 = tpu.memref_slice %arg7[%dma_start3A_572] : memref<32768xi32, #tpu.memory_space<vmem>> -> memref<16384xi32, #tpu.memory_space<vmem>>
        %dma_start3A_574 = arith.constant 0 : i32
        %dma_start3A_575 = tpu.memref_slice %arg2[%dma_start3A_571, %dma_start3A_574] : memref<26x16384xi32, #tpu.memory_space<hbm>> -> memref<1x16384xi32, #tpu.memory_space<hbm>>
        %dma_start3A_576 = tpu.memref_squeeze %dma_start3A_575 : memref<1x16384xi32, #tpu.memory_space<hbm>> -> memref<16384xi32, #tpu.memory_space<hbm>>
        %dma_start3A_577 = arith.constant 16384 : i32
        %dma_start3A_578 = tpu.memref_slice %arg7[%dma_start3A_577] : memref<32768xi32, #tpu.memory_space<vmem>> -> memref<16384xi32, #tpu.memory_space<vmem>>
        %dma_start3A_579 = arith.constant 0 : i32
        %dma_start3A_580 = tpu.memref_slice %arg2[%dma_start3A_571, %dma_start3A_579] : memref<26x16384xi32, #tpu.memory_space<hbm>> -> memref<1x16384xi32, #tpu.memory_space<hbm>>
        %dma_start3A_581 = tpu.memref_squeeze %dma_start3A_580 : memref<1x16384xi32, #tpu.memory_space<hbm>> -> memref<16384xi32, #tpu.memory_space<hbm>>
        tpu.enqueue_dma source(%dma_start3A_581 : memref<16384xi32, #tpu.memory_space<hbm>>) target(%dma_start3A_578 : memref<16384xi32, #tpu.memory_space<vmem>>) target_semaphore(%arg12 : memref<!tpu.dma_semaphore, #tpu.memory_space<semaphore_mem>>)
      } else {
      }
      %eq3A_190 = arith.constant 4 : i32
      %eq3A_191 = arith.cmpi eq, %add3A_169, %eq3A_190 : i32
      %convert_element_type3A_192 = arith.extui %eq3A_191 : i1 to i32
      %cond3A_193 = arith.constant 0 : i32
      %cond3A_194 = arith.cmpi ne, %convert_element_type3A_192, %cond3A_193 : i32
      scf.if %cond3A_194 {
        %dma_start3A_571 = arith.constant 4 : i32
        %dma_start3A_572 = arith.constant 16384 : i32
        %dma_start3A_573 = tpu.memref_slice %arg7[%dma_start3A_572] : memref<32768xi32, #tpu.memory_space<vmem>> -> memref<16384xi32, #tpu.memory_space<vmem>>
        %dma_start3A_574 = arith.constant 0 : i32
        %dma_start3A_575 = tpu.memref_slice %arg2[%dma_start3A_571, %dma_start3A_574] : memref<26x16384xi32, #tpu.memory_space<hbm>> -> memref<1x16384xi32, #tpu.memory_space<hbm>>
        %dma_start3A_576 = tpu.memref_squeeze %dma_start3A_575 : memref<1x16384xi32, #tpu.memory_space<hbm>> -> memref<16384xi32, #tpu.memory_space<hbm>>
        %dma_start3A_577 = arith.constant 16384 : i32
        %dma_start3A_578 = tpu.memref_slice %arg7[%dma_start3A_577] : memref<32768xi32, #tpu.memory_space<vmem>> -> memref<16384xi32, #tpu.memory_space<vmem>>
        %dma_start3A_579 = arith.constant 0 : i32
        %dma_start3A_580 = tpu.memref_slice %arg2[%dma_start3A_571, %dma_start3A_579] : memref<26x16384xi32, #tpu.memory_space<hbm>> -> memref<1x16384xi32, #tpu.memory_space<hbm>>
        %dma_start3A_581 = tpu.memref_squeeze %dma_start3A_580 : memref<1x16384xi32, #tpu.memory_space<hbm>> -> memref<16384xi32, #tpu.memory_space<hbm>>
        tpu.enqueue_dma source(%dma_start3A_581 : memref<16384xi32, #tpu.memory_space<hbm>>) target(%dma_start3A_578 : memref<16384xi32, #tpu.memory_space<vmem>>) target_semaphore(%arg12 : memref<!tpu.dma_semaphore, #tpu.memory_space<semaphore_mem>>)
      } else {
      }
      %eq3A_195 = arith.constant 5 : i32
      %eq3A_196 = arith.cmpi eq, %add3A_169, %eq3A_195 : i32
      %convert_element_type3A_197 = arith.extui %eq3A_196 : i1 to i32
      %cond3A_198 = arith.constant 0 : i32
      %cond3A_199 = arith.cmpi ne, %convert_element_type3A_197, %cond3A_198 : i32
      scf.if %cond3A_199 {
        %dma_start3A_571 = arith.constant 5 : i32
        %dma_start3A_572 = arith.constant 16384 : i32
        %dma_start3A_573 = tpu.memref_slice %arg7[%dma_start3A_572] : memref<32768xi32, #tpu.memory_space<vmem>> -> memref<16384xi32, #tpu.memory_space<vmem>>
        %dma_start3A_574 = arith.constant 0 : i32
        %dma_start3A_575 = tpu.memref_slice %arg2[%dma_start3A_571, %dma_start3A_574] : memref<26x16384xi32, #tpu.memory_space<hbm>> -> memref<1x16384xi32, #tpu.memory_space<hbm>>
        %dma_start3A_576 = tpu.memref_squeeze %dma_start3A_575 : memref<1x16384xi32, #tpu.memory_space<hbm>> -> memref<16384xi32, #tpu.memory_space<hbm>>
        %dma_start3A_577 = arith.constant 16384 : i32
        %dma_start3A_578 = tpu.memref_slice %arg7[%dma_start3A_577] : memref<32768xi32, #tpu.memory_space<vmem>> -> memref<16384xi32, #tpu.memory_space<vmem>>
        %dma_start3A_579 = arith.constant 0 : i32
        %dma_start3A_580 = tpu.memref_slice %arg2[%dma_start3A_571, %dma_start3A_579] : memref<26x16384xi32, #tpu.memory_space<hbm>> -> memref<1x16384xi32, #tpu.memory_space<hbm>>
        %dma_start3A_581 = tpu.memref_squeeze %dma_start3A_580 : memref<1x16384xi32, #tpu.memory_space<hbm>> -> memref<16384xi32, #tpu.memory_space<hbm>>
        tpu.enqueue_dma source(%dma_start3A_581 : memref<16384xi32, #tpu.memory_space<hbm>>) target(%dma_start3A_578 : memref<16384xi32, #tpu.memory_space<vmem>>) target_semaphore(%arg12 : memref<!tpu.dma_semaphore, #tpu.memory_space<semaphore_mem>>)
      } else {
      }
      %eq3A_200 = arith.constant 6 : i32
      %eq3A_201 = arith.cmpi eq, %add3A_169, %eq3A_200 : i32
      %convert_element_type3A_202 = arith.extui %eq3A_201 : i1 to i32
      %cond3A_203 = arith.constant 0 : i32
      %cond3A_204 = arith.cmpi ne, %convert_element_type3A_202, %cond3A_203 : i32
      scf.if %cond3A_204 {
        %dma_start3A_571 = arith.constant 6 : i32
        %dma_start3A_572 = arith.constant 16384 : i32
        %dma_start3A_573 = tpu.memref_slice %arg7[%dma_start3A_572] : memref<32768xi32, #tpu.memory_space<vmem>> -> memref<16384xi32, #tpu.memory_space<vmem>>
        %dma_start3A_574 = arith.constant 0 : i32
        %dma_start3A_575 = tpu.memref_slice %arg2[%dma_start3A_571, %dma_start3A_574] : memref<26x16384xi32, #tpu.memory_space<hbm>> -> memref<1x16384xi32, #tpu.memory_space<hbm>>
        %dma_start3A_576 = tpu.memref_squeeze %dma_start3A_575 : memref<1x16384xi32, #tpu.memory_space<hbm>> -> memref<16384xi32, #tpu.memory_space<hbm>>
        %dma_start3A_577 = arith.constant 16384 : i32
        %dma_start3A_578 = tpu.memref_slice %arg7[%dma_start3A_577] : memref<32768xi32, #tpu.memory_space<vmem>> -> memref<16384xi32, #tpu.memory_space<vmem>>
        %dma_start3A_579 = arith.constant 0 : i32
        %dma_start3A_580 = tpu.memref_slice %arg2[%dma_start3A_571, %dma_start3A_579] : memref<26x16384xi32, #tpu.memory_space<hbm>> -> memref<1x16384xi32, #tpu.memory_space<hbm>>
        %dma_start3A_581 = tpu.memref_squeeze %dma_start3A_580 : memref<1x16384xi32, #tpu.memory_space<hbm>> -> memref<16384xi32, #tpu.memory_space<hbm>>
        tpu.enqueue_dma source(%dma_start3A_581 : memref<16384xi32, #tpu.memory_space<hbm>>) target(%dma_start3A_578 : memref<16384xi32, #tpu.memory_space<vmem>>) target_semaphore(%arg12 : memref<!tpu.dma_semaphore, #tpu.memory_space<semaphore_mem>>)
      } else {
      }
      %eq3A_205 = arith.constant 7 : i32
      %eq3A_206 = arith.cmpi eq, %add3A_169, %eq3A_205 : i32
      %convert_element_type3A_207 = arith.extui %eq3A_206 : i1 to i32
      %cond3A_208 = arith.constant 0 : i32
      %cond3A_209 = arith.cmpi ne, %convert_element_type3A_207, %cond3A_208 : i32
      scf.if %cond3A_209 {
        %dma_start3A_571 = arith.constant 7 : i32
        %dma_start3A_572 = arith.constant 16384 : i32
        %dma_start3A_573 = tpu.memref_slice %arg7[%dma_start3A_572] : memref<32768xi32, #tpu.memory_space<vmem>> -> memref<16384xi32, #tpu.memory_space<vmem>>
        %dma_start3A_574 = arith.constant 0 : i32
        %dma_start3A_575 = tpu.memref_slice %arg2[%dma_start3A_571, %dma_start3A_574] : memref<26x16384xi32, #tpu.memory_space<hbm>> -> memref<1x16384xi32, #tpu.memory_space<hbm>>
        %dma_start3A_576 = tpu.memref_squeeze %dma_start3A_575 : memref<1x16384xi32, #tpu.memory_space<hbm>> -> memref<16384xi32, #tpu.memory_space<hbm>>
        %dma_start3A_577 = arith.constant 16384 : i32
        %dma_start3A_578 = tpu.memref_slice %arg7[%dma_start3A_577] : memref<32768xi32, #tpu.memory_space<vmem>> -> memref<16384xi32, #tpu.memory_space<vmem>>
        %dma_start3A_579 = arith.constant 0 : i32
        %dma_start3A_580 = tpu.memref_slice %arg2[%dma_start3A_571, %dma_start3A_579] : memref<26x16384xi32, #tpu.memory_space<hbm>> -> memref<1x16384xi32, #tpu.memory_space<hbm>>
        %dma_start3A_581 = tpu.memref_squeeze %dma_start3A_580 : memref<1x16384xi32, #tpu.memory_space<hbm>> -> memref<16384xi32, #tpu.memory_space<hbm>>
        tpu.enqueue_dma source(%dma_start3A_581 : memref<16384xi32, #tpu.memory_space<hbm>>) target(%dma_start3A_578 : memref<16384xi32, #tpu.memory_space<vmem>>) target_semaphore(%arg12 : memref<!tpu.dma_semaphore, #tpu.memory_space<semaphore_mem>>)
      } else {
      }
      %eq3A_210 = arith.constant 8 : i32
      %eq3A_211 = arith.cmpi eq, %add3A_169, %eq3A_210 : i32
      %convert_element_type3A_212 = arith.extui %eq3A_211 : i1 to i32
      %cond3A_213 = arith.constant 0 : i32
      %cond3A_214 = arith.cmpi ne, %convert_element_type3A_212, %cond3A_213 : i32
      scf.if %cond3A_214 {
        %dma_start3A_571 = arith.constant 8 : i32
        %dma_start3A_572 = arith.constant 16384 : i32
        %dma_start3A_573 = tpu.memref_slice %arg7[%dma_start3A_572] : memref<32768xi32, #tpu.memory_space<vmem>> -> memref<16384xi32, #tpu.memory_space<vmem>>
        %dma_start3A_574 = arith.constant 0 : i32
        %dma_start3A_575 = tpu.memref_slice %arg2[%dma_start3A_571, %dma_start3A_574] : memref<26x16384xi32, #tpu.memory_space<hbm>> -> memref<1x16384xi32, #tpu.memory_space<hbm>>
        %dma_start3A_576 = tpu.memref_squeeze %dma_start3A_575 : memref<1x16384xi32, #tpu.memory_space<hbm>> -> memref<16384xi32, #tpu.memory_space<hbm>>
        %dma_start3A_577 = arith.constant 16384 : i32
        %dma_start3A_578 = tpu.memref_slice %arg7[%dma_start3A_577] : memref<32768xi32, #tpu.memory_space<vmem>> -> memref<16384xi32, #tpu.memory_space<vmem>>
        %dma_start3A_579 = arith.constant 0 : i32
        %dma_start3A_580 = tpu.memref_slice %arg2[%dma_start3A_571, %dma_start3A_579] : memref<26x16384xi32, #tpu.memory_space<hbm>> -> memref<1x16384xi32, #tpu.memory_space<hbm>>
        %dma_start3A_581 = tpu.memref_squeeze %dma_start3A_580 : memref<1x16384xi32, #tpu.memory_space<hbm>> -> memref<16384xi32, #tpu.memory_space<hbm>>
        tpu.enqueue_dma source(%dma_start3A_581 : memref<16384xi32, #tpu.memory_space<hbm>>) target(%dma_start3A_578 : memref<16384xi32, #tpu.memory_space<vmem>>) target_semaphore(%arg12 : memref<!tpu.dma_semaphore, #tpu.memory_space<semaphore_mem>>)
      } else {
      }
      %eq3A_215 = arith.constant 9 : i32
      %eq3A_216 = arith.cmpi eq, %add3A_169, %eq3A_215 : i32
      %convert_element_type3A_217 = arith.extui %eq3A_216 : i1 to i32
      %cond3A_218 = arith.constant 0 : i32
      %cond3A_219 = arith.cmpi ne, %convert_element_type3A_217, %cond3A_218 : i32
      scf.if %cond3A_219 {
        %dma_start3A_571 = arith.constant 9 : i32
        %dma_start3A_572 = arith.constant 16384 : i32
        %dma_start3A_573 = tpu.memref_slice %arg7[%dma_start3A_572] : memref<32768xi32, #tpu.memory_space<vmem>> -> memref<16384xi32, #tpu.memory_space<vmem>>
        %dma_start3A_574 = arith.constant 0 : i32
        %dma_start3A_575 = tpu.memref_slice %arg2[%dma_start3A_571, %dma_start3A_574] : memref<26x16384xi32, #tpu.memory_space<hbm>> -> memref<1x16384xi32, #tpu.memory_space<hbm>>
        %dma_start3A_576 = tpu.memref_squeeze %dma_start3A_575 : memref<1x16384xi32, #tpu.memory_space<hbm>> -> memref<16384xi32, #tpu.memory_space<hbm>>
        %dma_start3A_577 = arith.constant 16384 : i32
        %dma_start3A_578 = tpu.memref_slice %arg7[%dma_start3A_577] : memref<32768xi32, #tpu.memory_space<vmem>> -> memref<16384xi32, #tpu.memory_space<vmem>>
        %dma_start3A_579 = arith.constant 0 : i32
        %dma_start3A_580 = tpu.memref_slice %arg2[%dma_start3A_571, %dma_start3A_579] : memref<26x16384xi32, #tpu.memory_space<hbm>> -> memref<1x16384xi32, #tpu.memory_space<hbm>>
        %dma_start3A_581 = tpu.memref_squeeze %dma_start3A_580 : memref<1x16384xi32, #tpu.memory_space<hbm>> -> memref<16384xi32, #tpu.memory_space<hbm>>
        tpu.enqueue_dma source(%dma_start3A_581 : memref<16384xi32, #tpu.memory_space<hbm>>) target(%dma_start3A_578 : memref<16384xi32, #tpu.memory_space<vmem>>) target_semaphore(%arg12 : memref<!tpu.dma_semaphore, #tpu.memory_space<semaphore_mem>>)
      } else {
      }
      %eq3A_220 = arith.constant 10 : i32
      %eq3A_221 = arith.cmpi eq, %add3A_169, %eq3A_220 : i32
      %convert_element_type3A_222 = arith.extui %eq3A_221 : i1 to i32
      %cond3A_223 = arith.constant 0 : i32
      %cond3A_224 = arith.cmpi ne, %convert_element_type3A_222, %cond3A_223 : i32
      scf.if %cond3A_224 {
        %dma_start3A_571 = arith.constant 10 : i32
        %dma_start3A_572 = arith.constant 16384 : i32
        %dma_start3A_573 = tpu.memref_slice %arg7[%dma_start3A_572] : memref<32768xi32, #tpu.memory_space<vmem>> -> memref<16384xi32, #tpu.memory_space<vmem>>
        %dma_start3A_574 = arith.constant 0 : i32
        %dma_start3A_575 = tpu.memref_slice %arg2[%dma_start3A_571, %dma_start3A_574] : memref<26x16384xi32, #tpu.memory_space<hbm>> -> memref<1x16384xi32, #tpu.memory_space<hbm>>
        %dma_start3A_576 = tpu.memref_squeeze %dma_start3A_575 : memref<1x16384xi32, #tpu.memory_space<hbm>> -> memref<16384xi32, #tpu.memory_space<hbm>>
        %dma_start3A_577 = arith.constant 16384 : i32
        %dma_start3A_578 = tpu.memref_slice %arg7[%dma_start3A_577] : memref<32768xi32, #tpu.memory_space<vmem>> -> memref<16384xi32, #tpu.memory_space<vmem>>
        %dma_start3A_579 = arith.constant 0 : i32
        %dma_start3A_580 = tpu.memref_slice %arg2[%dma_start3A_571, %dma_start3A_579] : memref<26x16384xi32, #tpu.memory_space<hbm>> -> memref<1x16384xi32, #tpu.memory_space<hbm>>
        %dma_start3A_581 = tpu.memref_squeeze %dma_start3A_580 : memref<1x16384xi32, #tpu.memory_space<hbm>> -> memref<16384xi32, #tpu.memory_space<hbm>>
        tpu.enqueue_dma source(%dma_start3A_581 : memref<16384xi32, #tpu.memory_space<hbm>>) target(%dma_start3A_578 : memref<16384xi32, #tpu.memory_space<vmem>>) target_semaphore(%arg12 : memref<!tpu.dma_semaphore, #tpu.memory_space<semaphore_mem>>)
      } else {
      }
      %eq3A_225 = arith.constant 11 : i32
      %eq3A_226 = arith.cmpi eq, %add3A_169, %eq3A_225 : i32
      %convert_element_type3A_227 = arith.extui %eq3A_226 : i1 to i32
      %cond3A_228 = arith.constant 0 : i32
      %cond3A_229 = arith.cmpi ne, %convert_element_type3A_227, %cond3A_228 : i32
      scf.if %cond3A_229 {
        %dma_start3A_571 = arith.constant 11 : i32
        %dma_start3A_572 = arith.constant 16384 : i32
        %dma_start3A_573 = tpu.memref_slice %arg7[%dma_start3A_572] : memref<32768xi32, #tpu.memory_space<vmem>> -> memref<16384xi32, #tpu.memory_space<vmem>>
        %dma_start3A_574 = arith.constant 0 : i32
        %dma_start3A_575 = tpu.memref_slice %arg2[%dma_start3A_571, %dma_start3A_574] : memref<26x16384xi32, #tpu.memory_space<hbm>> -> memref<1x16384xi32, #tpu.memory_space<hbm>>
        %dma_start3A_576 = tpu.memref_squeeze %dma_start3A_575 : memref<1x16384xi32, #tpu.memory_space<hbm>> -> memref<16384xi32, #tpu.memory_space<hbm>>
        %dma_start3A_577 = arith.constant 16384 : i32
        %dma_start3A_578 = tpu.memref_slice %arg7[%dma_start3A_577] : memref<32768xi32, #tpu.memory_space<vmem>> -> memref<16384xi32, #tpu.memory_space<vmem>>
        %dma_start3A_579 = arith.constant 0 : i32
        %dma_start3A_580 = tpu.memref_slice %arg2[%dma_start3A_571, %dma_start3A_579] : memref<26x16384xi32, #tpu.memory_space<hbm>> -> memref<1x16384xi32, #tpu.memory_space<hbm>>
        %dma_start3A_581 = tpu.memref_squeeze %dma_start3A_580 : memref<1x16384xi32, #tpu.memory_space<hbm>> -> memref<16384xi32, #tpu.memory_space<hbm>>
        tpu.enqueue_dma source(%dma_start3A_581 : memref<16384xi32, #tpu.memory_space<hbm>>) target(%dma_start3A_578 : memref<16384xi32, #tpu.memory_space<vmem>>) target_semaphore(%arg12 : memref<!tpu.dma_semaphore, #tpu.memory_space<semaphore_mem>>)
      } else {
      }
      %eq3A_230 = arith.constant 12 : i32
      %eq3A_231 = arith.cmpi eq, %add3A_169, %eq3A_230 : i32
      %convert_element_type3A_232 = arith.extui %eq3A_231 : i1 to i32
      %cond3A_233 = arith.constant 0 : i32
      %cond3A_234 = arith.cmpi ne, %convert_element_type3A_232, %cond3A_233 : i32
      scf.if %cond3A_234 {
        %dma_start3A_571 = arith.constant 12 : i32
        %dma_start3A_572 = arith.constant 16384 : i32
        %dma_start3A_573 = tpu.memref_slice %arg7[%dma_start3A_572] : memref<32768xi32, #tpu.memory_space<vmem>> -> memref<16384xi32, #tpu.memory_space<vmem>>
        %dma_start3A_574 = arith.constant 0 : i32
        %dma_start3A_575 = tpu.memref_slice %arg2[%dma_start3A_571, %dma_start3A_574] : memref<26x16384xi32, #tpu.memory_space<hbm>> -> memref<1x16384xi32, #tpu.memory_space<hbm>>
        %dma_start3A_576 = tpu.memref_squeeze %dma_start3A_575 : memref<1x16384xi32, #tpu.memory_space<hbm>> -> memref<16384xi32, #tpu.memory_space<hbm>>
        %dma_start3A_577 = arith.constant 16384 : i32
        %dma_start3A_578 = tpu.memref_slice %arg7[%dma_start3A_577] : memref<32768xi32, #tpu.memory_space<vmem>> -> memref<16384xi32, #tpu.memory_space<vmem>>
        %dma_start3A_579 = arith.constant 0 : i32
        %dma_start3A_580 = tpu.memref_slice %arg2[%dma_start3A_571, %dma_start3A_579] : memref<26x16384xi32, #tpu.memory_space<hbm>> -> memref<1x16384xi32, #tpu.memory_space<hbm>>
        %dma_start3A_581 = tpu.memref_squeeze %dma_start3A_580 : memref<1x16384xi32, #tpu.memory_space<hbm>> -> memref<16384xi32, #tpu.memory_space<hbm>>
        tpu.enqueue_dma source(%dma_start3A_581 : memref<16384xi32, #tpu.memory_space<hbm>>) target(%dma_start3A_578 : memref<16384xi32, #tpu.memory_space<vmem>>) target_semaphore(%arg12 : memref<!tpu.dma_semaphore, #tpu.memory_space<semaphore_mem>>)
      } else {
      }
      %eq3A_235 = arith.constant 13 : i32
      %eq3A_236 = arith.cmpi eq, %add3A_169, %eq3A_235 : i32
      %convert_element_type3A_237 = arith.extui %eq3A_236 : i1 to i32
      %cond3A_238 = arith.constant 0 : i32
      %cond3A_239 = arith.cmpi ne, %convert_element_type3A_237, %cond3A_238 : i32
      scf.if %cond3A_239 {
        %dma_start3A_571 = arith.constant 13 : i32
        %dma_start3A_572 = arith.constant 16384 : i32
        %dma_start3A_573 = tpu.memref_slice %arg7[%dma_start3A_572] : memref<32768xi32, #tpu.memory_space<vmem>> -> memref<16384xi32, #tpu.memory_space<vmem>>
        %dma_start3A_574 = arith.constant 0 : i32
        %dma_start3A_575 = tpu.memref_slice %arg2[%dma_start3A_571, %dma_start3A_574] : memref<26x16384xi32, #tpu.memory_space<hbm>> -> memref<1x16384xi32, #tpu.memory_space<hbm>>
        %dma_start3A_576 = tpu.memref_squeeze %dma_start3A_575 : memref<1x16384xi32, #tpu.memory_space<hbm>> -> memref<16384xi32, #tpu.memory_space<hbm>>
        %dma_start3A_577 = arith.constant 16384 : i32
        %dma_start3A_578 = tpu.memref_slice %arg7[%dma_start3A_577] : memref<32768xi32, #tpu.memory_space<vmem>> -> memref<16384xi32, #tpu.memory_space<vmem>>
        %dma_start3A_579 = arith.constant 0 : i32
        %dma_start3A_580 = tpu.memref_slice %arg2[%dma_start3A_571, %dma_start3A_579] : memref<26x16384xi32, #tpu.memory_space<hbm>> -> memref<1x16384xi32, #tpu.memory_space<hbm>>
        %dma_start3A_581 = tpu.memref_squeeze %dma_start3A_580 : memref<1x16384xi32, #tpu.memory_space<hbm>> -> memref<16384xi32, #tpu.memory_space<hbm>>
        tpu.enqueue_dma source(%dma_start3A_581 : memref<16384xi32, #tpu.memory_space<hbm>>) target(%dma_start3A_578 : memref<16384xi32, #tpu.memory_space<vmem>>) target_semaphore(%arg12 : memref<!tpu.dma_semaphore, #tpu.memory_space<semaphore_mem>>)
      } else {
      }
      %eq3A_240 = arith.constant 14 : i32
      %eq3A_241 = arith.cmpi eq, %add3A_169, %eq3A_240 : i32
      %convert_element_type3A_242 = arith.extui %eq3A_241 : i1 to i32
      %cond3A_243 = arith.constant 0 : i32
      %cond3A_244 = arith.cmpi ne, %convert_element_type3A_242, %cond3A_243 : i32
      scf.if %cond3A_244 {
        %dma_start3A_571 = arith.constant 14 : i32
        %dma_start3A_572 = arith.constant 16384 : i32
        %dma_start3A_573 = tpu.memref_slice %arg7[%dma_start3A_572] : memref<32768xi32, #tpu.memory_space<vmem>> -> memref<16384xi32, #tpu.memory_space<vmem>>
        %dma_start3A_574 = arith.constant 0 : i32
        %dma_start3A_575 = tpu.memref_slice %arg2[%dma_start3A_571, %dma_start3A_574] : memref<26x16384xi32, #tpu.memory_space<hbm>> -> memref<1x16384xi32, #tpu.memory_space<hbm>>
        %dma_start3A_576 = tpu.memref_squeeze %dma_start3A_575 : memref<1x16384xi32, #tpu.memory_space<hbm>> -> memref<16384xi32, #tpu.memory_space<hbm>>
        %dma_start3A_577 = arith.constant 16384 : i32
        %dma_start3A_578 = tpu.memref_slice %arg7[%dma_start3A_577] : memref<32768xi32, #tpu.memory_space<vmem>> -> memref<16384xi32, #tpu.memory_space<vmem>>
        %dma_start3A_579 = arith.constant 0 : i32
        %dma_start3A_580 = tpu.memref_slice %arg2[%dma_start3A_571, %dma_start3A_579] : memref<26x16384xi32, #tpu.memory_space<hbm>> -> memref<1x16384xi32, #tpu.memory_space<hbm>>
        %dma_start3A_581 = tpu.memref_squeeze %dma_start3A_580 : memref<1x16384xi32, #tpu.memory_space<hbm>> -> memref<16384xi32, #tpu.memory_space<hbm>>
        tpu.enqueue_dma source(%dma_start3A_581 : memref<16384xi32, #tpu.memory_space<hbm>>) target(%dma_start3A_578 : memref<16384xi32, #tpu.memory_space<vmem>>) target_semaphore(%arg12 : memref<!tpu.dma_semaphore, #tpu.memory_space<semaphore_mem>>)
      } else {
      }
      %eq3A_245 = arith.constant 15 : i32
      %eq3A_246 = arith.cmpi eq, %add3A_169, %eq3A_245 : i32
      %convert_element_type3A_247 = arith.extui %eq3A_246 : i1 to i32
      %cond3A_248 = arith.constant 0 : i32
      %cond3A_249 = arith.cmpi ne, %convert_element_type3A_247, %cond3A_248 : i32
      scf.if %cond3A_249 {
        %dma_start3A_571 = arith.constant 15 : i32
        %dma_start3A_572 = arith.constant 16384 : i32
        %dma_start3A_573 = tpu.memref_slice %arg7[%dma_start3A_572] : memref<32768xi32, #tpu.memory_space<vmem>> -> memref<16384xi32, #tpu.memory_space<vmem>>
        %dma_start3A_574 = arith.constant 0 : i32
        %dma_start3A_575 = tpu.memref_slice %arg2[%dma_start3A_571, %dma_start3A_574] : memref<26x16384xi32, #tpu.memory_space<hbm>> -> memref<1x16384xi32, #tpu.memory_space<hbm>>
        %dma_start3A_576 = tpu.memref_squeeze %dma_start3A_575 : memref<1x16384xi32, #tpu.memory_space<hbm>> -> memref<16384xi32, #tpu.memory_space<hbm>>
        %dma_start3A_577 = arith.constant 16384 : i32
        %dma_start3A_578 = tpu.memref_slice %arg7[%dma_start3A_577] : memref<32768xi32, #tpu.memory_space<vmem>> -> memref<16384xi32, #tpu.memory_space<vmem>>
        %dma_start3A_579 = arith.constant 0 : i32
        %dma_start3A_580 = tpu.memref_slice %arg2[%dma_start3A_571, %dma_start3A_579] : memref<26x16384xi32, #tpu.memory_space<hbm>> -> memref<1x16384xi32, #tpu.memory_space<hbm>>
        %dma_start3A_581 = tpu.memref_squeeze %dma_start3A_580 : memref<1x16384xi32, #tpu.memory_space<hbm>> -> memref<16384xi32, #tpu.memory_space<hbm>>
        tpu.enqueue_dma source(%dma_start3A_581 : memref<16384xi32, #tpu.memory_space<hbm>>) target(%dma_start3A_578 : memref<16384xi32, #tpu.memory_space<vmem>>) target_semaphore(%arg12 : memref<!tpu.dma_semaphore, #tpu.memory_space<semaphore_mem>>)
      } else {
      }
      %eq3A_250 = arith.constant 16 : i32
      %eq3A_251 = arith.cmpi eq, %add3A_169, %eq3A_250 : i32
      %convert_element_type3A_252 = arith.extui %eq3A_251 : i1 to i32
      %cond3A_253 = arith.constant 0 : i32
      %cond3A_254 = arith.cmpi ne, %convert_element_type3A_252, %cond3A_253 : i32
      scf.if %cond3A_254 {
        %dma_start3A_571 = arith.constant 16 : i32
        %dma_start3A_572 = arith.constant 16384 : i32
        %dma_start3A_573 = tpu.memref_slice %arg7[%dma_start3A_572] : memref<32768xi32, #tpu.memory_space<vmem>> -> memref<16384xi32, #tpu.memory_space<vmem>>
        %dma_start3A_574 = arith.constant 0 : i32
        %dma_start3A_575 = tpu.memref_slice %arg2[%dma_start3A_571, %dma_start3A_574] : memref<26x16384xi32, #tpu.memory_space<hbm>> -> memref<1x16384xi32, #tpu.memory_space<hbm>>
        %dma_start3A_576 = tpu.memref_squeeze %dma_start3A_575 : memref<1x16384xi32, #tpu.memory_space<hbm>> -> memref<16384xi32, #tpu.memory_space<hbm>>
        %dma_start3A_577 = arith.constant 16384 : i32
        %dma_start3A_578 = tpu.memref_slice %arg7[%dma_start3A_577] : memref<32768xi32, #tpu.memory_space<vmem>> -> memref<16384xi32, #tpu.memory_space<vmem>>
        %dma_start3A_579 = arith.constant 0 : i32
        %dma_start3A_580 = tpu.memref_slice %arg2[%dma_start3A_571, %dma_start3A_579] : memref<26x16384xi32, #tpu.memory_space<hbm>> -> memref<1x16384xi32, #tpu.memory_space<hbm>>
        %dma_start3A_581 = tpu.memref_squeeze %dma_start3A_580 : memref<1x16384xi32, #tpu.memory_space<hbm>> -> memref<16384xi32, #tpu.memory_space<hbm>>
        tpu.enqueue_dma source(%dma_start3A_581 : memref<16384xi32, #tpu.memory_space<hbm>>) target(%dma_start3A_578 : memref<16384xi32, #tpu.memory_space<vmem>>) target_semaphore(%arg12 : memref<!tpu.dma_semaphore, #tpu.memory_space<semaphore_mem>>)
      } else {
      }
      %eq3A_255 = arith.constant 17 : i32
      %eq3A_256 = arith.cmpi eq, %add3A_169, %eq3A_255 : i32
      %convert_element_type3A_257 = arith.extui %eq3A_256 : i1 to i32
      %cond3A_258 = arith.constant 0 : i32
      %cond3A_259 = arith.cmpi ne, %convert_element_type3A_257, %cond3A_258 : i32
      scf.if %cond3A_259 {
        %dma_start3A_571 = arith.constant 17 : i32
        %dma_start3A_572 = arith.constant 16384 : i32
        %dma_start3A_573 = tpu.memref_slice %arg7[%dma_start3A_572] : memref<32768xi32, #tpu.memory_space<vmem>> -> memref<16384xi32, #tpu.memory_space<vmem>>
        %dma_start3A_574 = arith.constant 0 : i32
        %dma_start3A_575 = tpu.memref_slice %arg2[%dma_start3A_571, %dma_start3A_574] : memref<26x16384xi32, #tpu.memory_space<hbm>> -> memref<1x16384xi32, #tpu.memory_space<hbm>>
        %dma_start3A_576 = tpu.memref_squeeze %dma_start3A_575 : memref<1x16384xi32, #tpu.memory_space<hbm>> -> memref<16384xi32, #tpu.memory_space<hbm>>
        %dma_start3A_577 = arith.constant 16384 : i32
        %dma_start3A_578 = tpu.memref_slice %arg7[%dma_start3A_577] : memref<32768xi32, #tpu.memory_space<vmem>> -> memref<16384xi32, #tpu.memory_space<vmem>>
        %dma_start3A_579 = arith.constant 0 : i32
        %dma_start3A_580 = tpu.memref_slice %arg2[%dma_start3A_571, %dma_start3A_579] : memref<26x16384xi32, #tpu.memory_space<hbm>> -> memref<1x16384xi32, #tpu.memory_space<hbm>>
        %dma_start3A_581 = tpu.memref_squeeze %dma_start3A_580 : memref<1x16384xi32, #tpu.memory_space<hbm>> -> memref<16384xi32, #tpu.memory_space<hbm>>
        tpu.enqueue_dma source(%dma_start3A_581 : memref<16384xi32, #tpu.memory_space<hbm>>) target(%dma_start3A_578 : memref<16384xi32, #tpu.memory_space<vmem>>) target_semaphore(%arg12 : memref<!tpu.dma_semaphore, #tpu.memory_space<semaphore_mem>>)
      } else {
      }
      %eq3A_260 = arith.constant 18 : i32
      %eq3A_261 = arith.cmpi eq, %add3A_169, %eq3A_260 : i32
      %convert_element_type3A_262 = arith.extui %eq3A_261 : i1 to i32
      %cond3A_263 = arith.constant 0 : i32
      %cond3A_264 = arith.cmpi ne, %convert_element_type3A_262, %cond3A_263 : i32
      scf.if %cond3A_264 {
        %dma_start3A_571 = arith.constant 18 : i32
        %dma_start3A_572 = arith.constant 16384 : i32
        %dma_start3A_573 = tpu.memref_slice %arg7[%dma_start3A_572] : memref<32768xi32, #tpu.memory_space<vmem>> -> memref<16384xi32, #tpu.memory_space<vmem>>
        %dma_start3A_574 = arith.constant 0 : i32
        %dma_start3A_575 = tpu.memref_slice %arg2[%dma_start3A_571, %dma_start3A_574] : memref<26x16384xi32, #tpu.memory_space<hbm>> -> memref<1x16384xi32, #tpu.memory_space<hbm>>
        %dma_start3A_576 = tpu.memref_squeeze %dma_start3A_575 : memref<1x16384xi32, #tpu.memory_space<hbm>> -> memref<16384xi32, #tpu.memory_space<hbm>>
        %dma_start3A_577 = arith.constant 16384 : i32
        %dma_start3A_578 = tpu.memref_slice %arg7[%dma_start3A_577] : memref<32768xi32, #tpu.memory_space<vmem>> -> memref<16384xi32, #tpu.memory_space<vmem>>
        %dma_start3A_579 = arith.constant 0 : i32
        %dma_start3A_580 = tpu.memref_slice %arg2[%dma_start3A_571, %dma_start3A_579] : memref<26x16384xi32, #tpu.memory_space<hbm>> -> memref<1x16384xi32, #tpu.memory_space<hbm>>
        %dma_start3A_581 = tpu.memref_squeeze %dma_start3A_580 : memref<1x16384xi32, #tpu.memory_space<hbm>> -> memref<16384xi32, #tpu.memory_space<hbm>>
        tpu.enqueue_dma source(%dma_start3A_581 : memref<16384xi32, #tpu.memory_space<hbm>>) target(%dma_start3A_578 : memref<16384xi32, #tpu.memory_space<vmem>>) target_semaphore(%arg12 : memref<!tpu.dma_semaphore, #tpu.memory_space<semaphore_mem>>)
      } else {
      }
      %eq3A_265 = arith.constant 19 : i32
      %eq3A_266 = arith.cmpi eq, %add3A_169, %eq3A_265 : i32
      %convert_element_type3A_267 = arith.extui %eq3A_266 : i1 to i32
      %cond3A_268 = arith.constant 0 : i32
      %cond3A_269 = arith.cmpi ne, %convert_element_type3A_267, %cond3A_268 : i32
      scf.if %cond3A_269 {
        %dma_start3A_571 = arith.constant 19 : i32
        %dma_start3A_572 = arith.constant 16384 : i32
        %dma_start3A_573 = tpu.memref_slice %arg7[%dma_start3A_572] : memref<32768xi32, #tpu.memory_space<vmem>> -> memref<16384xi32, #tpu.memory_space<vmem>>
        %dma_start3A_574 = arith.constant 0 : i32
        %dma_start3A_575 = tpu.memref_slice %arg2[%dma_start3A_571, %dma_start3A_574] : memref<26x16384xi32, #tpu.memory_space<hbm>> -> memref<1x16384xi32, #tpu.memory_space<hbm>>
        %dma_start3A_576 = tpu.memref_squeeze %dma_start3A_575 : memref<1x16384xi32, #tpu.memory_space<hbm>> -> memref<16384xi32, #tpu.memory_space<hbm>>
        %dma_start3A_577 = arith.constant 16384 : i32
        %dma_start3A_578 = tpu.memref_slice %arg7[%dma_start3A_577] : memref<32768xi32, #tpu.memory_space<vmem>> -> memref<16384xi32, #tpu.memory_space<vmem>>
        %dma_start3A_579 = arith.constant 0 : i32
        %dma_start3A_580 = tpu.memref_slice %arg2[%dma_start3A_571, %dma_start3A_579] : memref<26x16384xi32, #tpu.memory_space<hbm>> -> memref<1x16384xi32, #tpu.memory_space<hbm>>
        %dma_start3A_581 = tpu.memref_squeeze %dma_start3A_580 : memref<1x16384xi32, #tpu.memory_space<hbm>> -> memref<16384xi32, #tpu.memory_space<hbm>>
        tpu.enqueue_dma source(%dma_start3A_581 : memref<16384xi32, #tpu.memory_space<hbm>>) target(%dma_start3A_578 : memref<16384xi32, #tpu.memory_space<vmem>>) target_semaphore(%arg12 : memref<!tpu.dma_semaphore, #tpu.memory_space<semaphore_mem>>)
      } else {
      }
      %eq3A_270 = arith.constant 20 : i32
      %eq3A_271 = arith.cmpi eq, %add3A_169, %eq3A_270 : i32
      %convert_element_type3A_272 = arith.extui %eq3A_271 : i1 to i32
      %cond3A_273 = arith.constant 0 : i32
      %cond3A_274 = arith.cmpi ne, %convert_element_type3A_272, %cond3A_273 : i32
      scf.if %cond3A_274 {
        %dma_start3A_571 = arith.constant 20 : i32
        %dma_start3A_572 = arith.constant 16384 : i32
        %dma_start3A_573 = tpu.memref_slice %arg7[%dma_start3A_572] : memref<32768xi32, #tpu.memory_space<vmem>> -> memref<16384xi32, #tpu.memory_space<vmem>>
        %dma_start3A_574 = arith.constant 0 : i32
        %dma_start3A_575 = tpu.memref_slice %arg2[%dma_start3A_571, %dma_start3A_574] : memref<26x16384xi32, #tpu.memory_space<hbm>> -> memref<1x16384xi32, #tpu.memory_space<hbm>>
        %dma_start3A_576 = tpu.memref_squeeze %dma_start3A_575 : memref<1x16384xi32, #tpu.memory_space<hbm>> -> memref<16384xi32, #tpu.memory_space<hbm>>
        %dma_start3A_577 = arith.constant 16384 : i32
        %dma_start3A_578 = tpu.memref_slice %arg7[%dma_start3A_577] : memref<32768xi32, #tpu.memory_space<vmem>> -> memref<16384xi32, #tpu.memory_space<vmem>>
        %dma_start3A_579 = arith.constant 0 : i32
        %dma_start3A_580 = tpu.memref_slice %arg2[%dma_start3A_571, %dma_start3A_579] : memref<26x16384xi32, #tpu.memory_space<hbm>> -> memref<1x16384xi32, #tpu.memory_space<hbm>>
        %dma_start3A_581 = tpu.memref_squeeze %dma_start3A_580 : memref<1x16384xi32, #tpu.memory_space<hbm>> -> memref<16384xi32, #tpu.memory_space<hbm>>
        tpu.enqueue_dma source(%dma_start3A_581 : memref<16384xi32, #tpu.memory_space<hbm>>) target(%dma_start3A_578 : memref<16384xi32, #tpu.memory_space<vmem>>) target_semaphore(%arg12 : memref<!tpu.dma_semaphore, #tpu.memory_space<semaphore_mem>>)
      } else {
      }
      %eq3A_275 = arith.constant 21 : i32
      %eq3A_276 = arith.cmpi eq, %add3A_169, %eq3A_275 : i32
      %convert_element_type3A_277 = arith.extui %eq3A_276 : i1 to i32
      %cond3A_278 = arith.constant 0 : i32
      %cond3A_279 = arith.cmpi ne, %convert_element_type3A_277, %cond3A_278 : i32
      scf.if %cond3A_279 {
        %dma_start3A_571 = arith.constant 21 : i32
        %dma_start3A_572 = arith.constant 16384 : i32
        %dma_start3A_573 = tpu.memref_slice %arg7[%dma_start3A_572] : memref<32768xi32, #tpu.memory_space<vmem>> -> memref<16384xi32, #tpu.memory_space<vmem>>
        %dma_start3A_574 = arith.constant 0 : i32
        %dma_start3A_575 = tpu.memref_slice %arg2[%dma_start3A_571, %dma_start3A_574] : memref<26x16384xi32, #tpu.memory_space<hbm>> -> memref<1x16384xi32, #tpu.memory_space<hbm>>
        %dma_start3A_576 = tpu.memref_squeeze %dma_start3A_575 : memref<1x16384xi32, #tpu.memory_space<hbm>> -> memref<16384xi32, #tpu.memory_space<hbm>>
        %dma_start3A_577 = arith.constant 16384 : i32
        %dma_start3A_578 = tpu.memref_slice %arg7[%dma_start3A_577] : memref<32768xi32, #tpu.memory_space<vmem>> -> memref<16384xi32, #tpu.memory_space<vmem>>
        %dma_start3A_579 = arith.constant 0 : i32
        %dma_start3A_580 = tpu.memref_slice %arg2[%dma_start3A_571, %dma_start3A_579] : memref<26x16384xi32, #tpu.memory_space<hbm>> -> memref<1x16384xi32, #tpu.memory_space<hbm>>
        %dma_start3A_581 = tpu.memref_squeeze %dma_start3A_580 : memref<1x16384xi32, #tpu.memory_space<hbm>> -> memref<16384xi32, #tpu.memory_space<hbm>>
        tpu.enqueue_dma source(%dma_start3A_581 : memref<16384xi32, #tpu.memory_space<hbm>>) target(%dma_start3A_578 : memref<16384xi32, #tpu.memory_space<vmem>>) target_semaphore(%arg12 : memref<!tpu.dma_semaphore, #tpu.memory_space<semaphore_mem>>)
      } else {
      }
      %eq3A_280 = arith.constant 22 : i32
      %eq3A_281 = arith.cmpi eq, %add3A_169, %eq3A_280 : i32
      %convert_element_type3A_282 = arith.extui %eq3A_281 : i1 to i32
      %cond3A_283 = arith.constant 0 : i32
      %cond3A_284 = arith.cmpi ne, %convert_element_type3A_282, %cond3A_283 : i32
      scf.if %cond3A_284 {
        %dma_start3A_571 = arith.constant 22 : i32
        %dma_start3A_572 = arith.constant 16384 : i32
        %dma_start3A_573 = tpu.memref_slice %arg7[%dma_start3A_572] : memref<32768xi32, #tpu.memory_space<vmem>> -> memref<16384xi32, #tpu.memory_space<vmem>>
        %dma_start3A_574 = arith.constant 0 : i32
        %dma_start3A_575 = tpu.memref_slice %arg2[%dma_start3A_571, %dma_start3A_574] : memref<26x16384xi32, #tpu.memory_space<hbm>> -> memref<1x16384xi32, #tpu.memory_space<hbm>>
        %dma_start3A_576 = tpu.memref_squeeze %dma_start3A_575 : memref<1x16384xi32, #tpu.memory_space<hbm>> -> memref<16384xi32, #tpu.memory_space<hbm>>
        %dma_start3A_577 = arith.constant 16384 : i32
        %dma_start3A_578 = tpu.memref_slice %arg7[%dma_start3A_577] : memref<32768xi32, #tpu.memory_space<vmem>> -> memref<16384xi32, #tpu.memory_space<vmem>>
        %dma_start3A_579 = arith.constant 0 : i32
        %dma_start3A_580 = tpu.memref_slice %arg2[%dma_start3A_571, %dma_start3A_579] : memref<26x16384xi32, #tpu.memory_space<hbm>> -> memref<1x16384xi32, #tpu.memory_space<hbm>>
        %dma_start3A_581 = tpu.memref_squeeze %dma_start3A_580 : memref<1x16384xi32, #tpu.memory_space<hbm>> -> memref<16384xi32, #tpu.memory_space<hbm>>
        tpu.enqueue_dma source(%dma_start3A_581 : memref<16384xi32, #tpu.memory_space<hbm>>) target(%dma_start3A_578 : memref<16384xi32, #tpu.memory_space<vmem>>) target_semaphore(%arg12 : memref<!tpu.dma_semaphore, #tpu.memory_space<semaphore_mem>>)
      } else {
      }
      %eq3A_285 = arith.constant 23 : i32
      %eq3A_286 = arith.cmpi eq, %add3A_169, %eq3A_285 : i32
      %convert_element_type3A_287 = arith.extui %eq3A_286 : i1 to i32
      %cond3A_288 = arith.constant 0 : i32
      %cond3A_289 = arith.cmpi ne, %convert_element_type3A_287, %cond3A_288 : i32
      scf.if %cond3A_289 {
        %dma_start3A_571 = arith.constant 23 : i32
        %dma_start3A_572 = arith.constant 16384 : i32
        %dma_start3A_573 = tpu.memref_slice %arg7[%dma_start3A_572] : memref<32768xi32, #tpu.memory_space<vmem>> -> memref<16384xi32, #tpu.memory_space<vmem>>
        %dma_start3A_574 = arith.constant 0 : i32
        %dma_start3A_575 = tpu.memref_slice %arg2[%dma_start3A_571, %dma_start3A_574] : memref<26x16384xi32, #tpu.memory_space<hbm>> -> memref<1x16384xi32, #tpu.memory_space<hbm>>
        %dma_start3A_576 = tpu.memref_squeeze %dma_start3A_575 : memref<1x16384xi32, #tpu.memory_space<hbm>> -> memref<16384xi32, #tpu.memory_space<hbm>>
        %dma_start3A_577 = arith.constant 16384 : i32
        %dma_start3A_578 = tpu.memref_slice %arg7[%dma_start3A_577] : memref<32768xi32, #tpu.memory_space<vmem>> -> memref<16384xi32, #tpu.memory_space<vmem>>
        %dma_start3A_579 = arith.constant 0 : i32
        %dma_start3A_580 = tpu.memref_slice %arg2[%dma_start3A_571, %dma_start3A_579] : memref<26x16384xi32, #tpu.memory_space<hbm>> -> memref<1x16384xi32, #tpu.memory_space<hbm>>
        %dma_start3A_581 = tpu.memref_squeeze %dma_start3A_580 : memref<1x16384xi32, #tpu.memory_space<hbm>> -> memref<16384xi32, #tpu.memory_space<hbm>>
        tpu.enqueue_dma source(%dma_start3A_581 : memref<16384xi32, #tpu.memory_space<hbm>>) target(%dma_start3A_578 : memref<16384xi32, #tpu.memory_space<vmem>>) target_semaphore(%arg12 : memref<!tpu.dma_semaphore, #tpu.memory_space<semaphore_mem>>)
      } else {
      }
      %eq3A_290 = arith.constant 24 : i32
      %eq3A_291 = arith.cmpi eq, %add3A_169, %eq3A_290 : i32
      %convert_element_type3A_292 = arith.extui %eq3A_291 : i1 to i32
      %cond3A_293 = arith.constant 0 : i32
      %cond3A_294 = arith.cmpi ne, %convert_element_type3A_292, %cond3A_293 : i32
      scf.if %cond3A_294 {
        %dma_start3A_571 = arith.constant 24 : i32
        %dma_start3A_572 = arith.constant 16384 : i32
        %dma_start3A_573 = tpu.memref_slice %arg7[%dma_start3A_572] : memref<32768xi32, #tpu.memory_space<vmem>> -> memref<16384xi32, #tpu.memory_space<vmem>>
        %dma_start3A_574 = arith.constant 0 : i32
        %dma_start3A_575 = tpu.memref_slice %arg2[%dma_start3A_571, %dma_start3A_574] : memref<26x16384xi32, #tpu.memory_space<hbm>> -> memref<1x16384xi32, #tpu.memory_space<hbm>>
        %dma_start3A_576 = tpu.memref_squeeze %dma_start3A_575 : memref<1x16384xi32, #tpu.memory_space<hbm>> -> memref<16384xi32, #tpu.memory_space<hbm>>
        %dma_start3A_577 = arith.constant 16384 : i32
        %dma_start3A_578 = tpu.memref_slice %arg7[%dma_start3A_577] : memref<32768xi32, #tpu.memory_space<vmem>> -> memref<16384xi32, #tpu.memory_space<vmem>>
        %dma_start3A_579 = arith.constant 0 : i32
        %dma_start3A_580 = tpu.memref_slice %arg2[%dma_start3A_571, %dma_start3A_579] : memref<26x16384xi32, #tpu.memory_space<hbm>> -> memref<1x16384xi32, #tpu.memory_space<hbm>>
        %dma_start3A_581 = tpu.memref_squeeze %dma_start3A_580 : memref<1x16384xi32, #tpu.memory_space<hbm>> -> memref<16384xi32, #tpu.memory_space<hbm>>
        tpu.enqueue_dma source(%dma_start3A_581 : memref<16384xi32, #tpu.memory_space<hbm>>) target(%dma_start3A_578 : memref<16384xi32, #tpu.memory_space<vmem>>) target_semaphore(%arg12 : memref<!tpu.dma_semaphore, #tpu.memory_space<semaphore_mem>>)
      } else {
      }
      %eq3A_295 = arith.constant 25 : i32
      %eq3A_296 = arith.cmpi eq, %add3A_169, %eq3A_295 : i32
      %convert_element_type3A_297 = arith.extui %eq3A_296 : i1 to i32
      %cond3A_298 = arith.constant 0 : i32
      %cond3A_299 = arith.cmpi ne, %convert_element_type3A_297, %cond3A_298 : i32
      scf.if %cond3A_299 {
        %dma_start3A_571 = arith.constant 25 : i32
        %dma_start3A_572 = arith.constant 16384 : i32
        %dma_start3A_573 = tpu.memref_slice %arg7[%dma_start3A_572] : memref<32768xi32, #tpu.memory_space<vmem>> -> memref<16384xi32, #tpu.memory_space<vmem>>
        %dma_start3A_574 = arith.constant 0 : i32
        %dma_start3A_575 = tpu.memref_slice %arg2[%dma_start3A_571, %dma_start3A_574] : memref<26x16384xi32, #tpu.memory_space<hbm>> -> memref<1x16384xi32, #tpu.memory_space<hbm>>
        %dma_start3A_576 = tpu.memref_squeeze %dma_start3A_575 : memref<1x16384xi32, #tpu.memory_space<hbm>> -> memref<16384xi32, #tpu.memory_space<hbm>>
        %dma_start3A_577 = arith.constant 16384 : i32
        %dma_start3A_578 = tpu.memref_slice %arg7[%dma_start3A_577] : memref<32768xi32, #tpu.memory_space<vmem>> -> memref<16384xi32, #tpu.memory_space<vmem>>
        %dma_start3A_579 = arith.constant 0 : i32
        %dma_start3A_580 = tpu.memref_slice %arg2[%dma_start3A_571, %dma_start3A_579] : memref<26x16384xi32, #tpu.memory_space<hbm>> -> memref<1x16384xi32, #tpu.memory_space<hbm>>
        %dma_start3A_581 = tpu.memref_squeeze %dma_start3A_580 : memref<1x16384xi32, #tpu.memory_space<hbm>> -> memref<16384xi32, #tpu.memory_space<hbm>>
        tpu.enqueue_dma source(%dma_start3A_581 : memref<16384xi32, #tpu.memory_space<hbm>>) target(%dma_start3A_578 : memref<16384xi32, #tpu.memory_space<vmem>>) target_semaphore(%arg12 : memref<!tpu.dma_semaphore, #tpu.memory_space<semaphore_mem>>)
      } else {
      }
      %eq3A_300 = arith.constant 25 : i32
      %eq3A_301 = arith.cmpi eq, %mul3A_117, %eq3A_300 : i32
      %dma_wait3A_302 = arith.constant 0 : i32
      %dma_wait3A_303 = arith.constant 0 : i32
      %dma_wait3A_304 = arith.constant 0 : i32
      %dma_wait3A_305 = tpu.memref_slice %arg6[%dma_wait3A_304] : memref<77312xf32, #tpu.memory_space<vmem>> -> memref<38400xf32, #tpu.memory_space<vmem>>
      %dma_wait3A_306 = arith.constant 0 : i32
      %dma_wait3A_307 = tpu.memref_slice %arg3[%dma_wait3A_302, %dma_wait3A_303, %dma_wait3A_306] : memref<4x8x1000012xf32, #tpu.memory_space<hbm>> -> memref<1x1x38400xf32, #tpu.memory_space<hbm>>
      %dma_wait3A_308 = tpu.memref_squeeze %dma_wait3A_307 : memref<1x1x38400xf32, #tpu.memory_space<hbm>> -> memref<38400xf32, #tpu.memory_space<hbm>>
      %dma_wait3A_309 = arith.constant 0 : i32
      %dma_wait3A_310 = tpu.memref_slice %arg6[%dma_wait3A_309] : memref<77312xf32, #tpu.memory_space<vmem>> -> memref<38400xf32, #tpu.memory_space<vmem>>
      %dma_wait3A_311 = arith.constant 0 : i32
      %dma_wait3A_312 = tpu.memref_slice %arg3[%dma_wait3A_302, %dma_wait3A_303, %dma_wait3A_311] : memref<4x8x1000012xf32, #tpu.memory_space<hbm>> -> memref<1x1x38400xf32, #tpu.memory_space<hbm>>
      %dma_wait3A_313 = tpu.memref_squeeze %dma_wait3A_312 : memref<1x1x38400xf32, #tpu.memory_space<hbm>> -> memref<38400xf32, #tpu.memory_space<hbm>>
      tpu.wait_dma2 semaphore(%arg9 : memref<!tpu.dma_semaphore, #tpu.memory_space<semaphore_mem>>) src(%dma_wait3A_313 : memref<38400xf32, #tpu.memory_space<hbm>>) dst(%dma_wait3A_310 : memref<38400xf32, #tpu.memory_space<vmem>>)
      %not3A = arith.constant true
      %not3A_314 = arith.xori %eq3A_301, %not3A : i1
      %convert_element_type3A_315 = arith.extui %not3A_314 : i1 to i32
      %cond3A_316 = arith.constant 0 : i32
      %cond3A_317 = arith.cmpi ne, %convert_element_type3A_315, %cond3A_316 : i32
      scf.if %cond3A_317 {
        %dma_wait3A_571 = arith.constant 0 : i32
        %dma_wait3A_572 = arith.constant 0 : i32
        %dma_wait3A_573 = arith.constant 38400 : i32
        %dma_wait3A_574 = tpu.memref_slice %arg6[%dma_wait3A_573] : memref<77312xf32, #tpu.memory_space<vmem>> -> memref<256xf32, #tpu.memory_space<vmem>>
        %dma_wait3A_575 = arith.constant 0 : i32
        %dma_wait3A_576 = tpu.memref_slice %arg3[%dma_wait3A_571, %dma_wait3A_572, %dma_wait3A_575] : memref<4x8x1000012xf32, #tpu.memory_space<hbm>> -> memref<1x1x256xf32, #tpu.memory_space<hbm>>
        %dma_wait3A_577 = tpu.memref_squeeze %dma_wait3A_576 : memref<1x1x256xf32, #tpu.memory_space<hbm>> -> memref<256xf32, #tpu.memory_space<hbm>>
        %dma_wait3A_578 = arith.constant 38400 : i32
        %dma_wait3A_579 = tpu.memref_slice %arg6[%dma_wait3A_578] : memref<77312xf32, #tpu.memory_space<vmem>> -> memref<256xf32, #tpu.memory_space<vmem>>
        %dma_wait3A_580 = arith.constant 0 : i32
        %dma_wait3A_581 = tpu.memref_slice %arg3[%dma_wait3A_571, %dma_wait3A_572, %dma_wait3A_580] : memref<4x8x1000012xf32, #tpu.memory_space<hbm>> -> memref<1x1x256xf32, #tpu.memory_space<hbm>>
        %dma_wait3A_582 = tpu.memref_squeeze %dma_wait3A_581 : memref<1x1x256xf32, #tpu.memory_space<hbm>> -> memref<256xf32, #tpu.memory_space<hbm>>
        tpu.wait_dma2 semaphore(%arg9 : memref<!tpu.dma_semaphore, #tpu.memory_space<semaphore_mem>>) src(%dma_wait3A_582 : memref<256xf32, #tpu.memory_space<hbm>>) dst(%dma_wait3A_579 : memref<256xf32, #tpu.memory_space<vmem>>)
      } else {
      }
      %convert_element_type3A_318 = arith.extui %eq3A_301 : i1 to i32
      %cond3A_319 = arith.constant 0 : i32
      %cond3A_320 = arith.cmpi ne, %convert_element_type3A_318, %cond3A_319 : i32
      scf.if %cond3A_320 {
        %dma_wait3A_571 = arith.constant 0 : i32
        %dma_wait3A_572 = arith.constant 0 : i32
        %dma_wait3A_573 = arith.constant 38400 : i32
        %dma_wait3A_574 = tpu.memref_slice %arg6[%dma_wait3A_573] : memref<77312xf32, #tpu.memory_space<vmem>> -> memref<128xf32, #tpu.memory_space<vmem>>
        %dma_wait3A_575 = arith.constant 0 : i32
        %dma_wait3A_576 = tpu.memref_slice %arg3[%dma_wait3A_571, %dma_wait3A_572, %dma_wait3A_575] : memref<4x8x1000012xf32, #tpu.memory_space<hbm>> -> memref<1x1x128xf32, #tpu.memory_space<hbm>>
        %dma_wait3A_577 = tpu.memref_squeeze %dma_wait3A_576 : memref<1x1x128xf32, #tpu.memory_space<hbm>> -> memref<128xf32, #tpu.memory_space<hbm>>
        %dma_wait3A_578 = arith.constant 38400 : i32
        %dma_wait3A_579 = tpu.memref_slice %arg6[%dma_wait3A_578] : memref<77312xf32, #tpu.memory_space<vmem>> -> memref<128xf32, #tpu.memory_space<vmem>>
        %dma_wait3A_580 = arith.constant 0 : i32
        %dma_wait3A_581 = tpu.memref_slice %arg3[%dma_wait3A_571, %dma_wait3A_572, %dma_wait3A_580] : memref<4x8x1000012xf32, #tpu.memory_space<hbm>> -> memref<1x1x128xf32, #tpu.memory_space<hbm>>
        %dma_wait3A_582 = tpu.memref_squeeze %dma_wait3A_581 : memref<1x1x128xf32, #tpu.memory_space<hbm>> -> memref<128xf32, #tpu.memory_space<hbm>>
        tpu.wait_dma2 semaphore(%arg9 : memref<!tpu.dma_semaphore, #tpu.memory_space<semaphore_mem>>) src(%dma_wait3A_582 : memref<128xf32, #tpu.memory_space<hbm>>) dst(%dma_wait3A_579 : memref<128xf32, #tpu.memory_space<vmem>>)
      } else {
      }
      %dma_wait3A_321 = arith.constant 0 : i32
      %dma_wait3A_322 = arith.constant 0 : i32
      %dma_wait3A_323 = tpu.memref_slice %arg7[%dma_wait3A_322] : memref<32768xi32, #tpu.memory_space<vmem>> -> memref<16384xi32, #tpu.memory_space<vmem>>
      %dma_wait3A_324 = arith.constant 0 : i32
      %dma_wait3A_325 = tpu.memref_slice %arg2[%dma_wait3A_321, %dma_wait3A_324] : memref<26x16384xi32, #tpu.memory_space<hbm>> -> memref<1x16384xi32, #tpu.memory_space<hbm>>
      %dma_wait3A_326 = tpu.memref_squeeze %dma_wait3A_325 : memref<1x16384xi32, #tpu.memory_space<hbm>> -> memref<16384xi32, #tpu.memory_space<hbm>>
      %dma_wait3A_327 = arith.constant 0 : i32
      %dma_wait3A_328 = tpu.memref_slice %arg7[%dma_wait3A_327] : memref<32768xi32, #tpu.memory_space<vmem>> -> memref<16384xi32, #tpu.memory_space<vmem>>
      %dma_wait3A_329 = arith.constant 0 : i32
      %dma_wait3A_330 = tpu.memref_slice %arg2[%dma_wait3A_321, %dma_wait3A_329] : memref<26x16384xi32, #tpu.memory_space<hbm>> -> memref<1x16384xi32, #tpu.memory_space<hbm>>
      %dma_wait3A_331 = tpu.memref_squeeze %dma_wait3A_330 : memref<1x16384xi32, #tpu.memory_space<hbm>> -> memref<16384xi32, #tpu.memory_space<hbm>>
      tpu.wait_dma2 semaphore(%arg11 : memref<!tpu.dma_semaphore, #tpu.memory_space<semaphore_mem>>) src(%dma_wait3A_331 : memref<16384xi32, #tpu.memory_space<hbm>>) dst(%dma_wait3A_328 : memref<16384xi32, #tpu.memory_space<vmem>>)
      %mul3A_332 = arith.constant 38462 : i32
      %mul3A_333 = arith.muli %mul3A_117, %mul3A_332 : i32
      %rem3A_334 = arith.constant 128 : i32
      %rem3A_335 = arith.remsi %mul3A_333, %rem3A_334 : i32
      %ge3A = arith.constant 1 : i32
      %ge3A_336 = arith.cmpi sge, %mul3A_117, %ge3A : i32
      %convert_element_type3A_337 = arith.extui %ge3A_336 : i1 to i32
      %cond3A_338 = arith.constant 0 : i32
      %cond3A_339 = arith.cmpi ne, %convert_element_type3A_337, %cond3A_338 : i32
      scf.if %cond3A_339 {
        %dma_wait3A_571 = arith.constant 0 : i32
        %dma_wait3A_572 = arith.constant 0 : i32
        %dma_wait3A_573 = arith.constant 0 : i32
        %dma_wait3A_574 = arith.constant 0 : i32
        %dma_wait3A_575 = arith.constant 0 : i32
        %dma_wait3A_576 = arith.constant 0 : i32
        %dma_wait3A_577 = tpu.memref_slice %arg8[%dma_wait3A_574, %dma_wait3A_575, %dma_wait3A_576] : memref<2x64x128xf32, #tpu.memory_space<vmem>> -> memref<1x64x128xf32, #tpu.memory_space<vmem>>
        %dma_wait3A_578 = tpu.memref_squeeze %dma_wait3A_577 : memref<1x64x128xf32, #tpu.memory_space<vmem>> -> memref<64x128xf32, #tpu.memory_space<vmem>>
        %dma_wait3A_579 = arith.constant 0 : i32
        %dma_wait3A_580 = arith.constant 0 : i32
        %dma_wait3A_581 = tpu.memref_slice %arg5[%dma_wait3A_571, %dma_wait3A_572, %dma_wait3A_579, %dma_wait3A_573, %dma_wait3A_580] : memref<26x4x128x8x128xf32, #tpu.memory_space<hbm>> -> memref<1x1x64x1x128xf32, #tpu.memory_space<hbm>>
        %dma_wait3A_582 = tpu.memref_squeeze %dma_wait3A_581 : memref<1x1x64x1x128xf32, #tpu.memory_space<hbm>> -> memref<64x128xf32, #tpu.memory_space<hbm>>
        %dma_wait3A_583 = arith.constant 0 : i32
        %dma_wait3A_584 = arith.constant 0 : i32
        %dma_wait3A_585 = tpu.memref_slice %arg8[%dma_wait3A_574, %dma_wait3A_583, %dma_wait3A_584] : memref<2x64x128xf32, #tpu.memory_space<vmem>> -> memref<1x64x128xf32, #tpu.memory_space<vmem>>
        %dma_wait3A_586 = tpu.memref_squeeze %dma_wait3A_585 : memref<1x64x128xf32, #tpu.memory_space<vmem>> -> memref<64x128xf32, #tpu.memory_space<vmem>>
        %dma_wait3A_587 = arith.constant 0 : i32
        %dma_wait3A_588 = arith.constant 0 : i32
        %dma_wait3A_589 = tpu.memref_slice %arg5[%dma_wait3A_571, %dma_wait3A_572, %dma_wait3A_587, %dma_wait3A_573, %dma_wait3A_588] : memref<26x4x128x8x128xf32, #tpu.memory_space<hbm>> -> memref<1x1x64x1x128xf32, #tpu.memory_space<hbm>>
        %dma_wait3A_590 = tpu.memref_squeeze %dma_wait3A_589 : memref<1x1x64x1x128xf32, #tpu.memory_space<hbm>> -> memref<64x128xf32, #tpu.memory_space<hbm>>
        tpu.wait_dma2 semaphore(%arg13 : memref<!tpu.dma_semaphore, #tpu.memory_space<semaphore_mem>>) src(%dma_wait3A_590 : memref<64x128xf32, #tpu.memory_space<hbm>>) dst(%dma_wait3A_586 : memref<64x128xf32, #tpu.memory_space<vmem>>)
      } else {
      }
      %parallel_loop3A = arith.constant 0 : i32
      %parallel_loop3A_340 = arith.constant 64 : i32
      %parallel_loop3A_341 = arith.constant 1 : i32
      scf.for %parallel_loop3A_571 = %parallel_loop3A to %parallel_loop3A_340 step %parallel_loop3A_341  : i32 {
        %parallel_loop3A_572 = arith.constant 0 : i32
        %parallel_loop3A_573 = arith.addi %parallel_loop3A_572, %parallel_loop3A_571 : i32
        %parallel_loop3A_574 = arith.constant 128 : i32
        %parallel_loop3A_575 = arith.muli %parallel_loop3A_573, %parallel_loop3A_574 : i32
        %parallel_loop3A_576 = arith.constant 0 : i32
        %parallel_loop3A_577 = arith.addi %parallel_loop3A_576, %parallel_loop3A_575 : i32
        %parallel_loop3A_578 = arith.constant 0 : i32
        %parallel_loop3A_579 = arith.addi %parallel_loop3A_577, %parallel_loop3A_578 : i32
        %parallel_loop3A_580 = arith.index_cast %parallel_loop3A_579 : i32 to index
        %parallel_loop3A_581 = tpu.vector_load %arg7[%parallel_loop3A_580] {strides = array<i32>} : memref<32768xi32, #tpu.memory_space<vmem>>, vector<16xi32>,
        %parallel_loop3A_582 = arith.constant 0 : i32
        %parallel_loop3A_583 = arith.addi %rem3A_335, %parallel_loop3A_582 : i32
        %parallel_loop3A_584 = vector.broadcast %parallel_loop3A_583 : i32 to vector<16xi32>
        %parallel_loop3A_585 = arith.addi %parallel_loop3A_581, %parallel_loop3A_584 : vector<16xi32>
        %parallel_loop3A_586 = tpu.vector_load_idx %arg6[%parallel_loop3A_585] : memref<77312xf32, #tpu.memory_space<vmem>>[vector<16xi32>], vector<16xf32>,
        %parallel_loop3A_587 = arith.constant 0 : i32
        %parallel_loop3A_588 = arith.index_cast %parallel_loop3A_587 : i32 to index
        %parallel_loop3A_589 = arith.index_cast %parallel_loop3A_571 : i32 to index
        %parallel_loop3A_590 = arith.constant 0 : index
        %parallel_loop3A_591 = tpu.vector_load %arg8[%parallel_loop3A_588, %parallel_loop3A_589, %parallel_loop3A_590] {strides = array<i32>} : memref<2x64x128xf32, #tpu.memory_space<vmem>>, vector<16xf32>,
        tpu.vector_store %arg8[%parallel_loop3A_588, %parallel_loop3A_589, %parallel_loop3A_590], %parallel_loop3A_586 {strides = array<i32>} : memref<2x64x128xf32, #tpu.memory_space<vmem>>, vector<16xf32>,
        %parallel_loop3A_592 = arith.constant 0 : i32
        %parallel_loop3A_593 = arith.addi %parallel_loop3A_592, %parallel_loop3A_571 : i32
        %parallel_loop3A_594 = arith.constant 128 : i32
        %parallel_loop3A_595 = arith.muli %parallel_loop3A_593, %parallel_loop3A_594 : i32
        %parallel_loop3A_596 = arith.constant 0 : i32
        %parallel_loop3A_597 = arith.addi %parallel_loop3A_596, %parallel_loop3A_595 : i32
        %parallel_loop3A_598 = arith.constant 16 : i32
        %parallel_loop3A_599 = arith.addi %parallel_loop3A_597, %parallel_loop3A_598 : i32
        %parallel_loop3A_600 = arith.index_cast %parallel_loop3A_599 : i32 to index
        %parallel_loop3A_601 = tpu.vector_load %arg7[%parallel_loop3A_600] {strides = array<i32>} : memref<32768xi32, #tpu.memory_space<vmem>>, vector<16xi32>,
        %parallel_loop3A_602 = arith.constant 0 : i32
        %parallel_loop3A_603 = arith.addi %rem3A_335, %parallel_loop3A_602 : i32
        %parallel_loop3A_604 = vector.broadcast %parallel_loop3A_603 : i32 to vector<16xi32>
        %parallel_loop3A_605 = arith.addi %parallel_loop3A_601, %parallel_loop3A_604 : vector<16xi32>
        %parallel_loop3A_606 = tpu.vector_load_idx %arg6[%parallel_loop3A_605] : memref<77312xf32, #tpu.memory_space<vmem>>[vector<16xi32>], vector<16xf32>,
        %parallel_loop3A_607 = arith.constant 0 : i32
        %parallel_loop3A_608 = arith.index_cast %parallel_loop3A_607 : i32 to index
        %parallel_loop3A_609 = arith.index_cast %parallel_loop3A_571 : i32 to index
        %parallel_loop3A_610 = arith.constant 16 : index
        %parallel_loop3A_611 = tpu.vector_load %arg8[%parallel_loop3A_608, %parallel_loop3A_609, %parallel_loop3A_610] {strides = array<i32>} : memref<2x64x128xf32, #tpu.memory_space<vmem>>, vector<16xf32>,
        tpu.vector_store %arg8[%parallel_loop3A_608, %parallel_loop3A_609, %parallel_loop3A_610], %parallel_loop3A_606 {strides = array<i32>} : memref<2x64x128xf32, #tpu.memory_space<vmem>>, vector<16xf32>,
        %parallel_loop3A_612 = arith.constant 0 : i32
        %parallel_loop3A_613 = arith.addi %parallel_loop3A_612, %parallel_loop3A_571 : i32
        %parallel_loop3A_614 = arith.constant 128 : i32
        %parallel_loop3A_615 = arith.muli %parallel_loop3A_613, %parallel_loop3A_614 : i32
        %parallel_loop3A_616 = arith.constant 0 : i32
        %parallel_loop3A_617 = arith.addi %parallel_loop3A_616, %parallel_loop3A_615 : i32
        %parallel_loop3A_618 = arith.constant 32 : i32
        %parallel_loop3A_619 = arith.addi %parallel_loop3A_617, %parallel_loop3A_618 : i32
        %parallel_loop3A_620 = arith.index_cast %parallel_loop3A_619 : i32 to index
        %parallel_loop3A_621 = tpu.vector_load %arg7[%parallel_loop3A_620] {strides = array<i32>} : memref<32768xi32, #tpu.memory_space<vmem>>, vector<16xi32>,
        %parallel_loop3A_622 = arith.constant 0 : i32
        %parallel_loop3A_623 = arith.addi %rem3A_335, %parallel_loop3A_622 : i32
        %parallel_loop3A_624 = vector.broadcast %parallel_loop3A_623 : i32 to vector<16xi32>
        %parallel_loop3A_625 = arith.addi %parallel_loop3A_621, %parallel_loop3A_624 : vector<16xi32>
        %parallel_loop3A_626 = tpu.vector_load_idx %arg6[%parallel_loop3A_625] : memref<77312xf32, #tpu.memory_space<vmem>>[vector<16xi32>], vector<16xf32>,
        %parallel_loop3A_627 = arith.constant 0 : i32
        %parallel_loop3A_628 = arith.index_cast %parallel_loop3A_627 : i32 to index
        %parallel_loop3A_629 = arith.index_cast %parallel_loop3A_571 : i32 to index
        %parallel_loop3A_630 = arith.constant 32 : index
        %parallel_loop3A_631 = tpu.vector_load %arg8[%parallel_loop3A_628, %parallel_loop3A_629, %parallel_loop3A_630] {strides = array<i32>} : memref<2x64x128xf32, #tpu.memory_space<vmem>>, vector<16xf32>,
        tpu.vector_store %arg8[%parallel_loop3A_628, %parallel_loop3A_629, %parallel_loop3A_630], %parallel_loop3A_626 {strides = array<i32>} : memref<2x64x128xf32, #tpu.memory_space<vmem>>, vector<16xf32>,
        %parallel_loop3A_632 = arith.constant 0 : i32
        %parallel_loop3A_633 = arith.addi %parallel_loop3A_632, %parallel_loop3A_571 : i32
        %parallel_loop3A_634 = arith.constant 128 : i32
        %parallel_loop3A_635 = arith.muli %parallel_loop3A_633, %parallel_loop3A_634 : i32
        %parallel_loop3A_636 = arith.constant 0 : i32
        %parallel_loop3A_637 = arith.addi %parallel_loop3A_636, %parallel_loop3A_635 : i32
        %parallel_loop3A_638 = arith.constant 48 : i32
        %parallel_loop3A_639 = arith.addi %parallel_loop3A_637, %parallel_loop3A_638 : i32
        %parallel_loop3A_640 = arith.index_cast %parallel_loop3A_639 : i32 to index
        %parallel_loop3A_641 = tpu.vector_load %arg7[%parallel_loop3A_640] {strides = array<i32>} : memref<32768xi32, #tpu.memory_space<vmem>>, vector<16xi32>,
        %parallel_loop3A_642 = arith.constant 0 : i32
        %parallel_loop3A_643 = arith.addi %rem3A_335, %parallel_loop3A_642 : i32
        %parallel_loop3A_644 = vector.broadcast %parallel_loop3A_643 : i32 to vector<16xi32>
        %parallel_loop3A_645 = arith.addi %parallel_loop3A_641, %parallel_loop3A_644 : vector<16xi32>
        %parallel_loop3A_646 = tpu.vector_load_idx %arg6[%parallel_loop3A_645] : memref<77312xf32, #tpu.memory_space<vmem>>[vector<16xi32>], vector<16xf32>,
        %parallel_loop3A_647 = arith.constant 0 : i32
        %parallel_loop3A_648 = arith.index_cast %parallel_loop3A_647 : i32 to index
        %parallel_loop3A_649 = arith.index_cast %parallel_loop3A_571 : i32 to index
        %parallel_loop3A_650 = arith.constant 48 : index
        %parallel_loop3A_651 = tpu.vector_load %arg8[%parallel_loop3A_648, %parallel_loop3A_649, %parallel_loop3A_650] {strides = array<i32>} : memref<2x64x128xf32, #tpu.memory_space<vmem>>, vector<16xf32>,
        tpu.vector_store %arg8[%parallel_loop3A_648, %parallel_loop3A_649, %parallel_loop3A_650], %parallel_loop3A_646 {strides = array<i32>} : memref<2x64x128xf32, #tpu.memory_space<vmem>>, vector<16xf32>,
        %parallel_loop3A_652 = arith.constant 0 : i32
        %parallel_loop3A_653 = arith.addi %parallel_loop3A_652, %parallel_loop3A_571 : i32
        %parallel_loop3A_654 = arith.constant 128 : i32
        %parallel_loop3A_655 = arith.muli %parallel_loop3A_653, %parallel_loop3A_654 : i32
        %parallel_loop3A_656 = arith.constant 0 : i32
        %parallel_loop3A_657 = arith.addi %parallel_loop3A_656, %parallel_loop3A_655 : i32
        %parallel_loop3A_658 = arith.constant 64 : i32
        %parallel_loop3A_659 = arith.addi %parallel_loop3A_657, %parallel_loop3A_658 : i32
        %parallel_loop3A_660 = arith.index_cast %parallel_loop3A_659 : i32 to index
        %parallel_loop3A_661 = tpu.vector_load %arg7[%parallel_loop3A_660] {strides = array<i32>} : memref<32768xi32, #tpu.memory_space<vmem>>, vector<16xi32>,
        %parallel_loop3A_662 = arith.constant 0 : i32
        %parallel_loop3A_663 = arith.addi %rem3A_335, %parallel_loop3A_662 : i32
        %parallel_loop3A_664 = vector.broadcast %parallel_loop3A_663 : i32 to vector<16xi32>
        %parallel_loop3A_665 = arith.addi %parallel_loop3A_661, %parallel_loop3A_664 : vector<16xi32>
        %parallel_loop3A_666 = tpu.vector_load_idx %arg6[%parallel_loop3A_665] : memref<77312xf32, #tpu.memory_space<vmem>>[vector<16xi32>], vector<16xf32>,
        %parallel_loop3A_667 = arith.constant 0 : i32
        %parallel_loop3A_668 = arith.index_cast %parallel_loop3A_667 : i32 to index
        %parallel_loop3A_669 = arith.index_cast %parallel_loop3A_571 : i32 to index
        %parallel_loop3A_670 = arith.constant 64 : index
        %parallel_loop3A_671 = tpu.vector_load %arg8[%parallel_loop3A_668, %parallel_loop3A_669, %parallel_loop3A_670] {strides = array<i32>} : memref<2x64x128xf32, #tpu.memory_space<vmem>>, vector<16xf32>,
        tpu.vector_store %arg8[%parallel_loop3A_668, %parallel_loop3A_669, %parallel_loop3A_670], %parallel_loop3A_666 {strides = array<i32>} : memref<2x64x128xf32, #tpu.memory_space<vmem>>, vector<16xf32>,
        %parallel_loop3A_672 = arith.constant 0 : i32
        %parallel_loop3A_673 = arith.addi %parallel_loop3A_672, %parallel_loop3A_571 : i32
        %parallel_loop3A_674 = arith.constant 128 : i32
        %parallel_loop3A_675 = arith.muli %parallel_loop3A_673, %parallel_loop3A_674 : i32
        %parallel_loop3A_676 = arith.constant 0 : i32
        %parallel_loop3A_677 = arith.addi %parallel_loop3A_676, %parallel_loop3A_675 : i32
        %parallel_loop3A_678 = arith.constant 80 : i32
        %parallel_loop3A_679 = arith.addi %parallel_loop3A_677, %parallel_loop3A_678 : i32
        %parallel_loop3A_680 = arith.index_cast %parallel_loop3A_679 : i32 to index
        %parallel_loop3A_681 = tpu.vector_load %arg7[%parallel_loop3A_680] {strides = array<i32>} : memref<32768xi32, #tpu.memory_space<vmem>>, vector<16xi32>,
        %parallel_loop3A_682 = arith.constant 0 : i32
        %parallel_loop3A_683 = arith.addi %rem3A_335, %parallel_loop3A_682 : i32
        %parallel_loop3A_684 = vector.broadcast %parallel_loop3A_683 : i32 to vector<16xi32>
        %parallel_loop3A_685 = arith.addi %parallel_loop3A_681, %parallel_loop3A_684 : vector<16xi32>
        %parallel_loop3A_686 = tpu.vector_load_idx %arg6[%parallel_loop3A_685] : memref<77312xf32, #tpu.memory_space<vmem>>[vector<16xi32>], vector<16xf32>,
        %parallel_loop3A_687 = arith.constant 0 : i32
        %parallel_loop3A_688 = arith.index_cast %parallel_loop3A_687 : i32 to index
        %parallel_loop3A_689 = arith.index_cast %parallel_loop3A_571 : i32 to index
        %parallel_loop3A_690 = arith.constant 80 : index
        %parallel_loop3A_691 = tpu.vector_load %arg8[%parallel_loop3A_688, %parallel_loop3A_689, %parallel_loop3A_690] {strides = array<i32>} : memref<2x64x128xf32, #tpu.memory_space<vmem>>, vector<16xf32>,
        tpu.vector_store %arg8[%parallel_loop3A_688, %parallel_loop3A_689, %parallel_loop3A_690], %parallel_loop3A_686 {strides = array<i32>} : memref<2x64x128xf32, #tpu.memory_space<vmem>>, vector<16xf32>,
        %parallel_loop3A_692 = arith.constant 0 : i32
        %parallel_loop3A_693 = arith.addi %parallel_loop3A_692, %parallel_loop3A_571 : i32
        %parallel_loop3A_694 = arith.constant 128 : i32
        %parallel_loop3A_695 = arith.muli %parallel_loop3A_693, %parallel_loop3A_694 : i32
        %parallel_loop3A_696 = arith.constant 0 : i32
        %parallel_loop3A_697 = arith.addi %parallel_loop3A_696, %parallel_loop3A_695 : i32
        %parallel_loop3A_698 = arith.constant 96 : i32
        %parallel_loop3A_699 = arith.addi %parallel_loop3A_697, %parallel_loop3A_698 : i32
        %parallel_loop3A_700 = arith.index_cast %parallel_loop3A_699 : i32 to index
        %parallel_loop3A_701 = tpu.vector_load %arg7[%parallel_loop3A_700] {strides = array<i32>} : memref<32768xi32, #tpu.memory_space<vmem>>, vector<16xi32>,
        %parallel_loop3A_702 = arith.constant 0 : i32
        %parallel_loop3A_703 = arith.addi %rem3A_335, %parallel_loop3A_702 : i32
        %parallel_loop3A_704 = vector.broadcast %parallel_loop3A_703 : i32 to vector<16xi32>
        %parallel_loop3A_705 = arith.addi %parallel_loop3A_701, %parallel_loop3A_704 : vector<16xi32>
        %parallel_loop3A_706 = tpu.vector_load_idx %arg6[%parallel_loop3A_705] : memref<77312xf32, #tpu.memory_space<vmem>>[vector<16xi32>], vector<16xf32>,
        %parallel_loop3A_707 = arith.constant 0 : i32
        %parallel_loop3A_708 = arith.index_cast %parallel_loop3A_707 : i32 to index
        %parallel_loop3A_709 = arith.index_cast %parallel_loop3A_571 : i32 to index
        %parallel_loop3A_710 = arith.constant 96 : index
        %parallel_loop3A_711 = tpu.vector_load %arg8[%parallel_loop3A_708, %parallel_loop3A_709, %parallel_loop3A_710] {strides = array<i32>} : memref<2x64x128xf32, #tpu.memory_space<vmem>>, vector<16xf32>,
        tpu.vector_store %arg8[%parallel_loop3A_708, %parallel_loop3A_709, %parallel_loop3A_710], %parallel_loop3A_706 {strides = array<i32>} : memref<2x64x128xf32, #tpu.memory_space<vmem>>, vector<16xf32>,
        %parallel_loop3A_712 = arith.constant 0 : i32
        %parallel_loop3A_713 = arith.addi %parallel_loop3A_712, %parallel_loop3A_571 : i32
        %parallel_loop3A_714 = arith.constant 128 : i32
        %parallel_loop3A_715 = arith.muli %parallel_loop3A_713, %parallel_loop3A_714 : i32
        %parallel_loop3A_716 = arith.constant 0 : i32
        %parallel_loop3A_717 = arith.addi %parallel_loop3A_716, %parallel_loop3A_715 : i32
        %parallel_loop3A_718 = arith.constant 112 : i32
        %parallel_loop3A_719 = arith.addi %parallel_loop3A_717, %parallel_loop3A_718 : i32
        %parallel_loop3A_720 = arith.index_cast %parallel_loop3A_719 : i32 to index
        %parallel_loop3A_721 = tpu.vector_load %arg7[%parallel_loop3A_720] {strides = array<i32>} : memref<32768xi32, #tpu.memory_space<vmem>>, vector<16xi32>,
        %parallel_loop3A_722 = arith.constant 0 : i32
        %parallel_loop3A_723 = arith.addi %rem3A_335, %parallel_loop3A_722 : i32
        %parallel_loop3A_724 = vector.broadcast %parallel_loop3A_723 : i32 to vector<16xi32>
        %parallel_loop3A_725 = arith.addi %parallel_loop3A_721, %parallel_loop3A_724 : vector<16xi32>
        %parallel_loop3A_726 = tpu.vector_load_idx %arg6[%parallel_loop3A_725] : memref<77312xf32, #tpu.memory_space<vmem>>[vector<16xi32>], vector<16xf32>,
        %parallel_loop3A_727 = arith.constant 0 : i32
        %parallel_loop3A_728 = arith.index_cast %parallel_loop3A_727 : i32 to index
        %parallel_loop3A_729 = arith.index_cast %parallel_loop3A_571 : i32 to index
        %parallel_loop3A_730 = arith.constant 112 : index
        %parallel_loop3A_731 = tpu.vector_load %arg8[%parallel_loop3A_728, %parallel_loop3A_729, %parallel_loop3A_730] {strides = array<i32>} : memref<2x64x128xf32, #tpu.memory_space<vmem>>, vector<16xf32>,
        tpu.vector_store %arg8[%parallel_loop3A_728, %parallel_loop3A_729, %parallel_loop3A_730], %parallel_loop3A_726 {strides = array<i32>} : memref<2x64x128xf32, #tpu.memory_space<vmem>>, vector<16xf32>,
      } {sc.loop_unroll_factor = 1 : i64, sc.parallel_access}
      %eq3A_342 = arith.constant 0 : i32
      %eq3A_343 = arith.cmpi eq, %rem3A_18, %eq3A_342 : i32
      %convert_element_type3A_344 = arith.extui %eq3A_343 : i1 to i32
      %cond3A_345 = arith.constant 0 : i32
      %cond3A_346 = arith.cmpi ne, %convert_element_type3A_344, %cond3A_345 : i32
      scf.if %cond3A_346 {
        %dma_start3A_571 = arith.constant 0 : i32
        %dma_start3A_572 = arith.constant 0 : i32
        %dma_start3A_573 = arith.constant 0 : i32
        %dma_start3A_574 = arith.constant 0 : i32
        %dma_start3A_575 = tpu.memref_slice %arg8[%dma_start3A_571, %dma_start3A_573, %dma_start3A_574] : memref<2x64x128xf32, #tpu.memory_space<vmem>> -> memref<1x64x128xf32, #tpu.memory_space<vmem>>
        %dma_start3A_576 = tpu.memref_squeeze %dma_start3A_575 : memref<1x64x128xf32, #tpu.memory_space<vmem>> -> memref<64x128xf32, #tpu.memory_space<vmem>>
        %dma_start3A_577 = arith.constant 0 : i32
        %dma_start3A_578 = arith.constant 0 : i32
        %dma_start3A_579 = tpu.memref_slice %arg5[%mul3A_117, %select_n3A, %dma_start3A_577, %dma_start3A_572, %dma_start3A_578] : memref<26x4x128x8x128xf32, #tpu.memory_space<hbm>> -> memref<1x1x64x1x128xf32, #tpu.memory_space<hbm>>
        %dma_start3A_580 = tpu.memref_squeeze %dma_start3A_579 : memref<1x1x64x1x128xf32, #tpu.memory_space<hbm>> -> memref<64x128xf32, #tpu.memory_space<hbm>>
        %dma_start3A_581 = arith.constant 0 : i32
        %dma_start3A_582 = arith.constant 0 : i32
        %dma_start3A_583 = tpu.memref_slice %arg5[%mul3A_117, %select_n3A, %dma_start3A_581, %dma_start3A_572, %dma_start3A_582] : memref<26x4x128x8x128xf32, #tpu.memory_space<hbm>> -> memref<1x1x64x1x128xf32, #tpu.memory_space<hbm>>
        %dma_start3A_584 = tpu.memref_squeeze %dma_start3A_583 : memref<1x1x64x1x128xf32, #tpu.memory_space<hbm>> -> memref<64x128xf32, #tpu.memory_space<hbm>>
        %dma_start3A_585 = arith.constant 0 : i32
        %dma_start3A_586 = arith.constant 0 : i32
        %dma_start3A_587 = tpu.memref_slice %arg8[%dma_start3A_571, %dma_start3A_585, %dma_start3A_586] : memref<2x64x128xf32, #tpu.memory_space<vmem>> -> memref<1x64x128xf32, #tpu.memory_space<vmem>>
        %dma_start3A_588 = tpu.memref_squeeze %dma_start3A_587 : memref<1x64x128xf32, #tpu.memory_space<vmem>> -> memref<64x128xf32, #tpu.memory_space<vmem>>
        tpu.enqueue_dma source(%dma_start3A_588 : memref<64x128xf32, #tpu.memory_space<vmem>>) target(%dma_start3A_584 : memref<64x128xf32, #tpu.memory_space<hbm>>) target_semaphore(%arg13 : memref<!tpu.dma_semaphore, #tpu.memory_space<semaphore_mem>>)
      } else {
      }
      %eq3A_347 = arith.constant 1 : i32
      %eq3A_348 = arith.cmpi eq, %rem3A_18, %eq3A_347 : i32
      %convert_element_type3A_349 = arith.extui %eq3A_348 : i1 to i32
      %cond3A_350 = arith.constant 0 : i32
      %cond3A_351 = arith.cmpi ne, %convert_element_type3A_349, %cond3A_350 : i32
      scf.if %cond3A_351 {
        %dma_start3A_571 = arith.constant 0 : i32
        %dma_start3A_572 = arith.constant 1 : i32
        %dma_start3A_573 = arith.constant 0 : i32
        %dma_start3A_574 = arith.constant 0 : i32
        %dma_start3A_575 = tpu.memref_slice %arg8[%dma_start3A_571, %dma_start3A_573, %dma_start3A_574] : memref<2x64x128xf32, #tpu.memory_space<vmem>> -> memref<1x64x128xf32, #tpu.memory_space<vmem>>
        %dma_start3A_576 = tpu.memref_squeeze %dma_start3A_575 : memref<1x64x128xf32, #tpu.memory_space<vmem>> -> memref<64x128xf32, #tpu.memory_space<vmem>>
        %dma_start3A_577 = arith.constant 0 : i32
        %dma_start3A_578 = arith.constant 0 : i32
        %dma_start3A_579 = tpu.memref_slice %arg5[%mul3A_117, %select_n3A, %dma_start3A_577, %dma_start3A_572, %dma_start3A_578] : memref<26x4x128x8x128xf32, #tpu.memory_space<hbm>> -> memref<1x1x64x1x128xf32, #tpu.memory_space<hbm>>
        %dma_start3A_580 = tpu.memref_squeeze %dma_start3A_579 : memref<1x1x64x1x128xf32, #tpu.memory_space<hbm>> -> memref<64x128xf32, #tpu.memory_space<hbm>>
        %dma_start3A_581 = arith.constant 0 : i32
        %dma_start3A_582 = arith.constant 0 : i32
        %dma_start3A_583 = tpu.memref_slice %arg5[%mul3A_117, %select_n3A, %dma_start3A_581, %dma_start3A_572, %dma_start3A_582] : memref<26x4x128x8x128xf32, #tpu.memory_space<hbm>> -> memref<1x1x64x1x128xf32, #tpu.memory_space<hbm>>
        %dma_start3A_584 = tpu.memref_squeeze %dma_start3A_583 : memref<1x1x64x1x128xf32, #tpu.memory_space<hbm>> -> memref<64x128xf32, #tpu.memory_space<hbm>>
        %dma_start3A_585 = arith.constant 0 : i32
        %dma_start3A_586 = arith.constant 0 : i32
        %dma_start3A_587 = tpu.memref_slice %arg8[%dma_start3A_571, %dma_start3A_585, %dma_start3A_586] : memref<2x64x128xf32, #tpu.memory_space<vmem>> -> memref<1x64x128xf32, #tpu.memory_space<vmem>>
        %dma_start3A_588 = tpu.memref_squeeze %dma_start3A_587 : memref<1x64x128xf32, #tpu.memory_space<vmem>> -> memref<64x128xf32, #tpu.memory_space<vmem>>
        tpu.enqueue_dma source(%dma_start3A_588 : memref<64x128xf32, #tpu.memory_space<vmem>>) target(%dma_start3A_584 : memref<64x128xf32, #tpu.memory_space<hbm>>) target_semaphore(%arg13 : memref<!tpu.dma_semaphore, #tpu.memory_space<semaphore_mem>>)
      } else {
      }
      %eq3A_352 = arith.constant 2 : i32
      %eq3A_353 = arith.cmpi eq, %rem3A_18, %eq3A_352 : i32
      %convert_element_type3A_354 = arith.extui %eq3A_353 : i1 to i32
      %cond3A_355 = arith.constant 0 : i32
      %cond3A_356 = arith.cmpi ne, %convert_element_type3A_354, %cond3A_355 : i32
      scf.if %cond3A_356 {
        %dma_start3A_571 = arith.constant 0 : i32
        %dma_start3A_572 = arith.constant 2 : i32
        %dma_start3A_573 = arith.constant 0 : i32
        %dma_start3A_574 = arith.constant 0 : i32
        %dma_start3A_575 = tpu.memref_slice %arg8[%dma_start3A_571, %dma_start3A_573, %dma_start3A_574] : memref<2x64x128xf32, #tpu.memory_space<vmem>> -> memref<1x64x128xf32, #tpu.memory_space<vmem>>
        %dma_start3A_576 = tpu.memref_squeeze %dma_start3A_575 : memref<1x64x128xf32, #tpu.memory_space<vmem>> -> memref<64x128xf32, #tpu.memory_space<vmem>>
        %dma_start3A_577 = arith.constant 0 : i32
        %dma_start3A_578 = arith.constant 0 : i32
        %dma_start3A_579 = tpu.memref_slice %arg5[%mul3A_117, %select_n3A, %dma_start3A_577, %dma_start3A_572, %dma_start3A_578] : memref<26x4x128x8x128xf32, #tpu.memory_space<hbm>> -> memref<1x1x64x1x128xf32, #tpu.memory_space<hbm>>
        %dma_start3A_580 = tpu.memref_squeeze %dma_start3A_579 : memref<1x1x64x1x128xf32, #tpu.memory_space<hbm>> -> memref<64x128xf32, #tpu.memory_space<hbm>>
        %dma_start3A_581 = arith.constant 0 : i32
        %dma_start3A_582 = arith.constant 0 : i32
        %dma_start3A_583 = tpu.memref_slice %arg5[%mul3A_117, %select_n3A, %dma_start3A_581, %dma_start3A_572, %dma_start3A_582] : memref<26x4x128x8x128xf32, #tpu.memory_space<hbm>> -> memref<1x1x64x1x128xf32, #tpu.memory_space<hbm>>
        %dma_start3A_584 = tpu.memref_squeeze %dma_start3A_583 : memref<1x1x64x1x128xf32, #tpu.memory_space<hbm>> -> memref<64x128xf32, #tpu.memory_space<hbm>>
        %dma_start3A_585 = arith.constant 0 : i32
        %dma_start3A_586 = arith.constant 0 : i32
        %dma_start3A_587 = tpu.memref_slice %arg8[%dma_start3A_571, %dma_start3A_585, %dma_start3A_586] : memref<2x64x128xf32, #tpu.memory_space<vmem>> -> memref<1x64x128xf32, #tpu.memory_space<vmem>>
        %dma_start3A_588 = tpu.memref_squeeze %dma_start3A_587 : memref<1x64x128xf32, #tpu.memory_space<vmem>> -> memref<64x128xf32, #tpu.memory_space<vmem>>
        tpu.enqueue_dma source(%dma_start3A_588 : memref<64x128xf32, #tpu.memory_space<vmem>>) target(%dma_start3A_584 : memref<64x128xf32, #tpu.memory_space<hbm>>) target_semaphore(%arg13 : memref<!tpu.dma_semaphore, #tpu.memory_space<semaphore_mem>>)
      } else {
      }
      %eq3A_357 = arith.constant 3 : i32
      %eq3A_358 = arith.cmpi eq, %rem3A_18, %eq3A_357 : i32
      %convert_element_type3A_359 = arith.extui %eq3A_358 : i1 to i32
      %cond3A_360 = arith.constant 0 : i32
      %cond3A_361 = arith.cmpi ne, %convert_element_type3A_359, %cond3A_360 : i32
      scf.if %cond3A_361 {
        %dma_start3A_571 = arith.constant 0 : i32
        %dma_start3A_572 = arith.constant 3 : i32
        %dma_start3A_573 = arith.constant 0 : i32
        %dma_start3A_574 = arith.constant 0 : i32
        %dma_start3A_575 = tpu.memref_slice %arg8[%dma_start3A_571, %dma_start3A_573, %dma_start3A_574] : memref<2x64x128xf32, #tpu.memory_space<vmem>> -> memref<1x64x128xf32, #tpu.memory_space<vmem>>
        %dma_start3A_576 = tpu.memref_squeeze %dma_start3A_575 : memref<1x64x128xf32, #tpu.memory_space<vmem>> -> memref<64x128xf32, #tpu.memory_space<vmem>>
        %dma_start3A_577 = arith.constant 0 : i32
        %dma_start3A_578 = arith.constant 0 : i32
        %dma_start3A_579 = tpu.memref_slice %arg5[%mul3A_117, %select_n3A, %dma_start3A_577, %dma_start3A_572, %dma_start3A_578] : memref<26x4x128x8x128xf32, #tpu.memory_space<hbm>> -> memref<1x1x64x1x128xf32, #tpu.memory_space<hbm>>
        %dma_start3A_580 = tpu.memref_squeeze %dma_start3A_579 : memref<1x1x64x1x128xf32, #tpu.memory_space<hbm>> -> memref<64x128xf32, #tpu.memory_space<hbm>>
        %dma_start3A_581 = arith.constant 0 : i32
        %dma_start3A_582 = arith.constant 0 : i32
        %dma_start3A_583 = tpu.memref_slice %arg5[%mul3A_117, %select_n3A, %dma_start3A_581, %dma_start3A_572, %dma_start3A_582] : memref<26x4x128x8x128xf32, #tpu.memory_space<hbm>> -> memref<1x1x64x1x128xf32, #tpu.memory_space<hbm>>
        %dma_start3A_584 = tpu.memref_squeeze %dma_start3A_583 : memref<1x1x64x1x128xf32, #tpu.memory_space<hbm>> -> memref<64x128xf32, #tpu.memory_space<hbm>>
        %dma_start3A_585 = arith.constant 0 : i32
        %dma_start3A_586 = arith.constant 0 : i32
        %dma_start3A_587 = tpu.memref_slice %arg8[%dma_start3A_571, %dma_start3A_585, %dma_start3A_586] : memref<2x64x128xf32, #tpu.memory_space<vmem>> -> memref<1x64x128xf32, #tpu.memory_space<vmem>>
        %dma_start3A_588 = tpu.memref_squeeze %dma_start3A_587 : memref<1x64x128xf32, #tpu.memory_space<vmem>> -> memref<64x128xf32, #tpu.memory_space<vmem>>
        tpu.enqueue_dma source(%dma_start3A_588 : memref<64x128xf32, #tpu.memory_space<vmem>>) target(%dma_start3A_584 : memref<64x128xf32, #tpu.memory_space<hbm>>) target_semaphore(%arg13 : memref<!tpu.dma_semaphore, #tpu.memory_space<semaphore_mem>>)
      } else {
      }
      %eq3A_362 = arith.constant 4 : i32
      %eq3A_363 = arith.cmpi eq, %rem3A_18, %eq3A_362 : i32
      %convert_element_type3A_364 = arith.extui %eq3A_363 : i1 to i32
      %cond3A_365 = arith.constant 0 : i32
      %cond3A_366 = arith.cmpi ne, %convert_element_type3A_364, %cond3A_365 : i32
      scf.if %cond3A_366 {
        %dma_start3A_571 = arith.constant 0 : i32
        %dma_start3A_572 = arith.constant 4 : i32
        %dma_start3A_573 = arith.constant 0 : i32
        %dma_start3A_574 = arith.constant 0 : i32
        %dma_start3A_575 = tpu.memref_slice %arg8[%dma_start3A_571, %dma_start3A_573, %dma_start3A_574] : memref<2x64x128xf32, #tpu.memory_space<vmem>> -> memref<1x64x128xf32, #tpu.memory_space<vmem>>
        %dma_start3A_576 = tpu.memref_squeeze %dma_start3A_575 : memref<1x64x128xf32, #tpu.memory_space<vmem>> -> memref<64x128xf32, #tpu.memory_space<vmem>>
        %dma_start3A_577 = arith.constant 0 : i32
        %dma_start3A_578 = arith.constant 0 : i32
        %dma_start3A_579 = tpu.memref_slice %arg5[%mul3A_117, %select_n3A, %dma_start3A_577, %dma_start3A_572, %dma_start3A_578] : memref<26x4x128x8x128xf32, #tpu.memory_space<hbm>> -> memref<1x1x64x1x128xf32, #tpu.memory_space<hbm>>
        %dma_start3A_580 = tpu.memref_squeeze %dma_start3A_579 : memref<1x1x64x1x128xf32, #tpu.memory_space<hbm>> -> memref<64x128xf32, #tpu.memory_space<hbm>>
        %dma_start3A_581 = arith.constant 0 : i32
        %dma_start3A_582 = arith.constant 0 : i32
        %dma_start3A_583 = tpu.memref_slice %arg5[%mul3A_117, %select_n3A, %dma_start3A_581, %dma_start3A_572, %dma_start3A_582] : memref<26x4x128x8x128xf32, #tpu.memory_space<hbm>> -> memref<1x1x64x1x128xf32, #tpu.memory_space<hbm>>
        %dma_start3A_584 = tpu.memref_squeeze %dma_start3A_583 : memref<1x1x64x1x128xf32, #tpu.memory_space<hbm>> -> memref<64x128xf32, #tpu.memory_space<hbm>>
        %dma_start3A_585 = arith.constant 0 : i32
        %dma_start3A_586 = arith.constant 0 : i32
        %dma_start3A_587 = tpu.memref_slice %arg8[%dma_start3A_571, %dma_start3A_585, %dma_start3A_586] : memref<2x64x128xf32, #tpu.memory_space<vmem>> -> memref<1x64x128xf32, #tpu.memory_space<vmem>>
        %dma_start3A_588 = tpu.memref_squeeze %dma_start3A_587 : memref<1x64x128xf32, #tpu.memory_space<vmem>> -> memref<64x128xf32, #tpu.memory_space<vmem>>
        tpu.enqueue_dma source(%dma_start3A_588 : memref<64x128xf32, #tpu.memory_space<vmem>>) target(%dma_start3A_584 : memref<64x128xf32, #tpu.memory_space<hbm>>) target_semaphore(%arg13 : memref<!tpu.dma_semaphore, #tpu.memory_space<semaphore_mem>>)
      } else {
      }
      %eq3A_367 = arith.constant 5 : i32
      %eq3A_368 = arith.cmpi eq, %rem3A_18, %eq3A_367 : i32
      %convert_element_type3A_369 = arith.extui %eq3A_368 : i1 to i32
      %cond3A_370 = arith.constant 0 : i32
      %cond3A_371 = arith.cmpi ne, %convert_element_type3A_369, %cond3A_370 : i32
      scf.if %cond3A_371 {
        %dma_start3A_571 = arith.constant 0 : i32
        %dma_start3A_572 = arith.constant 5 : i32
        %dma_start3A_573 = arith.constant 0 : i32
        %dma_start3A_574 = arith.constant 0 : i32
        %dma_start3A_575 = tpu.memref_slice %arg8[%dma_start3A_571, %dma_start3A_573, %dma_start3A_574] : memref<2x64x128xf32, #tpu.memory_space<vmem>> -> memref<1x64x128xf32, #tpu.memory_space<vmem>>
        %dma_start3A_576 = tpu.memref_squeeze %dma_start3A_575 : memref<1x64x128xf32, #tpu.memory_space<vmem>> -> memref<64x128xf32, #tpu.memory_space<vmem>>
        %dma_start3A_577 = arith.constant 0 : i32
        %dma_start3A_578 = arith.constant 0 : i32
        %dma_start3A_579 = tpu.memref_slice %arg5[%mul3A_117, %select_n3A, %dma_start3A_577, %dma_start3A_572, %dma_start3A_578] : memref<26x4x128x8x128xf32, #tpu.memory_space<hbm>> -> memref<1x1x64x1x128xf32, #tpu.memory_space<hbm>>
        %dma_start3A_580 = tpu.memref_squeeze %dma_start3A_579 : memref<1x1x64x1x128xf32, #tpu.memory_space<hbm>> -> memref<64x128xf32, #tpu.memory_space<hbm>>
        %dma_start3A_581 = arith.constant 0 : i32
        %dma_start3A_582 = arith.constant 0 : i32
        %dma_start3A_583 = tpu.memref_slice %arg5[%mul3A_117, %select_n3A, %dma_start3A_581, %dma_start3A_572, %dma_start3A_582] : memref<26x4x128x8x128xf32, #tpu.memory_space<hbm>> -> memref<1x1x64x1x128xf32, #tpu.memory_space<hbm>>
        %dma_start3A_584 = tpu.memref_squeeze %dma_start3A_583 : memref<1x1x64x1x128xf32, #tpu.memory_space<hbm>> -> memref<64x128xf32, #tpu.memory_space<hbm>>
        %dma_start3A_585 = arith.constant 0 : i32
        %dma_start3A_586 = arith.constant 0 : i32
        %dma_start3A_587 = tpu.memref_slice %arg8[%dma_start3A_571, %dma_start3A_585, %dma_start3A_586] : memref<2x64x128xf32, #tpu.memory_space<vmem>> -> memref<1x64x128xf32, #tpu.memory_space<vmem>>
        %dma_start3A_588 = tpu.memref_squeeze %dma_start3A_587 : memref<1x64x128xf32, #tpu.memory_space<vmem>> -> memref<64x128xf32, #tpu.memory_space<vmem>>
        tpu.enqueue_dma source(%dma_start3A_588 : memref<64x128xf32, #tpu.memory_space<vmem>>) target(%dma_start3A_584 : memref<64x128xf32, #tpu.memory_space<hbm>>) target_semaphore(%arg13 : memref<!tpu.dma_semaphore, #tpu.memory_space<semaphore_mem>>)
      } else {
      }
      %eq3A_372 = arith.constant 6 : i32
      %eq3A_373 = arith.cmpi eq, %rem3A_18, %eq3A_372 : i32
      %convert_element_type3A_374 = arith.extui %eq3A_373 : i1 to i32
      %cond3A_375 = arith.constant 0 : i32
      %cond3A_376 = arith.cmpi ne, %convert_element_type3A_374, %cond3A_375 : i32
      scf.if %cond3A_376 {
        %dma_start3A_571 = arith.constant 0 : i32
        %dma_start3A_572 = arith.constant 6 : i32
        %dma_start3A_573 = arith.constant 0 : i32
        %dma_start3A_574 = arith.constant 0 : i32
        %dma_start3A_575 = tpu.memref_slice %arg8[%dma_start3A_571, %dma_start3A_573, %dma_start3A_574] : memref<2x64x128xf32, #tpu.memory_space<vmem>> -> memref<1x64x128xf32, #tpu.memory_space<vmem>>
        %dma_start3A_576 = tpu.memref_squeeze %dma_start3A_575 : memref<1x64x128xf32, #tpu.memory_space<vmem>> -> memref<64x128xf32, #tpu.memory_space<vmem>>
        %dma_start3A_577 = arith.constant 0 : i32
        %dma_start3A_578 = arith.constant 0 : i32
        %dma_start3A_579 = tpu.memref_slice %arg5[%mul3A_117, %select_n3A, %dma_start3A_577, %dma_start3A_572, %dma_start3A_578] : memref<26x4x128x8x128xf32, #tpu.memory_space<hbm>> -> memref<1x1x64x1x128xf32, #tpu.memory_space<hbm>>
        %dma_start3A_580 = tpu.memref_squeeze %dma_start3A_579 : memref<1x1x64x1x128xf32, #tpu.memory_space<hbm>> -> memref<64x128xf32, #tpu.memory_space<hbm>>
        %dma_start3A_581 = arith.constant 0 : i32
        %dma_start3A_582 = arith.constant 0 : i32
        %dma_start3A_583 = tpu.memref_slice %arg5[%mul3A_117, %select_n3A, %dma_start3A_581, %dma_start3A_572, %dma_start3A_582] : memref<26x4x128x8x128xf32, #tpu.memory_space<hbm>> -> memref<1x1x64x1x128xf32, #tpu.memory_space<hbm>>
        %dma_start3A_584 = tpu.memref_squeeze %dma_start3A_583 : memref<1x1x64x1x128xf32, #tpu.memory_space<hbm>> -> memref<64x128xf32, #tpu.memory_space<hbm>>
        %dma_start3A_585 = arith.constant 0 : i32
        %dma_start3A_586 = arith.constant 0 : i32
        %dma_start3A_587 = tpu.memref_slice %arg8[%dma_start3A_571, %dma_start3A_585, %dma_start3A_586] : memref<2x64x128xf32, #tpu.memory_space<vmem>> -> memref<1x64x128xf32, #tpu.memory_space<vmem>>
        %dma_start3A_588 = tpu.memref_squeeze %dma_start3A_587 : memref<1x64x128xf32, #tpu.memory_space<vmem>> -> memref<64x128xf32, #tpu.memory_space<vmem>>
        tpu.enqueue_dma source(%dma_start3A_588 : memref<64x128xf32, #tpu.memory_space<vmem>>) target(%dma_start3A_584 : memref<64x128xf32, #tpu.memory_space<hbm>>) target_semaphore(%arg13 : memref<!tpu.dma_semaphore, #tpu.memory_space<semaphore_mem>>)
      } else {
      }
      %eq3A_377 = arith.constant 7 : i32
      %eq3A_378 = arith.cmpi eq, %rem3A_18, %eq3A_377 : i32
      %convert_element_type3A_379 = arith.extui %eq3A_378 : i1 to i32
      %cond3A_380 = arith.constant 0 : i32
      %cond3A_381 = arith.cmpi ne, %convert_element_type3A_379, %cond3A_380 : i32
      scf.if %cond3A_381 {
        %dma_start3A_571 = arith.constant 0 : i32
        %dma_start3A_572 = arith.constant 7 : i32
        %dma_start3A_573 = arith.constant 0 : i32
        %dma_start3A_574 = arith.constant 0 : i32
        %dma_start3A_575 = tpu.memref_slice %arg8[%dma_start3A_571, %dma_start3A_573, %dma_start3A_574] : memref<2x64x128xf32, #tpu.memory_space<vmem>> -> memref<1x64x128xf32, #tpu.memory_space<vmem>>
        %dma_start3A_576 = tpu.memref_squeeze %dma_start3A_575 : memref<1x64x128xf32, #tpu.memory_space<vmem>> -> memref<64x128xf32, #tpu.memory_space<vmem>>
        %dma_start3A_577 = arith.constant 0 : i32
        %dma_start3A_578 = arith.constant 0 : i32
        %dma_start3A_579 = tpu.memref_slice %arg5[%mul3A_117, %select_n3A, %dma_start3A_577, %dma_start3A_572, %dma_start3A_578] : memref<26x4x128x8x128xf32, #tpu.memory_space<hbm>> -> memref<1x1x64x1x128xf32, #tpu.memory_space<hbm>>
        %dma_start3A_580 = tpu.memref_squeeze %dma_start3A_579 : memref<1x1x64x1x128xf32, #tpu.memory_space<hbm>> -> memref<64x128xf32, #tpu.memory_space<hbm>>
        %dma_start3A_581 = arith.constant 0 : i32
        %dma_start3A_582 = arith.constant 0 : i32
        %dma_start3A_583 = tpu.memref_slice %arg5[%mul3A_117, %select_n3A, %dma_start3A_581, %dma_start3A_572, %dma_start3A_582] : memref<26x4x128x8x128xf32, #tpu.memory_space<hbm>> -> memref<1x1x64x1x128xf32, #tpu.memory_space<hbm>>
        %dma_start3A_584 = tpu.memref_squeeze %dma_start3A_583 : memref<1x1x64x1x128xf32, #tpu.memory_space<hbm>> -> memref<64x128xf32, #tpu.memory_space<hbm>>
        %dma_start3A_585 = arith.constant 0 : i32
        %dma_start3A_586 = arith.constant 0 : i32
        %dma_start3A_587 = tpu.memref_slice %arg8[%dma_start3A_571, %dma_start3A_585, %dma_start3A_586] : memref<2x64x128xf32, #tpu.memory_space<vmem>> -> memref<1x64x128xf32, #tpu.memory_space<vmem>>
        %dma_start3A_588 = tpu.memref_squeeze %dma_start3A_587 : memref<1x64x128xf32, #tpu.memory_space<vmem>> -> memref<64x128xf32, #tpu.memory_space<vmem>>
        tpu.enqueue_dma source(%dma_start3A_588 : memref<64x128xf32, #tpu.memory_space<vmem>>) target(%dma_start3A_584 : memref<64x128xf32, #tpu.memory_space<hbm>>) target_semaphore(%arg13 : memref<!tpu.dma_semaphore, #tpu.memory_space<semaphore_mem>>)
      } else {
      }
      %ge3A_382 = arith.constant 1 : i32
      %ge3A_383 = arith.cmpi sge, %mul3A_117, %ge3A_382 : i32
      %convert_element_type3A_384 = arith.extui %ge3A_383 : i1 to i32
      %cond3A_385 = arith.constant 0 : i32
      %cond3A_386 = arith.cmpi ne, %convert_element_type3A_384, %cond3A_385 : i32
      scf.if %cond3A_386 {
        %dma_wait3A_571 = arith.constant 0 : i32
        %dma_wait3A_572 = arith.constant 0 : i32
        %dma_wait3A_573 = arith.constant 0 : i32
        %dma_wait3A_574 = arith.constant 1 : i32
        %dma_wait3A_575 = arith.constant 0 : i32
        %dma_wait3A_576 = arith.constant 0 : i32
        %dma_wait3A_577 = tpu.memref_slice %arg8[%dma_wait3A_574, %dma_wait3A_575, %dma_wait3A_576] : memref<2x64x128xf32, #tpu.memory_space<vmem>> -> memref<1x64x128xf32, #tpu.memory_space<vmem>>
        %dma_wait3A_578 = tpu.memref_squeeze %dma_wait3A_577 : memref<1x64x128xf32, #tpu.memory_space<vmem>> -> memref<64x128xf32, #tpu.memory_space<vmem>>
        %dma_wait3A_579 = arith.constant 0 : i32
        %dma_wait3A_580 = arith.constant 0 : i32
        %dma_wait3A_581 = tpu.memref_slice %arg5[%dma_wait3A_571, %dma_wait3A_572, %dma_wait3A_579, %dma_wait3A_573, %dma_wait3A_580] : memref<26x4x128x8x128xf32, #tpu.memory_space<hbm>> -> memref<1x1x64x1x128xf32, #tpu.memory_space<hbm>>
        %dma_wait3A_582 = tpu.memref_squeeze %dma_wait3A_581 : memref<1x1x64x1x128xf32, #tpu.memory_space<hbm>> -> memref<64x128xf32, #tpu.memory_space<hbm>>
        %dma_wait3A_583 = arith.constant 0 : i32
        %dma_wait3A_584 = arith.constant 0 : i32
        %dma_wait3A_585 = tpu.memref_slice %arg8[%dma_wait3A_574, %dma_wait3A_583, %dma_wait3A_584] : memref<2x64x128xf32, #tpu.memory_space<vmem>> -> memref<1x64x128xf32, #tpu.memory_space<vmem>>
        %dma_wait3A_586 = tpu.memref_squeeze %dma_wait3A_585 : memref<1x64x128xf32, #tpu.memory_space<vmem>> -> memref<64x128xf32, #tpu.memory_space<vmem>>
        %dma_wait3A_587 = arith.constant 0 : i32
        %dma_wait3A_588 = arith.constant 0 : i32
        %dma_wait3A_589 = tpu.memref_slice %arg5[%dma_wait3A_571, %dma_wait3A_572, %dma_wait3A_587, %dma_wait3A_573, %dma_wait3A_588] : memref<26x4x128x8x128xf32, #tpu.memory_space<hbm>> -> memref<1x1x64x1x128xf32, #tpu.memory_space<hbm>>
        %dma_wait3A_590 = tpu.memref_squeeze %dma_wait3A_589 : memref<1x1x64x1x128xf32, #tpu.memory_space<hbm>> -> memref<64x128xf32, #tpu.memory_space<hbm>>
        tpu.wait_dma2 semaphore(%arg14 : memref<!tpu.dma_semaphore, #tpu.memory_space<semaphore_mem>>) src(%dma_wait3A_590 : memref<64x128xf32, #tpu.memory_space<hbm>>) dst(%dma_wait3A_586 : memref<64x128xf32, #tpu.memory_space<vmem>>)
      } else {
      }
      %parallel_loop3A_387 = arith.constant 0 : i32
      %parallel_loop3A_388 = arith.constant 64 : i32
      %parallel_loop3A_389 = arith.constant 1 : i32
      scf.for %parallel_loop3A_571 = %parallel_loop3A_387 to %parallel_loop3A_388 step %parallel_loop3A_389  : i32 {
        %parallel_loop3A_572 = arith.constant 64 : i32
        %parallel_loop3A_573 = arith.addi %parallel_loop3A_572, %parallel_loop3A_571 : i32
        %parallel_loop3A_574 = arith.constant 128 : i32
        %parallel_loop3A_575 = arith.muli %parallel_loop3A_573, %parallel_loop3A_574 : i32
        %parallel_loop3A_576 = arith.constant 0 : i32
        %parallel_loop3A_577 = arith.addi %parallel_loop3A_576, %parallel_loop3A_575 : i32
        %parallel_loop3A_578 = arith.constant 0 : i32
        %parallel_loop3A_579 = arith.addi %parallel_loop3A_577, %parallel_loop3A_578 : i32
        %parallel_loop3A_580 = arith.index_cast %parallel_loop3A_579 : i32 to index
        %parallel_loop3A_581 = tpu.vector_load %arg7[%parallel_loop3A_580] {strides = array<i32>} : memref<32768xi32, #tpu.memory_space<vmem>>, vector<16xi32>,
        %parallel_loop3A_582 = arith.constant 0 : i32
        %parallel_loop3A_583 = arith.addi %rem3A_335, %parallel_loop3A_582 : i32
        %parallel_loop3A_584 = vector.broadcast %parallel_loop3A_583 : i32 to vector<16xi32>
        %parallel_loop3A_585 = arith.addi %parallel_loop3A_581, %parallel_loop3A_584 : vector<16xi32>
        %parallel_loop3A_586 = tpu.vector_load_idx %arg6[%parallel_loop3A_585] : memref<77312xf32, #tpu.memory_space<vmem>>[vector<16xi32>], vector<16xf32>,
        %parallel_loop3A_587 = arith.constant 1 : i32
        %parallel_loop3A_588 = arith.index_cast %parallel_loop3A_587 : i32 to index
        %parallel_loop3A_589 = arith.index_cast %parallel_loop3A_571 : i32 to index
        %parallel_loop3A_590 = arith.constant 0 : index
        %parallel_loop3A_591 = tpu.vector_load %arg8[%parallel_loop3A_588, %parallel_loop3A_589, %parallel_loop3A_590] {strides = array<i32>} : memref<2x64x128xf32, #tpu.memory_space<vmem>>, vector<16xf32>,
        tpu.vector_store %arg8[%parallel_loop3A_588, %parallel_loop3A_589, %parallel_loop3A_590], %parallel_loop3A_586 {strides = array<i32>} : memref<2x64x128xf32, #tpu.memory_space<vmem>>, vector<16xf32>,
        %parallel_loop3A_592 = arith.constant 64 : i32
        %parallel_loop3A_593 = arith.addi %parallel_loop3A_592, %parallel_loop3A_571 : i32
        %parallel_loop3A_594 = arith.constant 128 : i32
        %parallel_loop3A_595 = arith.muli %parallel_loop3A_593, %parallel_loop3A_594 : i32
        %parallel_loop3A_596 = arith.constant 0 : i32
        %parallel_loop3A_597 = arith.addi %parallel_loop3A_596, %parallel_loop3A_595 : i32
        %parallel_loop3A_598 = arith.constant 16 : i32
        %parallel_loop3A_599 = arith.addi %parallel_loop3A_597, %parallel_loop3A_598 : i32
        %parallel_loop3A_600 = arith.index_cast %parallel_loop3A_599 : i32 to index
        %parallel_loop3A_601 = tpu.vector_load %arg7[%parallel_loop3A_600] {strides = array<i32>} : memref<32768xi32, #tpu.memory_space<vmem>>, vector<16xi32>,
        %parallel_loop3A_602 = arith.constant 0 : i32
        %parallel_loop3A_603 = arith.addi %rem3A_335, %parallel_loop3A_602 : i32
        %parallel_loop3A_604 = vector.broadcast %parallel_loop3A_603 : i32 to vector<16xi32>
        %parallel_loop3A_605 = arith.addi %parallel_loop3A_601, %parallel_loop3A_604 : vector<16xi32>
        %parallel_loop3A_606 = tpu.vector_load_idx %arg6[%parallel_loop3A_605] : memref<77312xf32, #tpu.memory_space<vmem>>[vector<16xi32>], vector<16xf32>,
        %parallel_loop3A_607 = arith.constant 1 : i32
        %parallel_loop3A_608 = arith.index_cast %parallel_loop3A_607 : i32 to index
        %parallel_loop3A_609 = arith.index_cast %parallel_loop3A_571 : i32 to index
        %parallel_loop3A_610 = arith.constant 16 : index
        %parallel_loop3A_611 = tpu.vector_load %arg8[%parallel_loop3A_608, %parallel_loop3A_609, %parallel_loop3A_610] {strides = array<i32>} : memref<2x64x128xf32, #tpu.memory_space<vmem>>, vector<16xf32>,
        tpu.vector_store %arg8[%parallel_loop3A_608, %parallel_loop3A_609, %parallel_loop3A_610], %parallel_loop3A_606 {strides = array<i32>} : memref<2x64x128xf32, #tpu.memory_space<vmem>>, vector<16xf32>,
        %parallel_loop3A_612 = arith.constant 64 : i32
        %parallel_loop3A_613 = arith.addi %parallel_loop3A_612, %parallel_loop3A_571 : i32
        %parallel_loop3A_614 = arith.constant 128 : i32
        %parallel_loop3A_615 = arith.muli %parallel_loop3A_613, %parallel_loop3A_614 : i32
        %parallel_loop3A_616 = arith.constant 0 : i32
        %parallel_loop3A_617 = arith.addi %parallel_loop3A_616, %parallel_loop3A_615 : i32
        %parallel_loop3A_618 = arith.constant 32 : i32
        %parallel_loop3A_619 = arith.addi %parallel_loop3A_617, %parallel_loop3A_618 : i32
        %parallel_loop3A_620 = arith.index_cast %parallel_loop3A_619 : i32 to index
        %parallel_loop3A_621 = tpu.vector_load %arg7[%parallel_loop3A_620] {strides = array<i32>} : memref<32768xi32, #tpu.memory_space<vmem>>, vector<16xi32>,
        %parallel_loop3A_622 = arith.constant 0 : i32
        %parallel_loop3A_623 = arith.addi %rem3A_335, %parallel_loop3A_622 : i32
        %parallel_loop3A_624 = vector.broadcast %parallel_loop3A_623 : i32 to vector<16xi32>
        %parallel_loop3A_625 = arith.addi %parallel_loop3A_621, %parallel_loop3A_624 : vector<16xi32>
        %parallel_loop3A_626 = tpu.vector_load_idx %arg6[%parallel_loop3A_625] : memref<77312xf32, #tpu.memory_space<vmem>>[vector<16xi32>], vector<16xf32>,
        %parallel_loop3A_627 = arith.constant 1 : i32
        %parallel_loop3A_628 = arith.index_cast %parallel_loop3A_627 : i32 to index
        %parallel_loop3A_629 = arith.index_cast %parallel_loop3A_571 : i32 to index
        %parallel_loop3A_630 = arith.constant 32 : index
        %parallel_loop3A_631 = tpu.vector_load %arg8[%parallel_loop3A_628, %parallel_loop3A_629, %parallel_loop3A_630] {strides = array<i32>} : memref<2x64x128xf32, #tpu.memory_space<vmem>>, vector<16xf32>,
        tpu.vector_store %arg8[%parallel_loop3A_628, %parallel_loop3A_629, %parallel_loop3A_630], %parallel_loop3A_626 {strides = array<i32>} : memref<2x64x128xf32, #tpu.memory_space<vmem>>, vector<16xf32>,
        %parallel_loop3A_632 = arith.constant 64 : i32
        %parallel_loop3A_633 = arith.addi %parallel_loop3A_632, %parallel_loop3A_571 : i32
        %parallel_loop3A_634 = arith.constant 128 : i32
        %parallel_loop3A_635 = arith.muli %parallel_loop3A_633, %parallel_loop3A_634 : i32
        %parallel_loop3A_636 = arith.constant 0 : i32
        %parallel_loop3A_637 = arith.addi %parallel_loop3A_636, %parallel_loop3A_635 : i32
        %parallel_loop3A_638 = arith.constant 48 : i32
        %parallel_loop3A_639 = arith.addi %parallel_loop3A_637, %parallel_loop3A_638 : i32
        %parallel_loop3A_640 = arith.index_cast %parallel_loop3A_639 : i32 to index
        %parallel_loop3A_641 = tpu.vector_load %arg7[%parallel_loop3A_640] {strides = array<i32>} : memref<32768xi32, #tpu.memory_space<vmem>>, vector<16xi32>,
        %parallel_loop3A_642 = arith.constant 0 : i32
        %parallel_loop3A_643 = arith.addi %rem3A_335, %parallel_loop3A_642 : i32
        %parallel_loop3A_644 = vector.broadcast %parallel_loop3A_643 : i32 to vector<16xi32>
        %parallel_loop3A_645 = arith.addi %parallel_loop3A_641, %parallel_loop3A_644 : vector<16xi32>
        %parallel_loop3A_646 = tpu.vector_load_idx %arg6[%parallel_loop3A_645] : memref<77312xf32, #tpu.memory_space<vmem>>[vector<16xi32>], vector<16xf32>,
        %parallel_loop3A_647 = arith.constant 1 : i32
        %parallel_loop3A_648 = arith.index_cast %parallel_loop3A_647 : i32 to index
        %parallel_loop3A_649 = arith.index_cast %parallel_loop3A_571 : i32 to index
        %parallel_loop3A_650 = arith.constant 48 : index
        %parallel_loop3A_651 = tpu.vector_load %arg8[%parallel_loop3A_648, %parallel_loop3A_649, %parallel_loop3A_650] {strides = array<i32>} : memref<2x64x128xf32, #tpu.memory_space<vmem>>, vector<16xf32>,
        tpu.vector_store %arg8[%parallel_loop3A_648, %parallel_loop3A_649, %parallel_loop3A_650], %parallel_loop3A_646 {strides = array<i32>} : memref<2x64x128xf32, #tpu.memory_space<vmem>>, vector<16xf32>,
        %parallel_loop3A_652 = arith.constant 64 : i32
        %parallel_loop3A_653 = arith.addi %parallel_loop3A_652, %parallel_loop3A_571 : i32
        %parallel_loop3A_654 = arith.constant 128 : i32
        %parallel_loop3A_655 = arith.muli %parallel_loop3A_653, %parallel_loop3A_654 : i32
        %parallel_loop3A_656 = arith.constant 0 : i32
        %parallel_loop3A_657 = arith.addi %parallel_loop3A_656, %parallel_loop3A_655 : i32
        %parallel_loop3A_658 = arith.constant 64 : i32
        %parallel_loop3A_659 = arith.addi %parallel_loop3A_657, %parallel_loop3A_658 : i32
        %parallel_loop3A_660 = arith.index_cast %parallel_loop3A_659 : i32 to index
        %parallel_loop3A_661 = tpu.vector_load %arg7[%parallel_loop3A_660] {strides = array<i32>} : memref<32768xi32, #tpu.memory_space<vmem>>, vector<16xi32>,
        %parallel_loop3A_662 = arith.constant 0 : i32
        %parallel_loop3A_663 = arith.addi %rem3A_335, %parallel_loop3A_662 : i32
        %parallel_loop3A_664 = vector.broadcast %parallel_loop3A_663 : i32 to vector<16xi32>
        %parallel_loop3A_665 = arith.addi %parallel_loop3A_661, %parallel_loop3A_664 : vector<16xi32>
        %parallel_loop3A_666 = tpu.vector_load_idx %arg6[%parallel_loop3A_665] : memref<77312xf32, #tpu.memory_space<vmem>>[vector<16xi32>], vector<16xf32>,
        %parallel_loop3A_667 = arith.constant 1 : i32
        %parallel_loop3A_668 = arith.index_cast %parallel_loop3A_667 : i32 to index
        %parallel_loop3A_669 = arith.index_cast %parallel_loop3A_571 : i32 to index
        %parallel_loop3A_670 = arith.constant 64 : index
        %parallel_loop3A_671 = tpu.vector_load %arg8[%parallel_loop3A_668, %parallel_loop3A_669, %parallel_loop3A_670] {strides = array<i32>} : memref<2x64x128xf32, #tpu.memory_space<vmem>>, vector<16xf32>,
        tpu.vector_store %arg8[%parallel_loop3A_668, %parallel_loop3A_669, %parallel_loop3A_670], %parallel_loop3A_666 {strides = array<i32>} : memref<2x64x128xf32, #tpu.memory_space<vmem>>, vector<16xf32>,
        %parallel_loop3A_672 = arith.constant 64 : i32
        %parallel_loop3A_673 = arith.addi %parallel_loop3A_672, %parallel_loop3A_571 : i32
        %parallel_loop3A_674 = arith.constant 128 : i32
        %parallel_loop3A_675 = arith.muli %parallel_loop3A_673, %parallel_loop3A_674 : i32
        %parallel_loop3A_676 = arith.constant 0 : i32
        %parallel_loop3A_677 = arith.addi %parallel_loop3A_676, %parallel_loop3A_675 : i32
        %parallel_loop3A_678 = arith.constant 80 : i32
        %parallel_loop3A_679 = arith.addi %parallel_loop3A_677, %parallel_loop3A_678 : i32
        %parallel_loop3A_680 = arith.index_cast %parallel_loop3A_679 : i32 to index
        %parallel_loop3A_681 = tpu.vector_load %arg7[%parallel_loop3A_680] {strides = array<i32>} : memref<32768xi32, #tpu.memory_space<vmem>>, vector<16xi32>,
        %parallel_loop3A_682 = arith.constant 0 : i32
        %parallel_loop3A_683 = arith.addi %rem3A_335, %parallel_loop3A_682 : i32
        %parallel_loop3A_684 = vector.broadcast %parallel_loop3A_683 : i32 to vector<16xi32>
        %parallel_loop3A_685 = arith.addi %parallel_loop3A_681, %parallel_loop3A_684 : vector<16xi32>
        %parallel_loop3A_686 = tpu.vector_load_idx %arg6[%parallel_loop3A_685] : memref<77312xf32, #tpu.memory_space<vmem>>[vector<16xi32>], vector<16xf32>,
        %parallel_loop3A_687 = arith.constant 1 : i32
        %parallel_loop3A_688 = arith.index_cast %parallel_loop3A_687 : i32 to index
        %parallel_loop3A_689 = arith.index_cast %parallel_loop3A_571 : i32 to index
        %parallel_loop3A_690 = arith.constant 80 : index
        %parallel_loop3A_691 = tpu.vector_load %arg8[%parallel_loop3A_688, %parallel_loop3A_689, %parallel_loop3A_690] {strides = array<i32>} : memref<2x64x128xf32, #tpu.memory_space<vmem>>, vector<16xf32>,
        tpu.vector_store %arg8[%parallel_loop3A_688, %parallel_loop3A_689, %parallel_loop3A_690], %parallel_loop3A_686 {strides = array<i32>} : memref<2x64x128xf32, #tpu.memory_space<vmem>>, vector<16xf32>,
        %parallel_loop3A_692 = arith.constant 64 : i32
        %parallel_loop3A_693 = arith.addi %parallel_loop3A_692, %parallel_loop3A_571 : i32
        %parallel_loop3A_694 = arith.constant 128 : i32
        %parallel_loop3A_695 = arith.muli %parallel_loop3A_693, %parallel_loop3A_694 : i32
        %parallel_loop3A_696 = arith.constant 0 : i32
        %parallel_loop3A_697 = arith.addi %parallel_loop3A_696, %parallel_loop3A_695 : i32
        %parallel_loop3A_698 = arith.constant 96 : i32
        %parallel_loop3A_699 = arith.addi %parallel_loop3A_697, %parallel_loop3A_698 : i32
        %parallel_loop3A_700 = arith.index_cast %parallel_loop3A_699 : i32 to index
        %parallel_loop3A_701 = tpu.vector_load %arg7[%parallel_loop3A_700] {strides = array<i32>} : memref<32768xi32, #tpu.memory_space<vmem>>, vector<16xi32>,
        %parallel_loop3A_702 = arith.constant 0 : i32
        %parallel_loop3A_703 = arith.addi %rem3A_335, %parallel_loop3A_702 : i32
        %parallel_loop3A_704 = vector.broadcast %parallel_loop3A_703 : i32 to vector<16xi32>
        %parallel_loop3A_705 = arith.addi %parallel_loop3A_701, %parallel_loop3A_704 : vector<16xi32>
        %parallel_loop3A_706 = tpu.vector_load_idx %arg6[%parallel_loop3A_705] : memref<77312xf32, #tpu.memory_space<vmem>>[vector<16xi32>], vector<16xf32>,
        %parallel_loop3A_707 = arith.constant 1 : i32
        %parallel_loop3A_708 = arith.index_cast %parallel_loop3A_707 : i32 to index
        %parallel_loop3A_709 = arith.index_cast %parallel_loop3A_571 : i32 to index
        %parallel_loop3A_710 = arith.constant 96 : index
        %parallel_loop3A_711 = tpu.vector_load %arg8[%parallel_loop3A_708, %parallel_loop3A_709, %parallel_loop3A_710] {strides = array<i32>} : memref<2x64x128xf32, #tpu.memory_space<vmem>>, vector<16xf32>,
        tpu.vector_store %arg8[%parallel_loop3A_708, %parallel_loop3A_709, %parallel_loop3A_710], %parallel_loop3A_706 {strides = array<i32>} : memref<2x64x128xf32, #tpu.memory_space<vmem>>, vector<16xf32>,
        %parallel_loop3A_712 = arith.constant 64 : i32
        %parallel_loop3A_713 = arith.addi %parallel_loop3A_712, %parallel_loop3A_571 : i32
        %parallel_loop3A_714 = arith.constant 128 : i32
        %parallel_loop3A_715 = arith.muli %parallel_loop3A_713, %parallel_loop3A_714 : i32
        %parallel_loop3A_716 = arith.constant 0 : i32
        %parallel_loop3A_717 = arith.addi %parallel_loop3A_716, %parallel_loop3A_715 : i32
        %parallel_loop3A_718 = arith.constant 112 : i32
        %parallel_loop3A_719 = arith.addi %parallel_loop3A_717, %parallel_loop3A_718 : i32
        %parallel_loop3A_720 = arith.index_cast %parallel_loop3A_719 : i32 to index
        %parallel_loop3A_721 = tpu.vector_load %arg7[%parallel_loop3A_720] {strides = array<i32>} : memref<32768xi32, #tpu.memory_space<vmem>>, vector<16xi32>,
        %parallel_loop3A_722 = arith.constant 0 : i32
        %parallel_loop3A_723 = arith.addi %rem3A_335, %parallel_loop3A_722 : i32
        %parallel_loop3A_724 = vector.broadcast %parallel_loop3A_723 : i32 to vector<16xi32>
        %parallel_loop3A_725 = arith.addi %parallel_loop3A_721, %parallel_loop3A_724 : vector<16xi32>
        %parallel_loop3A_726 = tpu.vector_load_idx %arg6[%parallel_loop3A_725] : memref<77312xf32, #tpu.memory_space<vmem>>[vector<16xi32>], vector<16xf32>,
        %parallel_loop3A_727 = arith.constant 1 : i32
        %parallel_loop3A_728 = arith.index_cast %parallel_loop3A_727 : i32 to index
        %parallel_loop3A_729 = arith.index_cast %parallel_loop3A_571 : i32 to index
        %parallel_loop3A_730 = arith.constant 112 : index
        %parallel_loop3A_731 = tpu.vector_load %arg8[%parallel_loop3A_728, %parallel_loop3A_729, %parallel_loop3A_730] {strides = array<i32>} : memref<2x64x128xf32, #tpu.memory_space<vmem>>, vector<16xf32>,
        tpu.vector_store %arg8[%parallel_loop3A_728, %parallel_loop3A_729, %parallel_loop3A_730], %parallel_loop3A_726 {strides = array<i32>} : memref<2x64x128xf32, #tpu.memory_space<vmem>>, vector<16xf32>,
      } {sc.loop_unroll_factor = 1 : i64, sc.parallel_access}
      %eq3A_390 = arith.constant 0 : i32
      %eq3A_391 = arith.cmpi eq, %rem3A_18, %eq3A_390 : i32
      %convert_element_type3A_392 = arith.extui %eq3A_391 : i1 to i32
      %cond3A_393 = arith.constant 0 : i32
      %cond3A_394 = arith.cmpi ne, %convert_element_type3A_392, %cond3A_393 : i32
      scf.if %cond3A_394 {
        %dma_start3A_571 = arith.constant 1 : i32
        %dma_start3A_572 = arith.constant 0 : i32
        %dma_start3A_573 = arith.constant 0 : i32
        %dma_start3A_574 = arith.constant 0 : i32
        %dma_start3A_575 = tpu.memref_slice %arg8[%dma_start3A_571, %dma_start3A_573, %dma_start3A_574] : memref<2x64x128xf32, #tpu.memory_space<vmem>> -> memref<1x64x128xf32, #tpu.memory_space<vmem>>
        %dma_start3A_576 = tpu.memref_squeeze %dma_start3A_575 : memref<1x64x128xf32, #tpu.memory_space<vmem>> -> memref<64x128xf32, #tpu.memory_space<vmem>>
        %dma_start3A_577 = arith.constant 64 : i32
        %dma_start3A_578 = arith.constant 0 : i32
        %dma_start3A_579 = tpu.memref_slice %arg5[%mul3A_117, %select_n3A, %dma_start3A_577, %dma_start3A_572, %dma_start3A_578] : memref<26x4x128x8x128xf32, #tpu.memory_space<hbm>> -> memref<1x1x64x1x128xf32, #tpu.memory_space<hbm>>
        %dma_start3A_580 = tpu.memref_squeeze %dma_start3A_579 : memref<1x1x64x1x128xf32, #tpu.memory_space<hbm>> -> memref<64x128xf32, #tpu.memory_space<hbm>>
        %dma_start3A_581 = arith.constant 64 : i32
        %dma_start3A_582 = arith.constant 0 : i32
        %dma_start3A_583 = tpu.memref_slice %arg5[%mul3A_117, %select_n3A, %dma_start3A_581, %dma_start3A_572, %dma_start3A_582] : memref<26x4x128x8x128xf32, #tpu.memory_space<hbm>> -> memref<1x1x64x1x128xf32, #tpu.memory_space<hbm>>
        %dma_start3A_584 = tpu.memref_squeeze %dma_start3A_583 : memref<1x1x64x1x128xf32, #tpu.memory_space<hbm>> -> memref<64x128xf32, #tpu.memory_space<hbm>>
        %dma_start3A_585 = arith.constant 0 : i32
        %dma_start3A_586 = arith.constant 0 : i32
        %dma_start3A_587 = tpu.memref_slice %arg8[%dma_start3A_571, %dma_start3A_585, %dma_start3A_586] : memref<2x64x128xf32, #tpu.memory_space<vmem>> -> memref<1x64x128xf32, #tpu.memory_space<vmem>>
        %dma_start3A_588 = tpu.memref_squeeze %dma_start3A_587 : memref<1x64x128xf32, #tpu.memory_space<vmem>> -> memref<64x128xf32, #tpu.memory_space<vmem>>
        tpu.enqueue_dma source(%dma_start3A_588 : memref<64x128xf32, #tpu.memory_space<vmem>>) target(%dma_start3A_584 : memref<64x128xf32, #tpu.memory_space<hbm>>) target_semaphore(%arg14 : memref<!tpu.dma_semaphore, #tpu.memory_space<semaphore_mem>>)
      } else {
      }
      %eq3A_395 = arith.constant 1 : i32
      %eq3A_396 = arith.cmpi eq, %rem3A_18, %eq3A_395 : i32
      %convert_element_type3A_397 = arith.extui %eq3A_396 : i1 to i32
      %cond3A_398 = arith.constant 0 : i32
      %cond3A_399 = arith.cmpi ne, %convert_element_type3A_397, %cond3A_398 : i32
      scf.if %cond3A_399 {
        %dma_start3A_571 = arith.constant 1 : i32
        %dma_start3A_572 = arith.constant 1 : i32
        %dma_start3A_573 = arith.constant 0 : i32
        %dma_start3A_574 = arith.constant 0 : i32
        %dma_start3A_575 = tpu.memref_slice %arg8[%dma_start3A_571, %dma_start3A_573, %dma_start3A_574] : memref<2x64x128xf32, #tpu.memory_space<vmem>> -> memref<1x64x128xf32, #tpu.memory_space<vmem>>
        %dma_start3A_576 = tpu.memref_squeeze %dma_start3A_575 : memref<1x64x128xf32, #tpu.memory_space<vmem>> -> memref<64x128xf32, #tpu.memory_space<vmem>>
        %dma_start3A_577 = arith.constant 64 : i32
        %dma_start3A_578 = arith.constant 0 : i32
        %dma_start3A_579 = tpu.memref_slice %arg5[%mul3A_117, %select_n3A, %dma_start3A_577, %dma_start3A_572, %dma_start3A_578] : memref<26x4x128x8x128xf32, #tpu.memory_space<hbm>> -> memref<1x1x64x1x128xf32, #tpu.memory_space<hbm>>
        %dma_start3A_580 = tpu.memref_squeeze %dma_start3A_579 : memref<1x1x64x1x128xf32, #tpu.memory_space<hbm>> -> memref<64x128xf32, #tpu.memory_space<hbm>>
        %dma_start3A_581 = arith.constant 64 : i32
        %dma_start3A_582 = arith.constant 0 : i32
        %dma_start3A_583 = tpu.memref_slice %arg5[%mul3A_117, %select_n3A, %dma_start3A_581, %dma_start3A_572, %dma_start3A_582] : memref<26x4x128x8x128xf32, #tpu.memory_space<hbm>> -> memref<1x1x64x1x128xf32, #tpu.memory_space<hbm>>
        %dma_start3A_584 = tpu.memref_squeeze %dma_start3A_583 : memref<1x1x64x1x128xf32, #tpu.memory_space<hbm>> -> memref<64x128xf32, #tpu.memory_space<hbm>>
        %dma_start3A_585 = arith.constant 0 : i32
        %dma_start3A_586 = arith.constant 0 : i32
        %dma_start3A_587 = tpu.memref_slice %arg8[%dma_start3A_571, %dma_start3A_585, %dma_start3A_586] : memref<2x64x128xf32, #tpu.memory_space<vmem>> -> memref<1x64x128xf32, #tpu.memory_space<vmem>>
        %dma_start3A_588 = tpu.memref_squeeze %dma_start3A_587 : memref<1x64x128xf32, #tpu.memory_space<vmem>> -> memref<64x128xf32, #tpu.memory_space<vmem>>
        tpu.enqueue_dma source(%dma_start3A_588 : memref<64x128xf32, #tpu.memory_space<vmem>>) target(%dma_start3A_584 : memref<64x128xf32, #tpu.memory_space<hbm>>) target_semaphore(%arg14 : memref<!tpu.dma_semaphore, #tpu.memory_space<semaphore_mem>>)
      } else {
      }
      %eq3A_400 = arith.constant 2 : i32
      %eq3A_401 = arith.cmpi eq, %rem3A_18, %eq3A_400 : i32
      %convert_element_type3A_402 = arith.extui %eq3A_401 : i1 to i32
      %cond3A_403 = arith.constant 0 : i32
      %cond3A_404 = arith.cmpi ne, %convert_element_type3A_402, %cond3A_403 : i32
      scf.if %cond3A_404 {
        %dma_start3A_571 = arith.constant 1 : i32
        %dma_start3A_572 = arith.constant 2 : i32
        %dma_start3A_573 = arith.constant 0 : i32
        %dma_start3A_574 = arith.constant 0 : i32
        %dma_start3A_575 = tpu.memref_slice %arg8[%dma_start3A_571, %dma_start3A_573, %dma_start3A_574] : memref<2x64x128xf32, #tpu.memory_space<vmem>> -> memref<1x64x128xf32, #tpu.memory_space<vmem>>
        %dma_start3A_576 = tpu.memref_squeeze %dma_start3A_575 : memref<1x64x128xf32, #tpu.memory_space<vmem>> -> memref<64x128xf32, #tpu.memory_space<vmem>>
        %dma_start3A_577 = arith.constant 64 : i32
        %dma_start3A_578 = arith.constant 0 : i32
        %dma_start3A_579 = tpu.memref_slice %arg5[%mul3A_117, %select_n3A, %dma_start3A_577, %dma_start3A_572, %dma_start3A_578] : memref<26x4x128x8x128xf32, #tpu.memory_space<hbm>> -> memref<1x1x64x1x128xf32, #tpu.memory_space<hbm>>
        %dma_start3A_580 = tpu.memref_squeeze %dma_start3A_579 : memref<1x1x64x1x128xf32, #tpu.memory_space<hbm>> -> memref<64x128xf32, #tpu.memory_space<hbm>>
        %dma_start3A_581 = arith.constant 64 : i32
        %dma_start3A_582 = arith.constant 0 : i32
        %dma_start3A_583 = tpu.memref_slice %arg5[%mul3A_117, %select_n3A, %dma_start3A_581, %dma_start3A_572, %dma_start3A_582] : memref<26x4x128x8x128xf32, #tpu.memory_space<hbm>> -> memref<1x1x64x1x128xf32, #tpu.memory_space<hbm>>
        %dma_start3A_584 = tpu.memref_squeeze %dma_start3A_583 : memref<1x1x64x1x128xf32, #tpu.memory_space<hbm>> -> memref<64x128xf32, #tpu.memory_space<hbm>>
        %dma_start3A_585 = arith.constant 0 : i32
        %dma_start3A_586 = arith.constant 0 : i32
        %dma_start3A_587 = tpu.memref_slice %arg8[%dma_start3A_571, %dma_start3A_585, %dma_start3A_586] : memref<2x64x128xf32, #tpu.memory_space<vmem>> -> memref<1x64x128xf32, #tpu.memory_space<vmem>>
        %dma_start3A_588 = tpu.memref_squeeze %dma_start3A_587 : memref<1x64x128xf32, #tpu.memory_space<vmem>> -> memref<64x128xf32, #tpu.memory_space<vmem>>
        tpu.enqueue_dma source(%dma_start3A_588 : memref<64x128xf32, #tpu.memory_space<vmem>>) target(%dma_start3A_584 : memref<64x128xf32, #tpu.memory_space<hbm>>) target_semaphore(%arg14 : memref<!tpu.dma_semaphore, #tpu.memory_space<semaphore_mem>>)
      } else {
      }
      %eq3A_405 = arith.constant 3 : i32
      %eq3A_406 = arith.cmpi eq, %rem3A_18, %eq3A_405 : i32
      %convert_element_type3A_407 = arith.extui %eq3A_406 : i1 to i32
      %cond3A_408 = arith.constant 0 : i32
      %cond3A_409 = arith.cmpi ne, %convert_element_type3A_407, %cond3A_408 : i32
      scf.if %cond3A_409 {
        %dma_start3A_571 = arith.constant 1 : i32
        %dma_start3A_572 = arith.constant 3 : i32
        %dma_start3A_573 = arith.constant 0 : i32
        %dma_start3A_574 = arith.constant 0 : i32
        %dma_start3A_575 = tpu.memref_slice %arg8[%dma_start3A_571, %dma_start3A_573, %dma_start3A_574] : memref<2x64x128xf32, #tpu.memory_space<vmem>> -> memref<1x64x128xf32, #tpu.memory_space<vmem>>
        %dma_start3A_576 = tpu.memref_squeeze %dma_start3A_575 : memref<1x64x128xf32, #tpu.memory_space<vmem>> -> memref<64x128xf32, #tpu.memory_space<vmem>>
        %dma_start3A_577 = arith.constant 64 : i32
        %dma_start3A_578 = arith.constant 0 : i32
        %dma_start3A_579 = tpu.memref_slice %arg5[%mul3A_117, %select_n3A, %dma_start3A_577, %dma_start3A_572, %dma_start3A_578] : memref<26x4x128x8x128xf32, #tpu.memory_space<hbm>> -> memref<1x1x64x1x128xf32, #tpu.memory_space<hbm>>
        %dma_start3A_580 = tpu.memref_squeeze %dma_start3A_579 : memref<1x1x64x1x128xf32, #tpu.memory_space<hbm>> -> memref<64x128xf32, #tpu.memory_space<hbm>>
        %dma_start3A_581 = arith.constant 64 : i32
        %dma_start3A_582 = arith.constant 0 : i32
        %dma_start3A_583 = tpu.memref_slice %arg5[%mul3A_117, %select_n3A, %dma_start3A_581, %dma_start3A_572, %dma_start3A_582] : memref<26x4x128x8x128xf32, #tpu.memory_space<hbm>> -> memref<1x1x64x1x128xf32, #tpu.memory_space<hbm>>
        %dma_start3A_584 = tpu.memref_squeeze %dma_start3A_583 : memref<1x1x64x1x128xf32, #tpu.memory_space<hbm>> -> memref<64x128xf32, #tpu.memory_space<hbm>>
        %dma_start3A_585 = arith.constant 0 : i32
        %dma_start3A_586 = arith.constant 0 : i32
        %dma_start3A_587 = tpu.memref_slice %arg8[%dma_start3A_571, %dma_start3A_585, %dma_start3A_586] : memref<2x64x128xf32, #tpu.memory_space<vmem>> -> memref<1x64x128xf32, #tpu.memory_space<vmem>>
        %dma_start3A_588 = tpu.memref_squeeze %dma_start3A_587 : memref<1x64x128xf32, #tpu.memory_space<vmem>> -> memref<64x128xf32, #tpu.memory_space<vmem>>
        tpu.enqueue_dma source(%dma_start3A_588 : memref<64x128xf32, #tpu.memory_space<vmem>>) target(%dma_start3A_584 : memref<64x128xf32, #tpu.memory_space<hbm>>) target_semaphore(%arg14 : memref<!tpu.dma_semaphore, #tpu.memory_space<semaphore_mem>>)
      } else {
      }
      %eq3A_410 = arith.constant 4 : i32
      %eq3A_411 = arith.cmpi eq, %rem3A_18, %eq3A_410 : i32
      %convert_element_type3A_412 = arith.extui %eq3A_411 : i1 to i32
      %cond3A_413 = arith.constant 0 : i32
      %cond3A_414 = arith.cmpi ne, %convert_element_type3A_412, %cond3A_413 : i32
      scf.if %cond3A_414 {
        %dma_start3A_571 = arith.constant 1 : i32
        %dma_start3A_572 = arith.constant 4 : i32
        %dma_start3A_573 = arith.constant 0 : i32
        %dma_start3A_574 = arith.constant 0 : i32
        %dma_start3A_575 = tpu.memref_slice %arg8[%dma_start3A_571, %dma_start3A_573, %dma_start3A_574] : memref<2x64x128xf32, #tpu.memory_space<vmem>> -> memref<1x64x128xf32, #tpu.memory_space<vmem>>
        %dma_start3A_576 = tpu.memref_squeeze %dma_start3A_575 : memref<1x64x128xf32, #tpu.memory_space<vmem>> -> memref<64x128xf32, #tpu.memory_space<vmem>>
        %dma_start3A_577 = arith.constant 64 : i32
        %dma_start3A_578 = arith.constant 0 : i32
        %dma_start3A_579 = tpu.memref_slice %arg5[%mul3A_117, %select_n3A, %dma_start3A_577, %dma_start3A_572, %dma_start3A_578] : memref<26x4x128x8x128xf32, #tpu.memory_space<hbm>> -> memref<1x1x64x1x128xf32, #tpu.memory_space<hbm>>
        %dma_start3A_580 = tpu.memref_squeeze %dma_start3A_579 : memref<1x1x64x1x128xf32, #tpu.memory_space<hbm>> -> memref<64x128xf32, #tpu.memory_space<hbm>>
        %dma_start3A_581 = arith.constant 64 : i32
        %dma_start3A_582 = arith.constant 0 : i32
        %dma_start3A_583 = tpu.memref_slice %arg5[%mul3A_117, %select_n3A, %dma_start3A_581, %dma_start3A_572, %dma_start3A_582] : memref<26x4x128x8x128xf32, #tpu.memory_space<hbm>> -> memref<1x1x64x1x128xf32, #tpu.memory_space<hbm>>
        %dma_start3A_584 = tpu.memref_squeeze %dma_start3A_583 : memref<1x1x64x1x128xf32, #tpu.memory_space<hbm>> -> memref<64x128xf32, #tpu.memory_space<hbm>>
        %dma_start3A_585 = arith.constant 0 : i32
        %dma_start3A_586 = arith.constant 0 : i32
        %dma_start3A_587 = tpu.memref_slice %arg8[%dma_start3A_571, %dma_start3A_585, %dma_start3A_586] : memref<2x64x128xf32, #tpu.memory_space<vmem>> -> memref<1x64x128xf32, #tpu.memory_space<vmem>>
        %dma_start3A_588 = tpu.memref_squeeze %dma_start3A_587 : memref<1x64x128xf32, #tpu.memory_space<vmem>> -> memref<64x128xf32, #tpu.memory_space<vmem>>
        tpu.enqueue_dma source(%dma_start3A_588 : memref<64x128xf32, #tpu.memory_space<vmem>>) target(%dma_start3A_584 : memref<64x128xf32, #tpu.memory_space<hbm>>) target_semaphore(%arg14 : memref<!tpu.dma_semaphore, #tpu.memory_space<semaphore_mem>>)
      } else {
      }
      %eq3A_415 = arith.constant 5 : i32
      %eq3A_416 = arith.cmpi eq, %rem3A_18, %eq3A_415 : i32
      %convert_element_type3A_417 = arith.extui %eq3A_416 : i1 to i32
      %cond3A_418 = arith.constant 0 : i32
      %cond3A_419 = arith.cmpi ne, %convert_element_type3A_417, %cond3A_418 : i32
      scf.if %cond3A_419 {
        %dma_start3A_571 = arith.constant 1 : i32
        %dma_start3A_572 = arith.constant 5 : i32
        %dma_start3A_573 = arith.constant 0 : i32
        %dma_start3A_574 = arith.constant 0 : i32
        %dma_start3A_575 = tpu.memref_slice %arg8[%dma_start3A_571, %dma_start3A_573, %dma_start3A_574] : memref<2x64x128xf32, #tpu.memory_space<vmem>> -> memref<1x64x128xf32, #tpu.memory_space<vmem>>
        %dma_start3A_576 = tpu.memref_squeeze %dma_start3A_575 : memref<1x64x128xf32, #tpu.memory_space<vmem>> -> memref<64x128xf32, #tpu.memory_space<vmem>>
        %dma_start3A_577 = arith.constant 64 : i32
        %dma_start3A_578 = arith.constant 0 : i32
        %dma_start3A_579 = tpu.memref_slice %arg5[%mul3A_117, %select_n3A, %dma_start3A_577, %dma_start3A_572, %dma_start3A_578] : memref<26x4x128x8x128xf32, #tpu.memory_space<hbm>> -> memref<1x1x64x1x128xf32, #tpu.memory_space<hbm>>
        %dma_start3A_580 = tpu.memref_squeeze %dma_start3A_579 : memref<1x1x64x1x128xf32, #tpu.memory_space<hbm>> -> memref<64x128xf32, #tpu.memory_space<hbm>>
        %dma_start3A_581 = arith.constant 64 : i32
        %dma_start3A_582 = arith.constant 0 : i32
        %dma_start3A_583 = tpu.memref_slice %arg5[%mul3A_117, %select_n3A, %dma_start3A_581, %dma_start3A_572, %dma_start3A_582] : memref<26x4x128x8x128xf32, #tpu.memory_space<hbm>> -> memref<1x1x64x1x128xf32, #tpu.memory_space<hbm>>
        %dma_start3A_584 = tpu.memref_squeeze %dma_start3A_583 : memref<1x1x64x1x128xf32, #tpu.memory_space<hbm>> -> memref<64x128xf32, #tpu.memory_space<hbm>>
        %dma_start3A_585 = arith.constant 0 : i32
        %dma_start3A_586 = arith.constant 0 : i32
        %dma_start3A_587 = tpu.memref_slice %arg8[%dma_start3A_571, %dma_start3A_585, %dma_start3A_586] : memref<2x64x128xf32, #tpu.memory_space<vmem>> -> memref<1x64x128xf32, #tpu.memory_space<vmem>>
        %dma_start3A_588 = tpu.memref_squeeze %dma_start3A_587 : memref<1x64x128xf32, #tpu.memory_space<vmem>> -> memref<64x128xf32, #tpu.memory_space<vmem>>
        tpu.enqueue_dma source(%dma_start3A_588 : memref<64x128xf32, #tpu.memory_space<vmem>>) target(%dma_start3A_584 : memref<64x128xf32, #tpu.memory_space<hbm>>) target_semaphore(%arg14 : memref<!tpu.dma_semaphore, #tpu.memory_space<semaphore_mem>>)
      } else {
      }
      %eq3A_420 = arith.constant 6 : i32
      %eq3A_421 = arith.cmpi eq, %rem3A_18, %eq3A_420 : i32
      %convert_element_type3A_422 = arith.extui %eq3A_421 : i1 to i32
      %cond3A_423 = arith.constant 0 : i32
      %cond3A_424 = arith.cmpi ne, %convert_element_type3A_422, %cond3A_423 : i32
      scf.if %cond3A_424 {
        %dma_start3A_571 = arith.constant 1 : i32
        %dma_start3A_572 = arith.constant 6 : i32
        %dma_start3A_573 = arith.constant 0 : i32
        %dma_start3A_574 = arith.constant 0 : i32
        %dma_start3A_575 = tpu.memref_slice %arg8[%dma_start3A_571, %dma_start3A_573, %dma_start3A_574] : memref<2x64x128xf32, #tpu.memory_space<vmem>> -> memref<1x64x128xf32, #tpu.memory_space<vmem>>
        %dma_start3A_576 = tpu.memref_squeeze %dma_start3A_575 : memref<1x64x128xf32, #tpu.memory_space<vmem>> -> memref<64x128xf32, #tpu.memory_space<vmem>>
        %dma_start3A_577 = arith.constant 64 : i32
        %dma_start3A_578 = arith.constant 0 : i32
        %dma_start3A_579 = tpu.memref_slice %arg5[%mul3A_117, %select_n3A, %dma_start3A_577, %dma_start3A_572, %dma_start3A_578] : memref<26x4x128x8x128xf32, #tpu.memory_space<hbm>> -> memref<1x1x64x1x128xf32, #tpu.memory_space<hbm>>
        %dma_start3A_580 = tpu.memref_squeeze %dma_start3A_579 : memref<1x1x64x1x128xf32, #tpu.memory_space<hbm>> -> memref<64x128xf32, #tpu.memory_space<hbm>>
        %dma_start3A_581 = arith.constant 64 : i32
        %dma_start3A_582 = arith.constant 0 : i32
        %dma_start3A_583 = tpu.memref_slice %arg5[%mul3A_117, %select_n3A, %dma_start3A_581, %dma_start3A_572, %dma_start3A_582] : memref<26x4x128x8x128xf32, #tpu.memory_space<hbm>> -> memref<1x1x64x1x128xf32, #tpu.memory_space<hbm>>
        %dma_start3A_584 = tpu.memref_squeeze %dma_start3A_583 : memref<1x1x64x1x128xf32, #tpu.memory_space<hbm>> -> memref<64x128xf32, #tpu.memory_space<hbm>>
        %dma_start3A_585 = arith.constant 0 : i32
        %dma_start3A_586 = arith.constant 0 : i32
        %dma_start3A_587 = tpu.memref_slice %arg8[%dma_start3A_571, %dma_start3A_585, %dma_start3A_586] : memref<2x64x128xf32, #tpu.memory_space<vmem>> -> memref<1x64x128xf32, #tpu.memory_space<vmem>>
        %dma_start3A_588 = tpu.memref_squeeze %dma_start3A_587 : memref<1x64x128xf32, #tpu.memory_space<vmem>> -> memref<64x128xf32, #tpu.memory_space<vmem>>
        tpu.enqueue_dma source(%dma_start3A_588 : memref<64x128xf32, #tpu.memory_space<vmem>>) target(%dma_start3A_584 : memref<64x128xf32, #tpu.memory_space<hbm>>) target_semaphore(%arg14 : memref<!tpu.dma_semaphore, #tpu.memory_space<semaphore_mem>>)
      } else {
      }
      %eq3A_425 = arith.constant 7 : i32
      %eq3A_426 = arith.cmpi eq, %rem3A_18, %eq3A_425 : i32
      %convert_element_type3A_427 = arith.extui %eq3A_426 : i1 to i32
      %cond3A_428 = arith.constant 0 : i32
      %cond3A_429 = arith.cmpi ne, %convert_element_type3A_427, %cond3A_428 : i32
      scf.if %cond3A_429 {
        %dma_start3A_571 = arith.constant 1 : i32
        %dma_start3A_572 = arith.constant 7 : i32
        %dma_start3A_573 = arith.constant 0 : i32
        %dma_start3A_574 = arith.constant 0 : i32
        %dma_start3A_575 = tpu.memref_slice %arg8[%dma_start3A_571, %dma_start3A_573, %dma_start3A_574] : memref<2x64x128xf32, #tpu.memory_space<vmem>> -> memref<1x64x128xf32, #tpu.memory_space<vmem>>
        %dma_start3A_576 = tpu.memref_squeeze %dma_start3A_575 : memref<1x64x128xf32, #tpu.memory_space<vmem>> -> memref<64x128xf32, #tpu.memory_space<vmem>>
        %dma_start3A_577 = arith.constant 64 : i32
        %dma_start3A_578 = arith.constant 0 : i32
        %dma_start3A_579 = tpu.memref_slice %arg5[%mul3A_117, %select_n3A, %dma_start3A_577, %dma_start3A_572, %dma_start3A_578] : memref<26x4x128x8x128xf32, #tpu.memory_space<hbm>> -> memref<1x1x64x1x128xf32, #tpu.memory_space<hbm>>
        %dma_start3A_580 = tpu.memref_squeeze %dma_start3A_579 : memref<1x1x64x1x128xf32, #tpu.memory_space<hbm>> -> memref<64x128xf32, #tpu.memory_space<hbm>>
        %dma_start3A_581 = arith.constant 64 : i32
        %dma_start3A_582 = arith.constant 0 : i32
        %dma_start3A_583 = tpu.memref_slice %arg5[%mul3A_117, %select_n3A, %dma_start3A_581, %dma_start3A_572, %dma_start3A_582] : memref<26x4x128x8x128xf32, #tpu.memory_space<hbm>> -> memref<1x1x64x1x128xf32, #tpu.memory_space<hbm>>
        %dma_start3A_584 = tpu.memref_squeeze %dma_start3A_583 : memref<1x1x64x1x128xf32, #tpu.memory_space<hbm>> -> memref<64x128xf32, #tpu.memory_space<hbm>>
        %dma_start3A_585 = arith.constant 0 : i32
        %dma_start3A_586 = arith.constant 0 : i32
        %dma_start3A_587 = tpu.memref_slice %arg8[%dma_start3A_571, %dma_start3A_585, %dma_start3A_586] : memref<2x64x128xf32, #tpu.memory_space<vmem>> -> memref<1x64x128xf32, #tpu.memory_space<vmem>>
        %dma_start3A_588 = tpu.memref_squeeze %dma_start3A_587 : memref<1x64x128xf32, #tpu.memory_space<vmem>> -> memref<64x128xf32, #tpu.memory_space<vmem>>
        tpu.enqueue_dma source(%dma_start3A_588 : memref<64x128xf32, #tpu.memory_space<vmem>>) target(%dma_start3A_584 : memref<64x128xf32, #tpu.memory_space<hbm>>) target_semaphore(%arg14 : memref<!tpu.dma_semaphore, #tpu.memory_space<semaphore_mem>>)
      } else {
      }
      %add3A_430 = arith.constant 2 : i32
      %add3A_431 = arith.addi %mul3A_117, %add3A_430 : i32
      %lt3A = arith.constant 26 : i32
      %lt3A_432 = arith.cmpi slt, %add3A_431, %lt3A : i32
      %convert_element_type3A_433 = arith.extui %lt3A_432 : i1 to i32
      %cond3A_434 = arith.constant 0 : i32
      %cond3A_435 = arith.cmpi ne, %convert_element_type3A_433, %cond3A_434 : i32
      scf.if %cond3A_435 {
        %add3A_571 = arith.constant 2 : i32
        %add3A_572 = arith.addi %mul3A_117, %add3A_571 : i32
        %mul3A_573 = arith.constant 38462 : i32
        %mul3A_574 = arith.muli %add3A_572, %mul3A_573 : i32
        %rem3A_575 = arith.constant 128 : i32
        %rem3A_576 = arith.remsi %mul3A_574, %rem3A_575 : i32
        %sub3A_577 = arith.subi %mul3A_574, %rem3A_576 : i32
        %multiple_of3A_578 = tpu.assume_multiple %sub3A_577, 128 : i32
        %eq3A_579 = arith.constant 25 : i32
        %eq3A_580 = arith.cmpi eq, %add3A_572, %eq3A_579 : i32
        %eq3A_581 = arith.constant 0 : i32
        %eq3A_582 = arith.cmpi eq, %rem3A_18, %eq3A_581 : i32
        %convert_element_type3A_583 = arith.extui %eq3A_582 : i1 to i32
        %cond3A_584 = arith.constant 0 : i32
        %cond3A_585 = arith.cmpi ne, %convert_element_type3A_583, %cond3A_584 : i32
        scf.if %cond3A_585 {
          %dma_start3A_753 = arith.constant 0 : i32
          %dma_start3A_754 = arith.constant 0 : i32
          %dma_start3A_755 = tpu.memref_slice %arg6[%dma_start3A_754] : memref<77312xf32, #tpu.memory_space<vmem>> -> memref<38400xf32, #tpu.memory_space<vmem>>
          %dma_start3A_756 = tpu.memref_slice %arg3[%select_n3A, %dma_start3A_753, %multiple_of3A_578] : memref<4x8x1000012xf32, #tpu.memory_space<hbm>> -> memref<1x1x38400xf32, #tpu.memory_space<hbm>>
          %dma_start3A_757 = tpu.memref_squeeze %dma_start3A_756 : memref<1x1x38400xf32, #tpu.memory_space<hbm>> -> memref<38400xf32, #tpu.memory_space<hbm>>
          %dma_start3A_758 = arith.constant 0 : i32
          %dma_start3A_759 = tpu.memref_slice %arg6[%dma_start3A_758] : memref<77312xf32, #tpu.memory_space<vmem>> -> memref<38400xf32, #tpu.memory_space<vmem>>
          %dma_start3A_760 = tpu.memref_slice %arg3[%select_n3A, %dma_start3A_753, %multiple_of3A_578] : memref<4x8x1000012xf32, #tpu.memory_space<hbm>> -> memref<1x1x38400xf32, #tpu.memory_space<hbm>>
          %dma_start3A_761 = tpu.memref_squeeze %dma_start3A_760 : memref<1x1x38400xf32, #tpu.memory_space<hbm>> -> memref<38400xf32, #tpu.memory_space<hbm>>
          tpu.enqueue_dma source(%dma_start3A_761 : memref<38400xf32, #tpu.memory_space<hbm>>) target(%dma_start3A_759 : memref<38400xf32, #tpu.memory_space<vmem>>) target_semaphore(%arg9 : memref<!tpu.dma_semaphore, #tpu.memory_space<semaphore_mem>>)
          %not3A_762 = arith.constant true
          %not3A_763 = arith.xori %eq3A_580, %not3A_762 : i1
          %convert_element_type3A_764 = arith.extui %not3A_763 : i1 to i32
          %cond3A_765 = arith.constant 0 : i32
          %cond3A_766 = arith.cmpi ne, %convert_element_type3A_764, %cond3A_765 : i32
          scf.if %cond3A_766 {
            %add3A_770 = arith.constant 38400 : i32
            %add3A_771 = arith.addi %multiple_of3A_578, %add3A_770 : i32
            %dma_start3A_772 = arith.constant 0 : i32
            %dma_start3A_773 = arith.constant 38400 : i32
            %dma_start3A_774 = tpu.memref_slice %arg6[%dma_start3A_773] : memref<77312xf32, #tpu.memory_space<vmem>> -> memref<256xf32, #tpu.memory_space<vmem>>
            %dma_start3A_775 = tpu.memref_slice %arg3[%select_n3A, %dma_start3A_772, %add3A_771] : memref<4x8x1000012xf32, #tpu.memory_space<hbm>> -> memref<1x1x256xf32, #tpu.memory_space<hbm>>
            %dma_start3A_776 = tpu.memref_squeeze %dma_start3A_775 : memref<1x1x256xf32, #tpu.memory_space<hbm>> -> memref<256xf32, #tpu.memory_space<hbm>>
            %dma_start3A_777 = arith.constant 38400 : i32
            %dma_start3A_778 = tpu.memref_slice %arg6[%dma_start3A_777] : memref<77312xf32, #tpu.memory_space<vmem>> -> memref<256xf32, #tpu.memory_space<vmem>>
            %dma_start3A_779 = tpu.memref_slice %arg3[%select_n3A, %dma_start3A_772, %add3A_771] : memref<4x8x1000012xf32, #tpu.memory_space<hbm>> -> memref<1x1x256xf32, #tpu.memory_space<hbm>>
            %dma_start3A_780 = tpu.memref_squeeze %dma_start3A_779 : memref<1x1x256xf32, #tpu.memory_space<hbm>> -> memref<256xf32, #tpu.memory_space<hbm>>
            tpu.enqueue_dma source(%dma_start3A_780 : memref<256xf32, #tpu.memory_space<hbm>>) target(%dma_start3A_778 : memref<256xf32, #tpu.memory_space<vmem>>) target_semaphore(%arg9 : memref<!tpu.dma_semaphore, #tpu.memory_space<semaphore_mem>>)
          } else {
          }
          %convert_element_type3A_767 = arith.extui %eq3A_580 : i1 to i32
          %cond3A_768 = arith.constant 0 : i32
          %cond3A_769 = arith.cmpi ne, %convert_element_type3A_767, %cond3A_768 : i32
          scf.if %cond3A_769 {
            %dma_start3A_770 = arith.constant 0 : i32
            %dma_start3A_771 = arith.constant 38400 : i32
            %dma_start3A_772 = tpu.memref_slice %arg6[%dma_start3A_771] : memref<77312xf32, #tpu.memory_space<vmem>> -> memref<128xf32, #tpu.memory_space<vmem>>
            %dma_start3A_773 = arith.constant 0 : i32
            %dma_start3A_774 = tpu.memref_slice %arg4[%select_n3A, %dma_start3A_770, %dma_start3A_773] : memref<4x8x128xf32, #tpu.memory_space<hbm>> -> memref<1x1x128xf32, #tpu.memory_space<hbm>>
            %dma_start3A_775 = tpu.memref_squeeze %dma_start3A_774 : memref<1x1x128xf32, #tpu.memory_space<hbm>> -> memref<128xf32, #tpu.memory_space<hbm>>
            %dma_start3A_776 = arith.constant 38400 : i32
            %dma_start3A_777 = tpu.memref_slice %arg6[%dma_start3A_776] : memref<77312xf32, #tpu.memory_space<vmem>> -> memref<128xf32, #tpu.memory_space<vmem>>
            %dma_start3A_778 = arith.constant 0 : i32
            %dma_start3A_779 = tpu.memref_slice %arg4[%select_n3A, %dma_start3A_770, %dma_start3A_778] : memref<4x8x128xf32, #tpu.memory_space<hbm>> -> memref<1x1x128xf32, #tpu.memory_space<hbm>>
            %dma_start3A_780 = tpu.memref_squeeze %dma_start3A_779 : memref<1x1x128xf32, #tpu.memory_space<hbm>> -> memref<128xf32, #tpu.memory_space<hbm>>
            tpu.enqueue_dma source(%dma_start3A_780 : memref<128xf32, #tpu.memory_space<hbm>>) target(%dma_start3A_777 : memref<128xf32, #tpu.memory_space<vmem>>) target_semaphore(%arg9 : memref<!tpu.dma_semaphore, #tpu.memory_space<semaphore_mem>>)
          } else {
          }
        } else {
        }
        %eq3A_586 = arith.constant 1 : i32
        %eq3A_587 = arith.cmpi eq, %rem3A_18, %eq3A_586 : i32
        %convert_element_type3A_588 = arith.extui %eq3A_587 : i1 to i32
        %cond3A_589 = arith.constant 0 : i32
        %cond3A_590 = arith.cmpi ne, %convert_element_type3A_588, %cond3A_589 : i32
        scf.if %cond3A_590 {
          %dma_start3A_753 = arith.constant 1 : i32
          %dma_start3A_754 = arith.constant 0 : i32
          %dma_start3A_755 = tpu.memref_slice %arg6[%dma_start3A_754] : memref<77312xf32, #tpu.memory_space<vmem>> -> memref<38400xf32, #tpu.memory_space<vmem>>
          %dma_start3A_756 = tpu.memref_slice %arg3[%select_n3A, %dma_start3A_753, %multiple_of3A_578] : memref<4x8x1000012xf32, #tpu.memory_space<hbm>> -> memref<1x1x38400xf32, #tpu.memory_space<hbm>>
          %dma_start3A_757 = tpu.memref_squeeze %dma_start3A_756 : memref<1x1x38400xf32, #tpu.memory_space<hbm>> -> memref<38400xf32, #tpu.memory_space<hbm>>
          %dma_start3A_758 = arith.constant 0 : i32
          %dma_start3A_759 = tpu.memref_slice %arg6[%dma_start3A_758] : memref<77312xf32, #tpu.memory_space<vmem>> -> memref<38400xf32, #tpu.memory_space<vmem>>
          %dma_start3A_760 = tpu.memref_slice %arg3[%select_n3A, %dma_start3A_753, %multiple_of3A_578] : memref<4x8x1000012xf32, #tpu.memory_space<hbm>> -> memref<1x1x38400xf32, #tpu.memory_space<hbm>>
          %dma_start3A_761 = tpu.memref_squeeze %dma_start3A_760 : memref<1x1x38400xf32, #tpu.memory_space<hbm>> -> memref<38400xf32, #tpu.memory_space<hbm>>
          tpu.enqueue_dma source(%dma_start3A_761 : memref<38400xf32, #tpu.memory_space<hbm>>) target(%dma_start3A_759 : memref<38400xf32, #tpu.memory_space<vmem>>) target_semaphore(%arg9 : memref<!tpu.dma_semaphore, #tpu.memory_space<semaphore_mem>>)
          %not3A_762 = arith.constant true
          %not3A_763 = arith.xori %eq3A_580, %not3A_762 : i1
          %convert_element_type3A_764 = arith.extui %not3A_763 : i1 to i32
          %cond3A_765 = arith.constant 0 : i32
          %cond3A_766 = arith.cmpi ne, %convert_element_type3A_764, %cond3A_765 : i32
          scf.if %cond3A_766 {
            %add3A_770 = arith.constant 38400 : i32
            %add3A_771 = arith.addi %multiple_of3A_578, %add3A_770 : i32
            %dma_start3A_772 = arith.constant 1 : i32
            %dma_start3A_773 = arith.constant 38400 : i32
            %dma_start3A_774 = tpu.memref_slice %arg6[%dma_start3A_773] : memref<77312xf32, #tpu.memory_space<vmem>> -> memref<256xf32, #tpu.memory_space<vmem>>
            %dma_start3A_775 = tpu.memref_slice %arg3[%select_n3A, %dma_start3A_772, %add3A_771] : memref<4x8x1000012xf32, #tpu.memory_space<hbm>> -> memref<1x1x256xf32, #tpu.memory_space<hbm>>
            %dma_start3A_776 = tpu.memref_squeeze %dma_start3A_775 : memref<1x1x256xf32, #tpu.memory_space<hbm>> -> memref<256xf32, #tpu.memory_space<hbm>>
            %dma_start3A_777 = arith.constant 38400 : i32
            %dma_start3A_778 = tpu.memref_slice %arg6[%dma_start3A_777] : memref<77312xf32, #tpu.memory_space<vmem>> -> memref<256xf32, #tpu.memory_space<vmem>>
            %dma_start3A_779 = tpu.memref_slice %arg3[%select_n3A, %dma_start3A_772, %add3A_771] : memref<4x8x1000012xf32, #tpu.memory_space<hbm>> -> memref<1x1x256xf32, #tpu.memory_space<hbm>>
            %dma_start3A_780 = tpu.memref_squeeze %dma_start3A_779 : memref<1x1x256xf32, #tpu.memory_space<hbm>> -> memref<256xf32, #tpu.memory_space<hbm>>
            tpu.enqueue_dma source(%dma_start3A_780 : memref<256xf32, #tpu.memory_space<hbm>>) target(%dma_start3A_778 : memref<256xf32, #tpu.memory_space<vmem>>) target_semaphore(%arg9 : memref<!tpu.dma_semaphore, #tpu.memory_space<semaphore_mem>>)
          } else {
          }
          %convert_element_type3A_767 = arith.extui %eq3A_580 : i1 to i32
          %cond3A_768 = arith.constant 0 : i32
          %cond3A_769 = arith.cmpi ne, %convert_element_type3A_767, %cond3A_768 : i32
          scf.if %cond3A_769 {
            %dma_start3A_770 = arith.constant 1 : i32
            %dma_start3A_771 = arith.constant 38400 : i32
            %dma_start3A_772 = tpu.memref_slice %arg6[%dma_start3A_771] : memref<77312xf32, #tpu.memory_space<vmem>> -> memref<128xf32, #tpu.memory_space<vmem>>
            %dma_start3A_773 = arith.constant 0 : i32
            %dma_start3A_774 = tpu.memref_slice %arg4[%select_n3A, %dma_start3A_770, %dma_start3A_773] : memref<4x8x128xf32, #tpu.memory_space<hbm>> -> memref<1x1x128xf32, #tpu.memory_space<hbm>>
            %dma_start3A_775 = tpu.memref_squeeze %dma_start3A_774 : memref<1x1x128xf32, #tpu.memory_space<hbm>> -> memref<128xf32, #tpu.memory_space<hbm>>
            %dma_start3A_776 = arith.constant 38400 : i32
            %dma_start3A_777 = tpu.memref_slice %arg6[%dma_start3A_776] : memref<77312xf32, #tpu.memory_space<vmem>> -> memref<128xf32, #tpu.memory_space<vmem>>
            %dma_start3A_778 = arith.constant 0 : i32
            %dma_start3A_779 = tpu.memref_slice %arg4[%select_n3A, %dma_start3A_770, %dma_start3A_778] : memref<4x8x128xf32, #tpu.memory_space<hbm>> -> memref<1x1x128xf32, #tpu.memory_space<hbm>>
            %dma_start3A_780 = tpu.memref_squeeze %dma_start3A_779 : memref<1x1x128xf32, #tpu.memory_space<hbm>> -> memref<128xf32, #tpu.memory_space<hbm>>
            tpu.enqueue_dma source(%dma_start3A_780 : memref<128xf32, #tpu.memory_space<hbm>>) target(%dma_start3A_777 : memref<128xf32, #tpu.memory_space<vmem>>) target_semaphore(%arg9 : memref<!tpu.dma_semaphore, #tpu.memory_space<semaphore_mem>>)
          } else {
          }
        } else {
        }
        %eq3A_591 = arith.constant 2 : i32
        %eq3A_592 = arith.cmpi eq, %rem3A_18, %eq3A_591 : i32
        %convert_element_type3A_593 = arith.extui %eq3A_592 : i1 to i32
        %cond3A_594 = arith.constant 0 : i32
        %cond3A_595 = arith.cmpi ne, %convert_element_type3A_593, %cond3A_594 : i32
        scf.if %cond3A_595 {
          %dma_start3A_753 = arith.constant 2 : i32
          %dma_start3A_754 = arith.constant 0 : i32
          %dma_start3A_755 = tpu.memref_slice %arg6[%dma_start3A_754] : memref<77312xf32, #tpu.memory_space<vmem>> -> memref<38400xf32, #tpu.memory_space<vmem>>
          %dma_start3A_756 = tpu.memref_slice %arg3[%select_n3A, %dma_start3A_753, %multiple_of3A_578] : memref<4x8x1000012xf32, #tpu.memory_space<hbm>> -> memref<1x1x38400xf32, #tpu.memory_space<hbm>>
          %dma_start3A_757 = tpu.memref_squeeze %dma_start3A_756 : memref<1x1x38400xf32, #tpu.memory_space<hbm>> -> memref<38400xf32, #tpu.memory_space<hbm>>
          %dma_start3A_758 = arith.constant 0 : i32
          %dma_start3A_759 = tpu.memref_slice %arg6[%dma_start3A_758] : memref<77312xf32, #tpu.memory_space<vmem>> -> memref<38400xf32, #tpu.memory_space<vmem>>
          %dma_start3A_760 = tpu.memref_slice %arg3[%select_n3A, %dma_start3A_753, %multiple_of3A_578] : memref<4x8x1000012xf32, #tpu.memory_space<hbm>> -> memref<1x1x38400xf32, #tpu.memory_space<hbm>>
          %dma_start3A_761 = tpu.memref_squeeze %dma_start3A_760 : memref<1x1x38400xf32, #tpu.memory_space<hbm>> -> memref<38400xf32, #tpu.memory_space<hbm>>
          tpu.enqueue_dma source(%dma_start3A_761 : memref<38400xf32, #tpu.memory_space<hbm>>) target(%dma_start3A_759 : memref<38400xf32, #tpu.memory_space<vmem>>) target_semaphore(%arg9 : memref<!tpu.dma_semaphore, #tpu.memory_space<semaphore_mem>>)
          %not3A_762 = arith.constant true
          %not3A_763 = arith.xori %eq3A_580, %not3A_762 : i1
          %convert_element_type3A_764 = arith.extui %not3A_763 : i1 to i32
          %cond3A_765 = arith.constant 0 : i32
          %cond3A_766 = arith.cmpi ne, %convert_element_type3A_764, %cond3A_765 : i32
          scf.if %cond3A_766 {
            %add3A_770 = arith.constant 38400 : i32
            %add3A_771 = arith.addi %multiple_of3A_578, %add3A_770 : i32
            %dma_start3A_772 = arith.constant 2 : i32
            %dma_start3A_773 = arith.constant 38400 : i32
            %dma_start3A_774 = tpu.memref_slice %arg6[%dma_start3A_773] : memref<77312xf32, #tpu.memory_space<vmem>> -> memref<256xf32, #tpu.memory_space<vmem>>
            %dma_start3A_775 = tpu.memref_slice %arg3[%select_n3A, %dma_start3A_772, %add3A_771] : memref<4x8x1000012xf32, #tpu.memory_space<hbm>> -> memref<1x1x256xf32, #tpu.memory_space<hbm>>
            %dma_start3A_776 = tpu.memref_squeeze %dma_start3A_775 : memref<1x1x256xf32, #tpu.memory_space<hbm>> -> memref<256xf32, #tpu.memory_space<hbm>>
            %dma_start3A_777 = arith.constant 38400 : i32
            %dma_start3A_778 = tpu.memref_slice %arg6[%dma_start3A_777] : memref<77312xf32, #tpu.memory_space<vmem>> -> memref<256xf32, #tpu.memory_space<vmem>>
            %dma_start3A_779 = tpu.memref_slice %arg3[%select_n3A, %dma_start3A_772, %add3A_771] : memref<4x8x1000012xf32, #tpu.memory_space<hbm>> -> memref<1x1x256xf32, #tpu.memory_space<hbm>>
            %dma_start3A_780 = tpu.memref_squeeze %dma_start3A_779 : memref<1x1x256xf32, #tpu.memory_space<hbm>> -> memref<256xf32, #tpu.memory_space<hbm>>
            tpu.enqueue_dma source(%dma_start3A_780 : memref<256xf32, #tpu.memory_space<hbm>>) target(%dma_start3A_778 : memref<256xf32, #tpu.memory_space<vmem>>) target_semaphore(%arg9 : memref<!tpu.dma_semaphore, #tpu.memory_space<semaphore_mem>>)
          } else {
          }
          %convert_element_type3A_767 = arith.extui %eq3A_580 : i1 to i32
          %cond3A_768 = arith.constant 0 : i32
          %cond3A_769 = arith.cmpi ne, %convert_element_type3A_767, %cond3A_768 : i32
          scf.if %cond3A_769 {
            %dma_start3A_770 = arith.constant 2 : i32
            %dma_start3A_771 = arith.constant 38400 : i32
            %dma_start3A_772 = tpu.memref_slice %arg6[%dma_start3A_771] : memref<77312xf32, #tpu.memory_space<vmem>> -> memref<128xf32, #tpu.memory_space<vmem>>
            %dma_start3A_773 = arith.constant 0 : i32
            %dma_start3A_774 = tpu.memref_slice %arg4[%select_n3A, %dma_start3A_770, %dma_start3A_773] : memref<4x8x128xf32, #tpu.memory_space<hbm>> -> memref<1x1x128xf32, #tpu.memory_space<hbm>>
            %dma_start3A_775 = tpu.memref_squeeze %dma_start3A_774 : memref<1x1x128xf32, #tpu.memory_space<hbm>> -> memref<128xf32, #tpu.memory_space<hbm>>
            %dma_start3A_776 = arith.constant 38400 : i32
            %dma_start3A_777 = tpu.memref_slice %arg6[%dma_start3A_776] : memref<77312xf32, #tpu.memory_space<vmem>> -> memref<128xf32, #tpu.memory_space<vmem>>
            %dma_start3A_778 = arith.constant 0 : i32
            %dma_start3A_779 = tpu.memref_slice %arg4[%select_n3A, %dma_start3A_770, %dma_start3A_778] : memref<4x8x128xf32, #tpu.memory_space<hbm>> -> memref<1x1x128xf32, #tpu.memory_space<hbm>>
            %dma_start3A_780 = tpu.memref_squeeze %dma_start3A_779 : memref<1x1x128xf32, #tpu.memory_space<hbm>> -> memref<128xf32, #tpu.memory_space<hbm>>
            tpu.enqueue_dma source(%dma_start3A_780 : memref<128xf32, #tpu.memory_space<hbm>>) target(%dma_start3A_777 : memref<128xf32, #tpu.memory_space<vmem>>) target_semaphore(%arg9 : memref<!tpu.dma_semaphore, #tpu.memory_space<semaphore_mem>>)
          } else {
          }
        } else {
        }
        %eq3A_596 = arith.constant 3 : i32
        %eq3A_597 = arith.cmpi eq, %rem3A_18, %eq3A_596 : i32
        %convert_element_type3A_598 = arith.extui %eq3A_597 : i1 to i32
        %cond3A_599 = arith.constant 0 : i32
        %cond3A_600 = arith.cmpi ne, %convert_element_type3A_598, %cond3A_599 : i32
        scf.if %cond3A_600 {
          %dma_start3A_753 = arith.constant 3 : i32
          %dma_start3A_754 = arith.constant 0 : i32
          %dma_start3A_755 = tpu.memref_slice %arg6[%dma_start3A_754] : memref<77312xf32, #tpu.memory_space<vmem>> -> memref<38400xf32, #tpu.memory_space<vmem>>
          %dma_start3A_756 = tpu.memref_slice %arg3[%select_n3A, %dma_start3A_753, %multiple_of3A_578] : memref<4x8x1000012xf32, #tpu.memory_space<hbm>> -> memref<1x1x38400xf32, #tpu.memory_space<hbm>>
          %dma_start3A_757 = tpu.memref_squeeze %dma_start3A_756 : memref<1x1x38400xf32, #tpu.memory_space<hbm>> -> memref<38400xf32, #tpu.memory_space<hbm>>
          %dma_start3A_758 = arith.constant 0 : i32
          %dma_start3A_759 = tpu.memref_slice %arg6[%dma_start3A_758] : memref<77312xf32, #tpu.memory_space<vmem>> -> memref<38400xf32, #tpu.memory_space<vmem>>
          %dma_start3A_760 = tpu.memref_slice %arg3[%select_n3A, %dma_start3A_753, %multiple_of3A_578] : memref<4x8x1000012xf32, #tpu.memory_space<hbm>> -> memref<1x1x38400xf32, #tpu.memory_space<hbm>>
          %dma_start3A_761 = tpu.memref_squeeze %dma_start3A_760 : memref<1x1x38400xf32, #tpu.memory_space<hbm>> -> memref<38400xf32, #tpu.memory_space<hbm>>
          tpu.enqueue_dma source(%dma_start3A_761 : memref<38400xf32, #tpu.memory_space<hbm>>) target(%dma_start3A_759 : memref<38400xf32, #tpu.memory_space<vmem>>) target_semaphore(%arg9 : memref<!tpu.dma_semaphore, #tpu.memory_space<semaphore_mem>>)
          %not3A_762 = arith.constant true
          %not3A_763 = arith.xori %eq3A_580, %not3A_762 : i1
          %convert_element_type3A_764 = arith.extui %not3A_763 : i1 to i32
          %cond3A_765 = arith.constant 0 : i32
          %cond3A_766 = arith.cmpi ne, %convert_element_type3A_764, %cond3A_765 : i32
          scf.if %cond3A_766 {
            %add3A_770 = arith.constant 38400 : i32
            %add3A_771 = arith.addi %multiple_of3A_578, %add3A_770 : i32
            %dma_start3A_772 = arith.constant 3 : i32
            %dma_start3A_773 = arith.constant 38400 : i32
            %dma_start3A_774 = tpu.memref_slice %arg6[%dma_start3A_773] : memref<77312xf32, #tpu.memory_space<vmem>> -> memref<256xf32, #tpu.memory_space<vmem>>
            %dma_start3A_775 = tpu.memref_slice %arg3[%select_n3A, %dma_start3A_772, %add3A_771] : memref<4x8x1000012xf32, #tpu.memory_space<hbm>> -> memref<1x1x256xf32, #tpu.memory_space<hbm>>
            %dma_start3A_776 = tpu.memref_squeeze %dma_start3A_775 : memref<1x1x256xf32, #tpu.memory_space<hbm>> -> memref<256xf32, #tpu.memory_space<hbm>>
            %dma_start3A_777 = arith.constant 38400 : i32
            %dma_start3A_778 = tpu.memref_slice %arg6[%dma_start3A_777] : memref<77312xf32, #tpu.memory_space<vmem>> -> memref<256xf32, #tpu.memory_space<vmem>>
            %dma_start3A_779 = tpu.memref_slice %arg3[%select_n3A, %dma_start3A_772, %add3A_771] : memref<4x8x1000012xf32, #tpu.memory_space<hbm>> -> memref<1x1x256xf32, #tpu.memory_space<hbm>>
            %dma_start3A_780 = tpu.memref_squeeze %dma_start3A_779 : memref<1x1x256xf32, #tpu.memory_space<hbm>> -> memref<256xf32, #tpu.memory_space<hbm>>
            tpu.enqueue_dma source(%dma_start3A_780 : memref<256xf32, #tpu.memory_space<hbm>>) target(%dma_start3A_778 : memref<256xf32, #tpu.memory_space<vmem>>) target_semaphore(%arg9 : memref<!tpu.dma_semaphore, #tpu.memory_space<semaphore_mem>>)
          } else {
          }
          %convert_element_type3A_767 = arith.extui %eq3A_580 : i1 to i32
          %cond3A_768 = arith.constant 0 : i32
          %cond3A_769 = arith.cmpi ne, %convert_element_type3A_767, %cond3A_768 : i32
          scf.if %cond3A_769 {
            %dma_start3A_770 = arith.constant 3 : i32
            %dma_start3A_771 = arith.constant 38400 : i32
            %dma_start3A_772 = tpu.memref_slice %arg6[%dma_start3A_771] : memref<77312xf32, #tpu.memory_space<vmem>> -> memref<128xf32, #tpu.memory_space<vmem>>
            %dma_start3A_773 = arith.constant 0 : i32
            %dma_start3A_774 = tpu.memref_slice %arg4[%select_n3A, %dma_start3A_770, %dma_start3A_773] : memref<4x8x128xf32, #tpu.memory_space<hbm>> -> memref<1x1x128xf32, #tpu.memory_space<hbm>>
            %dma_start3A_775 = tpu.memref_squeeze %dma_start3A_774 : memref<1x1x128xf32, #tpu.memory_space<hbm>> -> memref<128xf32, #tpu.memory_space<hbm>>
            %dma_start3A_776 = arith.constant 38400 : i32
            %dma_start3A_777 = tpu.memref_slice %arg6[%dma_start3A_776] : memref<77312xf32, #tpu.memory_space<vmem>> -> memref<128xf32, #tpu.memory_space<vmem>>
            %dma_start3A_778 = arith.constant 0 : i32
            %dma_start3A_779 = tpu.memref_slice %arg4[%select_n3A, %dma_start3A_770, %dma_start3A_778] : memref<4x8x128xf32, #tpu.memory_space<hbm>> -> memref<1x1x128xf32, #tpu.memory_space<hbm>>
            %dma_start3A_780 = tpu.memref_squeeze %dma_start3A_779 : memref<1x1x128xf32, #tpu.memory_space<hbm>> -> memref<128xf32, #tpu.memory_space<hbm>>
            tpu.enqueue_dma source(%dma_start3A_780 : memref<128xf32, #tpu.memory_space<hbm>>) target(%dma_start3A_777 : memref<128xf32, #tpu.memory_space<vmem>>) target_semaphore(%arg9 : memref<!tpu.dma_semaphore, #tpu.memory_space<semaphore_mem>>)
          } else {
          }
        } else {
        }
        %eq3A_601 = arith.constant 4 : i32
        %eq3A_602 = arith.cmpi eq, %rem3A_18, %eq3A_601 : i32
        %convert_element_type3A_603 = arith.extui %eq3A_602 : i1 to i32
        %cond3A_604 = arith.constant 0 : i32
        %cond3A_605 = arith.cmpi ne, %convert_element_type3A_603, %cond3A_604 : i32
        scf.if %cond3A_605 {
          %dma_start3A_753 = arith.constant 4 : i32
          %dma_start3A_754 = arith.constant 0 : i32
          %dma_start3A_755 = tpu.memref_slice %arg6[%dma_start3A_754] : memref<77312xf32, #tpu.memory_space<vmem>> -> memref<38400xf32, #tpu.memory_space<vmem>>
          %dma_start3A_756 = tpu.memref_slice %arg3[%select_n3A, %dma_start3A_753, %multiple_of3A_578] : memref<4x8x1000012xf32, #tpu.memory_space<hbm>> -> memref<1x1x38400xf32, #tpu.memory_space<hbm>>
          %dma_start3A_757 = tpu.memref_squeeze %dma_start3A_756 : memref<1x1x38400xf32, #tpu.memory_space<hbm>> -> memref<38400xf32, #tpu.memory_space<hbm>>
          %dma_start3A_758 = arith.constant 0 : i32
          %dma_start3A_759 = tpu.memref_slice %arg6[%dma_start3A_758] : memref<77312xf32, #tpu.memory_space<vmem>> -> memref<38400xf32, #tpu.memory_space<vmem>>
          %dma_start3A_760 = tpu.memref_slice %arg3[%select_n3A, %dma_start3A_753, %multiple_of3A_578] : memref<4x8x1000012xf32, #tpu.memory_space<hbm>> -> memref<1x1x38400xf32, #tpu.memory_space<hbm>>
          %dma_start3A_761 = tpu.memref_squeeze %dma_start3A_760 : memref<1x1x38400xf32, #tpu.memory_space<hbm>> -> memref<38400xf32, #tpu.memory_space<hbm>>
          tpu.enqueue_dma source(%dma_start3A_761 : memref<38400xf32, #tpu.memory_space<hbm>>) target(%dma_start3A_759 : memref<38400xf32, #tpu.memory_space<vmem>>) target_semaphore(%arg9 : memref<!tpu.dma_semaphore, #tpu.memory_space<semaphore_mem>>)
          %not3A_762 = arith.constant true
          %not3A_763 = arith.xori %eq3A_580, %not3A_762 : i1
          %convert_element_type3A_764 = arith.extui %not3A_763 : i1 to i32
          %cond3A_765 = arith.constant 0 : i32
          %cond3A_766 = arith.cmpi ne, %convert_element_type3A_764, %cond3A_765 : i32
          scf.if %cond3A_766 {
            %add3A_770 = arith.constant 38400 : i32
            %add3A_771 = arith.addi %multiple_of3A_578, %add3A_770 : i32
            %dma_start3A_772 = arith.constant 4 : i32
            %dma_start3A_773 = arith.constant 38400 : i32
            %dma_start3A_774 = tpu.memref_slice %arg6[%dma_start3A_773] : memref<77312xf32, #tpu.memory_space<vmem>> -> memref<256xf32, #tpu.memory_space<vmem>>
            %dma_start3A_775 = tpu.memref_slice %arg3[%select_n3A, %dma_start3A_772, %add3A_771] : memref<4x8x1000012xf32, #tpu.memory_space<hbm>> -> memref<1x1x256xf32, #tpu.memory_space<hbm>>
            %dma_start3A_776 = tpu.memref_squeeze %dma_start3A_775 : memref<1x1x256xf32, #tpu.memory_space<hbm>> -> memref<256xf32, #tpu.memory_space<hbm>>
            %dma_start3A_777 = arith.constant 38400 : i32
            %dma_start3A_778 = tpu.memref_slice %arg6[%dma_start3A_777] : memref<77312xf32, #tpu.memory_space<vmem>> -> memref<256xf32, #tpu.memory_space<vmem>>
            %dma_start3A_779 = tpu.memref_slice %arg3[%select_n3A, %dma_start3A_772, %add3A_771] : memref<4x8x1000012xf32, #tpu.memory_space<hbm>> -> memref<1x1x256xf32, #tpu.memory_space<hbm>>
            %dma_start3A_780 = tpu.memref_squeeze %dma_start3A_779 : memref<1x1x256xf32, #tpu.memory_space<hbm>> -> memref<256xf32, #tpu.memory_space<hbm>>
            tpu.enqueue_dma source(%dma_start3A_780 : memref<256xf32, #tpu.memory_space<hbm>>) target(%dma_start3A_778 : memref<256xf32, #tpu.memory_space<vmem>>) target_semaphore(%arg9 : memref<!tpu.dma_semaphore, #tpu.memory_space<semaphore_mem>>)
          } else {
          }
          %convert_element_type3A_767 = arith.extui %eq3A_580 : i1 to i32
          %cond3A_768 = arith.constant 0 : i32
          %cond3A_769 = arith.cmpi ne, %convert_element_type3A_767, %cond3A_768 : i32
          scf.if %cond3A_769 {
            %dma_start3A_770 = arith.constant 4 : i32
            %dma_start3A_771 = arith.constant 38400 : i32
            %dma_start3A_772 = tpu.memref_slice %arg6[%dma_start3A_771] : memref<77312xf32, #tpu.memory_space<vmem>> -> memref<128xf32, #tpu.memory_space<vmem>>
            %dma_start3A_773 = arith.constant 0 : i32
            %dma_start3A_774 = tpu.memref_slice %arg4[%select_n3A, %dma_start3A_770, %dma_start3A_773] : memref<4x8x128xf32, #tpu.memory_space<hbm>> -> memref<1x1x128xf32, #tpu.memory_space<hbm>>
            %dma_start3A_775 = tpu.memref_squeeze %dma_start3A_774 : memref<1x1x128xf32, #tpu.memory_space<hbm>> -> memref<128xf32, #tpu.memory_space<hbm>>
            %dma_start3A_776 = arith.constant 38400 : i32
            %dma_start3A_777 = tpu.memref_slice %arg6[%dma_start3A_776] : memref<77312xf32, #tpu.memory_space<vmem>> -> memref<128xf32, #tpu.memory_space<vmem>>
            %dma_start3A_778 = arith.constant 0 : i32
            %dma_start3A_779 = tpu.memref_slice %arg4[%select_n3A, %dma_start3A_770, %dma_start3A_778] : memref<4x8x128xf32, #tpu.memory_space<hbm>> -> memref<1x1x128xf32, #tpu.memory_space<hbm>>
            %dma_start3A_780 = tpu.memref_squeeze %dma_start3A_779 : memref<1x1x128xf32, #tpu.memory_space<hbm>> -> memref<128xf32, #tpu.memory_space<hbm>>
            tpu.enqueue_dma source(%dma_start3A_780 : memref<128xf32, #tpu.memory_space<hbm>>) target(%dma_start3A_777 : memref<128xf32, #tpu.memory_space<vmem>>) target_semaphore(%arg9 : memref<!tpu.dma_semaphore, #tpu.memory_space<semaphore_mem>>)
          } else {
          }
        } else {
        }
        %eq3A_606 = arith.constant 5 : i32
        %eq3A_607 = arith.cmpi eq, %rem3A_18, %eq3A_606 : i32
        %convert_element_type3A_608 = arith.extui %eq3A_607 : i1 to i32
        %cond3A_609 = arith.constant 0 : i32
        %cond3A_610 = arith.cmpi ne, %convert_element_type3A_608, %cond3A_609 : i32
        scf.if %cond3A_610 {
          %dma_start3A_753 = arith.constant 5 : i32
          %dma_start3A_754 = arith.constant 0 : i32
          %dma_start3A_755 = tpu.memref_slice %arg6[%dma_start3A_754] : memref<77312xf32, #tpu.memory_space<vmem>> -> memref<38400xf32, #tpu.memory_space<vmem>>
          %dma_start3A_756 = tpu.memref_slice %arg3[%select_n3A, %dma_start3A_753, %multiple_of3A_578] : memref<4x8x1000012xf32, #tpu.memory_space<hbm>> -> memref<1x1x38400xf32, #tpu.memory_space<hbm>>
          %dma_start3A_757 = tpu.memref_squeeze %dma_start3A_756 : memref<1x1x38400xf32, #tpu.memory_space<hbm>> -> memref<38400xf32, #tpu.memory_space<hbm>>
          %dma_start3A_758 = arith.constant 0 : i32
          %dma_start3A_759 = tpu.memref_slice %arg6[%dma_start3A_758] : memref<77312xf32, #tpu.memory_space<vmem>> -> memref<38400xf32, #tpu.memory_space<vmem>>
          %dma_start3A_760 = tpu.memref_slice %arg3[%select_n3A, %dma_start3A_753, %multiple_of3A_578] : memref<4x8x1000012xf32, #tpu.memory_space<hbm>> -> memref<1x1x38400xf32, #tpu.memory_space<hbm>>
          %dma_start3A_761 = tpu.memref_squeeze %dma_start3A_760 : memref<1x1x38400xf32, #tpu.memory_space<hbm>> -> memref<38400xf32, #tpu.memory_space<hbm>>
          tpu.enqueue_dma source(%dma_start3A_761 : memref<38400xf32, #tpu.memory_space<hbm>>) target(%dma_start3A_759 : memref<38400xf32, #tpu.memory_space<vmem>>) target_semaphore(%arg9 : memref<!tpu.dma_semaphore, #tpu.memory_space<semaphore_mem>>)
          %not3A_762 = arith.constant true
          %not3A_763 = arith.xori %eq3A_580, %not3A_762 : i1
          %convert_element_type3A_764 = arith.extui %not3A_763 : i1 to i32
          %cond3A_765 = arith.constant 0 : i32
          %cond3A_766 = arith.cmpi ne, %convert_element_type3A_764, %cond3A_765 : i32
          scf.if %cond3A_766 {
            %add3A_770 = arith.constant 38400 : i32
            %add3A_771 = arith.addi %multiple_of3A_578, %add3A_770 : i32
            %dma_start3A_772 = arith.constant 5 : i32
            %dma_start3A_773 = arith.constant 38400 : i32
            %dma_start3A_774 = tpu.memref_slice %arg6[%dma_start3A_773] : memref<77312xf32, #tpu.memory_space<vmem>> -> memref<256xf32, #tpu.memory_space<vmem>>
            %dma_start3A_775 = tpu.memref_slice %arg3[%select_n3A, %dma_start3A_772, %add3A_771] : memref<4x8x1000012xf32, #tpu.memory_space<hbm>> -> memref<1x1x256xf32, #tpu.memory_space<hbm>>
            %dma_start3A_776 = tpu.memref_squeeze %dma_start3A_775 : memref<1x1x256xf32, #tpu.memory_space<hbm>> -> memref<256xf32, #tpu.memory_space<hbm>>
            %dma_start3A_777 = arith.constant 38400 : i32
            %dma_start3A_778 = tpu.memref_slice %arg6[%dma_start3A_777] : memref<77312xf32, #tpu.memory_space<vmem>> -> memref<256xf32, #tpu.memory_space<vmem>>
            %dma_start3A_779 = tpu.memref_slice %arg3[%select_n3A, %dma_start3A_772, %add3A_771] : memref<4x8x1000012xf32, #tpu.memory_space<hbm>> -> memref<1x1x256xf32, #tpu.memory_space<hbm>>
            %dma_start3A_780 = tpu.memref_squeeze %dma_start3A_779 : memref<1x1x256xf32, #tpu.memory_space<hbm>> -> memref<256xf32, #tpu.memory_space<hbm>>
            tpu.enqueue_dma source(%dma_start3A_780 : memref<256xf32, #tpu.memory_space<hbm>>) target(%dma_start3A_778 : memref<256xf32, #tpu.memory_space<vmem>>) target_semaphore(%arg9 : memref<!tpu.dma_semaphore, #tpu.memory_space<semaphore_mem>>)
          } else {
          }
          %convert_element_type3A_767 = arith.extui %eq3A_580 : i1 to i32
          %cond3A_768 = arith.constant 0 : i32
          %cond3A_769 = arith.cmpi ne, %convert_element_type3A_767, %cond3A_768 : i32
          scf.if %cond3A_769 {
            %dma_start3A_770 = arith.constant 5 : i32
            %dma_start3A_771 = arith.constant 38400 : i32
            %dma_start3A_772 = tpu.memref_slice %arg6[%dma_start3A_771] : memref<77312xf32, #tpu.memory_space<vmem>> -> memref<128xf32, #tpu.memory_space<vmem>>
            %dma_start3A_773 = arith.constant 0 : i32
            %dma_start3A_774 = tpu.memref_slice %arg4[%select_n3A, %dma_start3A_770, %dma_start3A_773] : memref<4x8x128xf32, #tpu.memory_space<hbm>> -> memref<1x1x128xf32, #tpu.memory_space<hbm>>
            %dma_start3A_775 = tpu.memref_squeeze %dma_start3A_774 : memref<1x1x128xf32, #tpu.memory_space<hbm>> -> memref<128xf32, #tpu.memory_space<hbm>>
            %dma_start3A_776 = arith.constant 38400 : i32
            %dma_start3A_777 = tpu.memref_slice %arg6[%dma_start3A_776] : memref<77312xf32, #tpu.memory_space<vmem>> -> memref<128xf32, #tpu.memory_space<vmem>>
            %dma_start3A_778 = arith.constant 0 : i32
            %dma_start3A_779 = tpu.memref_slice %arg4[%select_n3A, %dma_start3A_770, %dma_start3A_778] : memref<4x8x128xf32, #tpu.memory_space<hbm>> -> memref<1x1x128xf32, #tpu.memory_space<hbm>>
            %dma_start3A_780 = tpu.memref_squeeze %dma_start3A_779 : memref<1x1x128xf32, #tpu.memory_space<hbm>> -> memref<128xf32, #tpu.memory_space<hbm>>
            tpu.enqueue_dma source(%dma_start3A_780 : memref<128xf32, #tpu.memory_space<hbm>>) target(%dma_start3A_777 : memref<128xf32, #tpu.memory_space<vmem>>) target_semaphore(%arg9 : memref<!tpu.dma_semaphore, #tpu.memory_space<semaphore_mem>>)
          } else {
          }
        } else {
        }
        %eq3A_611 = arith.constant 6 : i32
        %eq3A_612 = arith.cmpi eq, %rem3A_18, %eq3A_611 : i32
        %convert_element_type3A_613 = arith.extui %eq3A_612 : i1 to i32
        %cond3A_614 = arith.constant 0 : i32
        %cond3A_615 = arith.cmpi ne, %convert_element_type3A_613, %cond3A_614 : i32
        scf.if %cond3A_615 {
          %dma_start3A_753 = arith.constant 6 : i32
          %dma_start3A_754 = arith.constant 0 : i32
          %dma_start3A_755 = tpu.memref_slice %arg6[%dma_start3A_754] : memref<77312xf32, #tpu.memory_space<vmem>> -> memref<38400xf32, #tpu.memory_space<vmem>>
          %dma_start3A_756 = tpu.memref_slice %arg3[%select_n3A, %dma_start3A_753, %multiple_of3A_578] : memref<4x8x1000012xf32, #tpu.memory_space<hbm>> -> memref<1x1x38400xf32, #tpu.memory_space<hbm>>
          %dma_start3A_757 = tpu.memref_squeeze %dma_start3A_756 : memref<1x1x38400xf32, #tpu.memory_space<hbm>> -> memref<38400xf32, #tpu.memory_space<hbm>>
          %dma_start3A_758 = arith.constant 0 : i32
          %dma_start3A_759 = tpu.memref_slice %arg6[%dma_start3A_758] : memref<77312xf32, #tpu.memory_space<vmem>> -> memref<38400xf32, #tpu.memory_space<vmem>>
          %dma_start3A_760 = tpu.memref_slice %arg3[%select_n3A, %dma_start3A_753, %multiple_of3A_578] : memref<4x8x1000012xf32, #tpu.memory_space<hbm>> -> memref<1x1x38400xf32, #tpu.memory_space<hbm>>
          %dma_start3A_761 = tpu.memref_squeeze %dma_start3A_760 : memref<1x1x38400xf32, #tpu.memory_space<hbm>> -> memref<38400xf32, #tpu.memory_space<hbm>>
          tpu.enqueue_dma source(%dma_start3A_761 : memref<38400xf32, #tpu.memory_space<hbm>>) target(%dma_start3A_759 : memref<38400xf32, #tpu.memory_space<vmem>>) target_semaphore(%arg9 : memref<!tpu.dma_semaphore, #tpu.memory_space<semaphore_mem>>)
          %not3A_762 = arith.constant true
          %not3A_763 = arith.xori %eq3A_580, %not3A_762 : i1
          %convert_element_type3A_764 = arith.extui %not3A_763 : i1 to i32
          %cond3A_765 = arith.constant 0 : i32
          %cond3A_766 = arith.cmpi ne, %convert_element_type3A_764, %cond3A_765 : i32
          scf.if %cond3A_766 {
            %add3A_770 = arith.constant 38400 : i32
            %add3A_771 = arith.addi %multiple_of3A_578, %add3A_770 : i32
            %dma_start3A_772 = arith.constant 6 : i32
            %dma_start3A_773 = arith.constant 38400 : i32
            %dma_start3A_774 = tpu.memref_slice %arg6[%dma_start3A_773] : memref<77312xf32, #tpu.memory_space<vmem>> -> memref<256xf32, #tpu.memory_space<vmem>>
            %dma_start3A_775 = tpu.memref_slice %arg3[%select_n3A, %dma_start3A_772, %add3A_771] : memref<4x8x1000012xf32, #tpu.memory_space<hbm>> -> memref<1x1x256xf32, #tpu.memory_space<hbm>>
            %dma_start3A_776 = tpu.memref_squeeze %dma_start3A_775 : memref<1x1x256xf32, #tpu.memory_space<hbm>> -> memref<256xf32, #tpu.memory_space<hbm>>
            %dma_start3A_777 = arith.constant 38400 : i32
            %dma_start3A_778 = tpu.memref_slice %arg6[%dma_start3A_777] : memref<77312xf32, #tpu.memory_space<vmem>> -> memref<256xf32, #tpu.memory_space<vmem>>
            %dma_start3A_779 = tpu.memref_slice %arg3[%select_n3A, %dma_start3A_772, %add3A_771] : memref<4x8x1000012xf32, #tpu.memory_space<hbm>> -> memref<1x1x256xf32, #tpu.memory_space<hbm>>
            %dma_start3A_780 = tpu.memref_squeeze %dma_start3A_779 : memref<1x1x256xf32, #tpu.memory_space<hbm>> -> memref<256xf32, #tpu.memory_space<hbm>>
            tpu.enqueue_dma source(%dma_start3A_780 : memref<256xf32, #tpu.memory_space<hbm>>) target(%dma_start3A_778 : memref<256xf32, #tpu.memory_space<vmem>>) target_semaphore(%arg9 : memref<!tpu.dma_semaphore, #tpu.memory_space<semaphore_mem>>)
          } else {
          }
          %convert_element_type3A_767 = arith.extui %eq3A_580 : i1 to i32
          %cond3A_768 = arith.constant 0 : i32
          %cond3A_769 = arith.cmpi ne, %convert_element_type3A_767, %cond3A_768 : i32
          scf.if %cond3A_769 {
            %dma_start3A_770 = arith.constant 6 : i32
            %dma_start3A_771 = arith.constant 38400 : i32
            %dma_start3A_772 = tpu.memref_slice %arg6[%dma_start3A_771] : memref<77312xf32, #tpu.memory_space<vmem>> -> memref<128xf32, #tpu.memory_space<vmem>>
            %dma_start3A_773 = arith.constant 0 : i32
            %dma_start3A_774 = tpu.memref_slice %arg4[%select_n3A, %dma_start3A_770, %dma_start3A_773] : memref<4x8x128xf32, #tpu.memory_space<hbm>> -> memref<1x1x128xf32, #tpu.memory_space<hbm>>
            %dma_start3A_775 = tpu.memref_squeeze %dma_start3A_774 : memref<1x1x128xf32, #tpu.memory_space<hbm>> -> memref<128xf32, #tpu.memory_space<hbm>>
            %dma_start3A_776 = arith.constant 38400 : i32
            %dma_start3A_777 = tpu.memref_slice %arg6[%dma_start3A_776] : memref<77312xf32, #tpu.memory_space<vmem>> -> memref<128xf32, #tpu.memory_space<vmem>>
            %dma_start3A_778 = arith.constant 0 : i32
            %dma_start3A_779 = tpu.memref_slice %arg4[%select_n3A, %dma_start3A_770, %dma_start3A_778] : memref<4x8x128xf32, #tpu.memory_space<hbm>> -> memref<1x1x128xf32, #tpu.memory_space<hbm>>
            %dma_start3A_780 = tpu.memref_squeeze %dma_start3A_779 : memref<1x1x128xf32, #tpu.memory_space<hbm>> -> memref<128xf32, #tpu.memory_space<hbm>>
            tpu.enqueue_dma source(%dma_start3A_780 : memref<128xf32, #tpu.memory_space<hbm>>) target(%dma_start3A_777 : memref<128xf32, #tpu.memory_space<vmem>>) target_semaphore(%arg9 : memref<!tpu.dma_semaphore, #tpu.memory_space<semaphore_mem>>)
          } else {
          }
        } else {
        }
        %eq3A_616 = arith.constant 7 : i32
        %eq3A_617 = arith.cmpi eq, %rem3A_18, %eq3A_616 : i32
        %convert_element_type3A_618 = arith.extui %eq3A_617 : i1 to i32
        %cond3A_619 = arith.constant 0 : i32
        %cond3A_620 = arith.cmpi ne, %convert_element_type3A_618, %cond3A_619 : i32
        scf.if %cond3A_620 {
          %dma_start3A_753 = arith.constant 7 : i32
          %dma_start3A_754 = arith.constant 0 : i32
          %dma_start3A_755 = tpu.memref_slice %arg6[%dma_start3A_754] : memref<77312xf32, #tpu.memory_space<vmem>> -> memref<38400xf32, #tpu.memory_space<vmem>>
          %dma_start3A_756 = tpu.memref_slice %arg3[%select_n3A, %dma_start3A_753, %multiple_of3A_578] : memref<4x8x1000012xf32, #tpu.memory_space<hbm>> -> memref<1x1x38400xf32, #tpu.memory_space<hbm>>
          %dma_start3A_757 = tpu.memref_squeeze %dma_start3A_756 : memref<1x1x38400xf32, #tpu.memory_space<hbm>> -> memref<38400xf32, #tpu.memory_space<hbm>>
          %dma_start3A_758 = arith.constant 0 : i32
          %dma_start3A_759 = tpu.memref_slice %arg6[%dma_start3A_758] : memref<77312xf32, #tpu.memory_space<vmem>> -> memref<38400xf32, #tpu.memory_space<vmem>>
          %dma_start3A_760 = tpu.memref_slice %arg3[%select_n3A, %dma_start3A_753, %multiple_of3A_578] : memref<4x8x1000012xf32, #tpu.memory_space<hbm>> -> memref<1x1x38400xf32, #tpu.memory_space<hbm>>
          %dma_start3A_761 = tpu.memref_squeeze %dma_start3A_760 : memref<1x1x38400xf32, #tpu.memory_space<hbm>> -> memref<38400xf32, #tpu.memory_space<hbm>>
          tpu.enqueue_dma source(%dma_start3A_761 : memref<38400xf32, #tpu.memory_space<hbm>>) target(%dma_start3A_759 : memref<38400xf32, #tpu.memory_space<vmem>>) target_semaphore(%arg9 : memref<!tpu.dma_semaphore, #tpu.memory_space<semaphore_mem>>)
          %not3A_762 = arith.constant true
          %not3A_763 = arith.xori %eq3A_580, %not3A_762 : i1
          %convert_element_type3A_764 = arith.extui %not3A_763 : i1 to i32
          %cond3A_765 = arith.constant 0 : i32
          %cond3A_766 = arith.cmpi ne, %convert_element_type3A_764, %cond3A_765 : i32
          scf.if %cond3A_766 {
            %add3A_770 = arith.constant 38400 : i32
            %add3A_771 = arith.addi %multiple_of3A_578, %add3A_770 : i32
            %dma_start3A_772 = arith.constant 7 : i32
            %dma_start3A_773 = arith.constant 38400 : i32
            %dma_start3A_774 = tpu.memref_slice %arg6[%dma_start3A_773] : memref<77312xf32, #tpu.memory_space<vmem>> -> memref<256xf32, #tpu.memory_space<vmem>>
            %dma_start3A_775 = tpu.memref_slice %arg3[%select_n3A, %dma_start3A_772, %add3A_771] : memref<4x8x1000012xf32, #tpu.memory_space<hbm>> -> memref<1x1x256xf32, #tpu.memory_space<hbm>>
            %dma_start3A_776 = tpu.memref_squeeze %dma_start3A_775 : memref<1x1x256xf32, #tpu.memory_space<hbm>> -> memref<256xf32, #tpu.memory_space<hbm>>
            %dma_start3A_777 = arith.constant 38400 : i32
            %dma_start3A_778 = tpu.memref_slice %arg6[%dma_start3A_777] : memref<77312xf32, #tpu.memory_space<vmem>> -> memref<256xf32, #tpu.memory_space<vmem>>
            %dma_start3A_779 = tpu.memref_slice %arg3[%select_n3A, %dma_start3A_772, %add3A_771] : memref<4x8x1000012xf32, #tpu.memory_space<hbm>> -> memref<1x1x256xf32, #tpu.memory_space<hbm>>
            %dma_start3A_780 = tpu.memref_squeeze %dma_start3A_779 : memref<1x1x256xf32, #tpu.memory_space<hbm>> -> memref<256xf32, #tpu.memory_space<hbm>>
            tpu.enqueue_dma source(%dma_start3A_780 : memref<256xf32, #tpu.memory_space<hbm>>) target(%dma_start3A_778 : memref<256xf32, #tpu.memory_space<vmem>>) target_semaphore(%arg9 : memref<!tpu.dma_semaphore, #tpu.memory_space<semaphore_mem>>)
          } else {
          }
          %convert_element_type3A_767 = arith.extui %eq3A_580 : i1 to i32
          %cond3A_768 = arith.constant 0 : i32
          %cond3A_769 = arith.cmpi ne, %convert_element_type3A_767, %cond3A_768 : i32
          scf.if %cond3A_769 {
            %dma_start3A_770 = arith.constant 7 : i32
            %dma_start3A_771 = arith.constant 38400 : i32
            %dma_start3A_772 = tpu.memref_slice %arg6[%dma_start3A_771] : memref<77312xf32, #tpu.memory_space<vmem>> -> memref<128xf32, #tpu.memory_space<vmem>>
            %dma_start3A_773 = arith.constant 0 : i32
            %dma_start3A_774 = tpu.memref_slice %arg4[%select_n3A, %dma_start3A_770, %dma_start3A_773] : memref<4x8x128xf32, #tpu.memory_space<hbm>> -> memref<1x1x128xf32, #tpu.memory_space<hbm>>
            %dma_start3A_775 = tpu.memref_squeeze %dma_start3A_774 : memref<1x1x128xf32, #tpu.memory_space<hbm>> -> memref<128xf32, #tpu.memory_space<hbm>>
            %dma_start3A_776 = arith.constant 38400 : i32
            %dma_start3A_777 = tpu.memref_slice %arg6[%dma_start3A_776] : memref<77312xf32, #tpu.memory_space<vmem>> -> memref<128xf32, #tpu.memory_space<vmem>>
            %dma_start3A_778 = arith.constant 0 : i32
            %dma_start3A_779 = tpu.memref_slice %arg4[%select_n3A, %dma_start3A_770, %dma_start3A_778] : memref<4x8x128xf32, #tpu.memory_space<hbm>> -> memref<1x1x128xf32, #tpu.memory_space<hbm>>
            %dma_start3A_780 = tpu.memref_squeeze %dma_start3A_779 : memref<1x1x128xf32, #tpu.memory_space<hbm>> -> memref<128xf32, #tpu.memory_space<hbm>>
            tpu.enqueue_dma source(%dma_start3A_780 : memref<128xf32, #tpu.memory_space<hbm>>) target(%dma_start3A_777 : memref<128xf32, #tpu.memory_space<vmem>>) target_semaphore(%arg9 : memref<!tpu.dma_semaphore, #tpu.memory_space<semaphore_mem>>)
          } else {
          }
        } else {
        }
        %add3A_621 = arith.constant 2 : i32
        %add3A_622 = arith.addi %mul3A_117, %add3A_621 : i32
        %eq3A_623 = arith.constant 0 : i32
        %eq3A_624 = arith.cmpi eq, %add3A_622, %eq3A_623 : i32
        %convert_element_type3A_625 = arith.extui %eq3A_624 : i1 to i32
        %cond3A_626 = arith.constant 0 : i32
        %cond3A_627 = arith.cmpi ne, %convert_element_type3A_625, %cond3A_626 : i32
        scf.if %cond3A_627 {
          %dma_start3A_753 = arith.constant 0 : i32
          %dma_start3A_754 = arith.constant 0 : i32
          %dma_start3A_755 = tpu.memref_slice %arg7[%dma_start3A_754] : memref<32768xi32, #tpu.memory_space<vmem>> -> memref<16384xi32, #tpu.memory_space<vmem>>
          %dma_start3A_756 = arith.constant 0 : i32
          %dma_start3A_757 = tpu.memref_slice %arg2[%dma_start3A_753, %dma_start3A_756] : memref<26x16384xi32, #tpu.memory_space<hbm>> -> memref<1x16384xi32, #tpu.memory_space<hbm>>
          %dma_start3A_758 = tpu.memref_squeeze %dma_start3A_757 : memref<1x16384xi32, #tpu.memory_space<hbm>> -> memref<16384xi32, #tpu.memory_space<hbm>>
          %dma_start3A_759 = arith.constant 0 : i32
          %dma_start3A_760 = tpu.memref_slice %arg7[%dma_start3A_759] : memref<32768xi32, #tpu.memory_space<vmem>> -> memref<16384xi32, #tpu.memory_space<vmem>>
          %dma_start3A_761 = arith.constant 0 : i32
          %dma_start3A_762 = tpu.memref_slice %arg2[%dma_start3A_753, %dma_start3A_761] : memref<26x16384xi32, #tpu.memory_space<hbm>> -> memref<1x16384xi32, #tpu.memory_space<hbm>>
          %dma_start3A_763 = tpu.memref_squeeze %dma_start3A_762 : memref<1x16384xi32, #tpu.memory_space<hbm>> -> memref<16384xi32, #tpu.memory_space<hbm>>
          tpu.enqueue_dma source(%dma_start3A_763 : memref<16384xi32, #tpu.memory_space<hbm>>) target(%dma_start3A_760 : memref<16384xi32, #tpu.memory_space<vmem>>) target_semaphore(%arg11 : memref<!tpu.dma_semaphore, #tpu.memory_space<semaphore_mem>>)
        } else {
        }
        %eq3A_628 = arith.constant 1 : i32
        %eq3A_629 = arith.cmpi eq, %add3A_622, %eq3A_628 : i32
        %convert_element_type3A_630 = arith.extui %eq3A_629 : i1 to i32
        %cond3A_631 = arith.constant 0 : i32
        %cond3A_632 = arith.cmpi ne, %convert_element_type3A_630, %cond3A_631 : i32
        scf.if %cond3A_632 {
          %dma_start3A_753 = arith.constant 1 : i32
          %dma_start3A_754 = arith.constant 0 : i32
          %dma_start3A_755 = tpu.memref_slice %arg7[%dma_start3A_754] : memref<32768xi32, #tpu.memory_space<vmem>> -> memref<16384xi32, #tpu.memory_space<vmem>>
          %dma_start3A_756 = arith.constant 0 : i32
          %dma_start3A_757 = tpu.memref_slice %arg2[%dma_start3A_753, %dma_start3A_756] : memref<26x16384xi32, #tpu.memory_space<hbm>> -> memref<1x16384xi32, #tpu.memory_space<hbm>>
          %dma_start3A_758 = tpu.memref_squeeze %dma_start3A_757 : memref<1x16384xi32, #tpu.memory_space<hbm>> -> memref<16384xi32, #tpu.memory_space<hbm>>
          %dma_start3A_759 = arith.constant 0 : i32
          %dma_start3A_760 = tpu.memref_slice %arg7[%dma_start3A_759] : memref<32768xi32, #tpu.memory_space<vmem>> -> memref<16384xi32, #tpu.memory_space<vmem>>
          %dma_start3A_761 = arith.constant 0 : i32
          %dma_start3A_762 = tpu.memref_slice %arg2[%dma_start3A_753, %dma_start3A_761] : memref<26x16384xi32, #tpu.memory_space<hbm>> -> memref<1x16384xi32, #tpu.memory_space<hbm>>
          %dma_start3A_763 = tpu.memref_squeeze %dma_start3A_762 : memref<1x16384xi32, #tpu.memory_space<hbm>> -> memref<16384xi32, #tpu.memory_space<hbm>>
          tpu.enqueue_dma source(%dma_start3A_763 : memref<16384xi32, #tpu.memory_space<hbm>>) target(%dma_start3A_760 : memref<16384xi32, #tpu.memory_space<vmem>>) target_semaphore(%arg11 : memref<!tpu.dma_semaphore, #tpu.memory_space<semaphore_mem>>)
        } else {
        }
        %eq3A_633 = arith.constant 2 : i32
        %eq3A_634 = arith.cmpi eq, %add3A_622, %eq3A_633 : i32
        %convert_element_type3A_635 = arith.extui %eq3A_634 : i1 to i32
        %cond3A_636 = arith.constant 0 : i32
        %cond3A_637 = arith.cmpi ne, %convert_element_type3A_635, %cond3A_636 : i32
        scf.if %cond3A_637 {
          %dma_start3A_753 = arith.constant 2 : i32
          %dma_start3A_754 = arith.constant 0 : i32
          %dma_start3A_755 = tpu.memref_slice %arg7[%dma_start3A_754] : memref<32768xi32, #tpu.memory_space<vmem>> -> memref<16384xi32, #tpu.memory_space<vmem>>
          %dma_start3A_756 = arith.constant 0 : i32
          %dma_start3A_757 = tpu.memref_slice %arg2[%dma_start3A_753, %dma_start3A_756] : memref<26x16384xi32, #tpu.memory_space<hbm>> -> memref<1x16384xi32, #tpu.memory_space<hbm>>
          %dma_start3A_758 = tpu.memref_squeeze %dma_start3A_757 : memref<1x16384xi32, #tpu.memory_space<hbm>> -> memref<16384xi32, #tpu.memory_space<hbm>>
          %dma_start3A_759 = arith.constant 0 : i32
          %dma_start3A_760 = tpu.memref_slice %arg7[%dma_start3A_759] : memref<32768xi32, #tpu.memory_space<vmem>> -> memref<16384xi32, #tpu.memory_space<vmem>>
          %dma_start3A_761 = arith.constant 0 : i32
          %dma_start3A_762 = tpu.memref_slice %arg2[%dma_start3A_753, %dma_start3A_761] : memref<26x16384xi32, #tpu.memory_space<hbm>> -> memref<1x16384xi32, #tpu.memory_space<hbm>>
          %dma_start3A_763 = tpu.memref_squeeze %dma_start3A_762 : memref<1x16384xi32, #tpu.memory_space<hbm>> -> memref<16384xi32, #tpu.memory_space<hbm>>
          tpu.enqueue_dma source(%dma_start3A_763 : memref<16384xi32, #tpu.memory_space<hbm>>) target(%dma_start3A_760 : memref<16384xi32, #tpu.memory_space<vmem>>) target_semaphore(%arg11 : memref<!tpu.dma_semaphore, #tpu.memory_space<semaphore_mem>>)
        } else {
        }
        %eq3A_638 = arith.constant 3 : i32
        %eq3A_639 = arith.cmpi eq, %add3A_622, %eq3A_638 : i32
        %convert_element_type3A_640 = arith.extui %eq3A_639 : i1 to i32
        %cond3A_641 = arith.constant 0 : i32
        %cond3A_642 = arith.cmpi ne, %convert_element_type3A_640, %cond3A_641 : i32
        scf.if %cond3A_642 {
          %dma_start3A_753 = arith.constant 3 : i32
          %dma_start3A_754 = arith.constant 0 : i32
          %dma_start3A_755 = tpu.memref_slice %arg7[%dma_start3A_754] : memref<32768xi32, #tpu.memory_space<vmem>> -> memref<16384xi32, #tpu.memory_space<vmem>>
          %dma_start3A_756 = arith.constant 0 : i32
          %dma_start3A_757 = tpu.memref_slice %arg2[%dma_start3A_753, %dma_start3A_756] : memref<26x16384xi32, #tpu.memory_space<hbm>> -> memref<1x16384xi32, #tpu.memory_space<hbm>>
          %dma_start3A_758 = tpu.memref_squeeze %dma_start3A_757 : memref<1x16384xi32, #tpu.memory_space<hbm>> -> memref<16384xi32, #tpu.memory_space<hbm>>
          %dma_start3A_759 = arith.constant 0 : i32
          %dma_start3A_760 = tpu.memref_slice %arg7[%dma_start3A_759] : memref<32768xi32, #tpu.memory_space<vmem>> -> memref<16384xi32, #tpu.memory_space<vmem>>
          %dma_start3A_761 = arith.constant 0 : i32
          %dma_start3A_762 = tpu.memref_slice %arg2[%dma_start3A_753, %dma_start3A_761] : memref<26x16384xi32, #tpu.memory_space<hbm>> -> memref<1x16384xi32, #tpu.memory_space<hbm>>
          %dma_start3A_763 = tpu.memref_squeeze %dma_start3A_762 : memref<1x16384xi32, #tpu.memory_space<hbm>> -> memref<16384xi32, #tpu.memory_space<hbm>>
          tpu.enqueue_dma source(%dma_start3A_763 : memref<16384xi32, #tpu.memory_space<hbm>>) target(%dma_start3A_760 : memref<16384xi32, #tpu.memory_space<vmem>>) target_semaphore(%arg11 : memref<!tpu.dma_semaphore, #tpu.memory_space<semaphore_mem>>)
        } else {
        }
        %eq3A_643 = arith.constant 4 : i32
        %eq3A_644 = arith.cmpi eq, %add3A_622, %eq3A_643 : i32
        %convert_element_type3A_645 = arith.extui %eq3A_644 : i1 to i32
        %cond3A_646 = arith.constant 0 : i32
        %cond3A_647 = arith.cmpi ne, %convert_element_type3A_645, %cond3A_646 : i32
        scf.if %cond3A_647 {
          %dma_start3A_753 = arith.constant 4 : i32
          %dma_start3A_754 = arith.constant 0 : i32
          %dma_start3A_755 = tpu.memref_slice %arg7[%dma_start3A_754] : memref<32768xi32, #tpu.memory_space<vmem>> -> memref<16384xi32, #tpu.memory_space<vmem>>
          %dma_start3A_756 = arith.constant 0 : i32
          %dma_start3A_757 = tpu.memref_slice %arg2[%dma_start3A_753, %dma_start3A_756] : memref<26x16384xi32, #tpu.memory_space<hbm>> -> memref<1x16384xi32, #tpu.memory_space<hbm>>
          %dma_start3A_758 = tpu.memref_squeeze %dma_start3A_757 : memref<1x16384xi32, #tpu.memory_space<hbm>> -> memref<16384xi32, #tpu.memory_space<hbm>>
          %dma_start3A_759 = arith.constant 0 : i32
          %dma_start3A_760 = tpu.memref_slice %arg7[%dma_start3A_759] : memref<32768xi32, #tpu.memory_space<vmem>> -> memref<16384xi32, #tpu.memory_space<vmem>>
          %dma_start3A_761 = arith.constant 0 : i32
          %dma_start3A_762 = tpu.memref_slice %arg2[%dma_start3A_753, %dma_start3A_761] : memref<26x16384xi32, #tpu.memory_space<hbm>> -> memref<1x16384xi32, #tpu.memory_space<hbm>>
          %dma_start3A_763 = tpu.memref_squeeze %dma_start3A_762 : memref<1x16384xi32, #tpu.memory_space<hbm>> -> memref<16384xi32, #tpu.memory_space<hbm>>
          tpu.enqueue_dma source(%dma_start3A_763 : memref<16384xi32, #tpu.memory_space<hbm>>) target(%dma_start3A_760 : memref<16384xi32, #tpu.memory_space<vmem>>) target_semaphore(%arg11 : memref<!tpu.dma_semaphore, #tpu.memory_space<semaphore_mem>>)
        } else {
        }
        %eq3A_648 = arith.constant 5 : i32
        %eq3A_649 = arith.cmpi eq, %add3A_622, %eq3A_648 : i32
        %convert_element_type3A_650 = arith.extui %eq3A_649 : i1 to i32
        %cond3A_651 = arith.constant 0 : i32
        %cond3A_652 = arith.cmpi ne, %convert_element_type3A_650, %cond3A_651 : i32
        scf.if %cond3A_652 {
          %dma_start3A_753 = arith.constant 5 : i32
          %dma_start3A_754 = arith.constant 0 : i32
          %dma_start3A_755 = tpu.memref_slice %arg7[%dma_start3A_754] : memref<32768xi32, #tpu.memory_space<vmem>> -> memref<16384xi32, #tpu.memory_space<vmem>>
          %dma_start3A_756 = arith.constant 0 : i32
          %dma_start3A_757 = tpu.memref_slice %arg2[%dma_start3A_753, %dma_start3A_756] : memref<26x16384xi32, #tpu.memory_space<hbm>> -> memref<1x16384xi32, #tpu.memory_space<hbm>>
          %dma_start3A_758 = tpu.memref_squeeze %dma_start3A_757 : memref<1x16384xi32, #tpu.memory_space<hbm>> -> memref<16384xi32, #tpu.memory_space<hbm>>
          %dma_start3A_759 = arith.constant 0 : i32
          %dma_start3A_760 = tpu.memref_slice %arg7[%dma_start3A_759] : memref<32768xi32, #tpu.memory_space<vmem>> -> memref<16384xi32, #tpu.memory_space<vmem>>
          %dma_start3A_761 = arith.constant 0 : i32
          %dma_start3A_762 = tpu.memref_slice %arg2[%dma_start3A_753, %dma_start3A_761] : memref<26x16384xi32, #tpu.memory_space<hbm>> -> memref<1x16384xi32, #tpu.memory_space<hbm>>
          %dma_start3A_763 = tpu.memref_squeeze %dma_start3A_762 : memref<1x16384xi32, #tpu.memory_space<hbm>> -> memref<16384xi32, #tpu.memory_space<hbm>>
          tpu.enqueue_dma source(%dma_start3A_763 : memref<16384xi32, #tpu.memory_space<hbm>>) target(%dma_start3A_760 : memref<16384xi32, #tpu.memory_space<vmem>>) target_semaphore(%arg11 : memref<!tpu.dma_semaphore, #tpu.memory_space<semaphore_mem>>)
        } else {
        }
        %eq3A_653 = arith.constant 6 : i32
        %eq3A_654 = arith.cmpi eq, %add3A_622, %eq3A_653 : i32
        %convert_element_type3A_655 = arith.extui %eq3A_654 : i1 to i32
        %cond3A_656 = arith.constant 0 : i32
        %cond3A_657 = arith.cmpi ne, %convert_element_type3A_655, %cond3A_656 : i32
        scf.if %cond3A_657 {
          %dma_start3A_753 = arith.constant 6 : i32
          %dma_start3A_754 = arith.constant 0 : i32
          %dma_start3A_755 = tpu.memref_slice %arg7[%dma_start3A_754] : memref<32768xi32, #tpu.memory_space<vmem>> -> memref<16384xi32, #tpu.memory_space<vmem>>
          %dma_start3A_756 = arith.constant 0 : i32
          %dma_start3A_757 = tpu.memref_slice %arg2[%dma_start3A_753, %dma_start3A_756] : memref<26x16384xi32, #tpu.memory_space<hbm>> -> memref<1x16384xi32, #tpu.memory_space<hbm>>
          %dma_start3A_758 = tpu.memref_squeeze %dma_start3A_757 : memref<1x16384xi32, #tpu.memory_space<hbm>> -> memref<16384xi32, #tpu.memory_space<hbm>>
          %dma_start3A_759 = arith.constant 0 : i32
          %dma_start3A_760 = tpu.memref_slice %arg7[%dma_start3A_759] : memref<32768xi32, #tpu.memory_space<vmem>> -> memref<16384xi32, #tpu.memory_space<vmem>>
          %dma_start3A_761 = arith.constant 0 : i32
          %dma_start3A_762 = tpu.memref_slice %arg2[%dma_start3A_753, %dma_start3A_761] : memref<26x16384xi32, #tpu.memory_space<hbm>> -> memref<1x16384xi32, #tpu.memory_space<hbm>>
          %dma_start3A_763 = tpu.memref_squeeze %dma_start3A_762 : memref<1x16384xi32, #tpu.memory_space<hbm>> -> memref<16384xi32, #tpu.memory_space<hbm>>
          tpu.enqueue_dma source(%dma_start3A_763 : memref<16384xi32, #tpu.memory_space<hbm>>) target(%dma_start3A_760 : memref<16384xi32, #tpu.memory_space<vmem>>) target_semaphore(%arg11 : memref<!tpu.dma_semaphore, #tpu.memory_space<semaphore_mem>>)
        } else {
        }
        %eq3A_658 = arith.constant 7 : i32
        %eq3A_659 = arith.cmpi eq, %add3A_622, %eq3A_658 : i32
        %convert_element_type3A_660 = arith.extui %eq3A_659 : i1 to i32
        %cond3A_661 = arith.constant 0 : i32
        %cond3A_662 = arith.cmpi ne, %convert_element_type3A_660, %cond3A_661 : i32
        scf.if %cond3A_662 {
          %dma_start3A_753 = arith.constant 7 : i32
          %dma_start3A_754 = arith.constant 0 : i32
          %dma_start3A_755 = tpu.memref_slice %arg7[%dma_start3A_754] : memref<32768xi32, #tpu.memory_space<vmem>> -> memref<16384xi32, #tpu.memory_space<vmem>>
          %dma_start3A_756 = arith.constant 0 : i32
          %dma_start3A_757 = tpu.memref_slice %arg2[%dma_start3A_753, %dma_start3A_756] : memref<26x16384xi32, #tpu.memory_space<hbm>> -> memref<1x16384xi32, #tpu.memory_space<hbm>>
          %dma_start3A_758 = tpu.memref_squeeze %dma_start3A_757 : memref<1x16384xi32, #tpu.memory_space<hbm>> -> memref<16384xi32, #tpu.memory_space<hbm>>
          %dma_start3A_759 = arith.constant 0 : i32
          %dma_start3A_760 = tpu.memref_slice %arg7[%dma_start3A_759] : memref<32768xi32, #tpu.memory_space<vmem>> -> memref<16384xi32, #tpu.memory_space<vmem>>
          %dma_start3A_761 = arith.constant 0 : i32
          %dma_start3A_762 = tpu.memref_slice %arg2[%dma_start3A_753, %dma_start3A_761] : memref<26x16384xi32, #tpu.memory_space<hbm>> -> memref<1x16384xi32, #tpu.memory_space<hbm>>
          %dma_start3A_763 = tpu.memref_squeeze %dma_start3A_762 : memref<1x16384xi32, #tpu.memory_space<hbm>> -> memref<16384xi32, #tpu.memory_space<hbm>>
          tpu.enqueue_dma source(%dma_start3A_763 : memref<16384xi32, #tpu.memory_space<hbm>>) target(%dma_start3A_760 : memref<16384xi32, #tpu.memory_space<vmem>>) target_semaphore(%arg11 : memref<!tpu.dma_semaphore, #tpu.memory_space<semaphore_mem>>)
        } else {
        }
        %eq3A_663 = arith.constant 8 : i32
        %eq3A_664 = arith.cmpi eq, %add3A_622, %eq3A_663 : i32
        %convert_element_type3A_665 = arith.extui %eq3A_664 : i1 to i32
        %cond3A_666 = arith.constant 0 : i32
        %cond3A_667 = arith.cmpi ne, %convert_element_type3A_665, %cond3A_666 : i32
        scf.if %cond3A_667 {
          %dma_start3A_753 = arith.constant 8 : i32
          %dma_start3A_754 = arith.constant 0 : i32
          %dma_start3A_755 = tpu.memref_slice %arg7[%dma_start3A_754] : memref<32768xi32, #tpu.memory_space<vmem>> -> memref<16384xi32, #tpu.memory_space<vmem>>
          %dma_start3A_756 = arith.constant 0 : i32
          %dma_start3A_757 = tpu.memref_slice %arg2[%dma_start3A_753, %dma_start3A_756] : memref<26x16384xi32, #tpu.memory_space<hbm>> -> memref<1x16384xi32, #tpu.memory_space<hbm>>
          %dma_start3A_758 = tpu.memref_squeeze %dma_start3A_757 : memref<1x16384xi32, #tpu.memory_space<hbm>> -> memref<16384xi32, #tpu.memory_space<hbm>>
          %dma_start3A_759 = arith.constant 0 : i32
          %dma_start3A_760 = tpu.memref_slice %arg7[%dma_start3A_759] : memref<32768xi32, #tpu.memory_space<vmem>> -> memref<16384xi32, #tpu.memory_space<vmem>>
          %dma_start3A_761 = arith.constant 0 : i32
          %dma_start3A_762 = tpu.memref_slice %arg2[%dma_start3A_753, %dma_start3A_761] : memref<26x16384xi32, #tpu.memory_space<hbm>> -> memref<1x16384xi32, #tpu.memory_space<hbm>>
          %dma_start3A_763 = tpu.memref_squeeze %dma_start3A_762 : memref<1x16384xi32, #tpu.memory_space<hbm>> -> memref<16384xi32, #tpu.memory_space<hbm>>
          tpu.enqueue_dma source(%dma_start3A_763 : memref<16384xi32, #tpu.memory_space<hbm>>) target(%dma_start3A_760 : memref<16384xi32, #tpu.memory_space<vmem>>) target_semaphore(%arg11 : memref<!tpu.dma_semaphore, #tpu.memory_space<semaphore_mem>>)
        } else {
        }
        %eq3A_668 = arith.constant 9 : i32
        %eq3A_669 = arith.cmpi eq, %add3A_622, %eq3A_668 : i32
        %convert_element_type3A_670 = arith.extui %eq3A_669 : i1 to i32
        %cond3A_671 = arith.constant 0 : i32
        %cond3A_672 = arith.cmpi ne, %convert_element_type3A_670, %cond3A_671 : i32
        scf.if %cond3A_672 {
          %dma_start3A_753 = arith.constant 9 : i32
          %dma_start3A_754 = arith.constant 0 : i32
          %dma_start3A_755 = tpu.memref_slice %arg7[%dma_start3A_754] : memref<32768xi32, #tpu.memory_space<vmem>> -> memref<16384xi32, #tpu.memory_space<vmem>>
          %dma_start3A_756 = arith.constant 0 : i32
          %dma_start3A_757 = tpu.memref_slice %arg2[%dma_start3A_753, %dma_start3A_756] : memref<26x16384xi32, #tpu.memory_space<hbm>> -> memref<1x16384xi32, #tpu.memory_space<hbm>>
          %dma_start3A_758 = tpu.memref_squeeze %dma_start3A_757 : memref<1x16384xi32, #tpu.memory_space<hbm>> -> memref<16384xi32, #tpu.memory_space<hbm>>
          %dma_start3A_759 = arith.constant 0 : i32
          %dma_start3A_760 = tpu.memref_slice %arg7[%dma_start3A_759] : memref<32768xi32, #tpu.memory_space<vmem>> -> memref<16384xi32, #tpu.memory_space<vmem>>
          %dma_start3A_761 = arith.constant 0 : i32
          %dma_start3A_762 = tpu.memref_slice %arg2[%dma_start3A_753, %dma_start3A_761] : memref<26x16384xi32, #tpu.memory_space<hbm>> -> memref<1x16384xi32, #tpu.memory_space<hbm>>
          %dma_start3A_763 = tpu.memref_squeeze %dma_start3A_762 : memref<1x16384xi32, #tpu.memory_space<hbm>> -> memref<16384xi32, #tpu.memory_space<hbm>>
          tpu.enqueue_dma source(%dma_start3A_763 : memref<16384xi32, #tpu.memory_space<hbm>>) target(%dma_start3A_760 : memref<16384xi32, #tpu.memory_space<vmem>>) target_semaphore(%arg11 : memref<!tpu.dma_semaphore, #tpu.memory_space<semaphore_mem>>)
        } else {
        }
        %eq3A_673 = arith.constant 10 : i32
        %eq3A_674 = arith.cmpi eq, %add3A_622, %eq3A_673 : i32
        %convert_element_type3A_675 = arith.extui %eq3A_674 : i1 to i32
        %cond3A_676 = arith.constant 0 : i32
        %cond3A_677 = arith.cmpi ne, %convert_element_type3A_675, %cond3A_676 : i32
        scf.if %cond3A_677 {
          %dma_start3A_753 = arith.constant 10 : i32
          %dma_start3A_754 = arith.constant 0 : i32
          %dma_start3A_755 = tpu.memref_slice %arg7[%dma_start3A_754] : memref<32768xi32, #tpu.memory_space<vmem>> -> memref<16384xi32, #tpu.memory_space<vmem>>
          %dma_start3A_756 = arith.constant 0 : i32
          %dma_start3A_757 = tpu.memref_slice %arg2[%dma_start3A_753, %dma_start3A_756] : memref<26x16384xi32, #tpu.memory_space<hbm>> -> memref<1x16384xi32, #tpu.memory_space<hbm>>
          %dma_start3A_758 = tpu.memref_squeeze %dma_start3A_757 : memref<1x16384xi32, #tpu.memory_space<hbm>> -> memref<16384xi32, #tpu.memory_space<hbm>>
          %dma_start3A_759 = arith.constant 0 : i32
          %dma_start3A_760 = tpu.memref_slice %arg7[%dma_start3A_759] : memref<32768xi32, #tpu.memory_space<vmem>> -> memref<16384xi32, #tpu.memory_space<vmem>>
          %dma_start3A_761 = arith.constant 0 : i32
          %dma_start3A_762 = tpu.memref_slice %arg2[%dma_start3A_753, %dma_start3A_761] : memref<26x16384xi32, #tpu.memory_space<hbm>> -> memref<1x16384xi32, #tpu.memory_space<hbm>>
          %dma_start3A_763 = tpu.memref_squeeze %dma_start3A_762 : memref<1x16384xi32, #tpu.memory_space<hbm>> -> memref<16384xi32, #tpu.memory_space<hbm>>
          tpu.enqueue_dma source(%dma_start3A_763 : memref<16384xi32, #tpu.memory_space<hbm>>) target(%dma_start3A_760 : memref<16384xi32, #tpu.memory_space<vmem>>) target_semaphore(%arg11 : memref<!tpu.dma_semaphore, #tpu.memory_space<semaphore_mem>>)
        } else {
        }
        %eq3A_678 = arith.constant 11 : i32
        %eq3A_679 = arith.cmpi eq, %add3A_622, %eq3A_678 : i32
        %convert_element_type3A_680 = arith.extui %eq3A_679 : i1 to i32
        %cond3A_681 = arith.constant 0 : i32
        %cond3A_682 = arith.cmpi ne, %convert_element_type3A_680, %cond3A_681 : i32
        scf.if %cond3A_682 {
          %dma_start3A_753 = arith.constant 11 : i32
          %dma_start3A_754 = arith.constant 0 : i32
          %dma_start3A_755 = tpu.memref_slice %arg7[%dma_start3A_754] : memref<32768xi32, #tpu.memory_space<vmem>> -> memref<16384xi32, #tpu.memory_space<vmem>>
          %dma_start3A_756 = arith.constant 0 : i32
          %dma_start3A_757 = tpu.memref_slice %arg2[%dma_start3A_753, %dma_start3A_756] : memref<26x16384xi32, #tpu.memory_space<hbm>> -> memref<1x16384xi32, #tpu.memory_space<hbm>>
          %dma_start3A_758 = tpu.memref_squeeze %dma_start3A_757 : memref<1x16384xi32, #tpu.memory_space<hbm>> -> memref<16384xi32, #tpu.memory_space<hbm>>
          %dma_start3A_759 = arith.constant 0 : i32
          %dma_start3A_760 = tpu.memref_slice %arg7[%dma_start3A_759] : memref<32768xi32, #tpu.memory_space<vmem>> -> memref<16384xi32, #tpu.memory_space<vmem>>
          %dma_start3A_761 = arith.constant 0 : i32
          %dma_start3A_762 = tpu.memref_slice %arg2[%dma_start3A_753, %dma_start3A_761] : memref<26x16384xi32, #tpu.memory_space<hbm>> -> memref<1x16384xi32, #tpu.memory_space<hbm>>
          %dma_start3A_763 = tpu.memref_squeeze %dma_start3A_762 : memref<1x16384xi32, #tpu.memory_space<hbm>> -> memref<16384xi32, #tpu.memory_space<hbm>>
          tpu.enqueue_dma source(%dma_start3A_763 : memref<16384xi32, #tpu.memory_space<hbm>>) target(%dma_start3A_760 : memref<16384xi32, #tpu.memory_space<vmem>>) target_semaphore(%arg11 : memref<!tpu.dma_semaphore, #tpu.memory_space<semaphore_mem>>)
        } else {
        }
        %eq3A_683 = arith.constant 12 : i32
        %eq3A_684 = arith.cmpi eq, %add3A_622, %eq3A_683 : i32
        %convert_element_type3A_685 = arith.extui %eq3A_684 : i1 to i32
        %cond3A_686 = arith.constant 0 : i32
        %cond3A_687 = arith.cmpi ne, %convert_element_type3A_685, %cond3A_686 : i32
        scf.if %cond3A_687 {
          %dma_start3A_753 = arith.constant 12 : i32
          %dma_start3A_754 = arith.constant 0 : i32
          %dma_start3A_755 = tpu.memref_slice %arg7[%dma_start3A_754] : memref<32768xi32, #tpu.memory_space<vmem>> -> memref<16384xi32, #tpu.memory_space<vmem>>
          %dma_start3A_756 = arith.constant 0 : i32
          %dma_start3A_757 = tpu.memref_slice %arg2[%dma_start3A_753, %dma_start3A_756] : memref<26x16384xi32, #tpu.memory_space<hbm>> -> memref<1x16384xi32, #tpu.memory_space<hbm>>
          %dma_start3A_758 = tpu.memref_squeeze %dma_start3A_757 : memref<1x16384xi32, #tpu.memory_space<hbm>> -> memref<16384xi32, #tpu.memory_space<hbm>>
          %dma_start3A_759 = arith.constant 0 : i32
          %dma_start3A_760 = tpu.memref_slice %arg7[%dma_start3A_759] : memref<32768xi32, #tpu.memory_space<vmem>> -> memref<16384xi32, #tpu.memory_space<vmem>>
          %dma_start3A_761 = arith.constant 0 : i32
          %dma_start3A_762 = tpu.memref_slice %arg2[%dma_start3A_753, %dma_start3A_761] : memref<26x16384xi32, #tpu.memory_space<hbm>> -> memref<1x16384xi32, #tpu.memory_space<hbm>>
          %dma_start3A_763 = tpu.memref_squeeze %dma_start3A_762 : memref<1x16384xi32, #tpu.memory_space<hbm>> -> memref<16384xi32, #tpu.memory_space<hbm>>
          tpu.enqueue_dma source(%dma_start3A_763 : memref<16384xi32, #tpu.memory_space<hbm>>) target(%dma_start3A_760 : memref<16384xi32, #tpu.memory_space<vmem>>) target_semaphore(%arg11 : memref<!tpu.dma_semaphore, #tpu.memory_space<semaphore_mem>>)
        } else {
        }
        %eq3A_688 = arith.constant 13 : i32
        %eq3A_689 = arith.cmpi eq, %add3A_622, %eq3A_688 : i32
        %convert_element_type3A_690 = arith.extui %eq3A_689 : i1 to i32
        %cond3A_691 = arith.constant 0 : i32
        %cond3A_692 = arith.cmpi ne, %convert_element_type3A_690, %cond3A_691 : i32
        scf.if %cond3A_692 {
          %dma_start3A_753 = arith.constant 13 : i32
          %dma_start3A_754 = arith.constant 0 : i32
          %dma_start3A_755 = tpu.memref_slice %arg7[%dma_start3A_754] : memref<32768xi32, #tpu.memory_space<vmem>> -> memref<16384xi32, #tpu.memory_space<vmem>>
          %dma_start3A_756 = arith.constant 0 : i32
          %dma_start3A_757 = tpu.memref_slice %arg2[%dma_start3A_753, %dma_start3A_756] : memref<26x16384xi32, #tpu.memory_space<hbm>> -> memref<1x16384xi32, #tpu.memory_space<hbm>>
          %dma_start3A_758 = tpu.memref_squeeze %dma_start3A_757 : memref<1x16384xi32, #tpu.memory_space<hbm>> -> memref<16384xi32, #tpu.memory_space<hbm>>
          %dma_start3A_759 = arith.constant 0 : i32
          %dma_start3A_760 = tpu.memref_slice %arg7[%dma_start3A_759] : memref<32768xi32, #tpu.memory_space<vmem>> -> memref<16384xi32, #tpu.memory_space<vmem>>
          %dma_start3A_761 = arith.constant 0 : i32
          %dma_start3A_762 = tpu.memref_slice %arg2[%dma_start3A_753, %dma_start3A_761] : memref<26x16384xi32, #tpu.memory_space<hbm>> -> memref<1x16384xi32, #tpu.memory_space<hbm>>
          %dma_start3A_763 = tpu.memref_squeeze %dma_start3A_762 : memref<1x16384xi32, #tpu.memory_space<hbm>> -> memref<16384xi32, #tpu.memory_space<hbm>>
          tpu.enqueue_dma source(%dma_start3A_763 : memref<16384xi32, #tpu.memory_space<hbm>>) target(%dma_start3A_760 : memref<16384xi32, #tpu.memory_space<vmem>>) target_semaphore(%arg11 : memref<!tpu.dma_semaphore, #tpu.memory_space<semaphore_mem>>)
        } else {
        }
        %eq3A_693 = arith.constant 14 : i32
        %eq3A_694 = arith.cmpi eq, %add3A_622, %eq3A_693 : i32
        %convert_element_type3A_695 = arith.extui %eq3A_694 : i1 to i32
        %cond3A_696 = arith.constant 0 : i32
        %cond3A_697 = arith.cmpi ne, %convert_element_type3A_695, %cond3A_696 : i32
        scf.if %cond3A_697 {
          %dma_start3A_753 = arith.constant 14 : i32
          %dma_start3A_754 = arith.constant 0 : i32
          %dma_start3A_755 = tpu.memref_slice %arg7[%dma_start3A_754] : memref<32768xi32, #tpu.memory_space<vmem>> -> memref<16384xi32, #tpu.memory_space<vmem>>
          %dma_start3A_756 = arith.constant 0 : i32
          %dma_start3A_757 = tpu.memref_slice %arg2[%dma_start3A_753, %dma_start3A_756] : memref<26x16384xi32, #tpu.memory_space<hbm>> -> memref<1x16384xi32, #tpu.memory_space<hbm>>
          %dma_start3A_758 = tpu.memref_squeeze %dma_start3A_757 : memref<1x16384xi32, #tpu.memory_space<hbm>> -> memref<16384xi32, #tpu.memory_space<hbm>>
          %dma_start3A_759 = arith.constant 0 : i32
          %dma_start3A_760 = tpu.memref_slice %arg7[%dma_start3A_759] : memref<32768xi32, #tpu.memory_space<vmem>> -> memref<16384xi32, #tpu.memory_space<vmem>>
          %dma_start3A_761 = arith.constant 0 : i32
          %dma_start3A_762 = tpu.memref_slice %arg2[%dma_start3A_753, %dma_start3A_761] : memref<26x16384xi32, #tpu.memory_space<hbm>> -> memref<1x16384xi32, #tpu.memory_space<hbm>>
          %dma_start3A_763 = tpu.memref_squeeze %dma_start3A_762 : memref<1x16384xi32, #tpu.memory_space<hbm>> -> memref<16384xi32, #tpu.memory_space<hbm>>
          tpu.enqueue_dma source(%dma_start3A_763 : memref<16384xi32, #tpu.memory_space<hbm>>) target(%dma_start3A_760 : memref<16384xi32, #tpu.memory_space<vmem>>) target_semaphore(%arg11 : memref<!tpu.dma_semaphore, #tpu.memory_space<semaphore_mem>>)
        } else {
        }
        %eq3A_698 = arith.constant 15 : i32
        %eq3A_699 = arith.cmpi eq, %add3A_622, %eq3A_698 : i32
        %convert_element_type3A_700 = arith.extui %eq3A_699 : i1 to i32
        %cond3A_701 = arith.constant 0 : i32
        %cond3A_702 = arith.cmpi ne, %convert_element_type3A_700, %cond3A_701 : i32
        scf.if %cond3A_702 {
          %dma_start3A_753 = arith.constant 15 : i32
          %dma_start3A_754 = arith.constant 0 : i32
          %dma_start3A_755 = tpu.memref_slice %arg7[%dma_start3A_754] : memref<32768xi32, #tpu.memory_space<vmem>> -> memref<16384xi32, #tpu.memory_space<vmem>>
          %dma_start3A_756 = arith.constant 0 : i32
          %dma_start3A_757 = tpu.memref_slice %arg2[%dma_start3A_753, %dma_start3A_756] : memref<26x16384xi32, #tpu.memory_space<hbm>> -> memref<1x16384xi32, #tpu.memory_space<hbm>>
          %dma_start3A_758 = tpu.memref_squeeze %dma_start3A_757 : memref<1x16384xi32, #tpu.memory_space<hbm>> -> memref<16384xi32, #tpu.memory_space<hbm>>
          %dma_start3A_759 = arith.constant 0 : i32
          %dma_start3A_760 = tpu.memref_slice %arg7[%dma_start3A_759] : memref<32768xi32, #tpu.memory_space<vmem>> -> memref<16384xi32, #tpu.memory_space<vmem>>
          %dma_start3A_761 = arith.constant 0 : i32
          %dma_start3A_762 = tpu.memref_slice %arg2[%dma_start3A_753, %dma_start3A_761] : memref<26x16384xi32, #tpu.memory_space<hbm>> -> memref<1x16384xi32, #tpu.memory_space<hbm>>
          %dma_start3A_763 = tpu.memref_squeeze %dma_start3A_762 : memref<1x16384xi32, #tpu.memory_space<hbm>> -> memref<16384xi32, #tpu.memory_space<hbm>>
          tpu.enqueue_dma source(%dma_start3A_763 : memref<16384xi32, #tpu.memory_space<hbm>>) target(%dma_start3A_760 : memref<16384xi32, #tpu.memory_space<vmem>>) target_semaphore(%arg11 : memref<!tpu.dma_semaphore, #tpu.memory_space<semaphore_mem>>)
        } else {
        }
        %eq3A_703 = arith.constant 16 : i32
        %eq3A_704 = arith.cmpi eq, %add3A_622, %eq3A_703 : i32
        %convert_element_type3A_705 = arith.extui %eq3A_704 : i1 to i32
        %cond3A_706 = arith.constant 0 : i32
        %cond3A_707 = arith.cmpi ne, %convert_element_type3A_705, %cond3A_706 : i32
        scf.if %cond3A_707 {
          %dma_start3A_753 = arith.constant 16 : i32
          %dma_start3A_754 = arith.constant 0 : i32
          %dma_start3A_755 = tpu.memref_slice %arg7[%dma_start3A_754] : memref<32768xi32, #tpu.memory_space<vmem>> -> memref<16384xi32, #tpu.memory_space<vmem>>
          %dma_start3A_756 = arith.constant 0 : i32
          %dma_start3A_757 = tpu.memref_slice %arg2[%dma_start3A_753, %dma_start3A_756] : memref<26x16384xi32, #tpu.memory_space<hbm>> -> memref<1x16384xi32, #tpu.memory_space<hbm>>
          %dma_start3A_758 = tpu.memref_squeeze %dma_start3A_757 : memref<1x16384xi32, #tpu.memory_space<hbm>> -> memref<16384xi32, #tpu.memory_space<hbm>>
          %dma_start3A_759 = arith.constant 0 : i32
          %dma_start3A_760 = tpu.memref_slice %arg7[%dma_start3A_759] : memref<32768xi32, #tpu.memory_space<vmem>> -> memref<16384xi32, #tpu.memory_space<vmem>>
          %dma_start3A_761 = arith.constant 0 : i32
          %dma_start3A_762 = tpu.memref_slice %arg2[%dma_start3A_753, %dma_start3A_761] : memref<26x16384xi32, #tpu.memory_space<hbm>> -> memref<1x16384xi32, #tpu.memory_space<hbm>>
          %dma_start3A_763 = tpu.memref_squeeze %dma_start3A_762 : memref<1x16384xi32, #tpu.memory_space<hbm>> -> memref<16384xi32, #tpu.memory_space<hbm>>
          tpu.enqueue_dma source(%dma_start3A_763 : memref<16384xi32, #tpu.memory_space<hbm>>) target(%dma_start3A_760 : memref<16384xi32, #tpu.memory_space<vmem>>) target_semaphore(%arg11 : memref<!tpu.dma_semaphore, #tpu.memory_space<semaphore_mem>>)
        } else {
        }
        %eq3A_708 = arith.constant 17 : i32
        %eq3A_709 = arith.cmpi eq, %add3A_622, %eq3A_708 : i32
        %convert_element_type3A_710 = arith.extui %eq3A_709 : i1 to i32
        %cond3A_711 = arith.constant 0 : i32
        %cond3A_712 = arith.cmpi ne, %convert_element_type3A_710, %cond3A_711 : i32
        scf.if %cond3A_712 {
          %dma_start3A_753 = arith.constant 17 : i32
          %dma_start3A_754 = arith.constant 0 : i32
          %dma_start3A_755 = tpu.memref_slice %arg7[%dma_start3A_754] : memref<32768xi32, #tpu.memory_space<vmem>> -> memref<16384xi32, #tpu.memory_space<vmem>>
          %dma_start3A_756 = arith.constant 0 : i32
          %dma_start3A_757 = tpu.memref_slice %arg2[%dma_start3A_753, %dma_start3A_756] : memref<26x16384xi32, #tpu.memory_space<hbm>> -> memref<1x16384xi32, #tpu.memory_space<hbm>>
          %dma_start3A_758 = tpu.memref_squeeze %dma_start3A_757 : memref<1x16384xi32, #tpu.memory_space<hbm>> -> memref<16384xi32, #tpu.memory_space<hbm>>
          %dma_start3A_759 = arith.constant 0 : i32
          %dma_start3A_760 = tpu.memref_slice %arg7[%dma_start3A_759] : memref<32768xi32, #tpu.memory_space<vmem>> -> memref<16384xi32, #tpu.memory_space<vmem>>
          %dma_start3A_761 = arith.constant 0 : i32
          %dma_start3A_762 = tpu.memref_slice %arg2[%dma_start3A_753, %dma_start3A_761] : memref<26x16384xi32, #tpu.memory_space<hbm>> -> memref<1x16384xi32, #tpu.memory_space<hbm>>
          %dma_start3A_763 = tpu.memref_squeeze %dma_start3A_762 : memref<1x16384xi32, #tpu.memory_space<hbm>> -> memref<16384xi32, #tpu.memory_space<hbm>>
          tpu.enqueue_dma source(%dma_start3A_763 : memref<16384xi32, #tpu.memory_space<hbm>>) target(%dma_start3A_760 : memref<16384xi32, #tpu.memory_space<vmem>>) target_semaphore(%arg11 : memref<!tpu.dma_semaphore, #tpu.memory_space<semaphore_mem>>)
        } else {
        }
        %eq3A_713 = arith.constant 18 : i32
        %eq3A_714 = arith.cmpi eq, %add3A_622, %eq3A_713 : i32
        %convert_element_type3A_715 = arith.extui %eq3A_714 : i1 to i32
        %cond3A_716 = arith.constant 0 : i32
        %cond3A_717 = arith.cmpi ne, %convert_element_type3A_715, %cond3A_716 : i32
        scf.if %cond3A_717 {
          %dma_start3A_753 = arith.constant 18 : i32
          %dma_start3A_754 = arith.constant 0 : i32
          %dma_start3A_755 = tpu.memref_slice %arg7[%dma_start3A_754] : memref<32768xi32, #tpu.memory_space<vmem>> -> memref<16384xi32, #tpu.memory_space<vmem>>
          %dma_start3A_756 = arith.constant 0 : i32
          %dma_start3A_757 = tpu.memref_slice %arg2[%dma_start3A_753, %dma_start3A_756] : memref<26x16384xi32, #tpu.memory_space<hbm>> -> memref<1x16384xi32, #tpu.memory_space<hbm>>
          %dma_start3A_758 = tpu.memref_squeeze %dma_start3A_757 : memref<1x16384xi32, #tpu.memory_space<hbm>> -> memref<16384xi32, #tpu.memory_space<hbm>>
          %dma_start3A_759 = arith.constant 0 : i32
          %dma_start3A_760 = tpu.memref_slice %arg7[%dma_start3A_759] : memref<32768xi32, #tpu.memory_space<vmem>> -> memref<16384xi32, #tpu.memory_space<vmem>>
          %dma_start3A_761 = arith.constant 0 : i32
          %dma_start3A_762 = tpu.memref_slice %arg2[%dma_start3A_753, %dma_start3A_761] : memref<26x16384xi32, #tpu.memory_space<hbm>> -> memref<1x16384xi32, #tpu.memory_space<hbm>>
          %dma_start3A_763 = tpu.memref_squeeze %dma_start3A_762 : memref<1x16384xi32, #tpu.memory_space<hbm>> -> memref<16384xi32, #tpu.memory_space<hbm>>
          tpu.enqueue_dma source(%dma_start3A_763 : memref<16384xi32, #tpu.memory_space<hbm>>) target(%dma_start3A_760 : memref<16384xi32, #tpu.memory_space<vmem>>) target_semaphore(%arg11 : memref<!tpu.dma_semaphore, #tpu.memory_space<semaphore_mem>>)
        } else {
        }
        %eq3A_718 = arith.constant 19 : i32
        %eq3A_719 = arith.cmpi eq, %add3A_622, %eq3A_718 : i32
        %convert_element_type3A_720 = arith.extui %eq3A_719 : i1 to i32
        %cond3A_721 = arith.constant 0 : i32
        %cond3A_722 = arith.cmpi ne, %convert_element_type3A_720, %cond3A_721 : i32
        scf.if %cond3A_722 {
          %dma_start3A_753 = arith.constant 19 : i32
          %dma_start3A_754 = arith.constant 0 : i32
          %dma_start3A_755 = tpu.memref_slice %arg7[%dma_start3A_754] : memref<32768xi32, #tpu.memory_space<vmem>> -> memref<16384xi32, #tpu.memory_space<vmem>>
          %dma_start3A_756 = arith.constant 0 : i32
          %dma_start3A_757 = tpu.memref_slice %arg2[%dma_start3A_753, %dma_start3A_756] : memref<26x16384xi32, #tpu.memory_space<hbm>> -> memref<1x16384xi32, #tpu.memory_space<hbm>>
          %dma_start3A_758 = tpu.memref_squeeze %dma_start3A_757 : memref<1x16384xi32, #tpu.memory_space<hbm>> -> memref<16384xi32, #tpu.memory_space<hbm>>
          %dma_start3A_759 = arith.constant 0 : i32
          %dma_start3A_760 = tpu.memref_slice %arg7[%dma_start3A_759] : memref<32768xi32, #tpu.memory_space<vmem>> -> memref<16384xi32, #tpu.memory_space<vmem>>
          %dma_start3A_761 = arith.constant 0 : i32
          %dma_start3A_762 = tpu.memref_slice %arg2[%dma_start3A_753, %dma_start3A_761] : memref<26x16384xi32, #tpu.memory_space<hbm>> -> memref<1x16384xi32, #tpu.memory_space<hbm>>
          %dma_start3A_763 = tpu.memref_squeeze %dma_start3A_762 : memref<1x16384xi32, #tpu.memory_space<hbm>> -> memref<16384xi32, #tpu.memory_space<hbm>>
          tpu.enqueue_dma source(%dma_start3A_763 : memref<16384xi32, #tpu.memory_space<hbm>>) target(%dma_start3A_760 : memref<16384xi32, #tpu.memory_space<vmem>>) target_semaphore(%arg11 : memref<!tpu.dma_semaphore, #tpu.memory_space<semaphore_mem>>)
        } else {
        }
        %eq3A_723 = arith.constant 20 : i32
        %eq3A_724 = arith.cmpi eq, %add3A_622, %eq3A_723 : i32
        %convert_element_type3A_725 = arith.extui %eq3A_724 : i1 to i32
        %cond3A_726 = arith.constant 0 : i32
        %cond3A_727 = arith.cmpi ne, %convert_element_type3A_725, %cond3A_726 : i32
        scf.if %cond3A_727 {
          %dma_start3A_753 = arith.constant 20 : i32
          %dma_start3A_754 = arith.constant 0 : i32
          %dma_start3A_755 = tpu.memref_slice %arg7[%dma_start3A_754] : memref<32768xi32, #tpu.memory_space<vmem>> -> memref<16384xi32, #tpu.memory_space<vmem>>
          %dma_start3A_756 = arith.constant 0 : i32
          %dma_start3A_757 = tpu.memref_slice %arg2[%dma_start3A_753, %dma_start3A_756] : memref<26x16384xi32, #tpu.memory_space<hbm>> -> memref<1x16384xi32, #tpu.memory_space<hbm>>
          %dma_start3A_758 = tpu.memref_squeeze %dma_start3A_757 : memref<1x16384xi32, #tpu.memory_space<hbm>> -> memref<16384xi32, #tpu.memory_space<hbm>>
          %dma_start3A_759 = arith.constant 0 : i32
          %dma_start3A_760 = tpu.memref_slice %arg7[%dma_start3A_759] : memref<32768xi32, #tpu.memory_space<vmem>> -> memref<16384xi32, #tpu.memory_space<vmem>>
          %dma_start3A_761 = arith.constant 0 : i32
          %dma_start3A_762 = tpu.memref_slice %arg2[%dma_start3A_753, %dma_start3A_761] : memref<26x16384xi32, #tpu.memory_space<hbm>> -> memref<1x16384xi32, #tpu.memory_space<hbm>>
          %dma_start3A_763 = tpu.memref_squeeze %dma_start3A_762 : memref<1x16384xi32, #tpu.memory_space<hbm>> -> memref<16384xi32, #tpu.memory_space<hbm>>
          tpu.enqueue_dma source(%dma_start3A_763 : memref<16384xi32, #tpu.memory_space<hbm>>) target(%dma_start3A_760 : memref<16384xi32, #tpu.memory_space<vmem>>) target_semaphore(%arg11 : memref<!tpu.dma_semaphore, #tpu.memory_space<semaphore_mem>>)
        } else {
        }
        %eq3A_728 = arith.constant 21 : i32
        %eq3A_729 = arith.cmpi eq, %add3A_622, %eq3A_728 : i32
        %convert_element_type3A_730 = arith.extui %eq3A_729 : i1 to i32
        %cond3A_731 = arith.constant 0 : i32
        %cond3A_732 = arith.cmpi ne, %convert_element_type3A_730, %cond3A_731 : i32
        scf.if %cond3A_732 {
          %dma_start3A_753 = arith.constant 21 : i32
          %dma_start3A_754 = arith.constant 0 : i32
          %dma_start3A_755 = tpu.memref_slice %arg7[%dma_start3A_754] : memref<32768xi32, #tpu.memory_space<vmem>> -> memref<16384xi32, #tpu.memory_space<vmem>>
          %dma_start3A_756 = arith.constant 0 : i32
          %dma_start3A_757 = tpu.memref_slice %arg2[%dma_start3A_753, %dma_start3A_756] : memref<26x16384xi32, #tpu.memory_space<hbm>> -> memref<1x16384xi32, #tpu.memory_space<hbm>>
          %dma_start3A_758 = tpu.memref_squeeze %dma_start3A_757 : memref<1x16384xi32, #tpu.memory_space<hbm>> -> memref<16384xi32, #tpu.memory_space<hbm>>
          %dma_start3A_759 = arith.constant 0 : i32
          %dma_start3A_760 = tpu.memref_slice %arg7[%dma_start3A_759] : memref<32768xi32, #tpu.memory_space<vmem>> -> memref<16384xi32, #tpu.memory_space<vmem>>
          %dma_start3A_761 = arith.constant 0 : i32
          %dma_start3A_762 = tpu.memref_slice %arg2[%dma_start3A_753, %dma_start3A_761] : memref<26x16384xi32, #tpu.memory_space<hbm>> -> memref<1x16384xi32, #tpu.memory_space<hbm>>
          %dma_start3A_763 = tpu.memref_squeeze %dma_start3A_762 : memref<1x16384xi32, #tpu.memory_space<hbm>> -> memref<16384xi32, #tpu.memory_space<hbm>>
          tpu.enqueue_dma source(%dma_start3A_763 : memref<16384xi32, #tpu.memory_space<hbm>>) target(%dma_start3A_760 : memref<16384xi32, #tpu.memory_space<vmem>>) target_semaphore(%arg11 : memref<!tpu.dma_semaphore, #tpu.memory_space<semaphore_mem>>)
        } else {
        }
        %eq3A_733 = arith.constant 22 : i32
        %eq3A_734 = arith.cmpi eq, %add3A_622, %eq3A_733 : i32
        %convert_element_type3A_735 = arith.extui %eq3A_734 : i1 to i32
        %cond3A_736 = arith.constant 0 : i32
        %cond3A_737 = arith.cmpi ne, %convert_element_type3A_735, %cond3A_736 : i32
        scf.if %cond3A_737 {
          %dma_start3A_753 = arith.constant 22 : i32
          %dma_start3A_754 = arith.constant 0 : i32
          %dma_start3A_755 = tpu.memref_slice %arg7[%dma_start3A_754] : memref<32768xi32, #tpu.memory_space<vmem>> -> memref<16384xi32, #tpu.memory_space<vmem>>
          %dma_start3A_756 = arith.constant 0 : i32
          %dma_start3A_757 = tpu.memref_slice %arg2[%dma_start3A_753, %dma_start3A_756] : memref<26x16384xi32, #tpu.memory_space<hbm>> -> memref<1x16384xi32, #tpu.memory_space<hbm>>
          %dma_start3A_758 = tpu.memref_squeeze %dma_start3A_757 : memref<1x16384xi32, #tpu.memory_space<hbm>> -> memref<16384xi32, #tpu.memory_space<hbm>>
          %dma_start3A_759 = arith.constant 0 : i32
          %dma_start3A_760 = tpu.memref_slice %arg7[%dma_start3A_759] : memref<32768xi32, #tpu.memory_space<vmem>> -> memref<16384xi32, #tpu.memory_space<vmem>>
          %dma_start3A_761 = arith.constant 0 : i32
          %dma_start3A_762 = tpu.memref_slice %arg2[%dma_start3A_753, %dma_start3A_761] : memref<26x16384xi32, #tpu.memory_space<hbm>> -> memref<1x16384xi32, #tpu.memory_space<hbm>>
          %dma_start3A_763 = tpu.memref_squeeze %dma_start3A_762 : memref<1x16384xi32, #tpu.memory_space<hbm>> -> memref<16384xi32, #tpu.memory_space<hbm>>
          tpu.enqueue_dma source(%dma_start3A_763 : memref<16384xi32, #tpu.memory_space<hbm>>) target(%dma_start3A_760 : memref<16384xi32, #tpu.memory_space<vmem>>) target_semaphore(%arg11 : memref<!tpu.dma_semaphore, #tpu.memory_space<semaphore_mem>>)
        } else {
        }
        %eq3A_738 = arith.constant 23 : i32
        %eq3A_739 = arith.cmpi eq, %add3A_622, %eq3A_738 : i32
        %convert_element_type3A_740 = arith.extui %eq3A_739 : i1 to i32
        %cond3A_741 = arith.constant 0 : i32
        %cond3A_742 = arith.cmpi ne, %convert_element_type3A_740, %cond3A_741 : i32
        scf.if %cond3A_742 {
          %dma_start3A_753 = arith.constant 23 : i32
          %dma_start3A_754 = arith.constant 0 : i32
          %dma_start3A_755 = tpu.memref_slice %arg7[%dma_start3A_754] : memref<32768xi32, #tpu.memory_space<vmem>> -> memref<16384xi32, #tpu.memory_space<vmem>>
          %dma_start3A_756 = arith.constant 0 : i32
          %dma_start3A_757 = tpu.memref_slice %arg2[%dma_start3A_753, %dma_start3A_756] : memref<26x16384xi32, #tpu.memory_space<hbm>> -> memref<1x16384xi32, #tpu.memory_space<hbm>>
          %dma_start3A_758 = tpu.memref_squeeze %dma_start3A_757 : memref<1x16384xi32, #tpu.memory_space<hbm>> -> memref<16384xi32, #tpu.memory_space<hbm>>
          %dma_start3A_759 = arith.constant 0 : i32
          %dma_start3A_760 = tpu.memref_slice %arg7[%dma_start3A_759] : memref<32768xi32, #tpu.memory_space<vmem>> -> memref<16384xi32, #tpu.memory_space<vmem>>
          %dma_start3A_761 = arith.constant 0 : i32
          %dma_start3A_762 = tpu.memref_slice %arg2[%dma_start3A_753, %dma_start3A_761] : memref<26x16384xi32, #tpu.memory_space<hbm>> -> memref<1x16384xi32, #tpu.memory_space<hbm>>
          %dma_start3A_763 = tpu.memref_squeeze %dma_start3A_762 : memref<1x16384xi32, #tpu.memory_space<hbm>> -> memref<16384xi32, #tpu.memory_space<hbm>>
          tpu.enqueue_dma source(%dma_start3A_763 : memref<16384xi32, #tpu.memory_space<hbm>>) target(%dma_start3A_760 : memref<16384xi32, #tpu.memory_space<vmem>>) target_semaphore(%arg11 : memref<!tpu.dma_semaphore, #tpu.memory_space<semaphore_mem>>)
        } else {
        }
        %eq3A_743 = arith.constant 24 : i32
        %eq3A_744 = arith.cmpi eq, %add3A_622, %eq3A_743 : i32
        %convert_element_type3A_745 = arith.extui %eq3A_744 : i1 to i32
        %cond3A_746 = arith.constant 0 : i32
        %cond3A_747 = arith.cmpi ne, %convert_element_type3A_745, %cond3A_746 : i32
        scf.if %cond3A_747 {
          %dma_start3A_753 = arith.constant 24 : i32
          %dma_start3A_754 = arith.constant 0 : i32
          %dma_start3A_755 = tpu.memref_slice %arg7[%dma_start3A_754] : memref<32768xi32, #tpu.memory_space<vmem>> -> memref<16384xi32, #tpu.memory_space<vmem>>
          %dma_start3A_756 = arith.constant 0 : i32
          %dma_start3A_757 = tpu.memref_slice %arg2[%dma_start3A_753, %dma_start3A_756] : memref<26x16384xi32, #tpu.memory_space<hbm>> -> memref<1x16384xi32, #tpu.memory_space<hbm>>
          %dma_start3A_758 = tpu.memref_squeeze %dma_start3A_757 : memref<1x16384xi32, #tpu.memory_space<hbm>> -> memref<16384xi32, #tpu.memory_space<hbm>>
          %dma_start3A_759 = arith.constant 0 : i32
          %dma_start3A_760 = tpu.memref_slice %arg7[%dma_start3A_759] : memref<32768xi32, #tpu.memory_space<vmem>> -> memref<16384xi32, #tpu.memory_space<vmem>>
          %dma_start3A_761 = arith.constant 0 : i32
          %dma_start3A_762 = tpu.memref_slice %arg2[%dma_start3A_753, %dma_start3A_761] : memref<26x16384xi32, #tpu.memory_space<hbm>> -> memref<1x16384xi32, #tpu.memory_space<hbm>>
          %dma_start3A_763 = tpu.memref_squeeze %dma_start3A_762 : memref<1x16384xi32, #tpu.memory_space<hbm>> -> memref<16384xi32, #tpu.memory_space<hbm>>
          tpu.enqueue_dma source(%dma_start3A_763 : memref<16384xi32, #tpu.memory_space<hbm>>) target(%dma_start3A_760 : memref<16384xi32, #tpu.memory_space<vmem>>) target_semaphore(%arg11 : memref<!tpu.dma_semaphore, #tpu.memory_space<semaphore_mem>>)
        } else {
        }
        %eq3A_748 = arith.constant 25 : i32
        %eq3A_749 = arith.cmpi eq, %add3A_622, %eq3A_748 : i32
        %convert_element_type3A_750 = arith.extui %eq3A_749 : i1 to i32
        %cond3A_751 = arith.constant 0 : i32
        %cond3A_752 = arith.cmpi ne, %convert_element_type3A_750, %cond3A_751 : i32
        scf.if %cond3A_752 {
          %dma_start3A_753 = arith.constant 25 : i32
          %dma_start3A_754 = arith.constant 0 : i32
          %dma_start3A_755 = tpu.memref_slice %arg7[%dma_start3A_754] : memref<32768xi32, #tpu.memory_space<vmem>> -> memref<16384xi32, #tpu.memory_space<vmem>>
          %dma_start3A_756 = arith.constant 0 : i32
          %dma_start3A_757 = tpu.memref_slice %arg2[%dma_start3A_753, %dma_start3A_756] : memref<26x16384xi32, #tpu.memory_space<hbm>> -> memref<1x16384xi32, #tpu.memory_space<hbm>>
          %dma_start3A_758 = tpu.memref_squeeze %dma_start3A_757 : memref<1x16384xi32, #tpu.memory_space<hbm>> -> memref<16384xi32, #tpu.memory_space<hbm>>
          %dma_start3A_759 = arith.constant 0 : i32
          %dma_start3A_760 = tpu.memref_slice %arg7[%dma_start3A_759] : memref<32768xi32, #tpu.memory_space<vmem>> -> memref<16384xi32, #tpu.memory_space<vmem>>
          %dma_start3A_761 = arith.constant 0 : i32
          %dma_start3A_762 = tpu.memref_slice %arg2[%dma_start3A_753, %dma_start3A_761] : memref<26x16384xi32, #tpu.memory_space<hbm>> -> memref<1x16384xi32, #tpu.memory_space<hbm>>
          %dma_start3A_763 = tpu.memref_squeeze %dma_start3A_762 : memref<1x16384xi32, #tpu.memory_space<hbm>> -> memref<16384xi32, #tpu.memory_space<hbm>>
          tpu.enqueue_dma source(%dma_start3A_763 : memref<16384xi32, #tpu.memory_space<hbm>>) target(%dma_start3A_760 : memref<16384xi32, #tpu.memory_space<vmem>>) target_semaphore(%arg11 : memref<!tpu.dma_semaphore, #tpu.memory_space<semaphore_mem>>)
        } else {
        }
      } else {
      }
      %add3A_436 = arith.constant 1 : i32
      %add3A_437 = arith.addi %mul3A_117, %add3A_436 : i32
      %eq3A_438 = arith.constant 25 : i32
      %eq3A_439 = arith.cmpi eq, %add3A_437, %eq3A_438 : i32
      %dma_wait3A_440 = arith.constant 0 : i32
      %dma_wait3A_441 = arith.constant 0 : i32
      %dma_wait3A_442 = arith.constant 38656 : i32
      %dma_wait3A_443 = tpu.memref_slice %arg6[%dma_wait3A_442] : memref<77312xf32, #tpu.memory_space<vmem>> -> memref<38400xf32, #tpu.memory_space<vmem>>
      %dma_wait3A_444 = arith.constant 0 : i32
      %dma_wait3A_445 = tpu.memref_slice %arg3[%dma_wait3A_440, %dma_wait3A_441, %dma_wait3A_444] : memref<4x8x1000012xf32, #tpu.memory_space<hbm>> -> memref<1x1x38400xf32, #tpu.memory_space<hbm>>
      %dma_wait3A_446 = tpu.memref_squeeze %dma_wait3A_445 : memref<1x1x38400xf32, #tpu.memory_space<hbm>> -> memref<38400xf32, #tpu.memory_space<hbm>>
      %dma_wait3A_447 = arith.constant 38656 : i32
      %dma_wait3A_448 = tpu.memref_slice %arg6[%dma_wait3A_447] : memref<77312xf32, #tpu.memory_space<vmem>> -> memref<38400xf32, #tpu.memory_space<vmem>>
      %dma_wait3A_449 = arith.constant 0 : i32
      %dma_wait3A_450 = tpu.memref_slice %arg3[%dma_wait3A_440, %dma_wait3A_441, %dma_wait3A_449] : memref<4x8x1000012xf32, #tpu.memory_space<hbm>> -> memref<1x1x38400xf32, #tpu.memory_space<hbm>>
      %dma_wait3A_451 = tpu.memref_squeeze %dma_wait3A_450 : memref<1x1x38400xf32, #tpu.memory_space<hbm>> -> memref<38400xf32, #tpu.memory_space<hbm>>
      tpu.wait_dma2 semaphore(%arg10 : memref<!tpu.dma_semaphore, #tpu.memory_space<semaphore_mem>>) src(%dma_wait3A_451 : memref<38400xf32, #tpu.memory_space<hbm>>) dst(%dma_wait3A_448 : memref<38400xf32, #tpu.memory_space<vmem>>)
      %not3A_452 = arith.constant true
      %not3A_453 = arith.xori %eq3A_439, %not3A_452 : i1
      %convert_element_type3A_454 = arith.extui %not3A_453 : i1 to i32
      %cond3A_455 = arith.constant 0 : i32
      %cond3A_456 = arith.cmpi ne, %convert_element_type3A_454, %cond3A_455 : i32
      scf.if %cond3A_456 {
        %dma_wait3A_571 = arith.constant 0 : i32
        %dma_wait3A_572 = arith.constant 0 : i32
        %dma_wait3A_573 = arith.constant 77056 : i32
        %dma_wait3A_574 = tpu.memref_slice %arg6[%dma_wait3A_573] : memref<77312xf32, #tpu.memory_space<vmem>> -> memref<256xf32, #tpu.memory_space<vmem>>
        %dma_wait3A_575 = arith.constant 0 : i32
        %dma_wait3A_576 = tpu.memref_slice %arg3[%dma_wait3A_571, %dma_wait3A_572, %dma_wait3A_575] : memref<4x8x1000012xf32, #tpu.memory_space<hbm>> -> memref<1x1x256xf32, #tpu.memory_space<hbm>>
        %dma_wait3A_577 = tpu.memref_squeeze %dma_wait3A_576 : memref<1x1x256xf32, #tpu.memory_space<hbm>> -> memref<256xf32, #tpu.memory_space<hbm>>
        %dma_wait3A_578 = arith.constant 77056 : i32
        %dma_wait3A_579 = tpu.memref_slice %arg6[%dma_wait3A_578] : memref<77312xf32, #tpu.memory_space<vmem>> -> memref<256xf32, #tpu.memory_space<vmem>>
        %dma_wait3A_580 = arith.constant 0 : i32
        %dma_wait3A_581 = tpu.memref_slice %arg3[%dma_wait3A_571, %dma_wait3A_572, %dma_wait3A_580] : memref<4x8x1000012xf32, #tpu.memory_space<hbm>> -> memref<1x1x256xf32, #tpu.memory_space<hbm>>
        %dma_wait3A_582 = tpu.memref_squeeze %dma_wait3A_581 : memref<1x1x256xf32, #tpu.memory_space<hbm>> -> memref<256xf32, #tpu.memory_space<hbm>>
        tpu.wait_dma2 semaphore(%arg10 : memref<!tpu.dma_semaphore, #tpu.memory_space<semaphore_mem>>) src(%dma_wait3A_582 : memref<256xf32, #tpu.memory_space<hbm>>) dst(%dma_wait3A_579 : memref<256xf32, #tpu.memory_space<vmem>>)
      } else {
      }
      %convert_element_type3A_457 = arith.extui %eq3A_439 : i1 to i32
      %cond3A_458 = arith.constant 0 : i32
      %cond3A_459 = arith.cmpi ne, %convert_element_type3A_457, %cond3A_458 : i32
      scf.if %cond3A_459 {
        %dma_wait3A_571 = arith.constant 0 : i32
        %dma_wait3A_572 = arith.constant 0 : i32
        %dma_wait3A_573 = arith.constant 77056 : i32
        %dma_wait3A_574 = tpu.memref_slice %arg6[%dma_wait3A_573] : memref<77312xf32, #tpu.memory_space<vmem>> -> memref<128xf32, #tpu.memory_space<vmem>>
        %dma_wait3A_575 = arith.constant 0 : i32
        %dma_wait3A_576 = tpu.memref_slice %arg3[%dma_wait3A_571, %dma_wait3A_572, %dma_wait3A_575] : memref<4x8x1000012xf32, #tpu.memory_space<hbm>> -> memref<1x1x128xf32, #tpu.memory_space<hbm>>
        %dma_wait3A_577 = tpu.memref_squeeze %dma_wait3A_576 : memref<1x1x128xf32, #tpu.memory_space<hbm>> -> memref<128xf32, #tpu.memory_space<hbm>>
        %dma_wait3A_578 = arith.constant 77056 : i32
        %dma_wait3A_579 = tpu.memref_slice %arg6[%dma_wait3A_578] : memref<77312xf32, #tpu.memory_space<vmem>> -> memref<128xf32, #tpu.memory_space<vmem>>
        %dma_wait3A_580 = arith.constant 0 : i32
        %dma_wait3A_581 = tpu.memref_slice %arg3[%dma_wait3A_571, %dma_wait3A_572, %dma_wait3A_580] : memref<4x8x1000012xf32, #tpu.memory_space<hbm>> -> memref<1x1x128xf32, #tpu.memory_space<hbm>>
        %dma_wait3A_582 = tpu.memref_squeeze %dma_wait3A_581 : memref<1x1x128xf32, #tpu.memory_space<hbm>> -> memref<128xf32, #tpu.memory_space<hbm>>
        tpu.wait_dma2 semaphore(%arg10 : memref<!tpu.dma_semaphore, #tpu.memory_space<semaphore_mem>>) src(%dma_wait3A_582 : memref<128xf32, #tpu.memory_space<hbm>>) dst(%dma_wait3A_579 : memref<128xf32, #tpu.memory_space<vmem>>)
      } else {
      }
      %dma_wait3A_460 = arith.constant 0 : i32
      %dma_wait3A_461 = arith.constant 16384 : i32
      %dma_wait3A_462 = tpu.memref_slice %arg7[%dma_wait3A_461] : memref<32768xi32, #tpu.memory_space<vmem>> -> memref<16384xi32, #tpu.memory_space<vmem>>
      %dma_wait3A_463 = arith.constant 0 : i32
      %dma_wait3A_464 = tpu.memref_slice %arg2[%dma_wait3A_460, %dma_wait3A_463] : memref<26x16384xi32, #tpu.memory_space<hbm>> -> memref<1x16384xi32, #tpu.memory_space<hbm>>
      %dma_wait3A_465 = tpu.memref_squeeze %dma_wait3A_464 : memref<1x16384xi32, #tpu.memory_space<hbm>> -> memref<16384xi32, #tpu.memory_space<hbm>>
      %dma_wait3A_466 = arith.constant 16384 : i32
      %dma_wait3A_467 = tpu.memref_slice %arg7[%dma_wait3A_466] : memref<32768xi32, #tpu.memory_space<vmem>> -> memref<16384xi32, #tpu.memory_space<vmem>>
      %dma_wait3A_468 = arith.constant 0 : i32
      %dma_wait3A_469 = tpu.memref_slice %arg2[%dma_wait3A_460, %dma_wait3A_468] : memref<26x16384xi32, #tpu.memory_space<hbm>> -> memref<1x16384xi32, #tpu.memory_space<hbm>>
      %dma_wait3A_470 = tpu.memref_squeeze %dma_wait3A_469 : memref<1x16384xi32, #tpu.memory_space<hbm>> -> memref<16384xi32, #tpu.memory_space<hbm>>
      tpu.wait_dma2 semaphore(%arg12 : memref<!tpu.dma_semaphore, #tpu.memory_space<semaphore_mem>>) src(%dma_wait3A_470 : memref<16384xi32, #tpu.memory_space<hbm>>) dst(%dma_wait3A_467 : memref<16384xi32, #tpu.memory_space<vmem>>)
      %mul3A_471 = arith.constant 38462 : i32
      %mul3A_472 = arith.muli %add3A_437, %mul3A_471 : i32
      %rem3A_473 = arith.constant 128 : i32
      %rem3A_474 = arith.remsi %mul3A_472, %rem3A_473 : i32
      %ge3A_475 = arith.constant 1 : i32
      %ge3A_476 = arith.cmpi sge, %add3A_437, %ge3A_475 : i32
      %convert_element_type3A_477 = arith.extui %ge3A_476 : i1 to i32
      %cond3A_478 = arith.constant 0 : i32
      %cond3A_479 = arith.cmpi ne, %convert_element_type3A_477, %cond3A_478 : i32
      scf.if %cond3A_479 {
        %dma_wait3A_571 = arith.constant 0 : i32
        %dma_wait3A_572 = arith.constant 0 : i32
        %dma_wait3A_573 = arith.constant 0 : i32
        %dma_wait3A_574 = arith.constant 0 : i32
        %dma_wait3A_575 = arith.constant 0 : i32
        %dma_wait3A_576 = arith.constant 0 : i32
        %dma_wait3A_577 = tpu.memref_slice %arg8[%dma_wait3A_574, %dma_wait3A_575, %dma_wait3A_576] : memref<2x64x128xf32, #tpu.memory_space<vmem>> -> memref<1x64x128xf32, #tpu.memory_space<vmem>>
        %dma_wait3A_578 = tpu.memref_squeeze %dma_wait3A_577 : memref<1x64x128xf32, #tpu.memory_space<vmem>> -> memref<64x128xf32, #tpu.memory_space<vmem>>
        %dma_wait3A_579 = arith.constant 0 : i32
        %dma_wait3A_580 = arith.constant 0 : i32
        %dma_wait3A_581 = tpu.memref_slice %arg5[%dma_wait3A_571, %dma_wait3A_572, %dma_wait3A_579, %dma_wait3A_573, %dma_wait3A_580] : memref<26x4x128x8x128xf32, #tpu.memory_space<hbm>> -> memref<1x1x64x1x128xf32, #tpu.memory_space<hbm>>
        %dma_wait3A_582 = tpu.memref_squeeze %dma_wait3A_581 : memref<1x1x64x1x128xf32, #tpu.memory_space<hbm>> -> memref<64x128xf32, #tpu.memory_space<hbm>>
        %dma_wait3A_583 = arith.constant 0 : i32
        %dma_wait3A_584 = arith.constant 0 : i32
        %dma_wait3A_585 = tpu.memref_slice %arg8[%dma_wait3A_574, %dma_wait3A_583, %dma_wait3A_584] : memref<2x64x128xf32, #tpu.memory_space<vmem>> -> memref<1x64x128xf32, #tpu.memory_space<vmem>>
        %dma_wait3A_586 = tpu.memref_squeeze %dma_wait3A_585 : memref<1x64x128xf32, #tpu.memory_space<vmem>> -> memref<64x128xf32, #tpu.memory_space<vmem>>
        %dma_wait3A_587 = arith.constant 0 : i32
        %dma_wait3A_588 = arith.constant 0 : i32
        %dma_wait3A_589 = tpu.memref_slice %arg5[%dma_wait3A_571, %dma_wait3A_572, %dma_wait3A_587, %dma_wait3A_573, %dma_wait3A_588] : memref<26x4x128x8x128xf32, #tpu.memory_space<hbm>> -> memref<1x1x64x1x128xf32, #tpu.memory_space<hbm>>
        %dma_wait3A_590 = tpu.memref_squeeze %dma_wait3A_589 : memref<1x1x64x1x128xf32, #tpu.memory_space<hbm>> -> memref<64x128xf32, #tpu.memory_space<hbm>>
        tpu.wait_dma2 semaphore(%arg13 : memref<!tpu.dma_semaphore, #tpu.memory_space<semaphore_mem>>) src(%dma_wait3A_590 : memref<64x128xf32, #tpu.memory_space<hbm>>) dst(%dma_wait3A_586 : memref<64x128xf32, #tpu.memory_space<vmem>>)
      } else {
      }
      %parallel_loop3A_480 = arith.constant 0 : i32
      %parallel_loop3A_481 = arith.constant 64 : i32
      %parallel_loop3A_482 = arith.constant 1 : i32
      scf.for %parallel_loop3A_571 = %parallel_loop3A_480 to %parallel_loop3A_481 step %parallel_loop3A_482  : i32 {
        %parallel_loop3A_572 = arith.constant 0 : i32
        %parallel_loop3A_573 = arith.addi %parallel_loop3A_572, %parallel_loop3A_571 : i32
        %parallel_loop3A_574 = arith.constant 128 : i32
        %parallel_loop3A_575 = arith.muli %parallel_loop3A_573, %parallel_loop3A_574 : i32
        %parallel_loop3A_576 = arith.constant 16384 : i32
        %parallel_loop3A_577 = arith.addi %parallel_loop3A_576, %parallel_loop3A_575 : i32
        %parallel_loop3A_578 = arith.constant 0 : i32
        %parallel_loop3A_579 = arith.addi %parallel_loop3A_577, %parallel_loop3A_578 : i32
        %parallel_loop3A_580 = arith.index_cast %parallel_loop3A_579 : i32 to index
        %parallel_loop3A_581 = tpu.vector_load %arg7[%parallel_loop3A_580] {strides = array<i32>} : memref<32768xi32, #tpu.memory_space<vmem>>, vector<16xi32>,
        %parallel_loop3A_582 = arith.constant 38656 : i32
        %parallel_loop3A_583 = arith.addi %rem3A_474, %parallel_loop3A_582 : i32
        %parallel_loop3A_584 = vector.broadcast %parallel_loop3A_583 : i32 to vector<16xi32>
        %parallel_loop3A_585 = arith.addi %parallel_loop3A_581, %parallel_loop3A_584 : vector<16xi32>
        %parallel_loop3A_586 = tpu.vector_load_idx %arg6[%parallel_loop3A_585] : memref<77312xf32, #tpu.memory_space<vmem>>[vector<16xi32>], vector<16xf32>,
        %parallel_loop3A_587 = arith.constant 0 : i32
        %parallel_loop3A_588 = arith.index_cast %parallel_loop3A_587 : i32 to index
        %parallel_loop3A_589 = arith.index_cast %parallel_loop3A_571 : i32 to index
        %parallel_loop3A_590 = arith.constant 0 : index
        %parallel_loop3A_591 = tpu.vector_load %arg8[%parallel_loop3A_588, %parallel_loop3A_589, %parallel_loop3A_590] {strides = array<i32>} : memref<2x64x128xf32, #tpu.memory_space<vmem>>, vector<16xf32>,
        tpu.vector_store %arg8[%parallel_loop3A_588, %parallel_loop3A_589, %parallel_loop3A_590], %parallel_loop3A_586 {strides = array<i32>} : memref<2x64x128xf32, #tpu.memory_space<vmem>>, vector<16xf32>,
        %parallel_loop3A_592 = arith.constant 0 : i32
        %parallel_loop3A_593 = arith.addi %parallel_loop3A_592, %parallel_loop3A_571 : i32
        %parallel_loop3A_594 = arith.constant 128 : i32
        %parallel_loop3A_595 = arith.muli %parallel_loop3A_593, %parallel_loop3A_594 : i32
        %parallel_loop3A_596 = arith.constant 16384 : i32
        %parallel_loop3A_597 = arith.addi %parallel_loop3A_596, %parallel_loop3A_595 : i32
        %parallel_loop3A_598 = arith.constant 16 : i32
        %parallel_loop3A_599 = arith.addi %parallel_loop3A_597, %parallel_loop3A_598 : i32
        %parallel_loop3A_600 = arith.index_cast %parallel_loop3A_599 : i32 to index
        %parallel_loop3A_601 = tpu.vector_load %arg7[%parallel_loop3A_600] {strides = array<i32>} : memref<32768xi32, #tpu.memory_space<vmem>>, vector<16xi32>,
        %parallel_loop3A_602 = arith.constant 38656 : i32
        %parallel_loop3A_603 = arith.addi %rem3A_474, %parallel_loop3A_602 : i32
        %parallel_loop3A_604 = vector.broadcast %parallel_loop3A_603 : i32 to vector<16xi32>
        %parallel_loop3A_605 = arith.addi %parallel_loop3A_601, %parallel_loop3A_604 : vector<16xi32>
        %parallel_loop3A_606 = tpu.vector_load_idx %arg6[%parallel_loop3A_605] : memref<77312xf32, #tpu.memory_space<vmem>>[vector<16xi32>], vector<16xf32>,
        %parallel_loop3A_607 = arith.constant 0 : i32
        %parallel_loop3A_608 = arith.index_cast %parallel_loop3A_607 : i32 to index
        %parallel_loop3A_609 = arith.index_cast %parallel_loop3A_571 : i32 to index
        %parallel_loop3A_610 = arith.constant 16 : index
        %parallel_loop3A_611 = tpu.vector_load %arg8[%parallel_loop3A_608, %parallel_loop3A_609, %parallel_loop3A_610] {strides = array<i32>} : memref<2x64x128xf32, #tpu.memory_space<vmem>>, vector<16xf32>,
        tpu.vector_store %arg8[%parallel_loop3A_608, %parallel_loop3A_609, %parallel_loop3A_610], %parallel_loop3A_606 {strides = array<i32>} : memref<2x64x128xf32, #tpu.memory_space<vmem>>, vector<16xf32>,
        %parallel_loop3A_612 = arith.constant 0 : i32
        %parallel_loop3A_613 = arith.addi %parallel_loop3A_612, %parallel_loop3A_571 : i32
        %parallel_loop3A_614 = arith.constant 128 : i32
        %parallel_loop3A_615 = arith.muli %parallel_loop3A_613, %parallel_loop3A_614 : i32
        %parallel_loop3A_616 = arith.constant 16384 : i32
        %parallel_loop3A_617 = arith.addi %parallel_loop3A_616, %parallel_loop3A_615 : i32
        %parallel_loop3A_618 = arith.constant 32 : i32
        %parallel_loop3A_619 = arith.addi %parallel_loop3A_617, %parallel_loop3A_618 : i32
        %parallel_loop3A_620 = arith.index_cast %parallel_loop3A_619 : i32 to index
        %parallel_loop3A_621 = tpu.vector_load %arg7[%parallel_loop3A_620] {strides = array<i32>} : memref<32768xi32, #tpu.memory_space<vmem>>, vector<16xi32>,
        %parallel_loop3A_622 = arith.constant 38656 : i32
        %parallel_loop3A_623 = arith.addi %rem3A_474, %parallel_loop3A_622 : i32
        %parallel_loop3A_624 = vector.broadcast %parallel_loop3A_623 : i32 to vector<16xi32>
        %parallel_loop3A_625 = arith.addi %parallel_loop3A_621, %parallel_loop3A_624 : vector<16xi32>
        %parallel_loop3A_626 = tpu.vector_load_idx %arg6[%parallel_loop3A_625] : memref<77312xf32, #tpu.memory_space<vmem>>[vector<16xi32>], vector<16xf32>,
        %parallel_loop3A_627 = arith.constant 0 : i32
        %parallel_loop3A_628 = arith.index_cast %parallel_loop3A_627 : i32 to index
        %parallel_loop3A_629 = arith.index_cast %parallel_loop3A_571 : i32 to index
        %parallel_loop3A_630 = arith.constant 32 : index
        %parallel_loop3A_631 = tpu.vector_load %arg8[%parallel_loop3A_628, %parallel_loop3A_629, %parallel_loop3A_630] {strides = array<i32>} : memref<2x64x128xf32, #tpu.memory_space<vmem>>, vector<16xf32>,
        tpu.vector_store %arg8[%parallel_loop3A_628, %parallel_loop3A_629, %parallel_loop3A_630], %parallel_loop3A_626 {strides = array<i32>} : memref<2x64x128xf32, #tpu.memory_space<vmem>>, vector<16xf32>,
        %parallel_loop3A_632 = arith.constant 0 : i32
        %parallel_loop3A_633 = arith.addi %parallel_loop3A_632, %parallel_loop3A_571 : i32
        %parallel_loop3A_634 = arith.constant 128 : i32
        %parallel_loop3A_635 = arith.muli %parallel_loop3A_633, %parallel_loop3A_634 : i32
        %parallel_loop3A_636 = arith.constant 16384 : i32
        %parallel_loop3A_637 = arith.addi %parallel_loop3A_636, %parallel_loop3A_635 : i32
        %parallel_loop3A_638 = arith.constant 48 : i32
        %parallel_loop3A_639 = arith.addi %parallel_loop3A_637, %parallel_loop3A_638 : i32
        %parallel_loop3A_640 = arith.index_cast %parallel_loop3A_639 : i32 to index
        %parallel_loop3A_641 = tpu.vector_load %arg7[%parallel_loop3A_640] {strides = array<i32>} : memref<32768xi32, #tpu.memory_space<vmem>>, vector<16xi32>,
        %parallel_loop3A_642 = arith.constant 38656 : i32
        %parallel_loop3A_643 = arith.addi %rem3A_474, %parallel_loop3A_642 : i32
        %parallel_loop3A_644 = vector.broadcast %parallel_loop3A_643 : i32 to vector<16xi32>
        %parallel_loop3A_645 = arith.addi %parallel_loop3A_641, %parallel_loop3A_644 : vector<16xi32>
        %parallel_loop3A_646 = tpu.vector_load_idx %arg6[%parallel_loop3A_645] : memref<77312xf32, #tpu.memory_space<vmem>>[vector<16xi32>], vector<16xf32>,
        %parallel_loop3A_647 = arith.constant 0 : i32
        %parallel_loop3A_648 = arith.index_cast %parallel_loop3A_647 : i32 to index
        %parallel_loop3A_649 = arith.index_cast %parallel_loop3A_571 : i32 to index
        %parallel_loop3A_650 = arith.constant 48 : index
        %parallel_loop3A_651 = tpu.vector_load %arg8[%parallel_loop3A_648, %parallel_loop3A_649, %parallel_loop3A_650] {strides = array<i32>} : memref<2x64x128xf32, #tpu.memory_space<vmem>>, vector<16xf32>,
        tpu.vector_store %arg8[%parallel_loop3A_648, %parallel_loop3A_649, %parallel_loop3A_650], %parallel_loop3A_646 {strides = array<i32>} : memref<2x64x128xf32, #tpu.memory_space<vmem>>, vector<16xf32>,
        %parallel_loop3A_652 = arith.constant 0 : i32
        %parallel_loop3A_653 = arith.addi %parallel_loop3A_652, %parallel_loop3A_571 : i32
        %parallel_loop3A_654 = arith.constant 128 : i32
        %parallel_loop3A_655 = arith.muli %parallel_loop3A_653, %parallel_loop3A_654 : i32
        %parallel_loop3A_656 = arith.constant 16384 : i32
        %parallel_loop3A_657 = arith.addi %parallel_loop3A_656, %parallel_loop3A_655 : i32
        %parallel_loop3A_658 = arith.constant 64 : i32
        %parallel_loop3A_659 = arith.addi %parallel_loop3A_657, %parallel_loop3A_658 : i32
        %parallel_loop3A_660 = arith.index_cast %parallel_loop3A_659 : i32 to index
        %parallel_loop3A_661 = tpu.vector_load %arg7[%parallel_loop3A_660] {strides = array<i32>} : memref<32768xi32, #tpu.memory_space<vmem>>, vector<16xi32>,
        %parallel_loop3A_662 = arith.constant 38656 : i32
        %parallel_loop3A_663 = arith.addi %rem3A_474, %parallel_loop3A_662 : i32
        %parallel_loop3A_664 = vector.broadcast %parallel_loop3A_663 : i32 to vector<16xi32>
        %parallel_loop3A_665 = arith.addi %parallel_loop3A_661, %parallel_loop3A_664 : vector<16xi32>
        %parallel_loop3A_666 = tpu.vector_load_idx %arg6[%parallel_loop3A_665] : memref<77312xf32, #tpu.memory_space<vmem>>[vector<16xi32>], vector<16xf32>,
        %parallel_loop3A_667 = arith.constant 0 : i32
        %parallel_loop3A_668 = arith.index_cast %parallel_loop3A_667 : i32 to index
        %parallel_loop3A_669 = arith.index_cast %parallel_loop3A_571 : i32 to index
        %parallel_loop3A_670 = arith.constant 64 : index
        %parallel_loop3A_671 = tpu.vector_load %arg8[%parallel_loop3A_668, %parallel_loop3A_669, %parallel_loop3A_670] {strides = array<i32>} : memref<2x64x128xf32, #tpu.memory_space<vmem>>, vector<16xf32>,
        tpu.vector_store %arg8[%parallel_loop3A_668, %parallel_loop3A_669, %parallel_loop3A_670], %parallel_loop3A_666 {strides = array<i32>} : memref<2x64x128xf32, #tpu.memory_space<vmem>>, vector<16xf32>,
        %parallel_loop3A_672 = arith.constant 0 : i32
        %parallel_loop3A_673 = arith.addi %parallel_loop3A_672, %parallel_loop3A_571 : i32
        %parallel_loop3A_674 = arith.constant 128 : i32
        %parallel_loop3A_675 = arith.muli %parallel_loop3A_673, %parallel_loop3A_674 : i32
        %parallel_loop3A_676 = arith.constant 16384 : i32
        %parallel_loop3A_677 = arith.addi %parallel_loop3A_676, %parallel_loop3A_675 : i32
        %parallel_loop3A_678 = arith.constant 80 : i32
        %parallel_loop3A_679 = arith.addi %parallel_loop3A_677, %parallel_loop3A_678 : i32
        %parallel_loop3A_680 = arith.index_cast %parallel_loop3A_679 : i32 to index
        %parallel_loop3A_681 = tpu.vector_load %arg7[%parallel_loop3A_680] {strides = array<i32>} : memref<32768xi32, #tpu.memory_space<vmem>>, vector<16xi32>,
        %parallel_loop3A_682 = arith.constant 38656 : i32
        %parallel_loop3A_683 = arith.addi %rem3A_474, %parallel_loop3A_682 : i32
        %parallel_loop3A_684 = vector.broadcast %parallel_loop3A_683 : i32 to vector<16xi32>
        %parallel_loop3A_685 = arith.addi %parallel_loop3A_681, %parallel_loop3A_684 : vector<16xi32>
        %parallel_loop3A_686 = tpu.vector_load_idx %arg6[%parallel_loop3A_685] : memref<77312xf32, #tpu.memory_space<vmem>>[vector<16xi32>], vector<16xf32>,
        %parallel_loop3A_687 = arith.constant 0 : i32
        %parallel_loop3A_688 = arith.index_cast %parallel_loop3A_687 : i32 to index
        %parallel_loop3A_689 = arith.index_cast %parallel_loop3A_571 : i32 to index
        %parallel_loop3A_690 = arith.constant 80 : index
        %parallel_loop3A_691 = tpu.vector_load %arg8[%parallel_loop3A_688, %parallel_loop3A_689, %parallel_loop3A_690] {strides = array<i32>} : memref<2x64x128xf32, #tpu.memory_space<vmem>>, vector<16xf32>,
        tpu.vector_store %arg8[%parallel_loop3A_688, %parallel_loop3A_689, %parallel_loop3A_690], %parallel_loop3A_686 {strides = array<i32>} : memref<2x64x128xf32, #tpu.memory_space<vmem>>, vector<16xf32>,
        %parallel_loop3A_692 = arith.constant 0 : i32
        %parallel_loop3A_693 = arith.addi %parallel_loop3A_692, %parallel_loop3A_571 : i32
        %parallel_loop3A_694 = arith.constant 128 : i32
        %parallel_loop3A_695 = arith.muli %parallel_loop3A_693, %parallel_loop3A_694 : i32
        %parallel_loop3A_696 = arith.constant 16384 : i32
        %parallel_loop3A_697 = arith.addi %parallel_loop3A_696, %parallel_loop3A_695 : i32
        %parallel_loop3A_698 = arith.constant 96 : i32
        %parallel_loop3A_699 = arith.addi %parallel_loop3A_697, %parallel_loop3A_698 : i32
        %parallel_loop3A_700 = arith.index_cast %parallel_loop3A_699 : i32 to index
        %parallel_loop3A_701 = tpu.vector_load %arg7[%parallel_loop3A_700] {strides = array<i32>} : memref<32768xi32, #tpu.memory_space<vmem>>, vector<16xi32>,
        %parallel_loop3A_702 = arith.constant 38656 : i32
        %parallel_loop3A_703 = arith.addi %rem3A_474, %parallel_loop3A_702 : i32
        %parallel_loop3A_704 = vector.broadcast %parallel_loop3A_703 : i32 to vector<16xi32>
        %parallel_loop3A_705 = arith.addi %parallel_loop3A_701, %parallel_loop3A_704 : vector<16xi32>
        %parallel_loop3A_706 = tpu.vector_load_idx %arg6[%parallel_loop3A_705] : memref<77312xf32, #tpu.memory_space<vmem>>[vector<16xi32>], vector<16xf32>,
        %parallel_loop3A_707 = arith.constant 0 : i32
        %parallel_loop3A_708 = arith.index_cast %parallel_loop3A_707 : i32 to index
        %parallel_loop3A_709 = arith.index_cast %parallel_loop3A_571 : i32 to index
        %parallel_loop3A_710 = arith.constant 96 : index
        %parallel_loop3A_711 = tpu.vector_load %arg8[%parallel_loop3A_708, %parallel_loop3A_709, %parallel_loop3A_710] {strides = array<i32>} : memref<2x64x128xf32, #tpu.memory_space<vmem>>, vector<16xf32>,
        tpu.vector_store %arg8[%parallel_loop3A_708, %parallel_loop3A_709, %parallel_loop3A_710], %parallel_loop3A_706 {strides = array<i32>} : memref<2x64x128xf32, #tpu.memory_space<vmem>>, vector<16xf32>,
        %parallel_loop3A_712 = arith.constant 0 : i32
        %parallel_loop3A_713 = arith.addi %parallel_loop3A_712, %parallel_loop3A_571 : i32
        %parallel_loop3A_714 = arith.constant 128 : i32
        %parallel_loop3A_715 = arith.muli %parallel_loop3A_713, %parallel_loop3A_714 : i32
        %parallel_loop3A_716 = arith.constant 16384 : i32
        %parallel_loop3A_717 = arith.addi %parallel_loop3A_716, %parallel_loop3A_715 : i32
        %parallel_loop3A_718 = arith.constant 112 : i32
        %parallel_loop3A_719 = arith.addi %parallel_loop3A_717, %parallel_loop3A_718 : i32
        %parallel_loop3A_720 = arith.index_cast %parallel_loop3A_719 : i32 to index
        %parallel_loop3A_721 = tpu.vector_load %arg7[%parallel_loop3A_720] {strides = array<i32>} : memref<32768xi32, #tpu.memory_space<vmem>>, vector<16xi32>,
        %parallel_loop3A_722 = arith.constant 38656 : i32
        %parallel_loop3A_723 = arith.addi %rem3A_474, %parallel_loop3A_722 : i32
        %parallel_loop3A_724 = vector.broadcast %parallel_loop3A_723 : i32 to vector<16xi32>
        %parallel_loop3A_725 = arith.addi %parallel_loop3A_721, %parallel_loop3A_724 : vector<16xi32>
        %parallel_loop3A_726 = tpu.vector_load_idx %arg6[%parallel_loop3A_725] : memref<77312xf32, #tpu.memory_space<vmem>>[vector<16xi32>], vector<16xf32>,
        %parallel_loop3A_727 = arith.constant 0 : i32
        %parallel_loop3A_728 = arith.index_cast %parallel_loop3A_727 : i32 to index
        %parallel_loop3A_729 = arith.index_cast %parallel_loop3A_571 : i32 to index
        %parallel_loop3A_730 = arith.constant 112 : index
        %parallel_loop3A_731 = tpu.vector_load %arg8[%parallel_loop3A_728, %parallel_loop3A_729, %parallel_loop3A_730] {strides = array<i32>} : memref<2x64x128xf32, #tpu.memory_space<vmem>>, vector<16xf32>,
        tpu.vector_store %arg8[%parallel_loop3A_728, %parallel_loop3A_729, %parallel_loop3A_730], %parallel_loop3A_726 {strides = array<i32>} : memref<2x64x128xf32, #tpu.memory_space<vmem>>, vector<16xf32>,
      } {sc.loop_unroll_factor = 1 : i64, sc.parallel_access}
      %eq3A_483 = arith.constant 0 : i32
      %eq3A_484 = arith.cmpi eq, %rem3A_18, %eq3A_483 : i32
      %convert_element_type3A_485 = arith.extui %eq3A_484 : i1 to i32
      %cond3A_486 = arith.constant 0 : i32
      %cond3A_487 = arith.cmpi ne, %convert_element_type3A_485, %cond3A_486 : i32
      scf.if %cond3A_487 {
        %dma_start3A_571 = arith.constant 0 : i32
        %dma_start3A_572 = arith.constant 0 : i32
        %dma_start3A_573 = arith.constant 0 : i32
        %dma_start3A_574 = arith.constant 0 : i32
        %dma_start3A_575 = tpu.memref_slice %arg8[%dma_start3A_571, %dma_start3A_573, %dma_start3A_574] : memref<2x64x128xf32, #tpu.memory_space<vmem>> -> memref<1x64x128xf32, #tpu.memory_space<vmem>>
        %dma_start3A_576 = tpu.memref_squeeze %dma_start3A_575 : memref<1x64x128xf32, #tpu.memory_space<vmem>> -> memref<64x128xf32, #tpu.memory_space<vmem>>
        %dma_start3A_577 = arith.constant 0 : i32
        %dma_start3A_578 = arith.constant 0 : i32
        %dma_start3A_579 = tpu.memref_slice %arg5[%add3A_437, %select_n3A, %dma_start3A_577, %dma_start3A_572, %dma_start3A_578] : memref<26x4x128x8x128xf32, #tpu.memory_space<hbm>> -> memref<1x1x64x1x128xf32, #tpu.memory_space<hbm>>
        %dma_start3A_580 = tpu.memref_squeeze %dma_start3A_579 : memref<1x1x64x1x128xf32, #tpu.memory_space<hbm>> -> memref<64x128xf32, #tpu.memory_space<hbm>>
        %dma_start3A_581 = arith.constant 0 : i32
        %dma_start3A_582 = arith.constant 0 : i32
        %dma_start3A_583 = tpu.memref_slice %arg5[%add3A_437, %select_n3A, %dma_start3A_581, %dma_start3A_572, %dma_start3A_582] : memref<26x4x128x8x128xf32, #tpu.memory_space<hbm>> -> memref<1x1x64x1x128xf32, #tpu.memory_space<hbm>>
        %dma_start3A_584 = tpu.memref_squeeze %dma_start3A_583 : memref<1x1x64x1x128xf32, #tpu.memory_space<hbm>> -> memref<64x128xf32, #tpu.memory_space<hbm>>
        %dma_start3A_585 = arith.constant 0 : i32
        %dma_start3A_586 = arith.constant 0 : i32
        %dma_start3A_587 = tpu.memref_slice %arg8[%dma_start3A_571, %dma_start3A_585, %dma_start3A_586] : memref<2x64x128xf32, #tpu.memory_space<vmem>> -> memref<1x64x128xf32, #tpu.memory_space<vmem>>
        %dma_start3A_588 = tpu.memref_squeeze %dma_start3A_587 : memref<1x64x128xf32, #tpu.memory_space<vmem>> -> memref<64x128xf32, #tpu.memory_space<vmem>>
        tpu.enqueue_dma source(%dma_start3A_588 : memref<64x128xf32, #tpu.memory_space<vmem>>) target(%dma_start3A_584 : memref<64x128xf32, #tpu.memory_space<hbm>>) target_semaphore(%arg13 : memref<!tpu.dma_semaphore, #tpu.memory_space<semaphore_mem>>)
      } else {
      }
      %eq3A_488 = arith.constant 1 : i32
      %eq3A_489 = arith.cmpi eq, %rem3A_18, %eq3A_488 : i32
      %convert_element_type3A_490 = arith.extui %eq3A_489 : i1 to i32
      %cond3A_491 = arith.constant 0 : i32
      %cond3A_492 = arith.cmpi ne, %convert_element_type3A_490, %cond3A_491 : i32
      scf.if %cond3A_492 {
        %dma_start3A_571 = arith.constant 0 : i32
        %dma_start3A_572 = arith.constant 1 : i32
        %dma_start3A_573 = arith.constant 0 : i32
        %dma_start3A_574 = arith.constant 0 : i32
        %dma_start3A_575 = tpu.memref_slice %arg8[%dma_start3A_571, %dma_start3A_573, %dma_start3A_574] : memref<2x64x128xf32, #tpu.memory_space<vmem>> -> memref<1x64x128xf32, #tpu.memory_space<vmem>>
        %dma_start3A_576 = tpu.memref_squeeze %dma_start3A_575 : memref<1x64x128xf32, #tpu.memory_space<vmem>> -> memref<64x128xf32, #tpu.memory_space<vmem>>
        %dma_start3A_577 = arith.constant 0 : i32
        %dma_start3A_578 = arith.constant 0 : i32
        %dma_start3A_579 = tpu.memref_slice %arg5[%add3A_437, %select_n3A, %dma_start3A_577, %dma_start3A_572, %dma_start3A_578] : memref<26x4x128x8x128xf32, #tpu.memory_space<hbm>> -> memref<1x1x64x1x128xf32, #tpu.memory_space<hbm>>
        %dma_start3A_580 = tpu.memref_squeeze %dma_start3A_579 : memref<1x1x64x1x128xf32, #tpu.memory_space<hbm>> -> memref<64x128xf32, #tpu.memory_space<hbm>>
        %dma_start3A_581 = arith.constant 0 : i32
        %dma_start3A_582 = arith.constant 0 : i32
        %dma_start3A_583 = tpu.memref_slice %arg5[%add3A_437, %select_n3A, %dma_start3A_581, %dma_start3A_572, %dma_start3A_582] : memref<26x4x128x8x128xf32, #tpu.memory_space<hbm>> -> memref<1x1x64x1x128xf32, #tpu.memory_space<hbm>>
        %dma_start3A_584 = tpu.memref_squeeze %dma_start3A_583 : memref<1x1x64x1x128xf32, #tpu.memory_space<hbm>> -> memref<64x128xf32, #tpu.memory_space<hbm>>
        %dma_start3A_585 = arith.constant 0 : i32
        %dma_start3A_586 = arith.constant 0 : i32
        %dma_start3A_587 = tpu.memref_slice %arg8[%dma_start3A_571, %dma_start3A_585, %dma_start3A_586] : memref<2x64x128xf32, #tpu.memory_space<vmem>> -> memref<1x64x128xf32, #tpu.memory_space<vmem>>
        %dma_start3A_588 = tpu.memref_squeeze %dma_start3A_587 : memref<1x64x128xf32, #tpu.memory_space<vmem>> -> memref<64x128xf32, #tpu.memory_space<vmem>>
        tpu.enqueue_dma source(%dma_start3A_588 : memref<64x128xf32, #tpu.memory_space<vmem>>) target(%dma_start3A_584 : memref<64x128xf32, #tpu.memory_space<hbm>>) target_semaphore(%arg13 : memref<!tpu.dma_semaphore, #tpu.memory_space<semaphore_mem>>)
      } else {
      }
      %eq3A_493 = arith.constant 2 : i32
      %eq3A_494 = arith.cmpi eq, %rem3A_18, %eq3A_493 : i32
      %convert_element_type3A_495 = arith.extui %eq3A_494 : i1 to i32
      %cond3A_496 = arith.constant 0 : i32
      %cond3A_497 = arith.cmpi ne, %convert_element_type3A_495, %cond3A_496 : i32
      scf.if %cond3A_497 {
        %dma_start3A_571 = arith.constant 0 : i32
        %dma_start3A_572 = arith.constant 2 : i32
        %dma_start3A_573 = arith.constant 0 : i32
        %dma_start3A_574 = arith.constant 0 : i32
        %dma_start3A_575 = tpu.memref_slice %arg8[%dma_start3A_571, %dma_start3A_573, %dma_start3A_574] : memref<2x64x128xf32, #tpu.memory_space<vmem>> -> memref<1x64x128xf32, #tpu.memory_space<vmem>>
        %dma_start3A_576 = tpu.memref_squeeze %dma_start3A_575 : memref<1x64x128xf32, #tpu.memory_space<vmem>> -> memref<64x128xf32, #tpu.memory_space<vmem>>
        %dma_start3A_577 = arith.constant 0 : i32
        %dma_start3A_578 = arith.constant 0 : i32
        %dma_start3A_579 = tpu.memref_slice %arg5[%add3A_437, %select_n3A, %dma_start3A_577, %dma_start3A_572, %dma_start3A_578] : memref<26x4x128x8x128xf32, #tpu.memory_space<hbm>> -> memref<1x1x64x1x128xf32, #tpu.memory_space<hbm>>
        %dma_start3A_580 = tpu.memref_squeeze %dma_start3A_579 : memref<1x1x64x1x128xf32, #tpu.memory_space<hbm>> -> memref<64x128xf32, #tpu.memory_space<hbm>>
        %dma_start3A_581 = arith.constant 0 : i32
        %dma_start3A_582 = arith.constant 0 : i32
        %dma_start3A_583 = tpu.memref_slice %arg5[%add3A_437, %select_n3A, %dma_start3A_581, %dma_start3A_572, %dma_start3A_582] : memref<26x4x128x8x128xf32, #tpu.memory_space<hbm>> -> memref<1x1x64x1x128xf32, #tpu.memory_space<hbm>>
        %dma_start3A_584 = tpu.memref_squeeze %dma_start3A_583 : memref<1x1x64x1x128xf32, #tpu.memory_space<hbm>> -> memref<64x128xf32, #tpu.memory_space<hbm>>
        %dma_start3A_585 = arith.constant 0 : i32
        %dma_start3A_586 = arith.constant 0 : i32
        %dma_start3A_587 = tpu.memref_slice %arg8[%dma_start3A_571, %dma_start3A_585, %dma_start3A_586] : memref<2x64x128xf32, #tpu.memory_space<vmem>> -> memref<1x64x128xf32, #tpu.memory_space<vmem>>
        %dma_start3A_588 = tpu.memref_squeeze %dma_start3A_587 : memref<1x64x128xf32, #tpu.memory_space<vmem>> -> memref<64x128xf32, #tpu.memory_space<vmem>>
        tpu.enqueue_dma source(%dma_start3A_588 : memref<64x128xf32, #tpu.memory_space<vmem>>) target(%dma_start3A_584 : memref<64x128xf32, #tpu.memory_space<hbm>>) target_semaphore(%arg13 : memref<!tpu.dma_semaphore, #tpu.memory_space<semaphore_mem>>)
      } else {
      }
      %eq3A_498 = arith.constant 3 : i32
      %eq3A_499 = arith.cmpi eq, %rem3A_18, %eq3A_498 : i32
      %convert_element_type3A_500 = arith.extui %eq3A_499 : i1 to i32
      %cond3A_501 = arith.constant 0 : i32
      %cond3A_502 = arith.cmpi ne, %convert_element_type3A_500, %cond3A_501 : i32
      scf.if %cond3A_502 {
        %dma_start3A_571 = arith.constant 0 : i32
        %dma_start3A_572 = arith.constant 3 : i32
        %dma_start3A_573 = arith.constant 0 : i32
        %dma_start3A_574 = arith.constant 0 : i32
        %dma_start3A_575 = tpu.memref_slice %arg8[%dma_start3A_571, %dma_start3A_573, %dma_start3A_574] : memref<2x64x128xf32, #tpu.memory_space<vmem>> -> memref<1x64x128xf32, #tpu.memory_space<vmem>>
        %dma_start3A_576 = tpu.memref_squeeze %dma_start3A_575 : memref<1x64x128xf32, #tpu.memory_space<vmem>> -> memref<64x128xf32, #tpu.memory_space<vmem>>
        %dma_start3A_577 = arith.constant 0 : i32
        %dma_start3A_578 = arith.constant 0 : i32
        %dma_start3A_579 = tpu.memref_slice %arg5[%add3A_437, %select_n3A, %dma_start3A_577, %dma_start3A_572, %dma_start3A_578] : memref<26x4x128x8x128xf32, #tpu.memory_space<hbm>> -> memref<1x1x64x1x128xf32, #tpu.memory_space<hbm>>
        %dma_start3A_580 = tpu.memref_squeeze %dma_start3A_579 : memref<1x1x64x1x128xf32, #tpu.memory_space<hbm>> -> memref<64x128xf32, #tpu.memory_space<hbm>>
        %dma_start3A_581 = arith.constant 0 : i32
        %dma_start3A_582 = arith.constant 0 : i32
        %dma_start3A_583 = tpu.memref_slice %arg5[%add3A_437, %select_n3A, %dma_start3A_581, %dma_start3A_572, %dma_start3A_582] : memref<26x4x128x8x128xf32, #tpu.memory_space<hbm>> -> memref<1x1x64x1x128xf32, #tpu.memory_space<hbm>>
        %dma_start3A_584 = tpu.memref_squeeze %dma_start3A_583 : memref<1x1x64x1x128xf32, #tpu.memory_space<hbm>> -> memref<64x128xf32, #tpu.memory_space<hbm>>
        %dma_start3A_585 = arith.constant 0 : i32
        %dma_start3A_586 = arith.constant 0 : i32
        %dma_start3A_587 = tpu.memref_slice %arg8[%dma_start3A_571, %dma_start3A_585, %dma_start3A_586] : memref<2x64x128xf32, #tpu.memory_space<vmem>> -> memref<1x64x128xf32, #tpu.memory_space<vmem>>
        %dma_start3A_588 = tpu.memref_squeeze %dma_start3A_587 : memref<1x64x128xf32, #tpu.memory_space<vmem>> -> memref<64x128xf32, #tpu.memory_space<vmem>>
        tpu.enqueue_dma source(%dma_start3A_588 : memref<64x128xf32, #tpu.memory_space<vmem>>) target(%dma_start3A_584 : memref<64x128xf32, #tpu.memory_space<hbm>>) target_semaphore(%arg13 : memref<!tpu.dma_semaphore, #tpu.memory_space<semaphore_mem>>)
      } else {
      }
      %eq3A_503 = arith.constant 4 : i32
      %eq3A_504 = arith.cmpi eq, %rem3A_18, %eq3A_503 : i32
      %convert_element_type3A_505 = arith.extui %eq3A_504 : i1 to i32
      %cond3A_506 = arith.constant 0 : i32
      %cond3A_507 = arith.cmpi ne, %convert_element_type3A_505, %cond3A_506 : i32
      scf.if %cond3A_507 {
        %dma_start3A_571 = arith.constant 0 : i32
        %dma_start3A_572 = arith.constant 4 : i32
        %dma_start3A_573 = arith.constant 0 : i32
        %dma_start3A_574 = arith.constant 0 : i32
        %dma_start3A_575 = tpu.memref_slice %arg8[%dma_start3A_571, %dma_start3A_573, %dma_start3A_574] : memref<2x64x128xf32, #tpu.memory_space<vmem>> -> memref<1x64x128xf32, #tpu.memory_space<vmem>>
        %dma_start3A_576 = tpu.memref_squeeze %dma_start3A_575 : memref<1x64x128xf32, #tpu.memory_space<vmem>> -> memref<64x128xf32, #tpu.memory_space<vmem>>
        %dma_start3A_577 = arith.constant 0 : i32
        %dma_start3A_578 = arith.constant 0 : i32
        %dma_start3A_579 = tpu.memref_slice %arg5[%add3A_437, %select_n3A, %dma_start3A_577, %dma_start3A_572, %dma_start3A_578] : memref<26x4x128x8x128xf32, #tpu.memory_space<hbm>> -> memref<1x1x64x1x128xf32, #tpu.memory_space<hbm>>
        %dma_start3A_580 = tpu.memref_squeeze %dma_start3A_579 : memref<1x1x64x1x128xf32, #tpu.memory_space<hbm>> -> memref<64x128xf32, #tpu.memory_space<hbm>>
        %dma_start3A_581 = arith.constant 0 : i32
        %dma_start3A_582 = arith.constant 0 : i32
        %dma_start3A_583 = tpu.memref_slice %arg5[%add3A_437, %select_n3A, %dma_start3A_581, %dma_start3A_572, %dma_start3A_582] : memref<26x4x128x8x128xf32, #tpu.memory_space<hbm>> -> memref<1x1x64x1x128xf32, #tpu.memory_space<hbm>>
        %dma_start3A_584 = tpu.memref_squeeze %dma_start3A_583 : memref<1x1x64x1x128xf32, #tpu.memory_space<hbm>> -> memref<64x128xf32, #tpu.memory_space<hbm>>
        %dma_start3A_585 = arith.constant 0 : i32
        %dma_start3A_586 = arith.constant 0 : i32
        %dma_start3A_587 = tpu.memref_slice %arg8[%dma_start3A_571, %dma_start3A_585, %dma_start3A_586] : memref<2x64x128xf32, #tpu.memory_space<vmem>> -> memref<1x64x128xf32, #tpu.memory_space<vmem>>
        %dma_start3A_588 = tpu.memref_squeeze %dma_start3A_587 : memref<1x64x128xf32, #tpu.memory_space<vmem>> -> memref<64x128xf32, #tpu.memory_space<vmem>>
        tpu.enqueue_dma source(%dma_start3A_588 : memref<64x128xf32, #tpu.memory_space<vmem>>) target(%dma_start3A_584 : memref<64x128xf32, #tpu.memory_space<hbm>>) target_semaphore(%arg13 : memref<!tpu.dma_semaphore, #tpu.memory_space<semaphore_mem>>)
      } else {
      }
      %eq3A_508 = arith.constant 5 : i32
      %eq3A_509 = arith.cmpi eq, %rem3A_18, %eq3A_508 : i32
      %convert_element_type3A_510 = arith.extui %eq3A_509 : i1 to i32
      %cond3A_511 = arith.constant 0 : i32
      %cond3A_512 = arith.cmpi ne, %convert_element_type3A_510, %cond3A_511 : i32
      scf.if %cond3A_512 {
        %dma_start3A_571 = arith.constant 0 : i32
        %dma_start3A_572 = arith.constant 5 : i32
        %dma_start3A_573 = arith.constant 0 : i32
        %dma_start3A_574 = arith.constant 0 : i32
        %dma_start3A_575 = tpu.memref_slice %arg8[%dma_start3A_571, %dma_start3A_573, %dma_start3A_574] : memref<2x64x128xf32, #tpu.memory_space<vmem>> -> memref<1x64x128xf32, #tpu.memory_space<vmem>>
        %dma_start3A_576 = tpu.memref_squeeze %dma_start3A_575 : memref<1x64x128xf32, #tpu.memory_space<vmem>> -> memref<64x128xf32, #tpu.memory_space<vmem>>
        %dma_start3A_577 = arith.constant 0 : i32
        %dma_start3A_578 = arith.constant 0 : i32
        %dma_start3A_579 = tpu.memref_slice %arg5[%add3A_437, %select_n3A, %dma_start3A_577, %dma_start3A_572, %dma_start3A_578] : memref<26x4x128x8x128xf32, #tpu.memory_space<hbm>> -> memref<1x1x64x1x128xf32, #tpu.memory_space<hbm>>
        %dma_start3A_580 = tpu.memref_squeeze %dma_start3A_579 : memref<1x1x64x1x128xf32, #tpu.memory_space<hbm>> -> memref<64x128xf32, #tpu.memory_space<hbm>>
        %dma_start3A_581 = arith.constant 0 : i32
        %dma_start3A_582 = arith.constant 0 : i32
        %dma_start3A_583 = tpu.memref_slice %arg5[%add3A_437, %select_n3A, %dma_start3A_581, %dma_start3A_572, %dma_start3A_582] : memref<26x4x128x8x128xf32, #tpu.memory_space<hbm>> -> memref<1x1x64x1x128xf32, #tpu.memory_space<hbm>>
        %dma_start3A_584 = tpu.memref_squeeze %dma_start3A_583 : memref<1x1x64x1x128xf32, #tpu.memory_space<hbm>> -> memref<64x128xf32, #tpu.memory_space<hbm>>
        %dma_start3A_585 = arith.constant 0 : i32
        %dma_start3A_586 = arith.constant 0 : i32
        %dma_start3A_587 = tpu.memref_slice %arg8[%dma_start3A_571, %dma_start3A_585, %dma_start3A_586] : memref<2x64x128xf32, #tpu.memory_space<vmem>> -> memref<1x64x128xf32, #tpu.memory_space<vmem>>
        %dma_start3A_588 = tpu.memref_squeeze %dma_start3A_587 : memref<1x64x128xf32, #tpu.memory_space<vmem>> -> memref<64x128xf32, #tpu.memory_space<vmem>>
        tpu.enqueue_dma source(%dma_start3A_588 : memref<64x128xf32, #tpu.memory_space<vmem>>) target(%dma_start3A_584 : memref<64x128xf32, #tpu.memory_space<hbm>>) target_semaphore(%arg13 : memref<!tpu.dma_semaphore, #tpu.memory_space<semaphore_mem>>)
      } else {
      }
      %eq3A_513 = arith.constant 6 : i32
      %eq3A_514 = arith.cmpi eq, %rem3A_18, %eq3A_513 : i32
      %convert_element_type3A_515 = arith.extui %eq3A_514 : i1 to i32
      %cond3A_516 = arith.constant 0 : i32
      %cond3A_517 = arith.cmpi ne, %convert_element_type3A_515, %cond3A_516 : i32
      scf.if %cond3A_517 {
        %dma_start3A_571 = arith.constant 0 : i32
        %dma_start3A_572 = arith.constant 6 : i32
        %dma_start3A_573 = arith.constant 0 : i32
        %dma_start3A_574 = arith.constant 0 : i32
        %dma_start3A_575 = tpu.memref_slice %arg8[%dma_start3A_571, %dma_start3A_573, %dma_start3A_574] : memref<2x64x128xf32, #tpu.memory_space<vmem>> -> memref<1x64x128xf32, #tpu.memory_space<vmem>>
        %dma_start3A_576 = tpu.memref_squeeze %dma_start3A_575 : memref<1x64x128xf32, #tpu.memory_space<vmem>> -> memref<64x128xf32, #tpu.memory_space<vmem>>
        %dma_start3A_577 = arith.constant 0 : i32
        %dma_start3A_578 = arith.constant 0 : i32
        %dma_start3A_579 = tpu.memref_slice %arg5[%add3A_437, %select_n3A, %dma_start3A_577, %dma_start3A_572, %dma_start3A_578] : memref<26x4x128x8x128xf32, #tpu.memory_space<hbm>> -> memref<1x1x64x1x128xf32, #tpu.memory_space<hbm>>
        %dma_start3A_580 = tpu.memref_squeeze %dma_start3A_579 : memref<1x1x64x1x128xf32, #tpu.memory_space<hbm>> -> memref<64x128xf32, #tpu.memory_space<hbm>>
        %dma_start3A_581 = arith.constant 0 : i32
        %dma_start3A_582 = arith.constant 0 : i32
        %dma_start3A_583 = tpu.memref_slice %arg5[%add3A_437, %select_n3A, %dma_start3A_581, %dma_start3A_572, %dma_start3A_582] : memref<26x4x128x8x128xf32, #tpu.memory_space<hbm>> -> memref<1x1x64x1x128xf32, #tpu.memory_space<hbm>>
        %dma_start3A_584 = tpu.memref_squeeze %dma_start3A_583 : memref<1x1x64x1x128xf32, #tpu.memory_space<hbm>> -> memref<64x128xf32, #tpu.memory_space<hbm>>
        %dma_start3A_585 = arith.constant 0 : i32
        %dma_start3A_586 = arith.constant 0 : i32
        %dma_start3A_587 = tpu.memref_slice %arg8[%dma_start3A_571, %dma_start3A_585, %dma_start3A_586] : memref<2x64x128xf32, #tpu.memory_space<vmem>> -> memref<1x64x128xf32, #tpu.memory_space<vmem>>
        %dma_start3A_588 = tpu.memref_squeeze %dma_start3A_587 : memref<1x64x128xf32, #tpu.memory_space<vmem>> -> memref<64x128xf32, #tpu.memory_space<vmem>>
        tpu.enqueue_dma source(%dma_start3A_588 : memref<64x128xf32, #tpu.memory_space<vmem>>) target(%dma_start3A_584 : memref<64x128xf32, #tpu.memory_space<hbm>>) target_semaphore(%arg13 : memref<!tpu.dma_semaphore, #tpu.memory_space<semaphore_mem>>)
      } else {
      }
      %eq3A_518 = arith.constant 7 : i32
      %eq3A_519 = arith.cmpi eq, %rem3A_18, %eq3A_518 : i32
      %convert_element_type3A_520 = arith.extui %eq3A_519 : i1 to i32
      %cond3A_521 = arith.constant 0 : i32
      %cond3A_522 = arith.cmpi ne, %convert_element_type3A_520, %cond3A_521 : i32
      scf.if %cond3A_522 {
        %dma_start3A_571 = arith.constant 0 : i32
        %dma_start3A_572 = arith.constant 7 : i32
        %dma_start3A_573 = arith.constant 0 : i32
        %dma_start3A_574 = arith.constant 0 : i32
        %dma_start3A_575 = tpu.memref_slice %arg8[%dma_start3A_571, %dma_start3A_573, %dma_start3A_574] : memref<2x64x128xf32, #tpu.memory_space<vmem>> -> memref<1x64x128xf32, #tpu.memory_space<vmem>>
        %dma_start3A_576 = tpu.memref_squeeze %dma_start3A_575 : memref<1x64x128xf32, #tpu.memory_space<vmem>> -> memref<64x128xf32, #tpu.memory_space<vmem>>
        %dma_start3A_577 = arith.constant 0 : i32
        %dma_start3A_578 = arith.constant 0 : i32
        %dma_start3A_579 = tpu.memref_slice %arg5[%add3A_437, %select_n3A, %dma_start3A_577, %dma_start3A_572, %dma_start3A_578] : memref<26x4x128x8x128xf32, #tpu.memory_space<hbm>> -> memref<1x1x64x1x128xf32, #tpu.memory_space<hbm>>
        %dma_start3A_580 = tpu.memref_squeeze %dma_start3A_579 : memref<1x1x64x1x128xf32, #tpu.memory_space<hbm>> -> memref<64x128xf32, #tpu.memory_space<hbm>>
        %dma_start3A_581 = arith.constant 0 : i32
        %dma_start3A_582 = arith.constant 0 : i32
        %dma_start3A_583 = tpu.memref_slice %arg5[%add3A_437, %select_n3A, %dma_start3A_581, %dma_start3A_572, %dma_start3A_582] : memref<26x4x128x8x128xf32, #tpu.memory_space<hbm>> -> memref<1x1x64x1x128xf32, #tpu.memory_space<hbm>>
        %dma_start3A_584 = tpu.memref_squeeze %dma_start3A_583 : memref<1x1x64x1x128xf32, #tpu.memory_space<hbm>> -> memref<64x128xf32, #tpu.memory_space<hbm>>
        %dma_start3A_585 = arith.constant 0 : i32
        %dma_start3A_586 = arith.constant 0 : i32
        %dma_start3A_587 = tpu.memref_slice %arg8[%dma_start3A_571, %dma_start3A_585, %dma_start3A_586] : memref<2x64x128xf32, #tpu.memory_space<vmem>> -> memref<1x64x128xf32, #tpu.memory_space<vmem>>
        %dma_start3A_588 = tpu.memref_squeeze %dma_start3A_587 : memref<1x64x128xf32, #tpu.memory_space<vmem>> -> memref<64x128xf32, #tpu.memory_space<vmem>>
        tpu.enqueue_dma source(%dma_start3A_588 : memref<64x128xf32, #tpu.memory_space<vmem>>) target(%dma_start3A_584 : memref<64x128xf32, #tpu.memory_space<hbm>>) target_semaphore(%arg13 : memref<!tpu.dma_semaphore, #tpu.memory_space<semaphore_mem>>)
      } else {
      }
      %ge3A_523 = arith.constant 1 : i32
      %ge3A_524 = arith.cmpi sge, %add3A_437, %ge3A_523 : i32
      %convert_element_type3A_525 = arith.extui %ge3A_524 : i1 to i32
      %cond3A_526 = arith.constant 0 : i32
      %cond3A_527 = arith.cmpi ne, %convert_element_type3A_525, %cond3A_526 : i32
      scf.if %cond3A_527 {
        %dma_wait3A_571 = arith.constant 0 : i32
        %dma_wait3A_572 = arith.constant 0 : i32
        %dma_wait3A_573 = arith.constant 0 : i32
        %dma_wait3A_574 = arith.constant 1 : i32
        %dma_wait3A_575 = arith.constant 0 : i32
        %dma_wait3A_576 = arith.constant 0 : i32
        %dma_wait3A_577 = tpu.memref_slice %arg8[%dma_wait3A_574, %dma_wait3A_575, %dma_wait3A_576] : memref<2x64x128xf32, #tpu.memory_space<vmem>> -> memref<1x64x128xf32, #tpu.memory_space<vmem>>
        %dma_wait3A_578 = tpu.memref_squeeze %dma_wait3A_577 : memref<1x64x128xf32, #tpu.memory_space<vmem>> -> memref<64x128xf32, #tpu.memory_space<vmem>>
        %dma_wait3A_579 = arith.constant 0 : i32
        %dma_wait3A_580 = arith.constant 0 : i32
        %dma_wait3A_581 = tpu.memref_slice %arg5[%dma_wait3A_571, %dma_wait3A_572, %dma_wait3A_579, %dma_wait3A_573, %dma_wait3A_580] : memref<26x4x128x8x128xf32, #tpu.memory_space<hbm>> -> memref<1x1x64x1x128xf32, #tpu.memory_space<hbm>>
        %dma_wait3A_582 = tpu.memref_squeeze %dma_wait3A_581 : memref<1x1x64x1x128xf32, #tpu.memory_space<hbm>> -> memref<64x128xf32, #tpu.memory_space<hbm>>
        %dma_wait3A_583 = arith.constant 0 : i32
        %dma_wait3A_584 = arith.constant 0 : i32
        %dma_wait3A_585 = tpu.memref_slice %arg8[%dma_wait3A_574, %dma_wait3A_583, %dma_wait3A_584] : memref<2x64x128xf32, #tpu.memory_space<vmem>> -> memref<1x64x128xf32, #tpu.memory_space<vmem>>
        %dma_wait3A_586 = tpu.memref_squeeze %dma_wait3A_585 : memref<1x64x128xf32, #tpu.memory_space<vmem>> -> memref<64x128xf32, #tpu.memory_space<vmem>>
        %dma_wait3A_587 = arith.constant 0 : i32
        %dma_wait3A_588 = arith.constant 0 : i32
        %dma_wait3A_589 = tpu.memref_slice %arg5[%dma_wait3A_571, %dma_wait3A_572, %dma_wait3A_587, %dma_wait3A_573, %dma_wait3A_588] : memref<26x4x128x8x128xf32, #tpu.memory_space<hbm>> -> memref<1x1x64x1x128xf32, #tpu.memory_space<hbm>>
        %dma_wait3A_590 = tpu.memref_squeeze %dma_wait3A_589 : memref<1x1x64x1x128xf32, #tpu.memory_space<hbm>> -> memref<64x128xf32, #tpu.memory_space<hbm>>
        tpu.wait_dma2 semaphore(%arg14 : memref<!tpu.dma_semaphore, #tpu.memory_space<semaphore_mem>>) src(%dma_wait3A_590 : memref<64x128xf32, #tpu.memory_space<hbm>>) dst(%dma_wait3A_586 : memref<64x128xf32, #tpu.memory_space<vmem>>)
      } else {
      }
      %parallel_loop3A_528 = arith.constant 0 : i32
      %parallel_loop3A_529 = arith.constant 64 : i32
      %parallel_loop3A_530 = arith.constant 1 : i32
      scf.for %parallel_loop3A_571 = %parallel_loop3A_528 to %parallel_loop3A_529 step %parallel_loop3A_530  : i32 {
        %parallel_loop3A_572 = arith.constant 64 : i32
        %parallel_loop3A_573 = arith.addi %parallel_loop3A_572, %parallel_loop3A_571 : i32
        %parallel_loop3A_574 = arith.constant 128 : i32
        %parallel_loop3A_575 = arith.muli %parallel_loop3A_573, %parallel_loop3A_574 : i32
        %parallel_loop3A_576 = arith.constant 16384 : i32
        %parallel_loop3A_577 = arith.addi %parallel_loop3A_576, %parallel_loop3A_575 : i32
        %parallel_loop3A_578 = arith.constant 0 : i32
        %parallel_loop3A_579 = arith.addi %parallel_loop3A_577, %parallel_loop3A_578 : i32
        %parallel_loop3A_580 = arith.index_cast %parallel_loop3A_579 : i32 to index
        %parallel_loop3A_581 = tpu.vector_load %arg7[%parallel_loop3A_580] {strides = array<i32>} : memref<32768xi32, #tpu.memory_space<vmem>>, vector<16xi32>,
        %parallel_loop3A_582 = arith.constant 38656 : i32
        %parallel_loop3A_583 = arith.addi %rem3A_474, %parallel_loop3A_582 : i32
        %parallel_loop3A_584 = vector.broadcast %parallel_loop3A_583 : i32 to vector<16xi32>
        %parallel_loop3A_585 = arith.addi %parallel_loop3A_581, %parallel_loop3A_584 : vector<16xi32>
        %parallel_loop3A_586 = tpu.vector_load_idx %arg6[%parallel_loop3A_585] : memref<77312xf32, #tpu.memory_space<vmem>>[vector<16xi32>], vector<16xf32>,
        %parallel_loop3A_587 = arith.constant 1 : i32
        %parallel_loop3A_588 = arith.index_cast %parallel_loop3A_587 : i32 to index
        %parallel_loop3A_589 = arith.index_cast %parallel_loop3A_571 : i32 to index
        %parallel_loop3A_590 = arith.constant 0 : index
        %parallel_loop3A_591 = tpu.vector_load %arg8[%parallel_loop3A_588, %parallel_loop3A_589, %parallel_loop3A_590] {strides = array<i32>} : memref<2x64x128xf32, #tpu.memory_space<vmem>>, vector<16xf32>,
        tpu.vector_store %arg8[%parallel_loop3A_588, %parallel_loop3A_589, %parallel_loop3A_590], %parallel_loop3A_586 {strides = array<i32>} : memref<2x64x128xf32, #tpu.memory_space<vmem>>, vector<16xf32>,
        %parallel_loop3A_592 = arith.constant 64 : i32
        %parallel_loop3A_593 = arith.addi %parallel_loop3A_592, %parallel_loop3A_571 : i32
        %parallel_loop3A_594 = arith.constant 128 : i32
        %parallel_loop3A_595 = arith.muli %parallel_loop3A_593, %parallel_loop3A_594 : i32
        %parallel_loop3A_596 = arith.constant 16384 : i32
        %parallel_loop3A_597 = arith.addi %parallel_loop3A_596, %parallel_loop3A_595 : i32
        %parallel_loop3A_598 = arith.constant 16 : i32
        %parallel_loop3A_599 = arith.addi %parallel_loop3A_597, %parallel_loop3A_598 : i32
        %parallel_loop3A_600 = arith.index_cast %parallel_loop3A_599 : i32 to index
        %parallel_loop3A_601 = tpu.vector_load %arg7[%parallel_loop3A_600] {strides = array<i32>} : memref<32768xi32, #tpu.memory_space<vmem>>, vector<16xi32>,
        %parallel_loop3A_602 = arith.constant 38656 : i32
        %parallel_loop3A_603 = arith.addi %rem3A_474, %parallel_loop3A_602 : i32
        %parallel_loop3A_604 = vector.broadcast %parallel_loop3A_603 : i32 to vector<16xi32>
        %parallel_loop3A_605 = arith.addi %parallel_loop3A_601, %parallel_loop3A_604 : vector<16xi32>
        %parallel_loop3A_606 = tpu.vector_load_idx %arg6[%parallel_loop3A_605] : memref<77312xf32, #tpu.memory_space<vmem>>[vector<16xi32>], vector<16xf32>,
        %parallel_loop3A_607 = arith.constant 1 : i32
        %parallel_loop3A_608 = arith.index_cast %parallel_loop3A_607 : i32 to index
        %parallel_loop3A_609 = arith.index_cast %parallel_loop3A_571 : i32 to index
        %parallel_loop3A_610 = arith.constant 16 : index
        %parallel_loop3A_611 = tpu.vector_load %arg8[%parallel_loop3A_608, %parallel_loop3A_609, %parallel_loop3A_610] {strides = array<i32>} : memref<2x64x128xf32, #tpu.memory_space<vmem>>, vector<16xf32>,
        tpu.vector_store %arg8[%parallel_loop3A_608, %parallel_loop3A_609, %parallel_loop3A_610], %parallel_loop3A_606 {strides = array<i32>} : memref<2x64x128xf32, #tpu.memory_space<vmem>>, vector<16xf32>,
        %parallel_loop3A_612 = arith.constant 64 : i32
        %parallel_loop3A_613 = arith.addi %parallel_loop3A_612, %parallel_loop3A_571 : i32
        %parallel_loop3A_614 = arith.constant 128 : i32
        %parallel_loop3A_615 = arith.muli %parallel_loop3A_613, %parallel_loop3A_614 : i32
        %parallel_loop3A_616 = arith.constant 16384 : i32
        %parallel_loop3A_617 = arith.addi %parallel_loop3A_616, %parallel_loop3A_615 : i32
        %parallel_loop3A_618 = arith.constant 32 : i32
        %parallel_loop3A_619 = arith.addi %parallel_loop3A_617, %parallel_loop3A_618 : i32
        %parallel_loop3A_620 = arith.index_cast %parallel_loop3A_619 : i32 to index
        %parallel_loop3A_621 = tpu.vector_load %arg7[%parallel_loop3A_620] {strides = array<i32>} : memref<32768xi32, #tpu.memory_space<vmem>>, vector<16xi32>,
        %parallel_loop3A_622 = arith.constant 38656 : i32
        %parallel_loop3A_623 = arith.addi %rem3A_474, %parallel_loop3A_622 : i32
        %parallel_loop3A_624 = vector.broadcast %parallel_loop3A_623 : i32 to vector<16xi32>
        %parallel_loop3A_625 = arith.addi %parallel_loop3A_621, %parallel_loop3A_624 : vector<16xi32>
        %parallel_loop3A_626 = tpu.vector_load_idx %arg6[%parallel_loop3A_625] : memref<77312xf32, #tpu.memory_space<vmem>>[vector<16xi32>], vector<16xf32>,
        %parallel_loop3A_627 = arith.constant 1 : i32
        %parallel_loop3A_628 = arith.index_cast %parallel_loop3A_627 : i32 to index
        %parallel_loop3A_629 = arith.index_cast %parallel_loop3A_571 : i32 to index
        %parallel_loop3A_630 = arith.constant 32 : index
        %parallel_loop3A_631 = tpu.vector_load %arg8[%parallel_loop3A_628, %parallel_loop3A_629, %parallel_loop3A_630] {strides = array<i32>} : memref<2x64x128xf32, #tpu.memory_space<vmem>>, vector<16xf32>,
        tpu.vector_store %arg8[%parallel_loop3A_628, %parallel_loop3A_629, %parallel_loop3A_630], %parallel_loop3A_626 {strides = array<i32>} : memref<2x64x128xf32, #tpu.memory_space<vmem>>, vector<16xf32>,
        %parallel_loop3A_632 = arith.constant 64 : i32
        %parallel_loop3A_633 = arith.addi %parallel_loop3A_632, %parallel_loop3A_571 : i32
        %parallel_loop3A_634 = arith.constant 128 : i32
        %parallel_loop3A_635 = arith.muli %parallel_loop3A_633, %parallel_loop3A_634 : i32
        %parallel_loop3A_636 = arith.constant 16384 : i32
        %parallel_loop3A_637 = arith.addi %parallel_loop3A_636, %parallel_loop3A_635 : i32
        %parallel_loop3A_638 = arith.constant 48 : i32
        %parallel_loop3A_639 = arith.addi %parallel_loop3A_637, %parallel_loop3A_638 : i32
        %parallel_loop3A_640 = arith.index_cast %parallel_loop3A_639 : i32 to index
        %parallel_loop3A_641 = tpu.vector_load %arg7[%parallel_loop3A_640] {strides = array<i32>} : memref<32768xi32, #tpu.memory_space<vmem>>, vector<16xi32>,
        %parallel_loop3A_642 = arith.constant 38656 : i32
        %parallel_loop3A_643 = arith.addi %rem3A_474, %parallel_loop3A_642 : i32
        %parallel_loop3A_644 = vector.broadcast %parallel_loop3A_643 : i32 to vector<16xi32>
        %parallel_loop3A_645 = arith.addi %parallel_loop3A_641, %parallel_loop3A_644 : vector<16xi32>
        %parallel_loop3A_646 = tpu.vector_load_idx %arg6[%parallel_loop3A_645] : memref<77312xf32, #tpu.memory_space<vmem>>[vector<16xi32>], vector<16xf32>,
        %parallel_loop3A_647 = arith.constant 1 : i32
        %parallel_loop3A_648 = arith.index_cast %parallel_loop3A_647 : i32 to index
        %parallel_loop3A_649 = arith.index_cast %parallel_loop3A_571 : i32 to index
        %parallel_loop3A_650 = arith.constant 48 : index
        %parallel_loop3A_651 = tpu.vector_load %arg8[%parallel_loop3A_648, %parallel_loop3A_649, %parallel_loop3A_650] {strides = array<i32>} : memref<2x64x128xf32, #tpu.memory_space<vmem>>, vector<16xf32>,
        tpu.vector_store %arg8[%parallel_loop3A_648, %parallel_loop3A_649, %parallel_loop3A_650], %parallel_loop3A_646 {strides = array<i32>} : memref<2x64x128xf32, #tpu.memory_space<vmem>>, vector<16xf32>,
        %parallel_loop3A_652 = arith.constant 64 : i32
        %parallel_loop3A_653 = arith.addi %parallel_loop3A_652, %parallel_loop3A_571 : i32
        %parallel_loop3A_654 = arith.constant 128 : i32
        %parallel_loop3A_655 = arith.muli %parallel_loop3A_653, %parallel_loop3A_654 : i32
        %parallel_loop3A_656 = arith.constant 16384 : i32
        %parallel_loop3A_657 = arith.addi %parallel_loop3A_656, %parallel_loop3A_655 : i32
        %parallel_loop3A_658 = arith.constant 64 : i32
        %parallel_loop3A_659 = arith.addi %parallel_loop3A_657, %parallel_loop3A_658 : i32
        %parallel_loop3A_660 = arith.index_cast %parallel_loop3A_659 : i32 to index
        %parallel_loop3A_661 = tpu.vector_load %arg7[%parallel_loop3A_660] {strides = array<i32>} : memref<32768xi32, #tpu.memory_space<vmem>>, vector<16xi32>,
        %parallel_loop3A_662 = arith.constant 38656 : i32
        %parallel_loop3A_663 = arith.addi %rem3A_474, %parallel_loop3A_662 : i32
        %parallel_loop3A_664 = vector.broadcast %parallel_loop3A_663 : i32 to vector<16xi32>
        %parallel_loop3A_665 = arith.addi %parallel_loop3A_661, %parallel_loop3A_664 : vector<16xi32>
        %parallel_loop3A_666 = tpu.vector_load_idx %arg6[%parallel_loop3A_665] : memref<77312xf32, #tpu.memory_space<vmem>>[vector<16xi32>], vector<16xf32>,
        %parallel_loop3A_667 = arith.constant 1 : i32
        %parallel_loop3A_668 = arith.index_cast %parallel_loop3A_667 : i32 to index
        %parallel_loop3A_669 = arith.index_cast %parallel_loop3A_571 : i32 to index
        %parallel_loop3A_670 = arith.constant 64 : index
        %parallel_loop3A_671 = tpu.vector_load %arg8[%parallel_loop3A_668, %parallel_loop3A_669, %parallel_loop3A_670] {strides = array<i32>} : memref<2x64x128xf32, #tpu.memory_space<vmem>>, vector<16xf32>,
        tpu.vector_store %arg8[%parallel_loop3A_668, %parallel_loop3A_669, %parallel_loop3A_670], %parallel_loop3A_666 {strides = array<i32>} : memref<2x64x128xf32, #tpu.memory_space<vmem>>, vector<16xf32>,
        %parallel_loop3A_672 = arith.constant 64 : i32
        %parallel_loop3A_673 = arith.addi %parallel_loop3A_672, %parallel_loop3A_571 : i32
        %parallel_loop3A_674 = arith.constant 128 : i32
        %parallel_loop3A_675 = arith.muli %parallel_loop3A_673, %parallel_loop3A_674 : i32
        %parallel_loop3A_676 = arith.constant 16384 : i32
        %parallel_loop3A_677 = arith.addi %parallel_loop3A_676, %parallel_loop3A_675 : i32
        %parallel_loop3A_678 = arith.constant 80 : i32
        %parallel_loop3A_679 = arith.addi %parallel_loop3A_677, %parallel_loop3A_678 : i32
        %parallel_loop3A_680 = arith.index_cast %parallel_loop3A_679 : i32 to index
        %parallel_loop3A_681 = tpu.vector_load %arg7[%parallel_loop3A_680] {strides = array<i32>} : memref<32768xi32, #tpu.memory_space<vmem>>, vector<16xi32>,
        %parallel_loop3A_682 = arith.constant 38656 : i32
        %parallel_loop3A_683 = arith.addi %rem3A_474, %parallel_loop3A_682 : i32
        %parallel_loop3A_684 = vector.broadcast %parallel_loop3A_683 : i32 to vector<16xi32>
        %parallel_loop3A_685 = arith.addi %parallel_loop3A_681, %parallel_loop3A_684 : vector<16xi32>
        %parallel_loop3A_686 = tpu.vector_load_idx %arg6[%parallel_loop3A_685] : memref<77312xf32, #tpu.memory_space<vmem>>[vector<16xi32>], vector<16xf32>,
        %parallel_loop3A_687 = arith.constant 1 : i32
        %parallel_loop3A_688 = arith.index_cast %parallel_loop3A_687 : i32 to index
        %parallel_loop3A_689 = arith.index_cast %parallel_loop3A_571 : i32 to index
        %parallel_loop3A_690 = arith.constant 80 : index
        %parallel_loop3A_691 = tpu.vector_load %arg8[%parallel_loop3A_688, %parallel_loop3A_689, %parallel_loop3A_690] {strides = array<i32>} : memref<2x64x128xf32, #tpu.memory_space<vmem>>, vector<16xf32>,
        tpu.vector_store %arg8[%parallel_loop3A_688, %parallel_loop3A_689, %parallel_loop3A_690], %parallel_loop3A_686 {strides = array<i32>} : memref<2x64x128xf32, #tpu.memory_space<vmem>>, vector<16xf32>,
        %parallel_loop3A_692 = arith.constant 64 : i32
        %parallel_loop3A_693 = arith.addi %parallel_loop3A_692, %parallel_loop3A_571 : i32
        %parallel_loop3A_694 = arith.constant 128 : i32
        %parallel_loop3A_695 = arith.muli %parallel_loop3A_693, %parallel_loop3A_694 : i32
        %parallel_loop3A_696 = arith.constant 16384 : i32
        %parallel_loop3A_697 = arith.addi %parallel_loop3A_696, %parallel_loop3A_695 : i32
        %parallel_loop3A_698 = arith.constant 96 : i32
        %parallel_loop3A_699 = arith.addi %parallel_loop3A_697, %parallel_loop3A_698 : i32
        %parallel_loop3A_700 = arith.index_cast %parallel_loop3A_699 : i32 to index
        %parallel_loop3A_701 = tpu.vector_load %arg7[%parallel_loop3A_700] {strides = array<i32>} : memref<32768xi32, #tpu.memory_space<vmem>>, vector<16xi32>,
        %parallel_loop3A_702 = arith.constant 38656 : i32
        %parallel_loop3A_703 = arith.addi %rem3A_474, %parallel_loop3A_702 : i32
        %parallel_loop3A_704 = vector.broadcast %parallel_loop3A_703 : i32 to vector<16xi32>
        %parallel_loop3A_705 = arith.addi %parallel_loop3A_701, %parallel_loop3A_704 : vector<16xi32>
        %parallel_loop3A_706 = tpu.vector_load_idx %arg6[%parallel_loop3A_705] : memref<77312xf32, #tpu.memory_space<vmem>>[vector<16xi32>], vector<16xf32>,
        %parallel_loop3A_707 = arith.constant 1 : i32
        %parallel_loop3A_708 = arith.index_cast %parallel_loop3A_707 : i32 to index
        %parallel_loop3A_709 = arith.index_cast %parallel_loop3A_571 : i32 to index
        %parallel_loop3A_710 = arith.constant 96 : index
        %parallel_loop3A_711 = tpu.vector_load %arg8[%parallel_loop3A_708, %parallel_loop3A_709, %parallel_loop3A_710] {strides = array<i32>} : memref<2x64x128xf32, #tpu.memory_space<vmem>>, vector<16xf32>,
        tpu.vector_store %arg8[%parallel_loop3A_708, %parallel_loop3A_709, %parallel_loop3A_710], %parallel_loop3A_706 {strides = array<i32>} : memref<2x64x128xf32, #tpu.memory_space<vmem>>, vector<16xf32>,
        %parallel_loop3A_712 = arith.constant 64 : i32
        %parallel_loop3A_713 = arith.addi %parallel_loop3A_712, %parallel_loop3A_571 : i32
        %parallel_loop3A_714 = arith.constant 128 : i32
        %parallel_loop3A_715 = arith.muli %parallel_loop3A_713, %parallel_loop3A_714 : i32
        %parallel_loop3A_716 = arith.constant 16384 : i32
        %parallel_loop3A_717 = arith.addi %parallel_loop3A_716, %parallel_loop3A_715 : i32
        %parallel_loop3A_718 = arith.constant 112 : i32
        %parallel_loop3A_719 = arith.addi %parallel_loop3A_717, %parallel_loop3A_718 : i32
        %parallel_loop3A_720 = arith.index_cast %parallel_loop3A_719 : i32 to index
        %parallel_loop3A_721 = tpu.vector_load %arg7[%parallel_loop3A_720] {strides = array<i32>} : memref<32768xi32, #tpu.memory_space<vmem>>, vector<16xi32>,
        %parallel_loop3A_722 = arith.constant 38656 : i32
        %parallel_loop3A_723 = arith.addi %rem3A_474, %parallel_loop3A_722 : i32
        %parallel_loop3A_724 = vector.broadcast %parallel_loop3A_723 : i32 to vector<16xi32>
        %parallel_loop3A_725 = arith.addi %parallel_loop3A_721, %parallel_loop3A_724 : vector<16xi32>
        %parallel_loop3A_726 = tpu.vector_load_idx %arg6[%parallel_loop3A_725] : memref<77312xf32, #tpu.memory_space<vmem>>[vector<16xi32>], vector<16xf32>,
        %parallel_loop3A_727 = arith.constant 1 : i32
        %parallel_loop3A_728 = arith.index_cast %parallel_loop3A_727 : i32 to index
        %parallel_loop3A_729 = arith.index_cast %parallel_loop3A_571 : i32 to index
        %parallel_loop3A_730 = arith.constant 112 : index
        %parallel_loop3A_731 = tpu.vector_load %arg8[%parallel_loop3A_728, %parallel_loop3A_729, %parallel_loop3A_730] {strides = array<i32>} : memref<2x64x128xf32, #tpu.memory_space<vmem>>, vector<16xf32>,
        tpu.vector_store %arg8[%parallel_loop3A_728, %parallel_loop3A_729, %parallel_loop3A_730], %parallel_loop3A_726 {strides = array<i32>} : memref<2x64x128xf32, #tpu.memory_space<vmem>>, vector<16xf32>,
      } {sc.loop_unroll_factor = 1 : i64, sc.parallel_access}
      %eq3A_531 = arith.constant 0 : i32
      %eq3A_532 = arith.cmpi eq, %rem3A_18, %eq3A_531 : i32
      %convert_element_type3A_533 = arith.extui %eq3A_532 : i1 to i32
      %cond3A_534 = arith.constant 0 : i32
      %cond3A_535 = arith.cmpi ne, %convert_element_type3A_533, %cond3A_534 : i32
      scf.if %cond3A_535 {
        %dma_start3A_571 = arith.constant 1 : i32
        %dma_start3A_572 = arith.constant 0 : i32
        %dma_start3A_573 = arith.constant 0 : i32
        %dma_start3A_574 = arith.constant 0 : i32
        %dma_start3A_575 = tpu.memref_slice %arg8[%dma_start3A_571, %dma_start3A_573, %dma_start3A_574] : memref<2x64x128xf32, #tpu.memory_space<vmem>> -> memref<1x64x128xf32, #tpu.memory_space<vmem>>
        %dma_start3A_576 = tpu.memref_squeeze %dma_start3A_575 : memref<1x64x128xf32, #tpu.memory_space<vmem>> -> memref<64x128xf32, #tpu.memory_space<vmem>>
        %dma_start3A_577 = arith.constant 64 : i32
        %dma_start3A_578 = arith.constant 0 : i32
        %dma_start3A_579 = tpu.memref_slice %arg5[%add3A_437, %select_n3A, %dma_start3A_577, %dma_start3A_572, %dma_start3A_578] : memref<26x4x128x8x128xf32, #tpu.memory_space<hbm>> -> memref<1x1x64x1x128xf32, #tpu.memory_space<hbm>>
        %dma_start3A_580 = tpu.memref_squeeze %dma_start3A_579 : memref<1x1x64x1x128xf32, #tpu.memory_space<hbm>> -> memref<64x128xf32, #tpu.memory_space<hbm>>
        %dma_start3A_581 = arith.constant 64 : i32
        %dma_start3A_582 = arith.constant 0 : i32
        %dma_start3A_583 = tpu.memref_slice %arg5[%add3A_437, %select_n3A, %dma_start3A_581, %dma_start3A_572, %dma_start3A_582] : memref<26x4x128x8x128xf32, #tpu.memory_space<hbm>> -> memref<1x1x64x1x128xf32, #tpu.memory_space<hbm>>
        %dma_start3A_584 = tpu.memref_squeeze %dma_start3A_583 : memref<1x1x64x1x128xf32, #tpu.memory_space<hbm>> -> memref<64x128xf32, #tpu.memory_space<hbm>>
        %dma_start3A_585 = arith.constant 0 : i32
        %dma_start3A_586 = arith.constant 0 : i32
        %dma_start3A_587 = tpu.memref_slice %arg8[%dma_start3A_571, %dma_start3A_585, %dma_start3A_586] : memref<2x64x128xf32, #tpu.memory_space<vmem>> -> memref<1x64x128xf32, #tpu.memory_space<vmem>>
        %dma_start3A_588 = tpu.memref_squeeze %dma_start3A_587 : memref<1x64x128xf32, #tpu.memory_space<vmem>> -> memref<64x128xf32, #tpu.memory_space<vmem>>
        tpu.enqueue_dma source(%dma_start3A_588 : memref<64x128xf32, #tpu.memory_space<vmem>>) target(%dma_start3A_584 : memref<64x128xf32, #tpu.memory_space<hbm>>) target_semaphore(%arg14 : memref<!tpu.dma_semaphore, #tpu.memory_space<semaphore_mem>>)
      } else {
      }
      %eq3A_536 = arith.constant 1 : i32
      %eq3A_537 = arith.cmpi eq, %rem3A_18, %eq3A_536 : i32
      %convert_element_type3A_538 = arith.extui %eq3A_537 : i1 to i32
      %cond3A_539 = arith.constant 0 : i32
      %cond3A_540 = arith.cmpi ne, %convert_element_type3A_538, %cond3A_539 : i32
      scf.if %cond3A_540 {
        %dma_start3A_571 = arith.constant 1 : i32
        %dma_start3A_572 = arith.constant 1 : i32
        %dma_start3A_573 = arith.constant 0 : i32
        %dma_start3A_574 = arith.constant 0 : i32
        %dma_start3A_575 = tpu.memref_slice %arg8[%dma_start3A_571, %dma_start3A_573, %dma_start3A_574] : memref<2x64x128xf32, #tpu.memory_space<vmem>> -> memref<1x64x128xf32, #tpu.memory_space<vmem>>
        %dma_start3A_576 = tpu.memref_squeeze %dma_start3A_575 : memref<1x64x128xf32, #tpu.memory_space<vmem>> -> memref<64x128xf32, #tpu.memory_space<vmem>>
        %dma_start3A_577 = arith.constant 64 : i32
        %dma_start3A_578 = arith.constant 0 : i32
        %dma_start3A_579 = tpu.memref_slice %arg5[%add3A_437, %select_n3A, %dma_start3A_577, %dma_start3A_572, %dma_start3A_578] : memref<26x4x128x8x128xf32, #tpu.memory_space<hbm>> -> memref<1x1x64x1x128xf32, #tpu.memory_space<hbm>>
        %dma_start3A_580 = tpu.memref_squeeze %dma_start3A_579 : memref<1x1x64x1x128xf32, #tpu.memory_space<hbm>> -> memref<64x128xf32, #tpu.memory_space<hbm>>
        %dma_start3A_581 = arith.constant 64 : i32
        %dma_start3A_582 = arith.constant 0 : i32
        %dma_start3A_583 = tpu.memref_slice %arg5[%add3A_437, %select_n3A, %dma_start3A_581, %dma_start3A_572, %dma_start3A_582] : memref<26x4x128x8x128xf32, #tpu.memory_space<hbm>> -> memref<1x1x64x1x128xf32, #tpu.memory_space<hbm>>
        %dma_start3A_584 = tpu.memref_squeeze %dma_start3A_583 : memref<1x1x64x1x128xf32, #tpu.memory_space<hbm>> -> memref<64x128xf32, #tpu.memory_space<hbm>>
        %dma_start3A_585 = arith.constant 0 : i32
        %dma_start3A_586 = arith.constant 0 : i32
        %dma_start3A_587 = tpu.memref_slice %arg8[%dma_start3A_571, %dma_start3A_585, %dma_start3A_586] : memref<2x64x128xf32, #tpu.memory_space<vmem>> -> memref<1x64x128xf32, #tpu.memory_space<vmem>>
        %dma_start3A_588 = tpu.memref_squeeze %dma_start3A_587 : memref<1x64x128xf32, #tpu.memory_space<vmem>> -> memref<64x128xf32, #tpu.memory_space<vmem>>
        tpu.enqueue_dma source(%dma_start3A_588 : memref<64x128xf32, #tpu.memory_space<vmem>>) target(%dma_start3A_584 : memref<64x128xf32, #tpu.memory_space<hbm>>) target_semaphore(%arg14 : memref<!tpu.dma_semaphore, #tpu.memory_space<semaphore_mem>>)
      } else {
      }
      %eq3A_541 = arith.constant 2 : i32
      %eq3A_542 = arith.cmpi eq, %rem3A_18, %eq3A_541 : i32
      %convert_element_type3A_543 = arith.extui %eq3A_542 : i1 to i32
      %cond3A_544 = arith.constant 0 : i32
      %cond3A_545 = arith.cmpi ne, %convert_element_type3A_543, %cond3A_544 : i32
      scf.if %cond3A_545 {
        %dma_start3A_571 = arith.constant 1 : i32
        %dma_start3A_572 = arith.constant 2 : i32
        %dma_start3A_573 = arith.constant 0 : i32
        %dma_start3A_574 = arith.constant 0 : i32
        %dma_start3A_575 = tpu.memref_slice %arg8[%dma_start3A_571, %dma_start3A_573, %dma_start3A_574] : memref<2x64x128xf32, #tpu.memory_space<vmem>> -> memref<1x64x128xf32, #tpu.memory_space<vmem>>
        %dma_start3A_576 = tpu.memref_squeeze %dma_start3A_575 : memref<1x64x128xf32, #tpu.memory_space<vmem>> -> memref<64x128xf32, #tpu.memory_space<vmem>>
        %dma_start3A_577 = arith.constant 64 : i32
        %dma_start3A_578 = arith.constant 0 : i32
        %dma_start3A_579 = tpu.memref_slice %arg5[%add3A_437, %select_n3A, %dma_start3A_577, %dma_start3A_572, %dma_start3A_578] : memref<26x4x128x8x128xf32, #tpu.memory_space<hbm>> -> memref<1x1x64x1x128xf32, #tpu.memory_space<hbm>>
        %dma_start3A_580 = tpu.memref_squeeze %dma_start3A_579 : memref<1x1x64x1x128xf32, #tpu.memory_space<hbm>> -> memref<64x128xf32, #tpu.memory_space<hbm>>
        %dma_start3A_581 = arith.constant 64 : i32
        %dma_start3A_582 = arith.constant 0 : i32
        %dma_start3A_583 = tpu.memref_slice %arg5[%add3A_437, %select_n3A, %dma_start3A_581, %dma_start3A_572, %dma_start3A_582] : memref<26x4x128x8x128xf32, #tpu.memory_space<hbm>> -> memref<1x1x64x1x128xf32, #tpu.memory_space<hbm>>
        %dma_start3A_584 = tpu.memref_squeeze %dma_start3A_583 : memref<1x1x64x1x128xf32, #tpu.memory_space<hbm>> -> memref<64x128xf32, #tpu.memory_space<hbm>>
        %dma_start3A_585 = arith.constant 0 : i32
        %dma_start3A_586 = arith.constant 0 : i32
        %dma_start3A_587 = tpu.memref_slice %arg8[%dma_start3A_571, %dma_start3A_585, %dma_start3A_586] : memref<2x64x128xf32, #tpu.memory_space<vmem>> -> memref<1x64x128xf32, #tpu.memory_space<vmem>>
        %dma_start3A_588 = tpu.memref_squeeze %dma_start3A_587 : memref<1x64x128xf32, #tpu.memory_space<vmem>> -> memref<64x128xf32, #tpu.memory_space<vmem>>
        tpu.enqueue_dma source(%dma_start3A_588 : memref<64x128xf32, #tpu.memory_space<vmem>>) target(%dma_start3A_584 : memref<64x128xf32, #tpu.memory_space<hbm>>) target_semaphore(%arg14 : memref<!tpu.dma_semaphore, #tpu.memory_space<semaphore_mem>>)
      } else {
      }
      %eq3A_546 = arith.constant 3 : i32
      %eq3A_547 = arith.cmpi eq, %rem3A_18, %eq3A_546 : i32
      %convert_element_type3A_548 = arith.extui %eq3A_547 : i1 to i32
      %cond3A_549 = arith.constant 0 : i32
      %cond3A_550 = arith.cmpi ne, %convert_element_type3A_548, %cond3A_549 : i32
      scf.if %cond3A_550 {
        %dma_start3A_571 = arith.constant 1 : i32
        %dma_start3A_572 = arith.constant 3 : i32
        %dma_start3A_573 = arith.constant 0 : i32
        %dma_start3A_574 = arith.constant 0 : i32
        %dma_start3A_575 = tpu.memref_slice %arg8[%dma_start3A_571, %dma_start3A_573, %dma_start3A_574] : memref<2x64x128xf32, #tpu.memory_space<vmem>> -> memref<1x64x128xf32, #tpu.memory_space<vmem>>
        %dma_start3A_576 = tpu.memref_squeeze %dma_start3A_575 : memref<1x64x128xf32, #tpu.memory_space<vmem>> -> memref<64x128xf32, #tpu.memory_space<vmem>>
        %dma_start3A_577 = arith.constant 64 : i32
        %dma_start3A_578 = arith.constant 0 : i32
        %dma_start3A_579 = tpu.memref_slice %arg5[%add3A_437, %select_n3A, %dma_start3A_577, %dma_start3A_572, %dma_start3A_578] : memref<26x4x128x8x128xf32, #tpu.memory_space<hbm>> -> memref<1x1x64x1x128xf32, #tpu.memory_space<hbm>>
        %dma_start3A_580 = tpu.memref_squeeze %dma_start3A_579 : memref<1x1x64x1x128xf32, #tpu.memory_space<hbm>> -> memref<64x128xf32, #tpu.memory_space<hbm>>
        %dma_start3A_581 = arith.constant 64 : i32
        %dma_start3A_582 = arith.constant 0 : i32
        %dma_start3A_583 = tpu.memref_slice %arg5[%add3A_437, %select_n3A, %dma_start3A_581, %dma_start3A_572, %dma_start3A_582] : memref<26x4x128x8x128xf32, #tpu.memory_space<hbm>> -> memref<1x1x64x1x128xf32, #tpu.memory_space<hbm>>
        %dma_start3A_584 = tpu.memref_squeeze %dma_start3A_583 : memref<1x1x64x1x128xf32, #tpu.memory_space<hbm>> -> memref<64x128xf32, #tpu.memory_space<hbm>>
        %dma_start3A_585 = arith.constant 0 : i32
        %dma_start3A_586 = arith.constant 0 : i32
        %dma_start3A_587 = tpu.memref_slice %arg8[%dma_start3A_571, %dma_start3A_585, %dma_start3A_586] : memref<2x64x128xf32, #tpu.memory_space<vmem>> -> memref<1x64x128xf32, #tpu.memory_space<vmem>>
        %dma_start3A_588 = tpu.memref_squeeze %dma_start3A_587 : memref<1x64x128xf32, #tpu.memory_space<vmem>> -> memref<64x128xf32, #tpu.memory_space<vmem>>
        tpu.enqueue_dma source(%dma_start3A_588 : memref<64x128xf32, #tpu.memory_space<vmem>>) target(%dma_start3A_584 : memref<64x128xf32, #tpu.memory_space<hbm>>) target_semaphore(%arg14 : memref<!tpu.dma_semaphore, #tpu.memory_space<semaphore_mem>>)
      } else {
      }
      %eq3A_551 = arith.constant 4 : i32
      %eq3A_552 = arith.cmpi eq, %rem3A_18, %eq3A_551 : i32
      %convert_element_type3A_553 = arith.extui %eq3A_552 : i1 to i32
      %cond3A_554 = arith.constant 0 : i32
      %cond3A_555 = arith.cmpi ne, %convert_element_type3A_553, %cond3A_554 : i32
      scf.if %cond3A_555 {
        %dma_start3A_571 = arith.constant 1 : i32
        %dma_start3A_572 = arith.constant 4 : i32
        %dma_start3A_573 = arith.constant 0 : i32
        %dma_start3A_574 = arith.constant 0 : i32
        %dma_start3A_575 = tpu.memref_slice %arg8[%dma_start3A_571, %dma_start3A_573, %dma_start3A_574] : memref<2x64x128xf32, #tpu.memory_space<vmem>> -> memref<1x64x128xf32, #tpu.memory_space<vmem>>
        %dma_start3A_576 = tpu.memref_squeeze %dma_start3A_575 : memref<1x64x128xf32, #tpu.memory_space<vmem>> -> memref<64x128xf32, #tpu.memory_space<vmem>>
        %dma_start3A_577 = arith.constant 64 : i32
        %dma_start3A_578 = arith.constant 0 : i32
        %dma_start3A_579 = tpu.memref_slice %arg5[%add3A_437, %select_n3A, %dma_start3A_577, %dma_start3A_572, %dma_start3A_578] : memref<26x4x128x8x128xf32, #tpu.memory_space<hbm>> -> memref<1x1x64x1x128xf32, #tpu.memory_space<hbm>>
        %dma_start3A_580 = tpu.memref_squeeze %dma_start3A_579 : memref<1x1x64x1x128xf32, #tpu.memory_space<hbm>> -> memref<64x128xf32, #tpu.memory_space<hbm>>
        %dma_start3A_581 = arith.constant 64 : i32
        %dma_start3A_582 = arith.constant 0 : i32
        %dma_start3A_583 = tpu.memref_slice %arg5[%add3A_437, %select_n3A, %dma_start3A_581, %dma_start3A_572, %dma_start3A_582] : memref<26x4x128x8x128xf32, #tpu.memory_space<hbm>> -> memref<1x1x64x1x128xf32, #tpu.memory_space<hbm>>
        %dma_start3A_584 = tpu.memref_squeeze %dma_start3A_583 : memref<1x1x64x1x128xf32, #tpu.memory_space<hbm>> -> memref<64x128xf32, #tpu.memory_space<hbm>>
        %dma_start3A_585 = arith.constant 0 : i32
        %dma_start3A_586 = arith.constant 0 : i32
        %dma_start3A_587 = tpu.memref_slice %arg8[%dma_start3A_571, %dma_start3A_585, %dma_start3A_586] : memref<2x64x128xf32, #tpu.memory_space<vmem>> -> memref<1x64x128xf32, #tpu.memory_space<vmem>>
        %dma_start3A_588 = tpu.memref_squeeze %dma_start3A_587 : memref<1x64x128xf32, #tpu.memory_space<vmem>> -> memref<64x128xf32, #tpu.memory_space<vmem>>
        tpu.enqueue_dma source(%dma_start3A_588 : memref<64x128xf32, #tpu.memory_space<vmem>>) target(%dma_start3A_584 : memref<64x128xf32, #tpu.memory_space<hbm>>) target_semaphore(%arg14 : memref<!tpu.dma_semaphore, #tpu.memory_space<semaphore_mem>>)
      } else {
      }
      %eq3A_556 = arith.constant 5 : i32
      %eq3A_557 = arith.cmpi eq, %rem3A_18, %eq3A_556 : i32
      %convert_element_type3A_558 = arith.extui %eq3A_557 : i1 to i32
      %cond3A_559 = arith.constant 0 : i32
      %cond3A_560 = arith.cmpi ne, %convert_element_type3A_558, %cond3A_559 : i32
      scf.if %cond3A_560 {
        %dma_start3A_571 = arith.constant 1 : i32
        %dma_start3A_572 = arith.constant 5 : i32
        %dma_start3A_573 = arith.constant 0 : i32
        %dma_start3A_574 = arith.constant 0 : i32
        %dma_start3A_575 = tpu.memref_slice %arg8[%dma_start3A_571, %dma_start3A_573, %dma_start3A_574] : memref<2x64x128xf32, #tpu.memory_space<vmem>> -> memref<1x64x128xf32, #tpu.memory_space<vmem>>
        %dma_start3A_576 = tpu.memref_squeeze %dma_start3A_575 : memref<1x64x128xf32, #tpu.memory_space<vmem>> -> memref<64x128xf32, #tpu.memory_space<vmem>>
        %dma_start3A_577 = arith.constant 64 : i32
        %dma_start3A_578 = arith.constant 0 : i32
        %dma_start3A_579 = tpu.memref_slice %arg5[%add3A_437, %select_n3A, %dma_start3A_577, %dma_start3A_572, %dma_start3A_578] : memref<26x4x128x8x128xf32, #tpu.memory_space<hbm>> -> memref<1x1x64x1x128xf32, #tpu.memory_space<hbm>>
        %dma_start3A_580 = tpu.memref_squeeze %dma_start3A_579 : memref<1x1x64x1x128xf32, #tpu.memory_space<hbm>> -> memref<64x128xf32, #tpu.memory_space<hbm>>
        %dma_start3A_581 = arith.constant 64 : i32
        %dma_start3A_582 = arith.constant 0 : i32
        %dma_start3A_583 = tpu.memref_slice %arg5[%add3A_437, %select_n3A, %dma_start3A_581, %dma_start3A_572, %dma_start3A_582] : memref<26x4x128x8x128xf32, #tpu.memory_space<hbm>> -> memref<1x1x64x1x128xf32, #tpu.memory_space<hbm>>
        %dma_start3A_584 = tpu.memref_squeeze %dma_start3A_583 : memref<1x1x64x1x128xf32, #tpu.memory_space<hbm>> -> memref<64x128xf32, #tpu.memory_space<hbm>>
        %dma_start3A_585 = arith.constant 0 : i32
        %dma_start3A_586 = arith.constant 0 : i32
        %dma_start3A_587 = tpu.memref_slice %arg8[%dma_start3A_571, %dma_start3A_585, %dma_start3A_586] : memref<2x64x128xf32, #tpu.memory_space<vmem>> -> memref<1x64x128xf32, #tpu.memory_space<vmem>>
        %dma_start3A_588 = tpu.memref_squeeze %dma_start3A_587 : memref<1x64x128xf32, #tpu.memory_space<vmem>> -> memref<64x128xf32, #tpu.memory_space<vmem>>
        tpu.enqueue_dma source(%dma_start3A_588 : memref<64x128xf32, #tpu.memory_space<vmem>>) target(%dma_start3A_584 : memref<64x128xf32, #tpu.memory_space<hbm>>) target_semaphore(%arg14 : memref<!tpu.dma_semaphore, #tpu.memory_space<semaphore_mem>>)
      } else {
      }
      %eq3A_561 = arith.constant 6 : i32
      %eq3A_562 = arith.cmpi eq, %rem3A_18, %eq3A_561 : i32
      %convert_element_type3A_563 = arith.extui %eq3A_562 : i1 to i32
      %cond3A_564 = arith.constant 0 : i32
      %cond3A_565 = arith.cmpi ne, %convert_element_type3A_563, %cond3A_564 : i32
      scf.if %cond3A_565 {
        %dma_start3A_571 = arith.constant 1 : i32
        %dma_start3A_572 = arith.constant 6 : i32
        %dma_start3A_573 = arith.constant 0 : i32
        %dma_start3A_574 = arith.constant 0 : i32
        %dma_start3A_575 = tpu.memref_slice %arg8[%dma_start3A_571, %dma_start3A_573, %dma_start3A_574] : memref<2x64x128xf32, #tpu.memory_space<vmem>> -> memref<1x64x128xf32, #tpu.memory_space<vmem>>
        %dma_start3A_576 = tpu.memref_squeeze %dma_start3A_575 : memref<1x64x128xf32, #tpu.memory_space<vmem>> -> memref<64x128xf32, #tpu.memory_space<vmem>>
        %dma_start3A_577 = arith.constant 64 : i32
        %dma_start3A_578 = arith.constant 0 : i32
        %dma_start3A_579 = tpu.memref_slice %arg5[%add3A_437, %select_n3A, %dma_start3A_577, %dma_start3A_572, %dma_start3A_578] : memref<26x4x128x8x128xf32, #tpu.memory_space<hbm>> -> memref<1x1x64x1x128xf32, #tpu.memory_space<hbm>>
        %dma_start3A_580 = tpu.memref_squeeze %dma_start3A_579 : memref<1x1x64x1x128xf32, #tpu.memory_space<hbm>> -> memref<64x128xf32, #tpu.memory_space<hbm>>
        %dma_start3A_581 = arith.constant 64 : i32
        %dma_start3A_582 = arith.constant 0 : i32
        %dma_start3A_583 = tpu.memref_slice %arg5[%add3A_437, %select_n3A, %dma_start3A_581, %dma_start3A_572, %dma_start3A_582] : memref<26x4x128x8x128xf32, #tpu.memory_space<hbm>> -> memref<1x1x64x1x128xf32, #tpu.memory_space<hbm>>
        %dma_start3A_584 = tpu.memref_squeeze %dma_start3A_583 : memref<1x1x64x1x128xf32, #tpu.memory_space<hbm>> -> memref<64x128xf32, #tpu.memory_space<hbm>>
        %dma_start3A_585 = arith.constant 0 : i32
        %dma_start3A_586 = arith.constant 0 : i32
        %dma_start3A_587 = tpu.memref_slice %arg8[%dma_start3A_571, %dma_start3A_585, %dma_start3A_586] : memref<2x64x128xf32, #tpu.memory_space<vmem>> -> memref<1x64x128xf32, #tpu.memory_space<vmem>>
        %dma_start3A_588 = tpu.memref_squeeze %dma_start3A_587 : memref<1x64x128xf32, #tpu.memory_space<vmem>> -> memref<64x128xf32, #tpu.memory_space<vmem>>
        tpu.enqueue_dma source(%dma_start3A_588 : memref<64x128xf32, #tpu.memory_space<vmem>>) target(%dma_start3A_584 : memref<64x128xf32, #tpu.memory_space<hbm>>) target_semaphore(%arg14 : memref<!tpu.dma_semaphore, #tpu.memory_space<semaphore_mem>>)
      } else {
      }
      %eq3A_566 = arith.constant 7 : i32
      %eq3A_567 = arith.cmpi eq, %rem3A_18, %eq3A_566 : i32
      %convert_element_type3A_568 = arith.extui %eq3A_567 : i1 to i32
      %cond3A_569 = arith.constant 0 : i32
      %cond3A_570 = arith.cmpi ne, %convert_element_type3A_568, %cond3A_569 : i32
      scf.if %cond3A_570 {
        %dma_start3A_571 = arith.constant 1 : i32
        %dma_start3A_572 = arith.constant 7 : i32
        %dma_start3A_573 = arith.constant 0 : i32
        %dma_start3A_574 = arith.constant 0 : i32
        %dma_start3A_575 = tpu.memref_slice %arg8[%dma_start3A_571, %dma_start3A_573, %dma_start3A_574] : memref<2x64x128xf32, #tpu.memory_space<vmem>> -> memref<1x64x128xf32, #tpu.memory_space<vmem>>
        %dma_start3A_576 = tpu.memref_squeeze %dma_start3A_575 : memref<1x64x128xf32, #tpu.memory_space<vmem>> -> memref<64x128xf32, #tpu.memory_space<vmem>>
        %dma_start3A_577 = arith.constant 64 : i32
        %dma_start3A_578 = arith.constant 0 : i32
        %dma_start3A_579 = tpu.memref_slice %arg5[%add3A_437, %select_n3A, %dma_start3A_577, %dma_start3A_572, %dma_start3A_578] : memref<26x4x128x8x128xf32, #tpu.memory_space<hbm>> -> memref<1x1x64x1x128xf32, #tpu.memory_space<hbm>>
        %dma_start3A_580 = tpu.memref_squeeze %dma_start3A_579 : memref<1x1x64x1x128xf32, #tpu.memory_space<hbm>> -> memref<64x128xf32, #tpu.memory_space<hbm>>
        %dma_start3A_581 = arith.constant 64 : i32
        %dma_start3A_582 = arith.constant 0 : i32
        %dma_start3A_583 = tpu.memref_slice %arg5[%add3A_437, %select_n3A, %dma_start3A_581, %dma_start3A_572, %dma_start3A_582] : memref<26x4x128x8x128xf32, #tpu.memory_space<hbm>> -> memref<1x1x64x1x128xf32, #tpu.memory_space<hbm>>
        %dma_start3A_584 = tpu.memref_squeeze %dma_start3A_583 : memref<1x1x64x1x128xf32, #tpu.memory_space<hbm>> -> memref<64x128xf32, #tpu.memory_space<hbm>>
        %dma_start3A_585 = arith.constant 0 : i32
        %dma_start3A_586 = arith.constant 0 : i32
        %dma_start3A_587 = tpu.memref_slice %arg8[%dma_start3A_571, %dma_start3A_585, %dma_start3A_586] : memref<2x64x128xf32, #tpu.memory_space<vmem>> -> memref<1x64x128xf32, #tpu.memory_space<vmem>>
        %dma_start3A_588 = tpu.memref_squeeze %dma_start3A_587 : memref<1x64x128xf32, #tpu.memory_space<vmem>> -> memref<64x128xf32, #tpu.memory_space<vmem>>
        tpu.enqueue_dma source(%dma_start3A_588 : memref<64x128xf32, #tpu.memory_space<vmem>>) target(%dma_start3A_584 : memref<64x128xf32, #tpu.memory_space<hbm>>) target_semaphore(%arg14 : memref<!tpu.dma_semaphore, #tpu.memory_space<semaphore_mem>>)
      } else {
      }
    }
    %scan3A_75 = arith.constant 13 : i32
    %dma_wait3A = arith.constant 0 : i32
    %dma_wait3A_76 = arith.constant 0 : i32
    %dma_wait3A_77 = arith.constant 0 : i32
    %dma_wait3A_78 = arith.constant 0 : i32
    %dma_wait3A_79 = arith.constant 0 : i32
    %dma_wait3A_80 = arith.constant 0 : i32
    %dma_wait3A_81 = tpu.memref_slice %arg8[%dma_wait3A_78, %dma_wait3A_79, %dma_wait3A_80] : memref<2x64x128xf32, #tpu.memory_space<vmem>> -> memref<1x64x128xf32, #tpu.memory_space<vmem>>
    %dma_wait3A_82 = tpu.memref_squeeze %dma_wait3A_81 : memref<1x64x128xf32, #tpu.memory_space<vmem>> -> memref<64x128xf32, #tpu.memory_space<vmem>>
    %dma_wait3A_83 = arith.constant 0 : i32
    %dma_wait3A_84 = arith.constant 0 : i32
    %dma_wait3A_85 = tpu.memref_slice %arg5[%dma_wait3A, %dma_wait3A_76, %dma_wait3A_83, %dma_wait3A_77, %dma_wait3A_84] : memref<26x4x128x8x128xf32, #tpu.memory_space<hbm>> -> memref<1x1x64x1x128xf32, #tpu.memory_space<hbm>>
    %dma_wait3A_86 = tpu.memref_squeeze %dma_wait3A_85 : memref<1x1x64x1x128xf32, #tpu.memory_space<hbm>> -> memref<64x128xf32, #tpu.memory_space<hbm>>
    %dma_wait3A_87 = arith.constant 0 : i32
    %dma_wait3A_88 = arith.constant 0 : i32
    %dma_wait3A_89 = tpu.memref_slice %arg8[%dma_wait3A_78, %dma_wait3A_87, %dma_wait3A_88] : memref<2x64x128xf32, #tpu.memory_space<vmem>> -> memref<1x64x128xf32, #tpu.memory_space<vmem>>
    %dma_wait3A_90 = tpu.memref_squeeze %dma_wait3A_89 : memref<1x64x128xf32, #tpu.memory_space<vmem>> -> memref<64x128xf32, #tpu.memory_space<vmem>>
    %dma_wait3A_91 = arith.constant 0 : i32
    %dma_wait3A_92 = arith.constant 0 : i32
    %dma_wait3A_93 = tpu.memref_slice %arg5[%dma_wait3A, %dma_wait3A_76, %dma_wait3A_91, %dma_wait3A_77, %dma_wait3A_92] : memref<26x4x128x8x128xf32, #tpu.memory_space<hbm>> -> memref<1x1x64x1x128xf32, #tpu.memory_space<hbm>>
    %dma_wait3A_94 = tpu.memref_squeeze %dma_wait3A_93 : memref<1x1x64x1x128xf32, #tpu.memory_space<hbm>> -> memref<64x128xf32, #tpu.memory_space<hbm>>
    tpu.wait_dma2 semaphore(%arg13 : memref<!tpu.dma_semaphore, #tpu.memory_space<semaphore_mem>>) src(%dma_wait3A_94 : memref<64x128xf32, #tpu.memory_space<hbm>>) dst(%dma_wait3A_90 : memref<64x128xf32, #tpu.memory_space<vmem>>)
    %dma_wait3A_95 = arith.constant 0 : i32
    %dma_wait3A_96 = arith.constant 0 : i32
    %dma_wait3A_97 = arith.constant 0 : i32
    %dma_wait3A_98 = arith.constant 1 : i32
    %dma_wait3A_99 = arith.constant 0 : i32
    %dma_wait3A_100 = arith.constant 0 : i32
    %dma_wait3A_101 = tpu.memref_slice %arg8[%dma_wait3A_98, %dma_wait3A_99, %dma_wait3A_100] : memref<2x64x128xf32, #tpu.memory_space<vmem>> -> memref<1x64x128xf32, #tpu.memory_space<vmem>>
    %dma_wait3A_102 = tpu.memref_squeeze %dma_wait3A_101 : memref<1x64x128xf32, #tpu.memory_space<vmem>> -> memref<64x128xf32, #tpu.memory_space<vmem>>
    %dma_wait3A_103 = arith.constant 0 : i32
    %dma_wait3A_104 = arith.constant 0 : i32
    %dma_wait3A_105 = tpu.memref_slice %arg5[%dma_wait3A_95, %dma_wait3A_96, %dma_wait3A_103, %dma_wait3A_97, %dma_wait3A_104] : memref<26x4x128x8x128xf32, #tpu.memory_space<hbm>> -> memref<1x1x64x1x128xf32, #tpu.memory_space<hbm>>
    %dma_wait3A_106 = tpu.memref_squeeze %dma_wait3A_105 : memref<1x1x64x1x128xf32, #tpu.memory_space<hbm>> -> memref<64x128xf32, #tpu.memory_space<hbm>>
    %dma_wait3A_107 = arith.constant 0 : i32
    %dma_wait3A_108 = arith.constant 0 : i32
    %dma_wait3A_109 = tpu.memref_slice %arg8[%dma_wait3A_98, %dma_wait3A_107, %dma_wait3A_108] : memref<2x64x128xf32, #tpu.memory_space<vmem>> -> memref<1x64x128xf32, #tpu.memory_space<vmem>>
    %dma_wait3A_110 = tpu.memref_squeeze %dma_wait3A_109 : memref<1x64x128xf32, #tpu.memory_space<vmem>> -> memref<64x128xf32, #tpu.memory_space<vmem>>
    %dma_wait3A_111 = arith.constant 0 : i32
    %dma_wait3A_112 = arith.constant 0 : i32
    %dma_wait3A_113 = tpu.memref_slice %arg5[%dma_wait3A_95, %dma_wait3A_96, %dma_wait3A_111, %dma_wait3A_97, %dma_wait3A_112] : memref<26x4x128x8x128xf32, #tpu.memory_space<hbm>> -> memref<1x1x64x1x128xf32, #tpu.memory_space<hbm>>
    %dma_wait3A_114 = tpu.memref_squeeze %dma_wait3A_113 : memref<1x1x64x1x128xf32, #tpu.memory_space<hbm>> -> memref<64x128xf32, #tpu.memory_space<hbm>>
    tpu.wait_dma2 semaphore(%arg14 : memref<!tpu.dma_semaphore, #tpu.memory_space<semaphore_mem>>) src(%dma_wait3A_114 : memref<64x128xf32, #tpu.memory_space<hbm>>) dst(%dma_wait3A_110 : memref<64x128xf32, #tpu.memory_space<vmem>>)
    return
  }
}

</mosaic_0001>

<sc_bundles>
// kernel: kernel.3.cloned.1.call-start
scs
__scs_entry_jumppad:
0x0: {  	(pc) =	sbr.rel $0x88, $3  }
0x1: {  	(tag) =	ssettag $0x0;
	lr =	simm.s32 $0x1  }
0x2: {  	[smem:$0x3F9F] =	sst lr;
	_ =	strace $0xD0000000  }
0x3: {  	_ = 	snop  }
0x4: {  	_ = 	snop  }
0x5: {  	_ = 	snop  }
0x6: {  	_ = 	snop  }
0x7: {  	_ = 	snop  }
__scs_overlays_trampoline_lowered:
0x8: {  	[smem:$0x3FAE] =	sst s0  }
0x9: {  	[smem:$0x3FAF] =	sst s1  }
0xa: {  	[smem:$0x3FB0] =	sst s2  }
0xb: {  	[smem:$0x3FB1] =	sst s3  }
0xc: {  	[smem:$0x3FB2] =	sst s4  }
0xd: {  	[smem:$0x3FB3] =	sst s5  }
0xe: {  	[smem:$0x3FB4] =	sst s6  }
0xf: {  	[smem:$0x3FB5] =	sst s7  }
0x10: {  	[smem:$0x3FB6] =	sst s8  }
0x11: {  	[smem:$0x3FB7] =	sst s9;
	s0 =	simm.s32 @!p0 $0x0  }
0x12: {  	s1 =	sld [smem:$0x3F9D];
	s0 =	simm.s32 @p0 $0x1  }
0x13: {  	[smem:$0x3FB8] =	sst s0;
	s0 =	simm.s32 @!p1 $0x0  }
0x14: {  	s2 =	sld [smem:$0x3F9C];
	s0 =	simm.s32 @p1 $0x1  }
0x15: {  	[smem:$0x3FB9] =	sst s0;
	s0 =	simm.s32 @!p2 $0x0  }
0x16: {  	s3 =	sld [smem:$0x3FDB];
	s0 =	simm.s32 @p2 $0x1  }
0x17: {  	s4 =	simm.s32 $0x1BF5;
	[smem:$0x3FBB] =	sst s0  }
0x18: {  	s0 =	sld [smem:$0x3F9E];
	_ =	swait.ge [sflag:s4], $0x0  }
0x19: {  	s7 =	sld [smem:$0x3F9F]  }
0x1a: {  	s8 =	sadd.s32 $0xFFFFE003, lr  }
0x1b: {  	s9 =	sadd.s32 $0xFFFFFEF7, lr;
	s5 =	simm.s32 $0xFFFFFFFF;
	p2 =	slt.u32 s8, $0xFFFFF086  }
0x1c: {  	p1 =	slt.u32 s9, $0xF7A;
	s5 =	simm.s32 @!p2 $0x0  }
0x1d: {  	s5 =	simm.s32 @p1 $0x1;
	p0 =	seq.s32 s7, s2  }
0x1e: {  	s7 =	smul.u32 @!p0 $0xF7A, s2;
	p2 =	seq.s32 @!p0 s5, $0x0  }
0x1f: {  	s9 =	smul.u32 $0xF7A, s1;
	s8 =	simm.s32 @!p0 $0x1BF5;
	p2 =	por !p2, p0  }
0x20: {  	[sflag:s8] =	ssyncset.s32 @!p0 $0xFFFFF086;
	s6 =	sadd.s32 @!p0 s3, s7;
	s7 =	simm.s32 @!p0 $0x108  }
0x21: {  	s3 =	sadd.s32 s3, s9;
	s6 =	sadd.s32 @!p0 $0x88, s6;
	s7 =	simm.s32 @p2 $0x1082  }
0x22: {  	[simem:s7], [sflag:s8] =	dma.local @!p0 [hbm:s6], $0xF7A  }
0x23: {  	s9 =	sor.u32 $0xD0000000, s2;
	s6 =	simm.s32 $0x108;
	_ =	swait.ge @!p0 [sflag:s8], $0x0  }
0x24: {  	s3 =	sadd.s32 $0x88, s3;
	s6 =	simm.s32 @!p1 $0x1082;
	[sflag:s4] =	ssyncset.s32 $0xFFFFF086  }
0x25: {  	[simem:s6], [sflag:s4] =	dma.local [hbm:s3], $0xF7A  }
0x26: {  	[smem:$0x3F9F] =	sst s1;
	(tag) =	ssettag s2;
	_ =	strace s9  }
0x27: {  	s1 =	sld [smem:$0x3FAF]  }
0x28: {  	s2 =	sld [smem:$0x3FB0]  }
0x29: {  	s4 =	sld [smem:$0x3FB2]  }
0x2a: {  	p0 =	seq.s32 s5, $0x0;
	s5 =	sld [smem:$0x3FB3]  }
0x2b: {  	s6 =	sld [smem:$0x3FB4]  }
0x2c: {  	s7 =	sld [smem:$0x3FB5]  }
0x2d: {  	s3 =	simm.s32 $0x108;
	s8 =	sld [smem:$0x3FB6]  }
0x2e: {  	s3 =	simm.s32 @!p0 $0x1082;
	s9 =	sld [smem:$0x3FB7]  }
0x2f: {  	lr =	sadd.s32 s0, s3;
	s0 =	sld [smem:$0x3FAE]  }
0x30: {  	s3 =	sld [smem:$0x3FB1]  }
0x31: {  	[smem:$0x3FBA] =	sst s10  }
0x32: {  	s10 =	sld [smem:$0x3FB8];
	_ =	sdelay $0x3  }
0x33: {  	p0 =	seq.s32 s10, $0x1;
	s10 =	sld [smem:$0x3FBA];
	_ =	sdelay $0x3  }
0x34: {  	[smem:$0x3FBA] =	sst s10  }
0x35: {  	s10 =	sld [smem:$0x3FB9];
	_ =	sdelay $0x3  }
0x36: {  	p1 =	seq.s32 s10, $0x1;
	s10 =	sld [smem:$0x3FBA];
	_ =	sdelay $0x3  }
0x37: {  	[smem:$0x3FBA] =	sst s10  }
0x38: {  	s10 =	sld [smem:$0x3FBB]  }
0x39: {  	_ = 	snop;
	(pc) =	sbr.ind lr, $3  }
0x3a: {  	_ = 	snop  }
0x3b: {  	_ = 	snop  }
0x3c: {  	p2 =	seq.s32 s10, $0x1;
	s10 =	sld [smem:$0x3FBA]  }
0x3d: {  	_ =	shalt  }
0x3e: {  	_ =	shalt  }
0x3f: {  	_ =	shalt  }
0x40: {  	_ =	shalt  }
0x41: {  	_ =	shalt  }
0x42: {  	_ =	shalt  }
0x43: {  	_ =	shalt  }
0x44: {  	_ =	shalt  }
0x45: {  	_ =	shalt  }
0x46: {  	_ =	shalt  }
0x47: {  	_ =	shalt  }
0x48: {  	_ =	shalt  }
0x49: {  	_ =	shalt  }
0x4a: {  	_ =	shalt  }
0x4b: {  	_ =	shalt  }
0x4c: {  	_ =	shalt  }
0x4d: {  	_ =	shalt  }
0x4e: {  	_ =	shalt  }
0x4f: {  	_ =	shalt  }
0x50: {  	_ =	shalt  }
0x51: {  	_ =	shalt  }
0x52: {  	_ =	shalt  }
0x53: {  	_ =	shalt  }
0x54: {  	_ =	shalt  }
0x55: {  	_ =	shalt  }
0x56: {  	_ =	shalt  }
0x57: {  	_ =	shalt  }
0x58: {  	_ =	shalt  }
0x59: {  	_ =	shalt  }
0x5a: {  	_ =	shalt  }
0x5b: {  	_ =	shalt  }
0x5c: {  	_ =	shalt  }
0x5d: {  	_ =	shalt  }
0x5e: {  	_ =	shalt  }
0x5f: {  	_ =	shalt  }
0x60: {  	_ =	shalt  }
0x61: {  	_ =	shalt  }
0x62: {  	_ =	shalt  }
0x63: {  	_ =	shalt  }
0x64: {  	_ =	shalt  }
0x65: {  	_ =	shalt  }
0x66: {  	_ =	shalt  }
0x67: {  	_ =	shalt  }
0x68: {  	_ =	shalt  }
0x69: {  	_ =	shalt  }
0x6a: {  	_ =	shalt  }
0x6b: {  	_ =	shalt  }
0x6c: {  	_ =	shalt  }
0x6d: {  	_ =	shalt  }
0x6e: {  	_ =	shalt  }
0x6f: {  	_ =	shalt  }
0x70: {  	_ =	shalt  }
0x71: {  	_ =	shalt  }
0x72: {  	_ =	shalt  }
0x73: {  	_ =	shalt  }
0x74: {  	_ =	shalt  }
0x75: {  	_ =	shalt  }
0x76: {  	_ =	shalt  }
0x77: {  	_ =	shalt  }
0x78: {  	_ =	shalt  }
0x79: {  	_ =	shalt  }
0x7a: {  	_ =	shalt  }
0x7b: {  	_ =	shalt  }
0x7c: {  	_ =	shalt  }
0x7d: {  	_ =	shalt  }
0x7e: {  	_ =	shalt  }
0x7f: {  	_ =	shalt  }
0x80: {  	_ =	shalt  }
0x81: {  	_ =	shalt  }
0x82: {  	_ =	shalt  }
0x83: {  	_ =	shalt  }
0x84: {  	_ =	shalt  }
0x85: {  	_ =	shalt  }
0x86: {  	_ =	shalt  }
0x87: {  	_ =	shalt  }
.Lfunc_end0:
.L_simem_size_0:
called_computation_lowered:
.L_overlay_start_0:
0x88: {  	s2 =	sld [smem:$0x3FD9]  }
0x89: {  	s3 =	sld [smem:$0x3FFE];
	_ =	sdelay $0x1  }
0x8a: {  	s1 =	srdreg.scid  }
0x8b: {  	s0 =	sand.u32 $0x1, s1  }
0x8c: {  	s17 =	sshll.u32 s0, $0xA;
	s2 =	sadd.s32 s3, s2  }
0x8d: {  	s2 =	sadd.s32 s2, s17  }
0x8e: {  	[smem:$0x3FC6] =	sst s2  }
0x8f: {  	_ = 	snop  }
0x90: {  	s2 =	sld [smem:$0x3FC9]  }
0x91: {  	s18 =	sld [smem:$0x3FC8]  }
0x92: {  	s4 =	sld [smem:$0x3FD0];
	(tm) =	ssettm $0x1  }
0x93: {  	s5 =	sld [smem:$0x3FFB];
	_ =	sdelay $0x3  }
0x94: {  	_ =	strace s5  }
0x95: {  	s5 =	sld [smem:$0x3FFC];
	_ =	sdelay $0x3  }
0x96: {  	_ =	strace s5  }
0x97: {  	s5 =	sld [smem:$0x3FFD];
	_ =	sdelay $0x3  }
0x98: {  	_ =	strace s5  }
0x99: {  	_ =	strace $0x8FFFFFFF  }
0x9a: {  	s19 =	sld [smem:$0x3FDB];
	_ =	sdelay $0x1  }
0x9b: {  	s6 =	simm.s32 $_scs_section_size  }
0x9c: {  	s7 =	simm.s32 $_size__tile_overlayer_lowered;
	s8 =	simm.s32 $_tile_overlayer_lowered  }
0x9d: {  	s22 =	simm.s32 $0x1BFF;
	s21 =	sshll.u32 s8, $0x1;
	s5 =	sadd.s32 s6, s19  }
0x9e: {  	s9 =	simm.s32 $0x0;
	s20 =	sshll.u32 s7, $0x1;
	s7 =	sadd.s32 s21, s5  }
0x9f: {  	[timem:s9], [sflag:s22] =	dma.local [hbm:s7], s20  }
0xa0: {  	_ =	swait.ge [sflag:s22], s20  }
0xa1: {  	s6 =	ssub.s32 $0x0, s20;
	[sflag:s22] =	ssyncset.done $0x0  }
0xa2: {  	[sflag:s22] =	ssyncadd.s32 s6;
	_ =	sdelay $0x1  }
0xa3: {  	s23 =	simm.s32 $0x1B8B  }
0xa4: {  	_ =	swait.ge [sflag:s23], $0x1  }
0xa5: {  	[sflag:s23] =	ssyncset.done $0x0  }
0xa6: {  	s25 =	simm.s32 $0x1B8E;
	s24 =	sld [smem:$0x3FFE];
	[sflag:s23] =	ssyncadd.s32 $0xFFFFFFFF  }
0xa7: {  	s26 =	simm.s32 $execute0_lowered;
	[smem:$0x3FD2] =	sst s25  }
0xa8: {  	s7 =	sshll.u32 s26, $0x1;
	_ =	strace $0x80000046;
	[dreg:$0x1] =	wrdreg $0xFFFFFFFF  }
0xa9: {  	s28 =	simm.s32 $_size_execute0_lowered;
	s5 =	sadd.s32 s5, s7;
	[dreg:$0x0] =	wrdreg $0x0  }
0xaa: {  	s7 =	sshll.u32 s28, $0x1;
	[dreg:$0x2] =	wrdreg s5  }
0xab: {  	[dreg:$0x3] =	wrdreg s7  }
0xac: {  	[dreg:$0x4] =	wrdreg $0xC0  }
0xad: {  	_ =	task [dreg:s9], $0x5FFFF  }
0xae: {  	[dreg:$0x1] =	wrdreg $0xFFFFFFFF  }
0xaf: {  	[dreg:$0x0] =	wrdreg $0x60  }
0xb0: {  	[dreg:$0x2] =	wrdreg s2  }
0xb1: {  	[dreg:$0x3] =	wrdreg s18  }
0xb2: {  	[dreg:$0x4] =	wrdreg s24  }
0xb3: {  	[dreg:$0x5] =	wrdreg s4  }
0xb4: {  	[dreg:$0x6] =	wrdreg $0x9  }
0xb5: {  	_ =	task.clear_ibuf [dreg:s9], $0x7FFFF;
	_ =	strace $0x90000046  }
0xb6: {  	s29 =	simm.s32 $0x9;
	_ =	strace $0x80000048  }
0xb7: {  	_ =	swait.ge [sflag:s29], $0x1  }
0xb8: {  	[sflag:s29] =	ssyncadd.s32 $0xFFFFFFFF  }
0xb9: {  	_ =	strace $0x90000048  }
0xba: {  	_ =	sfence  }
0xbb: {  	s30 =	sld [smem:$0x0];
	_ =	sdelay $0x2  }
0xbc: {  	s31 =	sshll.u32 s1, $0xD;
	s1 =	sshrl.u32 s1, $0x2  }
0xbd: {  	s3 =	sand.u32 $0x4000, s31;
	s1 =	sadd.s32 s1, s30  }
0xbe: {  	s0 =	sor.u32 s3, s0;
	s1 =	sshll.u32 s1, $0x11  }
0xbf: {  	s0 =	sor.u32 s1, s0  }
0xc0: {  	s0 =	sadd.s32 $0x8F2B, s0  }
0xc1: {  	[sflag:s0] =	ssyncadd.remote.s32 $0x1  }
0xc2: {  	_ =	sfence.sel $0xFFFF  }
0xc3: {  	[dreg:$0x0] =	wrdreg $0xFFFFFFFF;
	(pc) =	sbr.abs _section_cstart, $3  }
0xc4: {  	[dreg:$0x1] =	wrdreg $0xFFFFFFFF  }
0xc5: {  	_ =	task.clear_ibuf [dreg:s9], $0x2FFFF;
	_ =	strace $0x9FFFFFFF  }
0xc6: {  	(tm) =	ssettm $0x7FFFFFFF  }
0xc7: {  	_ =	shalt  }
tec
execute0_lowered:
.L_overlay_start_1:
0x0: {  	(tag) =	ssettag $0x1  }
0x1: {  	s6 =	stileid.u32  }
0x2: {  	s0 =	srdreg.scid;
	s1 =	sshll.u32 s6, $0x1  }
0x3: {  	s2 =	sand.u32 $0x1, s0;
	s16 =	sand.u32 $0x6, s1  }
0x4: {  	s0 =	sor.u32 s2, s16  }
0x5: {  	p0 =	sgt.s32 s0, $0x3  }
0x6: {  	p1 =	sgt.s32 @p0 s0, $0x5  }
0x7: {  	p2 =	por !p1, !p0  }
0x8: {  	s18 =	rddreg [dreg:$0x0];
	s1 =	simm.s32 @!p2 $0x0;
	p4 =	seq.s32 @!p2 s0, $0x6  }
0x9: {  	s4 =	rddreg [dreg:$0x2];
	s1 =	simm.s32 @p2 $0x1;
	p2 =	por @p0 !p4, !p1  }
0xa: {  	s5 =	rddreg [dreg:$0x3];
	s6 =	sshrl.u32 s6, $0x2;
	s3 =	simm.s32 @!p2 $0x0  }
0xb: {  	p3 =	por p1, !p0;
	s3 =	simm.s32 @p2 $0x1;
	p2 =	por @p0 p4, !p1  }
0xc: {  	p3 =	seq.s32 @!p3 s0, $0x4;
	[smem:$0x7C5] =	sst s3;
	s3 =	simm.s32 @!p2 $0x0  }
0xd: {  	p5 =	sgt.s32 @!p0 s0, $0x1;
	s3 =	simm.s32 @p2 $0x1;
	p2 =	por @p0 !p3, p1  }
0xe: {  	p6 =	por p5, p0;
	[smem:$0x7CC] =	sst s3;
	s3 =	simm.s32 @!p2 $0x0  }
0xf: {  	p1 =	por @p0 p3, p1;
	p3 =	seq.s32 @!p6 s0, $0x0;
	s3 =	simm.s32 @p2 $0x1  }
0x10: {  	p6 =	por @!p0 p3, p5;
	[smem:$0x7D2] =	sst s3;
	s3 =	simm.s32 @!p1 $0x0  }
0x11: {  	p2 =	por p6, p0;
	s3 =	simm.s32 @p1 $0x1;
	p1 =	por !p5, p0  }
0x12: {  	[smem:$0x7D4] =	sst s3;
	s3 =	simm.s32 @!p1 $0x0;
	p6 =	seq.s32 @!p1 s0, $0x2  }
0x13: {  	s7 =	sshll.u32 s6, $0x7;
	s3 =	simm.s32 @p1 $0x1;
	p4 =	por @!p0 !p6, !p5  }
0x14: {  	s8 =	smul.u32 $0x7A1400, s6;
	[smem:$0x7CB] =	sst s3;
	s3 =	simm.s32 @!p4 $0x0  }
0x15: {  	[smem:$0x7C7] =	sst s1;
	p3 =	por @!p0 !p3, p5;
	s3 =	simm.s32 @p4 $0x1  }
0x16: {  	p3 =	por !p3, p0;
	[smem:$0x7C8] =	sst s3;
	s3 =	simm.s32 @!p2 $0x0  }
0x17: {  	p1 =	por $0x0, $0x0;
	p5 =	por @!p0 p6, !p5;
	s3 =	simm.s32 @p2 $0x1  }
0x18: {  	p2 =	por @!p2 $0x1, $0x1;
	[smem:$0x7C3] =	sst s3;
	s3 =	simm.s32 @!p5 $0x0  }
0x19: {  	s1 =	rddreg [dreg:$0x1];
	p1 =	por @!p3 p2, p2;
	s3 =	simm.s32 @p5 $0x1  }
0x1a: {  	s4 =	sadd.s32 s7, s4;
	[smem:$0x7D7] =	sst s3;
	s3 =	simm.s32 @!p1 $0x0  }
0x1b: {  	s8 =	sshrl.u32 s8, $0x3;
	s9 =	sadd.s32 $0x70, s1;
	s3 =	simm.s32 @p1 $0x1  }
0x1c: {  	s7 =	sadd.s32 $0x60, s1;
	[smem:$0x7C4] =	sst s3;
	s3 =	simm.s32 $0x0  }
0x1d: {  	s24 =	sadd.s32 $0x20, s1;
	s19 =	sadd.s32 s8, s9;
	[smem:$0x7FF] =	sst s3  }
0x1e: {  	s11 =	sadd.s32 s8, s7;
	_ =	strace $0x80000047;
	[dreg:$0x5] =	wrdreg s19  }
0x1f: {  	s30 =	sadd.s32 $0x10, s1;
	s26 =	sadd.s32 s8, s24;
	[dreg:$0x6] =	wrdreg s11  }
0x20: {  	s31 =	sadd.s32 s8, s30;
	[dreg:$0xa] =	wrdreg s26  }
0x21: {  	[dreg:$0xb] =	wrdreg s31  }
0x22: {  	s20 =	sld [smem:$0x7C5]  }
0x23: {  	s21 =	sld [smem:$0x7D2]  }
0x24: {  	s22 =	sld [smem:$0x7C7]  }
0x25: {  	s6 =	sshll.u32 s6, $0xE;
	s2 =	ssub.s32 $0x2, s2;
	s23 =	sld [smem:$0x7C8]  }
0x26: {  	s17 =	sshrl.u32 s2, $0x1;
	s26 =	sadd.s32 $0x400, s4;
	s25 =	sld [smem:$0x7CB]  }
0x27: {  	s2 =	ssub.s32 s2, s17;
	s11 =	sadd.s32 $0x50, s1;
	[dreg:$0x16] =	wrdreg s26  }
0x28: {  	s10 =	sadd.s32 $0x9670, s8;
	s13 =	sadd.s32 s8, s11;
	s31 =	sld [smem:$0x7CC]  }
0x29: {  	s26 =	sadd.s32 $0x10, s18;
	[dreg:$0x7] =	wrdreg s13;
	s13 =	sadd.s32 $0x40, s1  }
0x2a: {  	s12 =	sadd.s32 $0x9660, s8;
	[smem:$0x7E5] =	sst s26;
	s15 =	sadd.s32 s8, s13  }
0x2b: {  	s14 =	sadd.s32 $0x9650, s8;
	s16 =	sadd.s32 $0x9640, s8;
	[dreg:$0x8] =	wrdreg s15  }
0x2c: {  	s15 =	sadd.s32 $0x30, s1;
	p5 =	seq.s32 s20, $0x1;
	p4 =	seq.s32 s21, $0x1  }
0x2d: {  	p6 =	seq.s32 s23, $0x1;
	s21 =	sadd.s32 s5, s6;
	s6 =	sadd.s32 $0x440, s4  }
0x2e: {  	s17 =	sadd.s32 s8, s15;
	p1 =	por !p5, !p0;
	[dreg:$0x1a] =	wrdreg s6  }
0x2f: {  	p2 =	por !p4, !p0;
	s6 =	sadd.s32 $0x2040, s21;
	[smem:$0x7FD] =	sst s21  }
0x30: {  	[dreg:$0x9] =	wrdreg s17;
	s17 =	sadd.s32 $0x9630, s8;
	s10 =	smov.u32 @p1 s12  }
0x31: {  	s12 =	sadd.s32 $0x9620, s8;
	s19 =	simm.s32 @!p2 $0x0;
	s14 =	smov.u32 @p2 s16  }
0x32: {  	[smem:$0x7EC] =	sst s6;
	s19 =	simm.s32 @p2 $0x1;
	p2 =	seq.s32 s22, $0x1  }
0x33: {  	[smem:$0x7C6] =	sst s19;
	s10 =	smov.u32 @p2 s14;
	s14 =	sadd.s32 $0x9600, s8  }
0x34: {  	p2 =	por !p6, p0;
	s22 =	sadd.s32 s11, s14;
	s11 =	sld [smem:$0x7D2]  }
0x35: {  	s17 =	smov.u32 @p2 s12;
	s12 =	sld [smem:$0x7D4]  }
0x36: {  	s5 =	sadd.s32 s30, s14;
	s20 =	sadd.s32 s13, s14;
	s13 =	sld [smem:$0x7D7]  }
0x37: {  	[dreg:$0xd] =	wrdreg s5  }
0x38: {  	[dreg:$0x10] =	wrdreg s20  }
0x39: {  	s23 =	sadd.s32 s7, s14;
	[dreg:$0x11] =	wrdreg s22  }
0x3a: {  	s30 =	sadd.s32 $0x410, s4;
	[dreg:$0x12] =	wrdreg s23  }
0x3b: {  	s19 =	simm.s32 @!p2 $0x0;
	s7 =	sadd.s32 $0x450, s4;
	[dreg:$0x17] =	wrdreg s30  }
0x3c: {  	s19 =	simm.s32 @p2 $0x1;
	[dreg:$0x1b] =	wrdreg s7  }
0x3d: {  	p2 =	seq.s32 s25, $0x1;
	s25 =	sadd.s32 s1, s14;
	[smem:$0x7C9] =	sst s19  }
0x3e: {  	s5 =	sadd.s32 $0x430, s4;
	[dreg:$0x14] =	wrdreg s25  }
0x3f: {  	s20 =	sadd.s32 $0x8050, s18;
	[dreg:$0x19] =	wrdreg s5  }
0x40: {  	s22 =	sadd.s32 $0x50, s18;
	[smem:$0x7E0] =	sst s20  }
0x41: {  	s23 =	sadd.s32 $0x4050, s18;
	[smem:$0x7E1] =	sst s22  }
0x42: {  	s16 =	sadd.s32 $0x9610, s8;
	s30 =	sadd.s32 $0x4070, s18;
	[smem:$0x7E2] =	sst s23  }
0x43: {  	s16 =	smov.u32 @p3 s14;
	s7 =	sadd.s32 $0x2050, s21;
	[smem:$0x7E6] =	sst s30  }
0x44: {  	s17 =	smov.u32 @p2 s16;
	s16 =	sadd.s32 s24, s14;
	[smem:$0x7ED] =	sst s7  }
0x45: {  	s24 =	sadd.s32 s9, s14;
	[dreg:$0xe] =	wrdreg s16  }
0x46: {  	s9 =	sadd.s32 $0x470, s4;
	[dreg:$0x13] =	wrdreg s24  }
0x47: {  	p2 =	por p5, !p0;
	s25 =	sadd.s32 $0x8070, s18;
	[dreg:$0x1d] =	wrdreg s9  }
0x48: {  	p5 =	seq.s32 s31, $0x1;
	s31 =	sadd.s32 $0xC010, s18;
	[smem:$0x7E4] =	sst s25  }
0x49: {  	s5 =	sadd.s32 $0x2030, s21;
	[smem:$0x7E7] =	sst s31  }
0x4a: {  	s20 =	sadd.s32 $0x20, s18;
	[smem:$0x7EB] =	sst s5  }
0x4b: {  	s19 =	simm.s32 @!p3 $0x0;
	s30 =	sadd.s32 $0xC000, s18;
	[smem:$0x7F9] =	sst s20  }
0x4c: {  	s19 =	simm.s32 @p3 $0x1;
	[smem:$0x7FA] =	sst s30  }
0x4d: {  	s17 =	smov.u32 @p0 s10;
	s10 =	sadd.s32 s1, s8;
	[smem:$0x7CA] =	sst s19  }
0x4e: {  	s8 =	sadd.s32 $0x460, s4;
	[dreg:$0xc] =	wrdreg s10  }
0x4f: {  	s16 =	sadd.s32 $0x4010, s18;
	[dreg:$0x1c] =	wrdreg s8  }
0x50: {  	s24 =	sadd.s32 $0x30, s18;
	[smem:$0x7DD] =	sst s16  }
0x51: {  	p3 =	por p5, !p0;
	s9 =	sadd.s32 $0x2070, s21;
	[smem:$0x7E3] =	sst s24  }
0x52: {  	p5 =	seq.s32 s12, $0x1;
	s12 =	sadd.s32 $0x8040, s18;
	[smem:$0x7EF] =	sst s9  }
0x53: {  	s31 =	sadd.s32 $0x4040, s18;
	[smem:$0x7F2] =	sst s12  }
0x54: {  	p4 =	sne.s32 s0, $0x0;
	s19 =	sadd.s32 s15, s14;
	[smem:$0x7FB] =	sst s31  }
0x55: {  	s0 =	simm.s32 @!p2 $0x0;
	s1 =	sadd.s32 s1, s17;
	[dreg:$0xf] =	wrdreg s19  }
0x56: {  	s0 =	simm.s32 @p2 $0x1;
	[dreg:$0x15] =	wrdreg s1  }
0x57: {  	s10 =	smax.u32 s2, $0x1;
	[smem:$0x7CD] =	sst s0  }
0x58: {  	s26 =	sadd.s32 $0x50, s21;
	s14 =	sadd.s32 $0x4030, s18;
	[dreg:$0x1e] =	wrdreg s10  }
0x59: {  	s28 =	sadd.s32 $0x60, s21;
	s15 =	sadd.s32 $0x8030, s18;
	[dreg:$0x1f] =	wrdreg s14  }
0x5a: {  	s29 =	sadd.s32 $0x70, s21;
	s17 =	sadd.s32 $0x8010, s18;
	[smem:$0x7DC] =	sst s15  }
0x5b: {  	s22 =	sadd.s32 $0x10, s21;
	s2 =	sadd.s32 $0x2010, s21;
	[smem:$0x7DE] =	sst s17  }
0x5c: {  	p2 =	por @!p2 $0x1, $0x1;
	s8 =	sadd.s32 $0x2060, s21;
	[smem:$0x7E9] =	sst s2  }
0x5d: {  	s16 =	sadd.s32 $0x8060, s18;
	s0 =	simm.s32 @!p3 $0x0;
	[smem:$0x7EE] =	sst s8  }
0x5e: {  	s1 =	sadd.s32 $0x420, s4;
	[smem:$0x7F6] =	sst s16;
	s0 =	simm.s32 @p3 $0x1  }
0x5f: {  	s19 =	sadd.s32 $0x70, s18;
	[smem:$0x7CE] =	sst s0;
	s0 =	simm.s32 @!p1 $0x0  }
0x60: {  	[dreg:$0x18] =	wrdreg s1;
	p3 =	por @!p3 $0x0, $0x0;
	s0 =	simm.s32 @p1 $0x1  }
0x61: {  	s4 =	sadd.s32 $0x2020, s21;
	[smem:$0x7CF] =	sst s0;
	s0 =	simm.s32 @!p3 $0x0  }
0x62: {  	[smem:$0x7DF] =	sst s19;
	p2 =	por @!p1 p3, p3;
	s0 =	simm.s32 @p3 $0x1  }
0x63: {  	p3 =	seq.s32 s11, $0x1;
	[smem:$0x7D0] =	sst s0;
	s0 =	simm.s32 @!p2 $0x0  }
0x64: {  	[smem:$0x7EA] =	sst s4;
	p1 =	por p3, !p0;
	s0 =	simm.s32 @p2 $0x1  }
0x65: {  	s10 =	sadd.s32 $0x8000, s18;
	[smem:$0x7D1] =	sst s0;
	s0 =	simm.s32 @!p1 $0x0  }
0x66: {  	[smem:$0x7F0] =	sst s10;
	p2 =	por p6, p0;
	s0 =	simm.s32 @p1 $0x1  }
0x67: {  	s14 =	sadd.s32 $0x4060, s18;
	[smem:$0x7D3] =	sst s0;
	s0 =	simm.s32 @!p2 $0x0  }
0x68: {  	s15 =	sadd.s32 $0x60, s18;
	[smem:$0x7F4] =	sst s14;
	s0 =	simm.s32 @p2 $0x1  }
0x69: {  	s17 =	sadd.s32 $0x40, s18;
	[smem:$0x7D5] =	sst s0;
	s0 =	simm.s32 @!p0 $0x0  }
0x6a: {  	[smem:$0x7F5] =	sst s15;
	p1 =	por p5, !p0;
	s0 =	simm.s32 @p0 $0x1  }
0x6b: {  	s1 =	sadd.s32 $0x2000, s21;
	[smem:$0x7D6] =	sst s0;
	s0 =	simm.s32 @!p1 $0x0  }
0x6c: {  	[smem:$0x7F7] =	sst s17;
	s0 =	simm.s32 @p1 $0x1;
	p1 =	por @!p1 $0x1, $0x1  }
0x6d: {  	p6 =	seq.s32 s13, $0x1;
	[smem:$0x7D8] =	sst s0;
	s0 =	simm.s32 @!p1 $0x0  }
0x6e: {  	[smem:$0x7E8] =	sst s1;
	p0 =	por p6, p0;
	s0 =	simm.s32 @p1 $0x1  }
0x6f: {  	s19 =	sadd.s32 $0x8020, s18;
	[smem:$0x7D9] =	sst s0;
	s0 =	simm.s32 @!p0 $0x0  }
0x70: {  	[smem:$0x7F8] =	sst s19;
	s0 =	simm.s32 @p0 $0x1;
	p0 =	por @!p0 $0x1, $0x1  }
0x71: {  	s11 =	sadd.s32 $0x4020, s18;
	[smem:$0x7DA] =	sst s0;
	s0 =	simm.s32 @!p0 $0x0  }
0x72: {  	s23 =	sadd.s32 $0x20, s21;
	[smem:$0x7F1] =	sst s11;
	s0 =	simm.s32 @p0 $0x1  }
0x73: {  	s13 =	sadd.s32 $0x4000, s18;
	[smem:$0x7DB] =	sst s0;
	s0 =	simm.s32 @!p4 $0x0  }
0x74: {  	s25 =	sadd.s32 $0x40, s21;
	[smem:$0x7F3] =	sst s13;
	s0 =	simm.s32 @p4 $0x1  }
0x75: {  	s24 =	sadd.s32 $0x30, s21;
	s2 =	simm.s32 $0x0;
	[smem:$0x7FC] =	sst s0  }
.LBB2_1:
0x76: {  	[smem:$0x7B5] =	sst s2  }
0x77: {  	s0 =	sld [smem:$0x7CE]  }
0x78: {  	s19 =	sld [smem:$0x7CD]  }
0x79: {  	s20 =	sld [smem:$0x7CF]  }
0x7a: {  	s30 =	sld [smem:$0x7D0]  }
0x7b: {  	s31 =	sld [smem:$0x7D8]  }
0x7c: {  	s1 =	sld [smem:$0x7D3]  }
0x7d: {  	s2 =	sld [smem:$0x7C6]  }
0x7e: {  	s4 =	sld [smem:$0x7D9]  }
0x7f: {  	s5 =	sld [smem:$0x7C7]  }
0x80: {  	s7 =	sld [smem:$0x7C3]  }
0x81: {  	s8 =	sld [smem:$0x7CA]  }
0x82: {  	s9 =	sld [smem:$0x7D5]  }
0x83: {  	s10 =	sld [smem:$0x7DA]  }
0x84: {  	s11 =	sld [smem:$0x7C9]  }
0x85: {  	s12 =	sld [smem:$0x7DB]  }
0x86: {  	s14 =	sld [smem:$0x7CB]  }
0x87: {  	s16 =	sld [smem:$0x7C4];
	p0 =	seq.s32 s0, $0x1  }
0x88: {  	p1 =	seq.s32 s19, $0x1;
	s19 =	sld [smem:$0x7D6];
	p0 =	por @!p0 $0x1, $0x1  }
0x89: {  	p3 =	por @!p1 $0x0, $0x0;
	p2 =	por @!p1 $0x0, $0x0;
	p1 =	seq.s32 s20, $0x1  }
0x8a: {  	p5 =	seq.s32 s2, $0x1;
	s2 =	rddreg [dreg:$0x5];
	p3 =	por @!p1 p0, p0  }
0x8b: {  	p0 =	seq.s32 s30, $0x1;
	s30 =	sld [smem:$0x7C6];
	s0 =	simm.s32 @!p3 $0x0  }
0x8c: {  	p2 =	por @!p1 p0, p0;
	p0 =	seq.s32 s31, $0x1;
	s31 =	sld [smem:$0x7C7]  }
0x8d: {  	s0 =	simm.s32 @p3 $0x1;
	p3 =	seq.s32 s1, $0x1;
	s1 =	sld [smem:$0x7CF]  }
0x8e: {  	p1 =	por @!p0 $0x0, $0x0;
	[smem:$0x7B6] =	sst s0;
	p6 =	por @!p3 $0x0, $0x0  }
0x8f: {  	p0 =	por @!p3 $0x0, $0x0;
	p4 =	por @!p3 $0x1, $0x1;
	s6 =	sld [smem:$0x7B6]  }
0x90: {  	p3 =	seq.s32 s4, $0x1;
	s4 =	rddreg [dreg:$0x6];
	p6 =	por @!p5 p1, p1  }
0x91: {  	p0 =	por @!p5 p3, p3;
	p4 =	por @!p5 p1, p1;
	p3 =	seq.s32 s5, $0x1  }
0x92: {  	s0 =	simm.s32 @!p6 $0x0;
	p1 =	por p6, p6;
	p5 =	seq.s32 s6, $0x1  }
0x93: {  	p0 =	por @!p3 p2, p2;
	s0 =	simm.s32 @p6 $0x1;
	p1 =	por @!p3 p5, p5  }
0x94: {  	[smem:$0x7BE] =	sst s0;
	p5 =	por $0x0, $0x0;
	s0 =	simm.s32 @!p1 $0x0  }
0x95: {  	s0 =	simm.s32 @p1 $0x1;
	p1 =	por p6, p6;
	p6 =	seq.s32 s9, $0x1  }
0x96: {  	[smem:$0x7C0] =	sst s0;
	s0 =	simm.s32 @!p0 $0x0;
	p1 =	por @!p3 p2, p2  }
0x97: {  	s0 =	simm.s32 @p0 $0x1;
	p0 =	por p2, p2;
	p2 =	seq.s32 s7, $0x1  }
0x98: {  	[smem:$0x7C1] =	sst s0;
	p2 =	por @!p2 $0x0, $0x0;
	p4 =	por @!p3 p0, p0  }
0x99: {  	p3 =	seq.s32 s8, $0x1;
	p0 =	por @!p6 $0x0, $0x0;
	s0 =	simm.s32 @!p4 $0x0  }
0x9a: {  	p5 =	por @!p3 p2, p2;
	p2 =	seq.s32 s10, $0x1;
	p3 =	seq.s32 s11, $0x1  }
0x9b: {  	s0 =	simm.s32 @p4 $0x1;
	p4 =	por @!p2 $0x0, $0x0;
	p2 =	por @!p6 $0x0, $0x0  }
0x9c: {  	[smem:$0x7C2] =	sst s0;
	s0 =	simm.s32 @!p4 $0x0;
	p2 =	por @!p3 p4, p4  }
0x9d: {  	s0 =	simm.s32 @p4 $0x1;
	p4 =	por p3, p3;
	p3 =	seq.s32 s12, $0x1  }
0x9e: {  	[smem:$0x7B7] =	sst s0;
	p0 =	por @!p4 p3, p3  }
0x9f: {  	s0 =	simm.s32 @!p0 $0x0;
	s13 =	sld [smem:$0x7B7]  }
0xa0: {  	s5 =	sld [smem:$0x7C9];
	s0 =	simm.s32 @p0 $0x1  }
0xa1: {  	[smem:$0x7B8] =	sst s0  }
0xa2: {  	p3 =	por @!p6 $0x1, $0x1;
	p6 =	seq.s32 s13, $0x1;
	s15 =	sld [smem:$0x7B8]  }
0xa3: {  	s6 =	rddreg [dreg:$0xa];
	p3 =	por @!p4 p6, p6  }
0xa4: {  	s17 =	sld [smem:$0x7C0];
	p0 =	por p5, p5;
	s0 =	simm.s32 @!p3 $0x0  }
0xa5: {  	p4 =	seq.s32 s14, $0x1;
	s0 =	simm.s32 @p3 $0x1;
	p3 =	seq.s32 s15, $0x1  }
0xa6: {  	s7 =	sld [smem:$0x7CA];
	p0 =	por @!p4 p3, p3  }
0xa7: {  	[smem:$0x7B9] =	sst s0;
	s0 =	simm.s32 @!p0 $0x0  }
0xa8: {  	s18 =	sld [smem:$0x7B9];
	s0 =	simm.s32 @p0 $0x1  }
0xa9: {  	p0 =	por p5, p5;
	[smem:$0x7BA] =	sst s0  }
0xaa: {  	p6 =	seq.s32 s16, $0x1;
	p0 =	por @!p4 p2, p2;
	s20 =	sld [smem:$0x7BA]  }
0xab: {  	s8 =	sld [smem:$0x7CB];
	p6 =	por @!p4 p2, p2;
	s0 =	simm.s32 @!p0 $0x0  }
0xac: {  	p3 =	por p1, p1;
	s0 =	simm.s32 @p0 $0x1;
	p0 =	seq.s32 s18, $0x1  }
0xad: {  	p5 =	por @!p4 p0, p0;
	p4 =	seq.s32 s19, $0x1;
	p0 =	seq.s32 s20, $0x1  }
0xae: {  	s10 =	sld [smem:$0x7C1];
	p3 =	por @!p4 p0, p0  }
0xaf: {  	[smem:$0x7BF] =	sst s0;
	s0 =	simm.s32 @!p3 $0x0  }
0xb0: {  	s11 =	sld [smem:$0x7C2];
	s0 =	simm.s32 @p3 $0x1;
	p3 =	por p1, p1  }
0xb1: {  	s14 =	rddreg [dreg:$0x15];
	p3 =	por @!p4 p6, p6  }
0xb2: {  	[smem:$0x7BB] =	sst s0;
	s0 =	simm.s32 @!p3 $0x0  }
0xb3: {  	s16 =	rddreg [dreg:$0x0];
	p1 =	por @!p4 p5, p5;
	s0 =	simm.s32 @p3 $0x1  }
0xb4: {  	[smem:$0x7BC] =	sst s0;
	s0 =	simm.s32 @!p1 $0x0  }
0xb5: {  	s0 =	simm.s32 @p1 $0x1;
	p1 =	seq.s32 s1, $0x1;
	s1 =	sld [smem:$0x7D1]  }
0xb6: {  	s12 =	simm.s32 $0x80;
	[smem:$0x7BD] =	sst s0  }
0xb7: {  	s13 =	simm.s32 $0x400;
	s15 =	simm.s32 $0x9600;
	s0 =	rddreg [dreg:$0x7]  }
0xb8: {  	s2 =	smov.u32 @p1 s4;
	s4 =	rddreg [dreg:$0x8];
	p1 =	seq.s32 s30, $0x1  }
0xb9: {  	p2 =	seq.s32 s17, $0x1;
	s0 =	smov.u32 @p1 s4;
	s4 =	sld [smem:$0x7BE]  }
0xba: {  	s17 =	simm.s32 $0x12E00;
	s18 =	sld [smem:$0x7FC];
	p1 =	seq.s32 s31, $0x1  }
0xbb: {  	s9 =	sld [smem:$0x7BF];
	s20 =	simm.s32 $0x0;
	s2 =	smov.u32 @p1 s0  }
0xbc: {  	p5 =	seq.s32 s1, $0x1;
	s0 =	rddreg [dreg:$0x9];
	p6 =	seq.s32 s4, $0x1  }
0xbd: {  	s4 =	rddreg [dreg:$0xb];
	p6 =	por @!p1 p5, p5;
	p1 =	seq.s32 s5, $0x1  }
0xbe: {  	s0 =	smov.u32 @p1 s6;
	s6 =	rddreg [dreg:$0xc];
	p1 =	seq.s32 s7, $0x1  }
0xbf: {  	p3 =	seq.s32 s11, $0x1;
	s4 =	smov.u32 @p1 s6;
	p1 =	seq.s32 s8, $0x1  }
0xc0: {  	s30 =	sld [smem:$0x7BB];
	s0 =	smov.u32 @p1 s4;
	p1 =	seq.s32 s9, $0x1  }
0xc1: {  	s19 =	sld [smem:$0x7BD];
	p3 =	por @!p4 p1, p1;
	s0 =	smov.u32 @p4 s2  }
0xc2: {  	[tilespmem:s20], [sflag:$0x1] =	stream.strided.gather [hbm4b:s0+s12], $0x9600, s13, s12, $0x38;
	[tilespmem:$0x1EE00] =	vst v63  }
0xc3: {  	p0 =	seq.s32 s10, $0x1;
	s31 =	sld [smem:$0x7BC];
	s0 =	simm.s32 @!p3 $0x0  }
0xc4: {  	p5 =	seq.s32 s18, $0x1;
	p6 =	por @!p4 p1, p1;
	s0 =	simm.s32 @p3 $0x1  }
0xc5: {  	[tilespmem:s15], [sflag:$0x1] =	stream.strided.gather [hbm4b:s14+s12], $0x100, s13, s12, $0x38;
	[tilespmem:$0x1EE00] =	vst v63  }
0xc6: {  	p2 =	por @!p4 p1, p1;
	[smem:$0x7C2] =	sst s0;
	s0 =	simm.s32 @!p6 $0x0  }
0xc7: {  	p0 =	por @!p4 p1, p1;
	s1 =	simm.s32 @!p2 $0x0;
	s0 =	simm.s32 @p6 $0x1  }
0xc8: {  	[tilespmem:s17], [sflag:$0x3] =	stream.strided.gather [hbm4b:s16+s12], $0x4000, s13, s12, $0x38;
	[tilespmem:$0x1EE00] =	vst v63  }
0xc9: {  	s1 =	simm.s32 @p2 $0x1;
	[smem:$0x7BE] =	sst s0;
	s0 =	simm.s32 @!p0 $0x0  }
0xca: {  	p1 =	seq.s32 s19, $0x1;
	[smem:$0x7C0] =	sst s1;
	s0 =	simm.s32 @p0 $0x1  }
0xcb: {  	p4 =	seq.s32 s30, $0x1;
	p2 =	seq.s32 s31, $0x1;
	[smem:$0x7C1] =	sst s0  }
.LBB2_2:
0xcc: {  	s2 =	rddreg [dreg:$0xc]  }
0xcd: {  	s7 =	sshllo.u32 s20, $0x1;
	s1 =	sld [smem:$0x7C2]  }
0xce: {  	p3 =	seq.s32 @!p5 s20, $0xC;
	s19 =	sld [smem:$0x7C1];
	s4 =	smul.u32 $0x963E, s7  }
0xcf: {  	s6 =	simm.s32 @!p5 $0x80;
	s8 =	simm.s32 @!p5 $0x400;
	s30 =	sld [smem:$0x7BE]  }
0xd0: {  	s9 =	simm.s32 @!p5 $0x9700;
	s31 =	sld [smem:$0x7C0];
	s0 =	sand.u32 $0x1FFF80, s4  }
0xd1: {  	p0 =	por !p3, p5;
	p3 =	por p3, p5;
	s2 =	sadd.s32 @!p5 s0, s2  }
0xd2: {  	[tilespmem:s9], [sflag:$0x2] =	stream.strided.gather @!p5 [hbm4b:s2+s6], $0x9600, s8, s6, $0x38;
	[tilespmem:$0x1EE00] =	vst v63  }
0xd3: {  	s2 =	simm.s32 @!p0 $0x0;
	s6 =	simm.s32 @!p0 $0x12D00;
	s8 =	rddreg [dreg:$0x16]  }
0xd4: {  	[tilespmem:s6], [sflag:$0x2] =	stream.linear.gather @!p0 [hbm4b:s8+s2], $0x80, $0x38;
	[tilespmem:$0x1EE00] =	vst v63  }
0xd5: {  	s9 =	simm.s32 @!p3 $0x12D00;
	s2 =	rddreg [dreg:$0x14]  }
0xd6: {  	s6 =	simm.s32 @!p3 $0x80;
	s8 =	simm.s32 @!p3 $0x400;
	s2 =	sadd.s32 @!p3 s2, s0  }
0xd7: {  	[tilespmem:s9], [sflag:$0x2] =	stream.strided.gather @!p3 [hbm4b:s2+s6], $0x100, s8, s6, $0x38;
	[tilespmem:$0x1EE00] =	vst v63  }
0xd8: {  	p3 =	seq.s32 @p2 s20, $0xC;
	s2 =	rddreg [dreg:$0xb]  }
0xd9: {  	s6 =	simm.s32 @p2 $0x80;
	s8 =	simm.s32 @p2 $0x400;
	s9 =	simm.s32 @p2 $0x9700  }
0xda: {  	s2 =	sadd.s32 @p2 s0, s2;
	p5 =	por !p3, !p2;
	p3 =	por p3, !p2  }
0xdb: {  	[tilespmem:s9], [sflag:$0x2] =	stream.strided.gather @p2 [hbm4b:s2+s6], $0x9600, s8, s6, $0x38;
	[tilespmem:$0x1EE00] =	vst v63  }
0xdc: {  	s2 =	simm.s32 @!p5 $0x0;
	s6 =	simm.s32 @!p5 $0x12D00;
	s8 =	rddreg [dreg:$0x17]  }
0xdd: {  	[tilespmem:s6], [sflag:$0x2] =	stream.linear.gather @!p5 [hbm4b:s8+s2], $0x80, $0x38;
	[tilespmem:$0x1EE00] =	vst v63  }
0xde: {  	s9 =	simm.s32 @!p3 $0x12D00;
	s2 =	rddreg [dreg:$0xd]  }
0xdf: {  	s6 =	simm.s32 @!p3 $0x80;
	s8 =	simm.s32 @!p3 $0x400;
	s2 =	sadd.s32 @!p3 s2, s0  }
0xe0: {  	[tilespmem:s9], [sflag:$0x2] =	stream.strided.gather @!p3 [hbm4b:s2+s6], $0x100, s8, s6, $0x38;
	[tilespmem:$0x1EE00] =	vst v63  }
0xe1: {  	p3 =	seq.s32 @p1 s20, $0xC;
	s2 =	rddreg [dreg:$0xa]  }
0xe2: {  	s6 =	simm.s32 @p1 $0x80;
	s8 =	simm.s32 @p1 $0x400;
	s9 =	simm.s32 @p1 $0x9700  }
0xe3: {  	s2 =	sadd.s32 @p1 s0, s2;
	p5 =	por !p3, !p1;
	p3 =	por p3, !p1  }
0xe4: {  	[tilespmem:s9], [sflag:$0x2] =	stream.strided.gather @p1 [hbm4b:s2+s6], $0x9600, s8, s6, $0x38;
	[tilespmem:$0x1EE00] =	vst v63  }
0xe5: {  	s2 =	simm.s32 @!p5 $0x0;
	s6 =	simm.s32 @!p5 $0x12D00;
	s8 =	rddreg [dreg:$0x18]  }
0xe6: {  	[tilespmem:s6], [sflag:$0x2] =	stream.linear.gather @!p5 [hbm4b:s8+s2], $0x80, $0x38;
	[tilespmem:$0x1EE00] =	vst v63  }
0xe7: {  	s9 =	simm.s32 @!p3 $0x12D00;
	s2 =	rddreg [dreg:$0xe]  }
0xe8: {  	s6 =	simm.s32 @!p3 $0x80;
	s8 =	simm.s32 @!p3 $0x400;
	s2 =	sadd.s32 @!p3 s2, s0  }
0xe9: {  	[tilespmem:s9], [sflag:$0x2] =	stream.strided.gather @!p3 [hbm4b:s2+s6], $0x100, s8, s6, $0x38;
	[tilespmem:$0x1EE00] =	vst v63  }
0xea: {  	p3 =	seq.s32 @p4 s20, $0xC;
	s2 =	rddreg [dreg:$0x9]  }
0xeb: {  	s6 =	simm.s32 @p4 $0x80;
	s8 =	simm.s32 @p4 $0x400;
	s9 =	simm.s32 @p4 $0x9700  }
0xec: {  	s2 =	sadd.s32 @p4 s0, s2;
	p5 =	por !p3, !p4;
	p3 =	por p3, !p4  }
0xed: {  	[tilespmem:s9], [sflag:$0x2] =	stream.strided.gather @p4 [hbm4b:s2+s6], $0x9600, s8, s6, $0x38;
	[tilespmem:$0x1EE00] =	vst v63  }
0xee: {  	s2 =	simm.s32 @!p5 $0x0;
	s6 =	simm.s32 @!p5 $0x12D00;
	s8 =	rddreg [dreg:$0x19]  }
0xef: {  	[tilespmem:s6], [sflag:$0x2] =	stream.linear.gather @!p5 [hbm4b:s8+s2], $0x80, $0x38;
	[tilespmem:$0x1EE00] =	vst v63  }
0xf0: {  	p6 =	seq.s32 s1, $0x1;
	s9 =	simm.s32 @!p3 $0x12D00;
	s2 =	rddreg [dreg:$0xf]  }
0xf1: {  	s6 =	simm.s32 @!p3 $0x80;
	s8 =	simm.s32 @!p3 $0x400;
	s2 =	sadd.s32 @!p3 s2, s0  }
0xf2: {  	[tilespmem:s9], [sflag:$0x2] =	stream.strided.gather @!p3 [hbm4b:s2+s6], $0x100, s8, s6, $0x38;
	[tilespmem:$0x1EE00] =	vst v63  }
0xf3: {  	p3 =	seq.s32 @p6 s20, $0xC;
	s2 =	rddreg [dreg:$0x8]  }
0xf4: {  	s6 =	simm.s32 @p6 $0x80;
	s8 =	simm.s32 @p6 $0x400;
	s9 =	simm.s32 @p6 $0x9700  }
0xf5: {  	s2 =	sadd.s32 @p6 s0, s2;
	p5 =	por !p3, !p6;
	p3 =	por p3, !p6  }
0xf6: {  	[tilespmem:s9], [sflag:$0x2] =	stream.strided.gather @p6 [hbm4b:s2+s6], $0x9600, s8, s6, $0x38;
	[tilespmem:$0x1EE00] =	vst v63  }
0xf7: {  	s2 =	simm.s32 @!p5 $0x0;
	s6 =	simm.s32 @!p5 $0x12D00;
	s8 =	rddreg [dreg:$0x1a]  }
0xf8: {  	[tilespmem:s6], [sflag:$0x2] =	stream.linear.gather @!p5 [hbm4b:s8+s2], $0x80, $0x38;
	[tilespmem:$0x1EE00] =	vst v63  }
0xf9: {  	p0 =	seq.s32 s19, $0x1;
	s9 =	simm.s32 @!p3 $0x12D00;
	s2 =	rddreg [dreg:$0x10]  }
0xfa: {  	s6 =	simm.s32 @!p3 $0x80;
	s8 =	simm.s32 @!p3 $0x400;
	s2 =	sadd.s32 @!p3 s2, s0  }
0xfb: {  	[tilespmem:s9], [sflag:$0x2] =	stream.strided.gather @!p3 [hbm4b:s2+s6], $0x100, s8, s6, $0x38;
	[tilespmem:$0x1EE00] =	vst v63  }
0xfc: {  	p3 =	seq.s32 @p0 s20, $0xC;
	s2 =	rddreg [dreg:$0x7]  }
0xfd: {  	s6 =	simm.s32 @p0 $0x80;
	s8 =	simm.s32 @p0 $0x400;
	s9 =	simm.s32 @p0 $0x9700  }
0xfe: {  	s2 =	sadd.s32 @p0 s0, s2;
	p5 =	por !p3, !p0;
	p3 =	por p3, !p0  }
0xff: {  	[tilespmem:s9], [sflag:$0x2] =	stream.strided.gather @p0 [hbm4b:s2+s6], $0x9600, s8, s6, $0x38;
	[tilespmem:$0x1EE00] =	vst v63  }
0x100: {  	s2 =	simm.s32 @!p5 $0x0;
	s6 =	simm.s32 @!p5 $0x12D00;
	s8 =	rddreg [dreg:$0x1b]  }
0x101: {  	[tilespmem:s6], [sflag:$0x2] =	stream.linear.gather @!p5 [hbm4b:s8+s2], $0x80, $0x38;
	[tilespmem:$0x1EE00] =	vst v63  }
0x102: {  	s9 =	simm.s32 @!p3 $0x12D00;
	p0 =	seq.s32 s30, $0x1;
	s2 =	rddreg [dreg:$0x11]  }
0x103: {  	s6 =	simm.s32 @!p3 $0x80;
	s8 =	simm.s32 @!p3 $0x400;
	s2 =	sadd.s32 @!p3 s2, s0  }
0x104: {  	[tilespmem:s9], [sflag:$0x2] =	stream.strided.gather @!p3 [hbm4b:s2+s6], $0x100, s8, s6, $0x38;
	[tilespmem:$0x1EE00] =	vst v63  }
0x105: {  	p3 =	seq.s32 @p0 s20, $0xC;
	s2 =	rddreg [dreg:$0x6]  }
0x106: {  	s6 =	simm.s32 @p0 $0x80;
	s8 =	simm.s32 @p0 $0x400;
	s9 =	simm.s32 @p0 $0x9700  }
0x107: {  	s2 =	sadd.s32 @p0 s0, s2;
	p5 =	por !p3, !p0;
	p3 =	por p3, !p0  }
0x108: {  	[tilespmem:s9], [sflag:$0x2] =	stream.strided.gather @p0 [hbm4b:s2+s6], $0x9600, s8, s6, $0x38;
	[tilespmem:$0x1EE00] =	vst v63  }
0x109: {  	s2 =	simm.s32 @!p5 $0x0;
	s6 =	simm.s32 @!p5 $0x12D00;
	s8 =	rddreg [dreg:$0x1c]  }
0x10a: {  	[tilespmem:s6], [sflag:$0x2] =	stream.linear.gather @!p5 [hbm4b:s8+s2], $0x80, $0x38;
	[tilespmem:$0x1EE00] =	vst v63  }
0x10b: {  	p0 =	seq.s32 s31, $0x1;
	s9 =	simm.s32 @!p3 $0x12D00;
	s2 =	rddreg [dreg:$0x12]  }
0x10c: {  	s6 =	simm.s32 @!p3 $0x80;
	s8 =	simm.s32 @!p3 $0x400;
	s2 =	sadd.s32 @!p3 s2, s0  }
0x10d: {  	[tilespmem:s9], [sflag:$0x2] =	stream.strided.gather @!p3 [hbm4b:s2+s6], $0x100, s8, s6, $0x38;
	[tilespmem:$0x1EE00] =	vst v63  }
0x10e: {  	s2 =	rddreg [dreg:$0x5];
	s6 =	simm.s32 @p0 $0x80  }
0x10f: {  	s8 =	simm.s32 @p0 $0x400;
	s9 =	simm.s32 @p0 $0x9700;
	p3 =	seq.s32 @p0 s20, $0xC  }
0x110: {  	s2 =	sadd.s32 @p0 s0, s2;
	p5 =	por !p3, !p0;
	p3 =	por p3, !p0  }
0x111: {  	[tilespmem:s9], [sflag:$0x2] =	stream.strided.gather @p0 [hbm4b:s2+s6], $0x9600, s8, s6, $0x38;
	[tilespmem:$0x1EE00] =	vst v63  }
0x112: {  	s2 =	simm.s32 @!p5 $0x0;
	s6 =	simm.s32 @!p5 $0x12D00;
	s8 =	rddreg [dreg:$0x1d]  }
0x113: {  	[tilespmem:s6], [sflag:$0x2] =	stream.linear.gather @!p5 [hbm4b:s8+s2], $0x80, $0x38;
	[tilespmem:$0x1EE00] =	vst v63  }
0x114: {  	s2 =	rddreg [dreg:$0x13];
	s6 =	simm.s32 @!p3 $0x400  }
0x115: {  	s8 =	simm.s32 @!p3 $0x12D00;
	s0 =	sadd.s32 @!p3 s2, s0;
	s2 =	simm.s32 @!p3 $0x80  }
0x116: {  	[tilespmem:s8], [sflag:$0x2] =	stream.strided.gather @!p3 [hbm4b:s0+s2], $0x100, s6, s2, $0x38;
	[tilespmem:$0x1EE00] =	vst v63  }
0x117: {  	p3 =	sgt.s32 s7, $0xC  }
.Ltmp0:
0x118: {  	_ = 	snop;
	(pc) =	sbr.rel @p3 .LBB2_8-.Ltmp0, $1  }
0x119: {  	_ =	sdelay $0x3  }
0x11a: {  	p3 =	sgt.s32 s7, $0x6  }
.Ltmp1:
0x11b: {  	_ = 	snop;
	(pc) =	sbr.rel @p3 .LBB2_6-.Ltmp1, $1  }
0x11c: {  	_ =	sdelay $0x3  }
0x11d: {  	p3 =	seq.s32 s7, $0x1  }
0x11e: {  	p5 =	seq.s32 @!p3 s7, $0x3  }
0x11f: {  	p5 =	por p3, p5  }
0x120: {  	p4 =	seq.s32 @!p5 s7, $0x5  }
0x121: {  	p4 =	por p5, p4  }
.Ltmp2:
0x122: {  	s0 =	sld [smem:$0x7C1];
	(pc) =	sbr.rel @!p4 .LBB2_16-.Ltmp2, $2  }
0x123: {  	s31 =	sld [smem:$0x7C2];
	_ =	sdelay $0x2  }
0x124: {  	p2 =	seq.s32 s0, $0x1;
	p0 =	seq.s32 s31, $0x1  }
0x125: {  	s2 =	sld [smem:$0x7E3]  }
0x126: {  	s0 =	sld [smem:$0x7E5];
	_ =	sdelay $0x1  }
.Ltmp3:
0x127: {  	_ = 	snop;
	(pc) =	sbr.rel .LBB2_15-.Ltmp3, $2  }
0x128: {  	s2 =	smov.u32 @p3 s0;
	s0 =	sld [smem:$0x7E1];
	_ =	sdelay $0x2  }
0x129: {  	s0 =	smov.u32 @p5 s2  }
.LBB2_8:
0x12a: {  	p3 =	sgt.s32 s7, $0x12  }
.Ltmp4:
0x12b: {  	_ = 	snop;
	(pc) =	sbr.rel @p3 .LBB2_11-.Ltmp4, $1  }
0x12c: {  	_ =	sdelay $0x3  }
0x12d: {  	p3 =	seq.s32 s7, $0xD  }
0x12e: {  	p4 =	seq.s32 @!p3 s7, $0xF  }
0x12f: {  	p5 =	por p3, p4  }
0x130: {  	p4 =	seq.s32 @!p5 s7, $0x11  }
0x131: {  	p4 =	por p5, p4  }
.Ltmp5:
0x132: {  	s0 =	sld [smem:$0x7C1];
	(pc) =	sbr.rel @!p4 .LBB2_16-.Ltmp5, $2  }
0x133: {  	s31 =	sld [smem:$0x7C2];
	_ =	sdelay $0x2  }
0x134: {  	p2 =	seq.s32 s0, $0x1;
	p0 =	seq.s32 s31, $0x1  }
0x135: {  	s2 =	sld [smem:$0x7E6]  }
0x136: {  	s0 =	sld [smem:$0x7E2];
	_ =	sdelay $0x1  }
.Ltmp6:
0x137: {  	_ = 	snop;
	(pc) =	sbr.rel .LBB2_15-.Ltmp6, $2  }
0x138: {  	s2 =	smov.u32 @p3 s0;
	s0 =	sld [smem:$0x7DE];
	_ =	sdelay $0x2  }
0x139: {  	s0 =	smov.u32 @p5 s2  }
.LBB2_6:
0x13a: {  	p3 =	seq.s32 s7, $0x7  }
0x13b: {  	p4 =	seq.s32 @!p3 s7, $0x9  }
0x13c: {  	p5 =	por p3, p4  }
0x13d: {  	p4 =	seq.s32 @!p5 s7, $0xB  }
0x13e: {  	p4 =	por p5, p4  }
.Ltmp7:
0x13f: {  	s0 =	sld [smem:$0x7C1];
	(pc) =	sbr.rel @!p4 .LBB2_16-.Ltmp7, $2  }
0x140: {  	s31 =	sld [smem:$0x7C2];
	_ =	sdelay $0x2  }
0x141: {  	p2 =	seq.s32 s0, $0x1;
	p0 =	seq.s32 s31, $0x1  }
0x142: {  	s2 =	sld [smem:$0x7DD]  }
.Ltmp8:
0x143: {  	s0 =	sld [smem:$0x7DF];
	(pc) =	sbr.rel .LBB2_15-.Ltmp8, $3  }
0x144: {  	_ =	sdelay $0x1  }
0x145: {  	s2 =	smov.u32 @p3 s0;
	s0 =	rddreg [dreg:$0x1f]  }
0x146: {  	s0 =	smov.u32 @p5 s2  }
.LBB2_11:
0x147: {  	p3 =	seq.s32 s7, $0x13  }
0x148: {  	p4 =	seq.s32 @!p3 s7, $0x15  }
0x149: {  	p4 =	por p3, p4  }
.Ltmp9:
0x14a: {  	s0 =	sld [smem:$0x7C1];
	(pc) =	sbr.rel @p4 .LBB2_12-.Ltmp9, $2  }
0x14b: {  	s31 =	sld [smem:$0x7C2];
	_ =	sdelay $0x2  }
0x14c: {  	p2 =	seq.s32 s0, $0x1;
	p0 =	seq.s32 s31, $0x1  }
0x14d: {  	p3 =	seq.s32 s7, $0x17  }
.Ltmp10:
0x14e: {  	_ = 	snop;
	(pc) =	sbr.rel @!p3 .LBB2_16-.Ltmp10, $1  }
0x14f: {  	_ =	sdelay $0x3  }
.Ltmp11:
0x150: {  	(pc) =	sbr.rel .LBB2_15-.Ltmp11, $2  }
0x151: {  	_ =	sdelay $0x2  }
0x152: {  	s0 =	sld [smem:$0x7E4]  }
.LBB2_12:
0x153: {  	s0 =	sld [smem:$0x7E0]  }
0x154: {  	s2 =	sld [smem:$0x7DC];
	_ =	sdelay $0x2  }
0x155: {  	s0 =	smov.u32 @p3 s2  }
.LBB2_15:
0x156: {  	_ = 	snop  }
0x157: {  	s1 =	simm.s32 $0x80;
	s2 =	simm.s32 $0x400;
	s5 =	simm.s32 $0x16E00  }
0x158: {  	[tilespmem:s5], [sflag:$0x4] =	stream.strided.gather [hbm4b:s0+s1], $0x4000, s2, s1, $0x38;
	[tilespmem:$0x1EE00] =	vst v63  }
.LBB2_16:
0x159: {  	s8 =	sld [smem:$0x7E7]  }
0x15a: {  	p3 =	sne.s32 s20, $0xC;
	s19 =	simm.s32 $0x1  }
0x15b: {  	s0 =	simm.s32 @!p3 $0x80;
	s2 =	simm.s32 @!p3 $0x400;
	s6 =	simm.s32 @!p3 $0x16E00  }
0x15c: {  	[tilespmem:s6], [sflag:$0x4] =	stream.strided.gather @!p3 [hbm4b:s8+s0], $0x4000, s2, s0, $0x38;
	[tilespmem:$0x1EE00] =	vst v63  }
0x15d: {  	_ =	swait.ge [sflag:s19], $0x9600  }
0x15e: {  	[sflag:s19] =	ssyncset.done $0x0  }
0x15f: {  	[sflag:s19] =	ssyncadd.s32 $0xFFFF6A00  }
0x160: {  	_ =	swait.ge [sflag:s19], $0x100  }
0x161: {  	[sflag:s19] =	ssyncset.done $0x0  }
0x162: {  	s30 =	simm.s32 $0x3;
	[sflag:s19] =	ssyncadd.s32 $0xFFFFFF00  }
0x163: {  	_ =	swait.ge [sflag:s30], $0x4000  }
0x164: {  	p3 =	seq.s32 s20, $0x0;
	[sflag:s30] =	ssyncset.done $0x0  }
0x165: {  	s0 =	simm.s32 @!p3 $0x5;
	[sflag:s30] =	ssyncadd.s32 $0xFFFFC000  }
0x166: {  	_ =	swait.ge @!p3 [sflag:s0], $0x2000  }
0x167: {  	[sflag:s0] =	ssyncset.done @!p3 $0x0  }
0x168: {  	s8 =	simm.s32 $0x0;
	[sflag:s0] =	ssyncadd.s32 @!p3 $0xFFFFE000  }
0x169: {  	v1 =	vld [tilespmem:s8+$0x12E00]  }
0x16a: {  	s31 =	smul.u32 $0x7C, s20;
	_ =	sdelay $0x1  }
0x16b: {  	s0 =	sand.u32 $0x7C, s31  }
0x16c: {  	v0 =	vmov s0  }
0x16d: {  	v1 =	vadd.s32 v0, v1  }
0x16e: {  	v2 =	vld [tilespmem:s8+$0x12E10];
	_ =	sdelay $0x3  }
0x16f: {  	v1 =	vld.idx.msk [tilespmem:v1+s3+$0x0], $0xffff  }
0x170: {  	v2 =	vadd.s32 v0, v2  }
0x171: {  	s9 =	simm.s32 $0x80;
	v3 =	vld [tilespmem:s8+$0x12E20]  }
0x172: {  	v4 =	vld [tilespmem:s9+$0x12E00];
	_ =	sdelay $0x1  }
0x173: {  	[tilespmem:s8+$0x1AE00] =	vst v1  }
0x174: {  	v1 =	vld.idx.msk [tilespmem:v2+s3+$0x0], $0xffff  }
0x175: {  	v2 =	vadd.s32 v0, v3  }
0x176: {  	v3 =	vadd.s32 v0, v4;
	v4 =	vld [tilespmem:s8+$0x12E30];
	_ =	sdelay $0x1  }
0x177: {  	v5 =	vld [tilespmem:s9+$0x12E10]  }
0x178: {  	[tilespmem:s8+$0x1AE10] =	vst v1  }
0x179: {  	v1 =	vld.idx.msk [tilespmem:v2+s3+$0x0], $0xffff  }
0x17a: {  	v2 =	vld.idx.msk [tilespmem:v3+s3+$0x0], $0xffff;
	v3 =	vadd.s32 v0, v4;
	_ =	sdelay $0x1  }
0x17b: {  	v5 =	vadd.s32 v0, v5;
	v4 =	vld [tilespmem:s8+$0x12E40];
	_ =	sdelay $0x1  }
0x17c: {  	v6 =	vld [tilespmem:s9+$0x12E20];
	[tilespmem:s8+$0x1AE20] =	vst v1  }
0x17d: {  	s10 =	simm.s32 $0x100;
	v1 =	vld.idx.msk [tilespmem:v3+s3+$0x0], $0xffff  }
0x17e: {  	[tilespmem:s9+$0x1AE00] =	vst v2;
	v3 =	vld [tilespmem:s10+$0x12E00]  }
0x17f: {  	v2 =	vadd.s32 v0, v4;
	v4 =	vld.idx.msk [tilespmem:v5+s3+$0x0], $0xffff  }
0x180: {  	v5 =	vld [tilespmem:s8+$0x12E50]  }
0x181: {  	v6 =	vadd.s32 v0, v6  }
0x182: {  	v8 =	vld [tilespmem:s9+$0x12E30]  }
0x183: {  	v7 =	vld [tilespmem:s8+$0x12E70];
	[tilespmem:s8+$0x1AE30] =	vst v1  }
0x184: {  	v1 =	vadd.s32 v0, v3;
	v2 =	vld.idx.msk [tilespmem:v2+s3+$0x0], $0xffff  }
0x185: {  	v3 =	vld [tilespmem:s10+$0x12E10];
	[tilespmem:s9+$0x1AE10] =	vst v4;
	v4 =	vadd.s32 v0, v5  }
0x186: {  	v5 =	vld.idx.msk [tilespmem:v6+s3+$0x0], $0xffff  }
0x187: {  	v8 =	vadd.s32 v0, v8;
	v6 =	vld [tilespmem:s8+$0x12E60]  }
0x188: {  	v9 =	vld [tilespmem:s9+$0x12E40]  }
0x189: {  	v1 =	vld.idx.msk [tilespmem:v1+s3+$0x0], $0xffff;
	[tilespmem:s8+$0x1AE40] =	vst v2  }
0x18a: {  	v3 =	vadd.s32 v0, v3;
	v2 =	vld.idx.msk [tilespmem:v4+s3+$0x0], $0xffff  }
0x18b: {  	[tilespmem:s9+$0x1AE20] =	vst v5;
	v4 =	vld [tilespmem:s10+$0x12E20]  }
0x18c: {  	s0 =	simm.s32 $0x180;
	v6 =	vadd.s32 v0, v6;
	v5 =	vld.idx.msk [tilespmem:v8+s3+$0x0], $0xffff  }
0x18d: {  	v8 =	vld [tilespmem:s0+$0x12E00]  }
0x18e: {  	v10 =	vld [tilespmem:s9+$0x12E50];
	[tilespmem:s10+$0x1AE00] =	vst v1  }
0x18f: {  	v9 =	vadd.s32 v0, v9;
	v3 =	vld.idx.msk [tilespmem:v3+s3+$0x0], $0xffff  }
0x190: {  	v11 =	vld [tilespmem:s0+$0x12E10];
	v4 =	vadd.s32 v0, v4;
	[tilespmem:s8+$0x1AE50] =	vst v2  }
0x191: {  	v2 =	vld.idx.msk [tilespmem:v6+s3+$0x0], $0xffff  }
0x192: {  	v6 =	vadd.s32 v0, v8;
	v8 =	vld [tilespmem:s10+$0x12E30]  }
0x193: {  	v1 =	vld [tilespmem:s9+$0x12E70];
	[tilespmem:s9+$0x1AE30] =	vst v5  }
0x194: {  	v5 =	vld.idx.msk [tilespmem:v9+s3+$0x0], $0xffff;
	v9 =	vadd.s32 v0, v7;
	[tilespmem:s10+$0x1AE10] =	vst v3  }
0x195: {  	v4 =	vld.idx.msk [tilespmem:v4+s3+$0x0], $0xffff  }
0x196: {  	v3 =	vadd.s32 v0, v10;
	v10 =	vld [tilespmem:s9+$0x12E60]  }
0x197: {  	v7 =	vld.idx.msk [tilespmem:v6+s3+$0x0], $0xffff;
	v12 =	vadd.s32 v0, v8  }
0x198: {  	[tilespmem:s8+$0x1AE60] =	vst v2;
	v6 =	vld [tilespmem:s10+$0x12E40]  }
0x199: {  	[tilespmem:s9+$0x1AE40] =	vst v5;
	v2 =	vld.idx.msk [tilespmem:v9+s3+$0x0], $0xffff;
	v9 =	vadd.s32 v0, v11  }
0x19a: {  	s1 =	sand.u32 $0x7E, s4;
	v8 =	vld [tilespmem:s0+$0x12E20];
	[tilespmem:s10+$0x1AE20] =	vst v4  }
0x19b: {  	v3 =	vld.idx.msk [tilespmem:v3+s3+$0x0], $0xffff;
	[smem:$0x7B4] =	sst s1  }
0x19c: {  	s11 =	simm.s32 $0x200;
	s6 =	sshll.u32 s20, $0x1;
	s2 =	simm.s32 $0xA00;
	v4 =	vadd.s32 v0, v10;
	v5 =	vld.idx.msk [tilespmem:v12+s3+$0x0], $0xffff  }
.LBB2_17:
0x19d: {  	p5 =	sne.s32 s2, $0x7E00;
	v10 =	vld [tilespmem:s11+$0x12E00];
	[tilespmem:s0+$0x1AE00] =	vst v7  }
0x19e: {  	v7 =	vld.idx.msk [tilespmem:v9+s3+$0x0], $0xffff;
	v6 =	vadd.s32 v0, v6;
	[tilespmem:s8+$0x1AE70] =	vst v2;
	s8 =	smov.u32 s9;
	s9 =	smov.u32 s10;
	s10 =	smov.u32 s0  }
0x19f: {  	s0 =	smov.u32 s11;
	v2 =	vld [tilespmem:s9+$0x12E70]  }
0x1a0: {  	v8 =	vadd.s32 v0, v8;
	v9 =	vld [tilespmem:s9+$0x12E50];
	[tilespmem:s8+$0x1AE50] =	vst v3  }
0x1a1: {  	v3 =	vld.idx.msk [tilespmem:v4+s3+$0x0], $0xffff  }
0x1a2: {  	v4 =	vadd.s32 v0, v10;
	v10 =	vld [tilespmem:s10+$0x12E30];
	[tilespmem:s9+$0x1AE30] =	vst v5  }
0x1a3: {  	v5 =	vld.idx.msk [tilespmem:v6+s3+$0x0], $0xffff;
	v6 =	vadd.s32 v0, v1  }
0x1a4: {  	v11 =	vld [tilespmem:s0+$0x12E10];
	[tilespmem:s10+$0x1AE10] =	vst v7;
	v1 =	vmov v2  }
0x1a5: {  	v12 =	vld.idx.msk [tilespmem:v8+s3+$0x0], $0xffff;
	v8 =	vadd.s32 v0, v9  }
0x1a6: {  	v13 =	vld [tilespmem:s9+$0x12E60]  }
0x1a7: {  	v7 =	vld.idx.msk [tilespmem:v4+s3+$0x0], $0xffff;
	v4 =	vadd.s32 v0, v10;
	[tilespmem:s8+$0x1AE60] =	vst v3  }
.Ltmp12:
0x1a8: {  	v2 =	vld.idx.msk [tilespmem:v6+s3+$0x0], $0xffff;
	(pc) =	sbr.rel @p5 .LBB2_17-.Ltmp12, $4  }
0x1a9: {  	v9 =	vadd.s32 v0, v11;
	v6 =	vld [tilespmem:s10+$0x12E40];
	[tilespmem:s9+$0x1AE40] =	vst v5  }
0x1aa: {  	v3 =	vld.idx.msk [tilespmem:v8+s3+$0x0], $0xffff  }
0x1ab: {  	v8 =	vld [tilespmem:s0+$0x12E20];
	[tilespmem:s10+$0x1AE20] =	vst v12  }
0x1ac: {  	s11 =	sshra.s32 s2, $0x2;
	s2 =	sadd.s32 $0x200, s2;
	v5 =	vld.idx.msk [tilespmem:v4+s3+$0x0], $0xffff;
	v4 =	vadd.s32 v0, v13  }
0x1ad: {  	v10 =	vld [tilespmem:s11+$0x12E00];
	_ =	sdelay $0x4  }
0x1ae: {  	v10 =	vadd.s32 v0, v10  }
0x1af: {  	v11 =	vld [tilespmem:s11+$0x12E10];
	_ =	sdelay $0x3  }
0x1b0: {  	v10 =	vld.idx.msk [tilespmem:v10+s3+$0x0], $0xffff  }
0x1b1: {  	v11 =	vadd.s32 v0, v11  }
0x1b2: {  	v12 =	vld [tilespmem:s11+$0x12E20];
	_ =	sdelay $0x1  }
0x1b3: {  	[tilespmem:s0+$0x1AE00] =	vst v7  }
0x1b4: {  	v7 =	vld.idx.msk [tilespmem:v9+s3+$0x0], $0xffff;
	[tilespmem:s11+$0x1AE00] =	vst v10  }
0x1b5: {  	v9 =	vld.idx.msk [tilespmem:v11+s3+$0x0], $0xffff  }
0x1b6: {  	v11 =	vadd.s32 v0, v12  }
0x1b7: {  	v61 =	vld [tilespmem:s11+$0x12E30]  }
0x1b8: {  	v8 =	vadd.s32 v0, v8  }
0x1b9: {  	v10 =	vld [tilespmem:s0+$0x12E30]  }
0x1ba: {  	[tilespmem:s11+$0x1AE10] =	vst v9  }
0x1bb: {  	[tilespmem:s10+$0x1AE30] =	vst v5;
	v9 =	vld.idx.msk [tilespmem:v11+s3+$0x0], $0xffff  }
0x1bc: {  	v5 =	vld [tilespmem:s11+$0x12E40];
	[tilespmem:s0+$0x1AE10] =	vst v7;
	v11 =	vadd.s32 v0, v61  }
0x1bd: {  	v7 =	vld.idx.msk [tilespmem:v8+s3+$0x0], $0xffff  }
0x1be: {  	v8 =	vadd.s32 v0, v10  }
0x1bf: {  	v6 =	vadd.s32 v0, v6;
	v10 =	vld [tilespmem:s0+$0x12E40]  }
0x1c0: {  	v14 =	vld [tilespmem:s10+$0x12E50];
	[tilespmem:s11+$0x1AE20] =	vst v9  }
0x1c1: {  	v9 =	vld.idx.msk [tilespmem:v11+s3+$0x0], $0xffff  }
0x1c2: {  	v62 =	vld [tilespmem:s10+$0x12E60];
	v5 =	vadd.s32 v0, v5;
	[tilespmem:s0+$0x1AE20] =	vst v7  }
0x1c3: {  	v7 =	vld.idx.msk [tilespmem:v8+s3+$0x0], $0xffff  }
0x1c4: {  	v6 =	vld.idx.msk [tilespmem:v6+s3+$0x0], $0xffff;
	v8 =	vadd.s32 v0, v10  }
0x1c5: {  	v14 =	vadd.s32 v0, v14;
	v10 =	vld [tilespmem:s0+$0x12E50]  }
0x1c6: {  	v11 =	vld [tilespmem:s11+$0x12E50];
	[tilespmem:s11+$0x1AE30] =	vst v9  }
0x1c7: {  	v5 =	vld.idx.msk [tilespmem:v5+s3+$0x0], $0xffff  }
0x1c8: {  	v13 =	vld [tilespmem:s10+$0x12E70];
	[tilespmem:s0+$0x1AE30] =	vst v7  }
0x1c9: {  	[tilespmem:s10+$0x1AE40] =	vst v6;
	v8 =	vld.idx.msk [tilespmem:v8+s3+$0x0], $0xffff  }
0x1ca: {  	v6 =	vld.idx.msk [tilespmem:v14+s3+$0x0], $0xffff;
	v9 =	vadd.s32 v0, v10  }
0x1cb: {  	v10 =	vld [tilespmem:s0+$0x12E60];
	v11 =	vadd.s32 v0, v11  }
0x1cc: {  	v16 =	vld [tilespmem:s11+$0x12E60];
	[tilespmem:s11+$0x1AE40] =	vst v5;
	v5 =	vadd.s32 v0, v62  }
0x1cd: {  	v15 =	vld [tilespmem:s0+$0x12E70];
	[tilespmem:s9+$0x1AE50] =	vst v3  }
0x1ce: {  	v3 =	vld.idx.msk [tilespmem:v4+s3+$0x0], $0xffff;
	[tilespmem:s0+$0x1AE40] =	vst v8  }
0x1cf: {  	v1 =	vadd.s32 v0, v1;
	v8 =	vld.idx.msk [tilespmem:v9+s3+$0x0], $0xffff  }
0x1d0: {  	[tilespmem:s10+$0x1AE50] =	vst v6;
	v9 =	vadd.s32 v0, v10;
	v10 =	vld.idx.msk [tilespmem:v11+s3+$0x0], $0xffff  }
0x1d1: {  	v11 =	vadd.s32 v0, v16;
	v4 =	vld.idx.msk [tilespmem:v5+s3+$0x0], $0xffff  }
0x1d2: {  	v7 =	vld [tilespmem:s11+$0x12E70];
	v5 =	vadd.s32 v0, v13  }
0x1d3: {  	[tilespmem:s9+$0x1AE60] =	vst v3  }
0x1d4: {  	v1 =	vld.idx.msk [tilespmem:v1+s3+$0x0], $0xffff;
	[tilespmem:s0+$0x1AE50] =	vst v8  }
0x1d5: {  	v6 =	vld.idx.msk [tilespmem:v9+s3+$0x0], $0xffff;
	[tilespmem:s11+$0x1AE50] =	vst v10  }
0x1d6: {  	v8 =	vadd.s32 v0, v15;
	v9 =	vld.idx.msk [tilespmem:v11+s3+$0x0], $0xffff;
	[tilespmem:s10+$0x1AE60] =	vst v4  }
0x1d7: {  	v7 =	vadd.s32 v0, v7;
	v3 =	vld.idx.msk [tilespmem:v5+s3+$0x0], $0xffff  }
0x1d8: {  	[tilespmem:s8+$0x1AE70] =	vst v2  }
0x1d9: {  	[tilespmem:s9+$0x1AE70] =	vst v1  }
0x1da: {  	[tilespmem:s0+$0x1AE60] =	vst v6  }
0x1db: {  	v4 =	vld.idx.msk [tilespmem:v8+s3+$0x0], $0xffff;
	[tilespmem:s11+$0x1AE60] =	vst v9  }
0x1dc: {  	v5 =	vld.idx.msk [tilespmem:v7+s3+$0x0], $0xffff;
	[tilespmem:s10+$0x1AE70] =	vst v3  }
0x1dd: {  	s1 =	sld [smem:$0x7FC];
	_ =	sdelay $0x2  }
0x1de: {  	[tilespmem:s0+$0x1AE70] =	vst v4;
	p5 =	seq.s32 s1, $0x1  }
0x1df: {  	[tilespmem:s11+$0x1AE70] =	vst v5;
	s9 =	sshll.u32 @!p5 s20, $0x11  }
0x1e0: {  	s0 =	sadd.s32 @!p5 s9, s21;
	s21 =	sld [smem:$0x7BC]  }
0x1e1: {  	s2 =	simm.s32 @!p5 $0x80;
	s8 =	simm.s32 @!p5 $0x400;
	s10 =	simm.s32 @!p5 $0x1AE00  }
0x1e2: {  	[hbm4b:s0+s2] =	stream.strided.scatter @!p5 [tilespmem:s10], [sflag:$0x5], $0x2000, s8, s2, $0x38;
	[tilespmem:$0x1EE00] =	vst v63  }
0x1e3: {  	p4 =	seq.s32 s21, $0x1  }
0x1e4: {  	s8 =	sshll.u32 @p4 s20, $0x11  }
0x1e5: {  	s1 =	smov.u32 s22;
	s0 =	sadd.s32 @p4 s8, s22;
	s22 =	sld [smem:$0x7BD]  }
0x1e6: {  	s2 =	simm.s32 @p4 $0x80;
	s10 =	simm.s32 @p4 $0x400;
	s11 =	simm.s32 @p4 $0x1AE00  }
0x1e7: {  	[hbm4b:s0+s2] =	stream.strided.scatter @p4 [tilespmem:s11], [sflag:$0x5], $0x2000, s10, s2, $0x38;
	[tilespmem:$0x1EE00] =	vst v63  }
0x1e8: {  	p1 =	seq.s32 s22, $0x1  }
0x1e9: {  	s12 =	sshll.u32 @p1 s20, $0x11  }
0x1ea: {  	s13 =	smov.u32 s23;
	s0 =	sadd.s32 @p1 s12, s23;
	s23 =	sld [smem:$0x7BB]  }
0x1eb: {  	s2 =	simm.s32 @p1 $0x80;
	s10 =	simm.s32 @p1 $0x400;
	s11 =	simm.s32 @p1 $0x1AE00  }
0x1ec: {  	[hbm4b:s0+s2] =	stream.strided.scatter @p1 [tilespmem:s11], [sflag:$0x5], $0x2000, s10, s2, $0x38;
	[tilespmem:$0x1EE00] =	vst v63  }
0x1ed: {  	p1 =	seq.s32 s23, $0x1  }
0x1ee: {  	s11 =	sshll.u32 @p1 s20, $0x11;
	s2 =	simm.s32 @p1 $0x80  }
0x1ef: {  	s10 =	simm.s32 @p1 $0x400;
	s16 =	simm.s32 @p1 $0x1AE00;
	s0 =	sadd.s32 @p1 s11, s24  }
0x1f0: {  	[hbm4b:s0+s2] =	stream.strided.scatter @p1 [tilespmem:s16], [sflag:$0x5], $0x2000, s10, s2, $0x38;
	[tilespmem:$0x1EE00] =	vst v63  }
0x1f1: {  	s17 =	simm.s32 @p0 $0x1AE00;
	s16 =	sshll.u32 @p0 s20, $0x11  }
0x1f2: {  	s2 =	simm.s32 @p0 $0x80;
	s10 =	simm.s32 @p0 $0x400;
	s0 =	sadd.s32 @p0 s16, s25  }
0x1f3: {  	[hbm4b:s0+s2] =	stream.strided.scatter @p0 [tilespmem:s17], [sflag:$0x5], $0x2000, s10, s2, $0x38;
	[tilespmem:$0x1EE00] =	vst v63  }
0x1f4: {  	s17 =	sshll.u32 @p2 s20, $0x11  }
0x1f5: {  	s5 =	smov.u32 s26;
	s0 =	sadd.s32 @p2 s17, s26;
	s26 =	sld [smem:$0x7BE]  }
0x1f6: {  	s18 =	simm.s32 @p2 $0x1AE00;
	s2 =	simm.s32 @p2 $0x80;
	s10 =	simm.s32 @p2 $0x400  }
0x1f7: {  	[hbm4b:s0+s2] =	stream.strided.scatter @p2 [tilespmem:s18], [sflag:$0x5], $0x2000, s10, s2, $0x38;
	[tilespmem:$0x1EE00] =	vst v63  }
0x1f8: {  	p0 =	seq.s32 s26, $0x1  }
0x1f9: {  	s18 =	sshll.u32 @p0 s20, $0x11  }
0x1fa: {  	s4 =	smov.u32 s28;
	s0 =	sadd.s32 @p0 s18, s28;
	s28 =	sld [smem:$0x7C0]  }
0x1fb: {  	s2 =	simm.s32 @p0 $0x80;
	s10 =	simm.s32 @p0 $0x400;
	s19 =	simm.s32 @p0 $0x1AE00  }
0x1fc: {  	[hbm4b:s0+s2] =	stream.strided.scatter @p0 [tilespmem:s19], [sflag:$0x5], $0x2000, s10, s2, $0x38;
	[tilespmem:$0x1EE00] =	vst v63  }
0x1fd: {  	p0 =	seq.s32 s28, $0x1  }
0x1fe: {  	s19 =	sshll.u32 @p0 s20, $0x11;
	s2 =	simm.s32 @p0 $0x80  }
0x1ff: {  	s10 =	simm.s32 @p0 $0x400;
	s21 =	simm.s32 @p0 $0x1AE00;
	s0 =	sadd.s32 @p0 s19, s29  }
0x200: {  	[hbm4b:s0+s2] =	stream.strided.scatter @p0 [tilespmem:s21], [sflag:$0x5], $0x2000, s10, s2, $0x38;
	[tilespmem:$0x1EE00] =	vst v63  }
0x201: {  	s0 =	simm.s32 @!p3 $0x6  }
0x202: {  	_ =	swait.ge @!p3 [sflag:s0], $0x2000  }
0x203: {  	[sflag:s0] =	ssyncset.done @!p3 $0x0  }
0x204: {  	s10 =	simm.s32 $0x0;
	[sflag:s0] =	ssyncadd.s32 @!p3 $0xFFFFE000  }
0x205: {  	v1 =	vld [tilespmem:s10+$0x14E00];
	_ =	sdelay $0x4  }
0x206: {  	v1 =	vadd.s32 v0, v1  }
0x207: {  	v2 =	vld [tilespmem:s10+$0x14E10];
	_ =	sdelay $0x3  }
0x208: {  	v1 =	vld.idx.msk [tilespmem:v1+s3+$0x0], $0xffff  }
0x209: {  	v2 =	vadd.s32 v0, v2  }
0x20a: {  	s21 =	simm.s32 $0x80;
	v3 =	vld [tilespmem:s10+$0x14E20]  }
0x20b: {  	v4 =	vld [tilespmem:s21+$0x14E00];
	_ =	sdelay $0x1  }
0x20c: {  	[tilespmem:s10+$0x1CE00] =	vst v1  }
0x20d: {  	v1 =	vld.idx.msk [tilespmem:v2+s3+$0x0], $0xffff  }
0x20e: {  	v2 =	vadd.s32 v0, v3  }
0x20f: {  	v3 =	vadd.s32 v0, v4;
	v4 =	vld [tilespmem:s10+$0x14E30];
	_ =	sdelay $0x1  }
0x210: {  	v5 =	vld [tilespmem:s21+$0x14E10]  }
0x211: {  	[tilespmem:s10+$0x1CE10] =	vst v1  }
0x212: {  	v1 =	vld.idx.msk [tilespmem:v2+s3+$0x0], $0xffff  }
0x213: {  	v2 =	vld.idx.msk [tilespmem:v3+s3+$0x0], $0xffff;
	v3 =	vadd.s32 v0, v4;
	_ =	sdelay $0x1  }
0x214: {  	v5 =	vadd.s32 v0, v5;
	v4 =	vld [tilespmem:s10+$0x14E40];
	_ =	sdelay $0x1  }
0x215: {  	v6 =	vld [tilespmem:s21+$0x14E20];
	[tilespmem:s10+$0x1CE20] =	vst v1  }
0x216: {  	s0 =	simm.s32 $0x100;
	v1 =	vld.idx.msk [tilespmem:v3+s3+$0x0], $0xffff  }
0x217: {  	[tilespmem:s21+$0x1CE00] =	vst v2;
	v3 =	vld [tilespmem:s0+$0x14E00]  }
0x218: {  	v2 =	vadd.s32 v0, v4;
	v4 =	vld.idx.msk [tilespmem:v5+s3+$0x0], $0xffff  }
0x219: {  	v5 =	vld [tilespmem:s10+$0x14E50]  }
0x21a: {  	v6 =	vadd.s32 v0, v6  }
0x21b: {  	v8 =	vld [tilespmem:s21+$0x14E30]  }
0x21c: {  	v7 =	vld [tilespmem:s10+$0x14E70];
	[tilespmem:s10+$0x1CE30] =	vst v1  }
0x21d: {  	v1 =	vadd.s32 v0, v3;
	v2 =	vld.idx.msk [tilespmem:v2+s3+$0x0], $0xffff  }
0x21e: {  	v3 =	vld [tilespmem:s0+$0x14E10];
	[tilespmem:s21+$0x1CE10] =	vst v4;
	v4 =	vadd.s32 v0, v5  }
0x21f: {  	v5 =	vld.idx.msk [tilespmem:v6+s3+$0x0], $0xffff  }
0x220: {  	v8 =	vadd.s32 v0, v8;
	v6 =	vld [tilespmem:s10+$0x14E60]  }
0x221: {  	v9 =	vld [tilespmem:s21+$0x14E40]  }
0x222: {  	v1 =	vld.idx.msk [tilespmem:v1+s3+$0x0], $0xffff;
	[tilespmem:s10+$0x1CE40] =	vst v2  }
0x223: {  	v2 =	vld.idx.msk [tilespmem:v4+s3+$0x0], $0xffff  }
0x224: {  	v3 =	vadd.s32 v0, v3;
	[tilespmem:s21+$0x1CE20] =	vst v5;
	v4 =	vld [tilespmem:s0+$0x14E20]  }
0x225: {  	s31 =	simm.s32 $0x180;
	v6 =	vadd.s32 v0, v6;
	v5 =	vld.idx.msk [tilespmem:v8+s3+$0x0], $0xffff  }
0x226: {  	v8 =	vld [tilespmem:s31+$0x14E00]  }
0x227: {  	v10 =	vld [tilespmem:s21+$0x14E50]  }
0x228: {  	v11 =	vld [tilespmem:s31+$0x14E10];
	v9 =	vadd.s32 v0, v9;
	[tilespmem:s0+$0x1CE00] =	vst v1  }
0x229: {  	v3 =	vld.idx.msk [tilespmem:v3+s3+$0x0], $0xffff;
	[tilespmem:s10+$0x1CE50] =	vst v2  }
0x22a: {  	v4 =	vadd.s32 v0, v4;
	v2 =	vld.idx.msk [tilespmem:v6+s3+$0x0], $0xffff  }
0x22b: {  	v6 =	vadd.s32 v0, v8;
	v8 =	vld [tilespmem:s0+$0x14E30]  }
0x22c: {  	v1 =	vld [tilespmem:s21+$0x14E70];
	[tilespmem:s21+$0x1CE30] =	vst v5  }
0x22d: {  	v5 =	vld.idx.msk [tilespmem:v9+s3+$0x0], $0xffff;
	v9 =	vadd.s32 v0, v7  }
0x22e: {  	[tilespmem:s0+$0x1CE10] =	vst v3;
	v3 =	vadd.s32 v0, v10;
	v10 =	vld [tilespmem:s21+$0x14E60]  }
0x22f: {  	v4 =	vld.idx.msk [tilespmem:v4+s3+$0x0], $0xffff  }
0x230: {  	v7 =	vld.idx.msk [tilespmem:v6+s3+$0x0], $0xffff;
	v63 =	vadd.s32 v0, v8  }
0x231: {  	[tilespmem:s10+$0x1CE60] =	vst v2;
	v6 =	vld [tilespmem:s0+$0x14E40]  }
0x232: {  	v2 =	vld.idx.msk [tilespmem:v9+s3+$0x0], $0xffff;
	v9 =	vadd.s32 v0, v11  }
0x233: {  	[tilespmem:s21+$0x1CE40] =	vst v5;
	v8 =	vld [tilespmem:s31+$0x14E20]  }
0x234: {  	s14 =	smov.u32 s24;
	s15 =	smov.u32 s25;
	v3 =	vld.idx.msk [tilespmem:v3+s3+$0x0], $0xffff;
	[tilespmem:s0+$0x1CE20] =	vst v4  }
0x235: {  	s30 =	smov.u32 s29;
	s22 =	simm.s32 $0xA00;
	s2 =	simm.s32 $0x200;
	v4 =	vadd.s32 v0, v10;
	v5 =	vld.idx.msk [tilespmem:v63+s3+$0x0], $0xffff  }
.LBB2_19:
0x236: {  	p3 =	sne.s32 s22, $0x7E00;
	v10 =	vld [tilespmem:s2+$0x14E00];
	[tilespmem:s31+$0x1CE00] =	vst v7  }
0x237: {  	v7 =	vld.idx.msk [tilespmem:v9+s3+$0x0], $0xffff;
	v6 =	vadd.s32 v0, v6;
	[tilespmem:s10+$0x1CE70] =	vst v2;
	s10 =	smov.u32 s21;
	s21 =	smov.u32 s0;
	s0 =	smov.u32 s31  }
0x238: {  	s31 =	smov.u32 s2;
	v2 =	vld [tilespmem:s21+$0x14E70]  }
0x239: {  	v8 =	vadd.s32 v0, v8;
	v9 =	vld [tilespmem:s21+$0x14E50];
	[tilespmem:s10+$0x1CE50] =	vst v3  }
0x23a: {  	v3 =	vld.idx.msk [tilespmem:v4+s3+$0x0], $0xffff  }
0x23b: {  	v4 =	vadd.s32 v0, v10;
	v10 =	vld [tilespmem:s0+$0x14E30];
	[tilespmem:s21+$0x1CE30] =	vst v5  }
0x23c: {  	v5 =	vld.idx.msk [tilespmem:v6+s3+$0x0], $0xffff;
	v6 =	vadd.s32 v0, v1  }
0x23d: {  	v11 =	vld [tilespmem:s31+$0x14E10];
	[tilespmem:s0+$0x1CE10] =	vst v7;
	v1 =	vmov v2  }
0x23e: {  	v12 =	vld.idx.msk [tilespmem:v8+s3+$0x0], $0xffff;
	v8 =	vadd.s32 v0, v9  }
0x23f: {  	v13 =	vld [tilespmem:s21+$0x14E60]  }
0x240: {  	v7 =	vld.idx.msk [tilespmem:v4+s3+$0x0], $0xffff;
	v4 =	vadd.s32 v0, v10;
	[tilespmem:s10+$0x1CE60] =	vst v3  }
.Ltmp13:
0x241: {  	v2 =	vld.idx.msk [tilespmem:v6+s3+$0x0], $0xffff;
	(pc) =	sbr.rel @p3 .LBB2_19-.Ltmp13, $4  }
0x242: {  	v9 =	vadd.s32 v0, v11;
	v6 =	vld [tilespmem:s0+$0x14E40];
	[tilespmem:s21+$0x1CE40] =	vst v5  }
0x243: {  	v3 =	vld.idx.msk [tilespmem:v8+s3+$0x0], $0xffff  }
0x244: {  	v8 =	vld [tilespmem:s31+$0x14E20];
	[tilespmem:s0+$0x1CE20] =	vst v12  }
0x245: {  	s2 =	sshra.s32 s22, $0x2;
	s22 =	sadd.s32 $0x200, s22;
	v5 =	vld.idx.msk [tilespmem:v4+s3+$0x0], $0xffff;
	v4 =	vadd.s32 v0, v13  }
0x246: {  	v10 =	vld [tilespmem:s2+$0x14E00];
	_ =	sdelay $0x4  }
0x247: {  	v10 =	vadd.s32 v0, v10  }
0x248: {  	v11 =	vld [tilespmem:s2+$0x14E10];
	_ =	sdelay $0x3  }
0x249: {  	v10 =	vld.idx.msk [tilespmem:v10+s3+$0x0], $0xffff  }
0x24a: {  	v12 =	vld [tilespmem:s2+$0x14E20];
	[tilespmem:s31+$0x1CE00] =	vst v7;
	v11 =	vadd.s32 v0, v11  }
0x24b: {  	v7 =	vld.idx.msk [tilespmem:v9+s3+$0x0], $0xffff  }
0x24c: {  	v8 =	vadd.s32 v0, v8  }
0x24d: {  	v38 =	vld [tilespmem:s31+$0x14E30]  }
0x24e: {  	[tilespmem:s2+$0x1CE00] =	vst v10  }
0x24f: {  	v37 =	vld.idx.msk [tilespmem:v11+s3+$0x0], $0xffff  }
0x250: {  	v40 =	vld [tilespmem:s2+$0x14E30];
	v39 =	vadd.s32 v0, v12;
	[tilespmem:s31+$0x1CE10] =	vst v7  }
0x251: {  	v7 =	vld.idx.msk [tilespmem:v8+s3+$0x0], $0xffff  }
0x252: {  	v41 =	vadd.s32 v0, v38  }
0x253: {  	v42 =	vld [tilespmem:s31+$0x14E40]  }
0x254: {  	v13 =	vld [tilespmem:s0+$0x14E70];
	[tilespmem:s2+$0x1CE10] =	vst v37  }
0x255: {  	v9 =	vld.idx.msk [tilespmem:v39+s3+$0x0], $0xffff  }
0x256: {  	v44 =	vld [tilespmem:s2+$0x14E40];
	v43 =	vadd.s32 v0, v40;
	[tilespmem:s31+$0x1CE20] =	vst v7  }
0x257: {  	v6 =	vadd.s32 v0, v6;
	v7 =	vld.idx.msk [tilespmem:v41+s3+$0x0], $0xffff  }
0x258: {  	v14 =	vld [tilespmem:s0+$0x14E50];
	v46 =	vadd.s32 v0, v42  }
0x259: {  	v47 =	vld [tilespmem:s31+$0x14E50]  }
0x25a: {  	v48 =	vld [tilespmem:s2+$0x14E50];
	[tilespmem:s2+$0x1CE20] =	vst v9  }
0x25b: {  	[tilespmem:s0+$0x1CE30] =	vst v5;
	v9 =	vld.idx.msk [tilespmem:v43+s3+$0x0], $0xffff  }
0x25c: {  	v5 =	vadd.s32 v0, v44;
	v6 =	vld.idx.msk [tilespmem:v6+s3+$0x0], $0xffff;
	[tilespmem:s31+$0x1CE30] =	vst v7  }
0x25d: {  	v14 =	vadd.s32 v0, v14;
	v8 =	vld.idx.msk [tilespmem:v46+s3+$0x0], $0xffff  }
0x25e: {  	v45 =	vld [tilespmem:s0+$0x14E60];
	v50 =	vadd.s32 v0, v47  }
0x25f: {  	v51 =	vld [tilespmem:s31+$0x14E60]  }
0x260: {  	v16 =	vld [tilespmem:s2+$0x14E60];
	[tilespmem:s2+$0x1CE30] =	vst v9  }
0x261: {  	[tilespmem:s0+$0x1CE40] =	vst v6;
	v5 =	vld.idx.msk [tilespmem:v5+s3+$0x0], $0xffff  }
0x262: {  	v6 =	vld.idx.msk [tilespmem:v14+s3+$0x0], $0xffff;
	v11 =	vadd.s32 v0, v48;
	[tilespmem:s31+$0x1CE40] =	vst v8  }
0x263: {  	v52 =	vadd.s32 v0, v45;
	v8 =	vld.idx.msk [tilespmem:v50+s3+$0x0], $0xffff  }
0x264: {  	v15 =	vld [tilespmem:s31+$0x14E70];
	v53 =	vadd.s32 v0, v51  }
0x265: {  	v49 =	vld [tilespmem:s2+$0x14E70];
	[tilespmem:s21+$0x1CE50] =	vst v3  }
0x266: {  	v3 =	vld.idx.msk [tilespmem:v4+s3+$0x0], $0xffff;
	[tilespmem:s2+$0x1CE40] =	vst v5  }
0x267: {  	v1 =	vadd.s32 v0, v1;
	[tilespmem:s0+$0x1CE50] =	vst v6;
	v54 =	vld.idx.msk [tilespmem:v11+s3+$0x0], $0xffff  }
0x268: {  	v55 =	vadd.s32 v0, v16;
	v56 =	vld.idx.msk [tilespmem:v52+s3+$0x0], $0xffff;
	[tilespmem:s31+$0x1CE50] =	vst v8  }
0x269: {  	v57 =	vadd.s32 v0, v13;
	v58 =	vld.idx.msk [tilespmem:v53+s3+$0x0], $0xffff  }
0x26a: {  	v59 =	vadd.s32 v0, v15  }
0x26b: {  	[tilespmem:s21+$0x1CE60] =	vst v3  }
0x26c: {  	v1 =	vld.idx.msk [tilespmem:v1+s3+$0x0], $0xffff;
	[tilespmem:s2+$0x1CE50] =	vst v54  }
0x26d: {  	[tilespmem:s0+$0x1CE60] =	vst v56;
	v60 =	vld.idx.msk [tilespmem:v55+s3+$0x0], $0xffff  }
0x26e: {  	v61 =	vadd.s32 v0, v49;
	v62 =	vld.idx.msk [tilespmem:v57+s3+$0x0], $0xffff;
	[tilespmem:s31+$0x1CE60] =	vst v58  }
0x26f: {  	v63 =	vld.idx.msk [tilespmem:v59+s3+$0x0], $0xffff  }
0x270: {  	[tilespmem:s10+$0x1CE70] =	vst v2  }
0x271: {  	[tilespmem:s21+$0x1CE70] =	vst v1  }
0x272: {  	[tilespmem:s2+$0x1CE60] =	vst v60  }
0x273: {  	[tilespmem:s0+$0x1CE70] =	vst v62;
	v0 =	vld.idx.msk [tilespmem:v61+s3+$0x0], $0xffff  }
0x274: {  	[tilespmem:s31+$0x1CE70] =	vst v63  }
0x275: {  	s0 =	sld [smem:$0x7E8];
	_ =	sdelay $0x1  }
0x276: {  	s26 =	simm.s32 @!p5 $0x80  }
0x277: {  	s29 =	simm.s32 @!p5 $0x400;
	s0 =	sadd.s32 @!p5 s9, s0;
	[tilespmem:s2+$0x1CE70] =	vst v0;
	s2 =	simm.s32 @!p5 $0x1CE00  }
0x278: {  	[hbm4b:s0+s26] =	stream.strided.scatter @!p5 [tilespmem:s2], [sflag:$0x6], $0x2000, s29, s26, $0x38;
	[tilespmem:$0x1EE00] =	vst v63  }
0x279: {  	s0 =	sld [smem:$0x7E9];
	_ =	sdelay $0x1  }
0x27a: {  	s24 =	simm.s32 @p4 $0x80;
	s28 =	simm.s32 @p4 $0x400  }
0x27b: {  	s2 =	simm.s32 @p4 $0x1CE00;
	s9 =	sld [smem:$0x7BD];
	s0 =	sadd.s32 @p4 s8, s0  }
0x27c: {  	[hbm4b:s0+s24] =	stream.strided.scatter @p4 [tilespmem:s2], [sflag:$0x6], $0x2000, s28, s24, $0x38;
	[tilespmem:$0x1EE00] =	vst v63  }
0x27d: {  	s0 =	sld [smem:$0x7EA]  }
0x27e: {  	p1 =	seq.s32 s9, $0x1  }
0x27f: {  	s10 =	sld [smem:$0x7BB];
	s31 =	simm.s32 @p1 $0x80  }
0x280: {  	s25 =	simm.s32 @p1 $0x400;
	s2 =	simm.s32 @p1 $0x1CE00;
	s0 =	sadd.s32 @p1 s12, s0  }
0x281: {  	[hbm4b:s0+s31] =	stream.strided.scatter @p1 [tilespmem:s2], [sflag:$0x6], $0x2000, s25, s31, $0x38;
	[tilespmem:$0x1EE00] =	vst v63  }
0x282: {  	s0 =	sld [smem:$0x7EB]  }
0x283: {  	p4 =	seq.s32 s10, $0x1  }
0x284: {  	s21 =	simm.s32 @p4 $0x80;
	s23 =	simm.s32 @p4 $0x400  }
0x285: {  	s12 =	sld [smem:$0x7C2];
	s2 =	simm.s32 @p4 $0x1CE00;
	s0 =	sadd.s32 @p4 s11, s0  }
0x286: {  	[hbm4b:s0+s21] =	stream.strided.scatter @p4 [tilespmem:s2], [sflag:$0x6], $0x2000, s23, s21, $0x38;
	[tilespmem:$0x1EE00] =	vst v63  }
0x287: {  	s0 =	sld [smem:$0x7EC]  }
0x288: {  	p0 =	seq.s32 s12, $0x1  }
0x289: {  	s12 =	simm.s32 @p0 $0x80;
	s22 =	simm.s32 @p0 $0x400  }
0x28a: {  	s2 =	simm.s32 @p0 $0x1CE00;
	s0 =	sadd.s32 @p0 s16, s0;
	s16 =	sld [smem:$0x7C1]  }
0x28b: {  	[hbm4b:s0+s12] =	stream.strided.scatter @p0 [tilespmem:s2], [sflag:$0x6], $0x2000, s22, s12, $0x38;
	[tilespmem:$0x1EE00] =	vst v63  }
0x28c: {  	s0 =	sld [smem:$0x7ED];
	_ =	sdelay $0x1  }
0x28d: {  	p2 =	seq.s32 s16, $0x1  }
0x28e: {  	s0 =	sadd.s32 @p2 s17, s0;
	s10 =	simm.s32 @p2 $0x80  }
0x28f: {  	s16 =	simm.s32 @p2 $0x400;
	s2 =	simm.s32 @p2 $0x1CE00;
	s17 =	sld [smem:$0x7BE]  }
0x290: {  	[hbm4b:s0+s10] =	stream.strided.scatter @p2 [tilespmem:s2], [sflag:$0x6], $0x2000, s16, s10, $0x38;
	[tilespmem:$0x1EE00] =	vst v63  }
0x291: {  	s0 =	sld [smem:$0x7EE];
	_ =	sdelay $0x1  }
0x292: {  	p6 =	seq.s32 s17, $0x1  }
0x293: {  	s0 =	sadd.s32 @p6 s18, s0;
	s8 =	simm.s32 @p6 $0x80  }
0x294: {  	s11 =	simm.s32 @p6 $0x400;
	s2 =	simm.s32 @p6 $0x1CE00;
	s18 =	sld [smem:$0x7C0]  }
0x295: {  	[hbm4b:s0+s8] =	stream.strided.scatter @p6 [tilespmem:s2], [sflag:$0x6], $0x2000, s11, s8, $0x38;
	[tilespmem:$0x1EE00] =	vst v63  }
0x296: {  	s0 =	sld [smem:$0x7EF];
	_ =	sdelay $0x1  }
0x297: {  	p3 =	seq.s32 s18, $0x1  }
0x298: {  	s0 =	sadd.s32 @p3 s19, s0  }
0x299: {  	s2 =	simm.s32 @p3 $0x80;
	s9 =	simm.s32 @p3 $0x400;
	s17 =	simm.s32 @p3 $0x1CE00  }
0x29a: {  	[hbm4b:s0+s2] =	stream.strided.scatter @p3 [tilespmem:s17], [sflag:$0x6], $0x2000, s9, s2, $0x38;
	[tilespmem:$0x1EE00] =	vst v63  }
0x29b: {  	p3 =	seq.s32 s20, $0xC  }
.Ltmp14:
0x29c: {  	_ = 	snop;
	(pc) =	sbr.rel @!p3 .LBB2_21-.Ltmp14, $1  }
0x29d: {  	_ =	sdelay $0x3  }
0x29e: {  	s0 =	simm.s32 $0x2  }
0x29f: {  	_ =	swait.ge [sflag:s0], $0x9600  }
.Ltmp15:
0x2a0: {  	[sflag:s0] =	ssyncset.done $0x0;
	(pc) =	sbr.rel .LBB2_37-.Ltmp15, $4  }
0x2a1: {  	s22 =	smov.u32 s1;
	s23 =	smov.u32 s13;
	[sflag:s0] =	ssyncadd.s32 $0xFFFF6A00  }
0x2a2: {  	s24 =	smov.u32 s14;
	s25 =	smov.u32 s15;
	_ =	swait.ge [sflag:s0], $0x80  }
0x2a3: {  	s26 =	smov.u32 s5;
	s28 =	smov.u32 s4;
	[sflag:s0] =	ssyncset.done $0x0  }
0x2a4: {  	s29 =	smov.u32 s30;
	s21 =	sld [smem:$0x7FD];
	[sflag:s0] =	ssyncadd.s32 $0xFFFFFF80  }
.LBB2_21:
0x2a5: {  	s0 =	sadd.s32 $0x2, s6  }
0x2a6: {  	s6 =	smul.u32 $0x963E, s0;
	_ =	sdelay $0x1  }
0x2a7: {  	s17 =	rddreg [dreg:$0xc];
	s6 =	sand.u32 $0x3FFF80, s6  }
0x2a8: {  	s18 =	simm.s32 @!p5 $0x0;
	s17 =	sadd.s32 @!p5 s6, s17  }
0x2a9: {  	[tilespmem:s18], [sflag:$0x1] =	stream.strided.gather @!p5 [hbm4b:s17+s26], $0x9600, s29, s26, $0x38;
	[tilespmem:$0x1EE00] =	vst v63  }
0x2aa: {  	s17 =	rddreg [dreg:$0x14]  }
0x2ab: {  	s18 =	simm.s32 @!p5 $0x9600;
	s17 =	sadd.s32 @!p5 s17, s6  }
0x2ac: {  	[tilespmem:s18], [sflag:$0x1] =	stream.strided.gather @!p5 [hbm4b:s17+s26], $0x100, s29, s26, $0x38;
	[tilespmem:$0x1EE00] =	vst v63  }
0x2ad: {  	s29 =	sld [smem:$0x7BC];
	_ =	sdelay $0x2  }
0x2ae: {  	s17 =	rddreg [dreg:$0xb];
	p3 =	seq.s32 s29, $0x1  }
0x2af: {  	s17 =	sadd.s32 @p3 s6, s17;
	s18 =	simm.s32 @p3 $0x0  }
0x2b0: {  	[tilespmem:s18], [sflag:$0x1] =	stream.strided.gather @p3 [hbm4b:s17+s24], $0x9600, s28, s24, $0x38;
	[tilespmem:$0x1EE00] =	vst v63  }
0x2b1: {  	s17 =	rddreg [dreg:$0xd]  }
0x2b2: {  	s18 =	simm.s32 @p3 $0x9600;
	s17 =	sadd.s32 @p3 s17, s6  }
0x2b3: {  	[tilespmem:s18], [sflag:$0x1] =	stream.strided.gather @p3 [hbm4b:s17+s24], $0x100, s28, s24, $0x38;
	[tilespmem:$0x1EE00] =	vst v63  }
0x2b4: {  	s17 =	rddreg [dreg:$0xa]  }
0x2b5: {  	s18 =	simm.s32 @p1 $0x0;
	s17 =	sadd.s32 @p1 s6, s17  }
0x2b6: {  	[tilespmem:s18], [sflag:$0x1] =	stream.strided.gather @p1 [hbm4b:s17+s31], $0x9600, s25, s31, $0x38;
	[tilespmem:$0x1EE00] =	vst v63  }
0x2b7: {  	s17 =	rddreg [dreg:$0xe]  }
0x2b8: {  	s18 =	simm.s32 @p1 $0x9600;
	s17 =	sadd.s32 @p1 s17, s6  }
0x2b9: {  	[tilespmem:s18], [sflag:$0x1] =	stream.strided.gather @p1 [hbm4b:s17+s31], $0x100, s25, s31, $0x38;
	[tilespmem:$0x1EE00] =	vst v63  }
0x2ba: {  	s17 =	rddreg [dreg:$0x9]  }
0x2bb: {  	s18 =	simm.s32 @p4 $0x0;
	s17 =	sadd.s32 @p4 s6, s17  }
0x2bc: {  	[tilespmem:s18], [sflag:$0x1] =	stream.strided.gather @p4 [hbm4b:s17+s21], $0x9600, s23, s21, $0x38;
	[tilespmem:$0x1EE00] =	vst v63  }
0x2bd: {  	s17 =	rddreg [dreg:$0xf]  }
0x2be: {  	s18 =	simm.s32 @p4 $0x9600;
	s17 =	sadd.s32 @p4 s17, s6  }
0x2bf: {  	[tilespmem:s18], [sflag:$0x1] =	stream.strided.gather @p4 [hbm4b:s17+s21], $0x100, s23, s21, $0x38;
	[tilespmem:$0x1EE00] =	vst v63  }
0x2c0: {  	s17 =	rddreg [dreg:$0x8]  }
0x2c1: {  	s18 =	simm.s32 @p0 $0x0;
	s17 =	sadd.s32 @p0 s6, s17  }
0x2c2: {  	[tilespmem:s18], [sflag:$0x1] =	stream.strided.gather @p0 [hbm4b:s17+s12], $0x9600, s22, s12, $0x38;
	[tilespmem:$0x1EE00] =	vst v63  }
0x2c3: {  	s17 =	rddreg [dreg:$0x10]  }
0x2c4: {  	s18 =	simm.s32 @p0 $0x9600;
	s17 =	sadd.s32 @p0 s17, s6  }
0x2c5: {  	[tilespmem:s18], [sflag:$0x1] =	stream.strided.gather @p0 [hbm4b:s17+s12], $0x100, s22, s12, $0x38;
	[tilespmem:$0x1EE00] =	vst v63  }
0x2c6: {  	s12 =	rddreg [dreg:$0x7]  }
0x2c7: {  	s17 =	simm.s32 @p2 $0x0;
	s12 =	sadd.s32 @p2 s6, s12  }
0x2c8: {  	[tilespmem:s17], [sflag:$0x1] =	stream.strided.gather @p2 [hbm4b:s12+s10], $0x9600, s16, s10, $0x38;
	[tilespmem:$0x1EE00] =	vst v63  }
0x2c9: {  	s12 =	rddreg [dreg:$0x11]  }
0x2ca: {  	s17 =	simm.s32 @p2 $0x9600;
	s12 =	sadd.s32 @p2 s12, s6  }
0x2cb: {  	[tilespmem:s17], [sflag:$0x1] =	stream.strided.gather @p2 [hbm4b:s12+s10], $0x100, s16, s10, $0x38;
	[tilespmem:$0x1EE00] =	vst v63  }
0x2cc: {  	s10 =	rddreg [dreg:$0x6]  }
0x2cd: {  	s31 =	sld [smem:$0x7C0];
	s12 =	simm.s32 @p6 $0x0;
	s10 =	sadd.s32 @p6 s6, s10  }
0x2ce: {  	[tilespmem:s12], [sflag:$0x1] =	stream.strided.gather @p6 [hbm4b:s10+s8], $0x9600, s11, s8, $0x38;
	[tilespmem:$0x1EE00] =	vst v63  }
0x2cf: {  	s10 =	rddreg [dreg:$0x12]  }
0x2d0: {  	s12 =	simm.s32 @p6 $0x9600;
	s10 =	sadd.s32 @p6 s10, s6  }
0x2d1: {  	[tilespmem:s12], [sflag:$0x1] =	stream.strided.gather @p6 [hbm4b:s10+s8], $0x100, s11, s8, $0x38;
	[tilespmem:$0x1EE00] =	vst v63  }
0x2d2: {  	p3 =	sgt.s32 s0, $0xD;
	p1 =	seq.s32 s31, $0x1;
	s8 =	rddreg [dreg:$0x5]  }
.Ltmp16:
0x2d3: {  	s10 =	simm.s32 @p1 $0x0;
	s8 =	sadd.s32 @p1 s6, s8;
	(pc) =	sbr.rel @p3 .LBB2_27-.Ltmp16, $4  }
0x2d4: {  	[tilespmem:s10], [sflag:$0x1] =	stream.strided.gather @p1 [hbm4b:s8+s2], $0x9600, s9, s2, $0x38;
	[tilespmem:$0x1EE00] =	vst v63  }
0x2d5: {  	s8 =	rddreg [dreg:$0x13]  }
0x2d6: {  	s6 =	sadd.s32 @p1 s8, s6;
	s8 =	simm.s32 @p1 $0x9600  }
0x2d7: {  	[tilespmem:s8], [sflag:$0x1] =	stream.strided.gather @p1 [hbm4b:s6+s2], $0x100, s9, s2, $0x38;
	[tilespmem:$0x1EE00] =	vst v63  }
0x2d8: {  	p3 =	sgt.s32 s0, $0x7  }
.Ltmp17:
0x2d9: {  	_ = 	snop;
	(pc) =	sbr.rel @p3 .LBB2_25-.Ltmp17, $3  }
0x2da: {  	_ =	sdelay $0x1  }
0x2db: {  	s23 =	smov.u32 s13;
	s24 =	smov.u32 s14;
	s25 =	smov.u32 s15  }
0x2dc: {  	s26 =	smov.u32 s5;
	s28 =	smov.u32 s4;
	s29 =	smov.u32 s30  }
0x2dd: {  	p3 =	seq.s32 s0, $0x2  }
0x2de: {  	p4 =	seq.s32 @!p3 s0, $0x4  }
0x2df: {  	p5 =	por p3, p4  }
0x2e0: {  	p4 =	seq.s32 @!p5 s0, $0x6  }
0x2e1: {  	p4 =	por p5, p4  }
.Ltmp18:
0x2e2: {  	_ = 	snop;
	(pc) =	sbr.rel @!p4 .LBB2_35-.Ltmp18, $2  }
0x2e3: {  	_ =	sdelay $0x2  }
0x2e4: {  	s21 =	sld [smem:$0x7FD];
	s22 =	smov.u32 s1  }
0x2e5: {  	s2 =	sld [smem:$0x7F7]  }
0x2e6: {  	s0 =	sld [smem:$0x7F9];
	_ =	sdelay $0x1  }
.Ltmp19:
0x2e7: {  	_ = 	snop;
	(pc) =	sbr.rel .LBB2_34-.Ltmp19, $2  }
0x2e8: {  	s2 =	smov.u32 @p3 s0;
	s0 =	sld [smem:$0x7F5];
	_ =	sdelay $0x2  }
0x2e9: {  	s0 =	smov.u32 @p5 s2  }
.LBB2_27:
0x2ea: {  	p3 =	sgt.s32 s0, $0x13  }
.Ltmp20:
0x2eb: {  	_ = 	snop;
	(pc) =	sbr.rel @p3 .LBB2_30-.Ltmp20, $3  }
0x2ec: {  	_ =	sdelay $0x1  }
0x2ed: {  	s23 =	smov.u32 s13;
	s24 =	smov.u32 s14;
	s25 =	smov.u32 s15  }
0x2ee: {  	s26 =	smov.u32 s5;
	s28 =	smov.u32 s4;
	s29 =	smov.u32 s30  }
0x2ef: {  	p3 =	seq.s32 s0, $0xE  }
0x2f0: {  	p4 =	seq.s32 @!p3 s0, $0x10  }
0x2f1: {  	p5 =	por p3, p4  }
0x2f2: {  	p4 =	seq.s32 @!p5 s0, $0x12  }
0x2f3: {  	p4 =	por p5, p4  }
.Ltmp21:
0x2f4: {  	_ = 	snop;
	(pc) =	sbr.rel @!p4 .LBB2_35-.Ltmp21, $2  }
0x2f5: {  	_ =	sdelay $0x2  }
0x2f6: {  	s21 =	sld [smem:$0x7FD];
	s22 =	smov.u32 s1  }
0x2f7: {  	s2 =	sld [smem:$0x7F0]  }
0x2f8: {  	s0 =	sld [smem:$0x7F4];
	_ =	sdelay $0x1  }
.Ltmp22:
0x2f9: {  	_ = 	snop;
	(pc) =	sbr.rel .LBB2_34-.Ltmp22, $2  }
0x2fa: {  	s2 =	smov.u32 @p3 s0;
	s0 =	sld [smem:$0x7F8];
	_ =	sdelay $0x2  }
0x2fb: {  	s0 =	smov.u32 @p5 s2  }
.LBB2_25:
0x2fc: {  	p3 =	seq.s32 s0, $0x8  }
0x2fd: {  	p4 =	seq.s32 @!p3 s0, $0xA  }
0x2fe: {  	p5 =	por p3, p4  }
0x2ff: {  	p4 =	seq.s32 @!p5 s0, $0xC  }
0x300: {  	p4 =	por p5, p4  }
.Ltmp23:
0x301: {  	_ = 	snop;
	(pc) =	sbr.rel @!p4 .LBB2_35-.Ltmp23, $2  }
0x302: {  	_ =	sdelay $0x2  }
0x303: {  	s21 =	sld [smem:$0x7FD];
	s22 =	smov.u32 s1  }
0x304: {  	s2 =	sld [smem:$0x7F1]  }
0x305: {  	s0 =	sld [smem:$0x7F3];
	_ =	sdelay $0x1  }
.Ltmp24:
0x306: {  	_ = 	snop;
	(pc) =	sbr.rel .LBB2_34-.Ltmp24, $2  }
0x307: {  	s2 =	smov.u32 @p3 s0;
	s0 =	sld [smem:$0x7FB];
	_ =	sdelay $0x2  }
0x308: {  	s0 =	smov.u32 @p5 s2  }
.LBB2_30:
0x309: {  	p3 =	seq.s32 s0, $0x14  }
0x30a: {  	p4 =	seq.s32 @!p3 s0, $0x16  }
0x30b: {  	p4 =	por p3, p4  }
.Ltmp25:
0x30c: {  	_ = 	snop;
	(pc) =	sbr.rel @p4 .LBB2_31-.Ltmp25, $2  }
0x30d: {  	_ =	sdelay $0x2  }
0x30e: {  	s21 =	sld [smem:$0x7FD];
	s22 =	smov.u32 s1  }
0x30f: {  	p3 =	seq.s32 s0, $0x18  }
.Ltmp26:
0x310: {  	_ = 	snop;
	(pc) =	sbr.rel @!p3 .LBB2_35-.Ltmp26, $1  }
0x311: {  	_ =	sdelay $0x3  }
.Ltmp27:
0x312: {  	(pc) =	sbr.rel .LBB2_34-.Ltmp27, $2  }
0x313: {  	_ =	sdelay $0x2  }
0x314: {  	s0 =	sld [smem:$0x7FA]  }
.LBB2_31:
0x315: {  	s0 =	sld [smem:$0x7F6]  }
0x316: {  	s1 =	sld [smem:$0x7F2];
	_ =	sdelay $0x2  }
0x317: {  	s0 =	smov.u32 @p3 s1  }
.LBB2_34:
0x318: {  	_ = 	snop  }
0x319: {  	s1 =	simm.s32 $0x80;
	s2 =	simm.s32 $0x400;
	s4 =	simm.s32 $0x12E00  }
0x31a: {  	[tilespmem:s4], [sflag:$0x3] =	stream.strided.gather [hbm4b:s0+s1], $0x4000, s2, s1, $0x38;
	[tilespmem:$0x1EE00] =	vst v63  }
.LBB2_35:
0x31b: {  	s0 =	simm.s32 $0x2  }
0x31c: {  	_ =	swait.ge [sflag:s0], $0x9600  }
0x31d: {  	[sflag:s0] =	ssyncset.done $0x0  }
0x31e: {  	[sflag:s0] =	ssyncadd.s32 $0xFFFF6A00  }
0x31f: {  	_ =	swait.ge [sflag:s0], $0x100  }
0x320: {  	s30 =	sld [smem:$0x7FC]  }
0x321: {  	s31 =	sld [smem:$0x7BE];
	_ =	sdelay $0x1  }
0x322: {  	[sflag:s0] =	ssyncset.done $0x0  }
0x323: {  	[sflag:s0] =	ssyncadd.s32 $0xFFFFFF00;
	p5 =	seq.s32 s30, $0x1;
	p6 =	seq.s32 s31, $0x1  }
.LBB2_37:
0x324: {  	s0 =	simm.s32 $0x4  }
0x325: {  	_ =	swait.ge [sflag:s0], $0x4000  }
0x326: {  	[sflag:s0] =	ssyncset.done $0x0  }
0x327: {  	s30 =	simm.s32 $0x5;
	[sflag:s0] =	ssyncadd.s32 $0xFFFFC000  }
0x328: {  	_ =	swait.ge [sflag:s30], $0x2000  }
0x329: {  	[sflag:s30] =	ssyncset.done $0x0  }
0x32a: {  	s6 =	simm.s32 $0x0;
	[sflag:s30] =	ssyncadd.s32 $0xFFFFE000  }
0x32b: {  	s31 =	sld [smem:$0x7B4];
	v1 =	vld [tilespmem:s6+$0x16E00];
	_ =	sdelay $0x2  }
0x32c: {  	s0 =	sor.u32 $0x9700, s31  }
0x32d: {  	v0 =	vmov s0  }
0x32e: {  	v1 =	vadd.s32 v0, v1  }
0x32f: {  	v2 =	vld [tilespmem:s6+$0x16E10];
	_ =	sdelay $0x3  }
0x330: {  	v1 =	vld.idx.msk [tilespmem:v1+s3+$0x0], $0xffff  }
0x331: {  	v2 =	vadd.s32 v0, v2  }
0x332: {  	s4 =	simm.s32 $0x80;
	v3 =	vld [tilespmem:s6+$0x16E20]  }
0x333: {  	v4 =	vld [tilespmem:s4+$0x16E00];
	_ =	sdelay $0x1  }
0x334: {  	[tilespmem:s6+$0x1AE00] =	vst v1  }
0x335: {  	v1 =	vld.idx.msk [tilespmem:v2+s3+$0x0], $0xffff  }
0x336: {  	v2 =	vadd.s32 v0, v3  }
0x337: {  	v3 =	vadd.s32 v0, v4;
	v4 =	vld [tilespmem:s6+$0x16E30];
	_ =	sdelay $0x1  }
0x338: {  	v5 =	vld [tilespmem:s4+$0x16E10]  }
0x339: {  	[tilespmem:s6+$0x1AE10] =	vst v1  }
0x33a: {  	v1 =	vld.idx.msk [tilespmem:v2+s3+$0x0], $0xffff  }
0x33b: {  	v2 =	vld.idx.msk [tilespmem:v3+s3+$0x0], $0xffff;
	v3 =	vadd.s32 v0, v4;
	_ =	sdelay $0x1  }
0x33c: {  	v5 =	vadd.s32 v0, v5;
	v4 =	vld [tilespmem:s6+$0x16E40];
	_ =	sdelay $0x1  }
0x33d: {  	v6 =	vld [tilespmem:s4+$0x16E20];
	[tilespmem:s6+$0x1AE20] =	vst v1  }
0x33e: {  	s0 =	simm.s32 $0x100;
	v1 =	vld.idx.msk [tilespmem:v3+s3+$0x0], $0xffff  }
0x33f: {  	[tilespmem:s4+$0x1AE00] =	vst v2;
	v3 =	vld [tilespmem:s0+$0x16E00]  }
0x340: {  	v2 =	vadd.s32 v0, v4;
	v4 =	vld.idx.msk [tilespmem:v5+s3+$0x0], $0xffff  }
0x341: {  	v5 =	vld [tilespmem:s6+$0x16E50];
	_ =	sdelay $0x1  }
0x342: {  	v6 =	vadd.s32 v0, v6  }
0x343: {  	v8 =	vld [tilespmem:s4+$0x16E30];
	[tilespmem:s6+$0x1AE30] =	vst v1  }
0x344: {  	v1 =	vadd.s32 v0, v3;
	v2 =	vld.idx.msk [tilespmem:v2+s3+$0x0], $0xffff  }
0x345: {  	v3 =	vld [tilespmem:s0+$0x16E10];
	[tilespmem:s4+$0x1AE10] =	vst v4;
	v4 =	vadd.s32 v0, v5  }
0x346: {  	v9 =	vld [tilespmem:s4+$0x16E40]  }
0x347: {  	v5 =	vld.idx.msk [tilespmem:v6+s3+$0x0], $0xffff  }
0x348: {  	v8 =	vadd.s32 v0, v8;
	v6 =	vld [tilespmem:s6+$0x16E60]  }
0x349: {  	v1 =	vld.idx.msk [tilespmem:v1+s3+$0x0], $0xffff;
	[tilespmem:s6+$0x1AE40] =	vst v2  }
0x34a: {  	v3 =	vadd.s32 v0, v3;
	v2 =	vld.idx.msk [tilespmem:v4+s3+$0x0], $0xffff  }
0x34b: {  	v4 =	vld [tilespmem:s0+$0x16E20]  }
0x34c: {  	[tilespmem:s4+$0x1AE20] =	vst v5  }
0x34d: {  	s8 =	simm.s32 $0x180;
	v6 =	vadd.s32 v0, v6;
	v5 =	vld.idx.msk [tilespmem:v8+s3+$0x0], $0xffff  }
0x34e: {  	v8 =	vld [tilespmem:s8+$0x16E00];
	[tilespmem:s0+$0x1AE00] =	vst v1  }
0x34f: {  	v9 =	vadd.s32 v0, v9;
	v3 =	vld.idx.msk [tilespmem:v3+s3+$0x0], $0xffff  }
0x350: {  	v7 =	vld [tilespmem:s6+$0x16E70];
	v4 =	vadd.s32 v0, v4  }
0x351: {  	v10 =	vld [tilespmem:s4+$0x16E50];
	[tilespmem:s6+$0x1AE50] =	vst v2  }
0x352: {  	v2 =	vld.idx.msk [tilespmem:v6+s3+$0x0], $0xffff  }
0x353: {  	[tilespmem:s4+$0x1AE30] =	vst v5;
	v6 =	vadd.s32 v0, v8;
	v8 =	vld [tilespmem:s0+$0x16E30]  }
0x354: {  	v5 =	vld.idx.msk [tilespmem:v9+s3+$0x0], $0xffff;
	[tilespmem:s0+$0x1AE10] =	vst v3  }
0x355: {  	v4 =	vld.idx.msk [tilespmem:v4+s3+$0x0], $0xffff  }
0x356: {  	v11 =	vld [tilespmem:s8+$0x16E10];
	v9 =	vadd.s32 v0, v7  }
0x357: {  	v1 =	vld [tilespmem:s4+$0x16E70]  }
0x358: {  	v3 =	vadd.s32 v0, v10;
	v10 =	vld [tilespmem:s4+$0x16E60];
	[tilespmem:s6+$0x1AE60] =	vst v2  }
0x359: {  	v7 =	vld.idx.msk [tilespmem:v6+s3+$0x0], $0xffff;
	v12 =	vadd.s32 v0, v8;
	[tilespmem:s4+$0x1AE40] =	vst v5  }
0x35a: {  	v6 =	vld [tilespmem:s0+$0x16E40];
	[tilespmem:s0+$0x1AE20] =	vst v4  }
0x35b: {  	v2 =	vld.idx.msk [tilespmem:v9+s3+$0x0], $0xffff;
	v9 =	vadd.s32 v0, v11;
	s1 =	sld [smem:$0x7BC]  }
0x35c: {  	v8 =	vld [tilespmem:s8+$0x16E20]  }
0x35d: {  	v3 =	vld.idx.msk [tilespmem:v3+s3+$0x0], $0xffff  }
0x35e: {  	s9 =	simm.s32 $0x200;
	s2 =	simm.s32 $0xA00;
	v4 =	vadd.s32 v0, v10;
	v5 =	vld.idx.msk [tilespmem:v12+s3+$0x0], $0xffff;
	p4 =	seq.s32 s1, $0x1  }
.LBB2_38:
0x35f: {  	p3 =	sne.s32 s2, $0x7E00;
	v10 =	vld [tilespmem:s9+$0x16E00];
	[tilespmem:s8+$0x1AE00] =	vst v7  }
0x360: {  	v7 =	vld.idx.msk [tilespmem:v9+s3+$0x0], $0xffff;
	v6 =	vadd.s32 v0, v6;
	[tilespmem:s6+$0x1AE70] =	vst v2;
	s6 =	smov.u32 s4;
	s4 =	smov.u32 s0;
	s0 =	smov.u32 s8  }
0x361: {  	s8 =	smov.u32 s9;
	v2 =	vld [tilespmem:s4+$0x16E70]  }
0x362: {  	v8 =	vadd.s32 v0, v8;
	v9 =	vld [tilespmem:s4+$0x16E50];
	[tilespmem:s6+$0x1AE50] =	vst v3  }
0x363: {  	v3 =	vld.idx.msk [tilespmem:v4+s3+$0x0], $0xffff  }
0x364: {  	v4 =	vadd.s32 v0, v10;
	v10 =	vld [tilespmem:s0+$0x16E30];
	[tilespmem:s4+$0x1AE30] =	vst v5  }
0x365: {  	v5 =	vld.idx.msk [tilespmem:v6+s3+$0x0], $0xffff;
	v6 =	vadd.s32 v0, v1  }
0x366: {  	v11 =	vld [tilespmem:s8+$0x16E10];
	[tilespmem:s0+$0x1AE10] =	vst v7;
	v1 =	vmov v2  }
0x367: {  	v12 =	vld.idx.msk [tilespmem:v8+s3+$0x0], $0xffff;
	v8 =	vadd.s32 v0, v9  }
0x368: {  	v13 =	vld [tilespmem:s4+$0x16E60]  }
0x369: {  	v7 =	vld.idx.msk [tilespmem:v4+s3+$0x0], $0xffff;
	v4 =	vadd.s32 v0, v10;
	[tilespmem:s6+$0x1AE60] =	vst v3  }
.Ltmp28:
0x36a: {  	v2 =	vld.idx.msk [tilespmem:v6+s3+$0x0], $0xffff;
	(pc) =	sbr.rel @p3 .LBB2_38-.Ltmp28, $4  }
0x36b: {  	v9 =	vadd.s32 v0, v11;
	v6 =	vld [tilespmem:s0+$0x16E40];
	[tilespmem:s4+$0x1AE40] =	vst v5  }
0x36c: {  	v3 =	vld.idx.msk [tilespmem:v8+s3+$0x0], $0xffff  }
0x36d: {  	v8 =	vld [tilespmem:s8+$0x16E20];
	[tilespmem:s0+$0x1AE20] =	vst v12  }
0x36e: {  	s9 =	sshra.s32 s2, $0x2;
	s2 =	sadd.s32 $0x200, s2;
	v5 =	vld.idx.msk [tilespmem:v4+s3+$0x0], $0xffff;
	v4 =	vadd.s32 v0, v13  }
0x36f: {  	v10 =	vld [tilespmem:s9+$0x16E00];
	_ =	sdelay $0x4  }
0x370: {  	v10 =	vadd.s32 v0, v10  }
0x371: {  	v11 =	vld [tilespmem:s9+$0x16E10];
	_ =	sdelay $0x3  }
0x372: {  	v10 =	vld.idx.msk [tilespmem:v10+s3+$0x0], $0xffff  }
0x373: {  	v11 =	vadd.s32 v0, v11  }
0x374: {  	v12 =	vld [tilespmem:s9+$0x16E20];
	_ =	sdelay $0x1  }
0x375: {  	[tilespmem:s8+$0x1AE00] =	vst v7  }
0x376: {  	v7 =	vld.idx.msk [tilespmem:v9+s3+$0x0], $0xffff;
	[tilespmem:s9+$0x1AE00] =	vst v10  }
0x377: {  	v8 =	vadd.s32 v0, v8;
	v9 =	vld.idx.msk [tilespmem:v11+s3+$0x0], $0xffff  }
0x378: {  	v10 =	vld [tilespmem:s8+$0x16E30];
	v11 =	vadd.s32 v0, v12  }
0x379: {  	v61 =	vld [tilespmem:s9+$0x16E30];
	_ =	sdelay $0x1  }
0x37a: {  	[tilespmem:s8+$0x1AE10] =	vst v7  }
0x37b: {  	v7 =	vld.idx.msk [tilespmem:v8+s3+$0x0], $0xffff;
	[tilespmem:s9+$0x1AE10] =	vst v9  }
0x37c: {  	v8 =	vadd.s32 v0, v10;
	v9 =	vld.idx.msk [tilespmem:v11+s3+$0x0], $0xffff  }
0x37d: {  	v10 =	vld [tilespmem:s8+$0x16E40];
	v11 =	vadd.s32 v0, v61  }
0x37e: {  	[tilespmem:s0+$0x1AE30] =	vst v5;
	v5 =	vld [tilespmem:s9+$0x16E40];
	_ =	sdelay $0x1  }
0x37f: {  	v14 =	vld [tilespmem:s0+$0x16E50];
	[tilespmem:s8+$0x1AE20] =	vst v7  }
0x380: {  	v6 =	vadd.s32 v0, v6;
	v7 =	vld.idx.msk [tilespmem:v8+s3+$0x0], $0xffff;
	[tilespmem:s9+$0x1AE20] =	vst v9  }
0x381: {  	v8 =	vadd.s32 v0, v10;
	v9 =	vld.idx.msk [tilespmem:v11+s3+$0x0], $0xffff  }
0x382: {  	v5 =	vadd.s32 v0, v5;
	v10 =	vld [tilespmem:s8+$0x16E50]  }
0x383: {  	v11 =	vld [tilespmem:s9+$0x16E50]  }
0x384: {  	v62 =	vld [tilespmem:s0+$0x16E60]  }
0x385: {  	v6 =	vld.idx.msk [tilespmem:v6+s3+$0x0], $0xffff;
	[tilespmem:s8+$0x1AE30] =	vst v7  }
0x386: {  	v14 =	vadd.s32 v0, v14;
	v8 =	vld.idx.msk [tilespmem:v8+s3+$0x0], $0xffff;
	[tilespmem:s9+$0x1AE30] =	vst v9  }
0x387: {  	v9 =	vadd.s32 v0, v10;
	v5 =	vld.idx.msk [tilespmem:v5+s3+$0x0], $0xffff  }
0x388: {  	v10 =	vld [tilespmem:s8+$0x16E60];
	v11 =	vadd.s32 v0, v11  }
0x389: {  	v16 =	vld [tilespmem:s9+$0x16E60]  }
0x38a: {  	v13 =	vld [tilespmem:s0+$0x16E70];
	[tilespmem:s0+$0x1AE40] =	vst v6  }
0x38b: {  	v6 =	vld.idx.msk [tilespmem:v14+s3+$0x0], $0xffff;
	[tilespmem:s8+$0x1AE40] =	vst v8  }
0x38c: {  	v8 =	vld.idx.msk [tilespmem:v9+s3+$0x0], $0xffff;
	[tilespmem:s9+$0x1AE40] =	vst v5;
	v5 =	vadd.s32 v0, v62  }
0x38d: {  	v9 =	vadd.s32 v0, v10;
	v10 =	vld.idx.msk [tilespmem:v11+s3+$0x0], $0xffff  }
0x38e: {  	v15 =	vld [tilespmem:s8+$0x16E70];
	v11 =	vadd.s32 v0, v16  }
0x38f: {  	[tilespmem:s4+$0x1AE50] =	vst v3;
	v7 =	vld [tilespmem:s9+$0x16E70]  }
0x390: {  	v3 =	vld.idx.msk [tilespmem:v4+s3+$0x0], $0xffff;
	[tilespmem:s0+$0x1AE50] =	vst v6  }
0x391: {  	v1 =	vadd.s32 v0, v1;
	[tilespmem:s8+$0x1AE50] =	vst v8;
	v4 =	vld.idx.msk [tilespmem:v5+s3+$0x0], $0xffff  }
0x392: {  	v5 =	vadd.s32 v0, v13;
	v6 =	vld.idx.msk [tilespmem:v9+s3+$0x0], $0xffff;
	[tilespmem:s9+$0x1AE50] =	vst v10  }
0x393: {  	v8 =	vadd.s32 v0, v15;
	v9 =	vld.idx.msk [tilespmem:v11+s3+$0x0], $0xffff  }
0x394: {  	v7 =	vadd.s32 v0, v7  }
0x395: {  	[tilespmem:s4+$0x1AE60] =	vst v3  }
0x396: {  	v1 =	vld.idx.msk [tilespmem:v1+s3+$0x0], $0xffff;
	[tilespmem:s0+$0x1AE60] =	vst v4  }
0x397: {  	[tilespmem:s8+$0x1AE60] =	vst v6;
	v3 =	vld.idx.msk [tilespmem:v5+s3+$0x0], $0xffff  }
0x398: {  	v4 =	vld.idx.msk [tilespmem:v8+s3+$0x0], $0xffff;
	[tilespmem:s9+$0x1AE60] =	vst v9  }
0x399: {  	v5 =	vld.idx.msk [tilespmem:v7+s3+$0x0], $0xffff  }
0x39a: {  	[tilespmem:s6+$0x1AE70] =	vst v2  }
0x39b: {  	[tilespmem:s4+$0x1AE70] =	vst v1  }
0x39c: {  	[tilespmem:s0+$0x1AE70] =	vst v3  }
0x39d: {  	s2 =	simm.s32 @!p5 $0x80;
	s4 =	sshll.u32 @!p5 s7, $0x10;
	[tilespmem:s8+$0x1AE70] =	vst v4  }
0x39e: {  	s6 =	simm.s32 @!p5 $0x400;
	s0 =	sadd.s32 @!p5 s4, s21;
	s8 =	simm.s32 @!p5 $0x1AE00;
	[tilespmem:s9+$0x1AE70] =	vst v5  }
0x39f: {  	[hbm4b:s0+s2] =	stream.strided.scatter @!p5 [tilespmem:s8], [sflag:$0x5], $0x2000, s6, s2, $0x38;
	[tilespmem:$0x1EE00] =	vst v63  }
0x3a0: {  	s9 =	simm.s32 @p4 $0x1AE00;
	s6 =	sshll.u32 @p4 s7, $0x10;
	s18 =	sld [smem:$0x7BD]  }
0x3a1: {  	s2 =	simm.s32 @p4 $0x80;
	s8 =	simm.s32 @p4 $0x400;
	s0 =	sadd.s32 @p4 s6, s22  }
0x3a2: {  	[hbm4b:s0+s2] =	stream.strided.scatter @p4 [tilespmem:s9], [sflag:$0x5], $0x2000, s8, s2, $0x38;
	[tilespmem:$0x1EE00] =	vst v63  }
0x3a3: {  	p1 =	seq.s32 s18, $0x1  }
0x3a4: {  	s19 =	sld [smem:$0x7BB];
	s8 =	sshll.u32 @p1 s7, $0x10;
	s2 =	simm.s32 @p1 $0x80  }
0x3a5: {  	s9 =	simm.s32 @p1 $0x400;
	s10 =	simm.s32 @p1 $0x1AE00;
	s0 =	sadd.s32 @p1 s8, s23  }
0x3a6: {  	[hbm4b:s0+s2] =	stream.strided.scatter @p1 [tilespmem:s10], [sflag:$0x5], $0x2000, s9, s2, $0x38;
	[tilespmem:$0x1EE00] =	vst v63  }
0x3a7: {  	p1 =	seq.s32 s19, $0x1  }
0x3a8: {  	s9 =	sshll.u32 @p1 s7, $0x10;
	s2 =	simm.s32 @p1 $0x80  }
0x3a9: {  	s10 =	simm.s32 @p1 $0x400;
	s11 =	simm.s32 @p1 $0x1AE00;
	s0 =	sadd.s32 @p1 s9, s24  }
0x3aa: {  	[hbm4b:s0+s2] =	stream.strided.scatter @p1 [tilespmem:s11], [sflag:$0x5], $0x2000, s10, s2, $0x38;
	[tilespmem:$0x1EE00] =	vst v63  }
0x3ab: {  	s12 =	simm.s32 @p0 $0x1AE00;
	s16 =	simm.s32 @p2 $0x1AE00;
	s11 =	sshll.u32 @p0 s7, $0x10  }
0x3ac: {  	s2 =	simm.s32 @p0 $0x80;
	s10 =	simm.s32 @p0 $0x400;
	s0 =	sadd.s32 @p0 s11, s25  }
0x3ad: {  	[hbm4b:s0+s2] =	stream.strided.scatter @p0 [tilespmem:s12], [sflag:$0x5], $0x2000, s10, s2, $0x38;
	[tilespmem:$0x1EE00] =	vst v63  }
0x3ae: {  	s17 =	simm.s32 @p6 $0x1AE00;
	s30 =	sld [smem:$0x7C0];
	s12 =	sshll.u32 @p2 s7, $0x10  }
0x3af: {  	s2 =	simm.s32 @p2 $0x80;
	s10 =	simm.s32 @p2 $0x400;
	s0 =	sadd.s32 @p2 s12, s26  }
0x3b0: {  	[hbm4b:s0+s2] =	stream.strided.scatter @p2 [tilespmem:s16], [sflag:$0x5], $0x2000, s10, s2, $0x38;
	[tilespmem:$0x1EE00] =	vst v63  }
0x3b1: {  	p1 =	seq.s32 s30, $0x1;
	s16 =	sshll.u32 @p6 s7, $0x10;
	s2 =	simm.s32 @p6 $0x80  }
0x3b2: {  	s10 =	simm.s32 @p6 $0x400;
	s7 =	sshll.u32 @p1 s7, $0x10;
	s0 =	sadd.s32 @p6 s16, s28  }
0x3b3: {  	[hbm4b:s0+s2] =	stream.strided.scatter @p6 [tilespmem:s17], [sflag:$0x5], $0x2000, s10, s2, $0x38;
	[tilespmem:$0x1EE00] =	vst v63  }
0x3b4: {  	s31 =	simm.s32 $0x6;
	s0 =	sadd.s32 @p1 s7, s29  }
0x3b5: {  	s2 =	simm.s32 @p1 $0x80;
	s10 =	simm.s32 @p1 $0x400;
	s17 =	simm.s32 @p1 $0x1AE00  }
0x3b6: {  	[hbm4b:s0+s2] =	stream.strided.scatter @p1 [tilespmem:s17], [sflag:$0x5], $0x2000, s10, s2, $0x38;
	[tilespmem:$0x1EE00] =	vst v63  }
0x3b7: {  	_ =	swait.ge [sflag:s31], $0x2000  }
0x3b8: {  	[sflag:s31] =	ssyncset.done $0x0  }
0x3b9: {  	s10 =	simm.s32 $0x0;
	[sflag:s31] =	ssyncadd.s32 $0xFFFFE000  }
0x3ba: {  	v1 =	vld [tilespmem:s10+$0x18E00];
	_ =	sdelay $0x4  }
0x3bb: {  	v1 =	vadd.s32 v0, v1  }
0x3bc: {  	v2 =	vld [tilespmem:s10+$0x18E10];
	_ =	sdelay $0x3  }
0x3bd: {  	v1 =	vld.idx.msk [tilespmem:v1+s3+$0x0], $0xffff  }
0x3be: {  	v2 =	vadd.s32 v0, v2  }
0x3bf: {  	s17 =	simm.s32 $0x80;
	v3 =	vld [tilespmem:s10+$0x18E20]  }
0x3c0: {  	v4 =	vld [tilespmem:s17+$0x18E00];
	_ =	sdelay $0x1  }
0x3c1: {  	[tilespmem:s10+$0x1CE00] =	vst v1  }
0x3c2: {  	v1 =	vld.idx.msk [tilespmem:v2+s3+$0x0], $0xffff  }
0x3c3: {  	v2 =	vadd.s32 v0, v3  }
0x3c4: {  	v3 =	vadd.s32 v0, v4;
	v4 =	vld [tilespmem:s10+$0x18E30];
	_ =	sdelay $0x1  }
0x3c5: {  	v5 =	vld [tilespmem:s17+$0x18E10]  }
0x3c6: {  	[tilespmem:s10+$0x1CE10] =	vst v1  }
0x3c7: {  	v1 =	vld.idx.msk [tilespmem:v2+s3+$0x0], $0xffff  }
0x3c8: {  	v2 =	vld.idx.msk [tilespmem:v3+s3+$0x0], $0xffff;
	v3 =	vadd.s32 v0, v4;
	_ =	sdelay $0x1  }
0x3c9: {  	v5 =	vadd.s32 v0, v5;
	v4 =	vld [tilespmem:s10+$0x18E40];
	_ =	sdelay $0x1  }
0x3ca: {  	v6 =	vld [tilespmem:s17+$0x18E20];
	[tilespmem:s10+$0x1CE20] =	vst v1  }
0x3cb: {  	s0 =	simm.s32 $0x100;
	v1 =	vld.idx.msk [tilespmem:v3+s3+$0x0], $0xffff  }
0x3cc: {  	[tilespmem:s17+$0x1CE00] =	vst v2;
	v3 =	vld [tilespmem:s0+$0x18E00]  }
0x3cd: {  	v2 =	vadd.s32 v0, v4;
	v4 =	vld.idx.msk [tilespmem:v5+s3+$0x0], $0xffff  }
0x3ce: {  	v5 =	vld [tilespmem:s10+$0x18E50]  }
0x3cf: {  	v6 =	vadd.s32 v0, v6  }
0x3d0: {  	v8 =	vld [tilespmem:s17+$0x18E30]  }
0x3d1: {  	v7 =	vld [tilespmem:s10+$0x18E70];
	[tilespmem:s10+$0x1CE30] =	vst v1  }
0x3d2: {  	v1 =	vadd.s32 v0, v3;
	v2 =	vld.idx.msk [tilespmem:v2+s3+$0x0], $0xffff  }
0x3d3: {  	v3 =	vld [tilespmem:s0+$0x18E10];
	[tilespmem:s17+$0x1CE10] =	vst v4;
	v4 =	vadd.s32 v0, v5  }
0x3d4: {  	v5 =	vld.idx.msk [tilespmem:v6+s3+$0x0], $0xffff  }
0x3d5: {  	v8 =	vadd.s32 v0, v8;
	v6 =	vld [tilespmem:s10+$0x18E60]  }
0x3d6: {  	v9 =	vld [tilespmem:s17+$0x18E40]  }
0x3d7: {  	v1 =	vld.idx.msk [tilespmem:v1+s3+$0x0], $0xffff;
	[tilespmem:s10+$0x1CE40] =	vst v2  }
0x3d8: {  	v2 =	vld.idx.msk [tilespmem:v4+s3+$0x0], $0xffff  }
0x3d9: {  	v3 =	vadd.s32 v0, v3;
	[tilespmem:s17+$0x1CE20] =	vst v5;
	v4 =	vld [tilespmem:s0+$0x18E20]  }
0x3da: {  	s18 =	simm.s32 $0x180;
	v6 =	vadd.s32 v0, v6;
	v5 =	vld.idx.msk [tilespmem:v8+s3+$0x0], $0xffff  }
0x3db: {  	v8 =	vld [tilespmem:s18+$0x18E00]  }
0x3dc: {  	v10 =	vld [tilespmem:s17+$0x18E50]  }
0x3dd: {  	v11 =	vld [tilespmem:s18+$0x18E10];
	v9 =	vadd.s32 v0, v9;
	[tilespmem:s0+$0x1CE00] =	vst v1  }
0x3de: {  	v3 =	vld.idx.msk [tilespmem:v3+s3+$0x0], $0xffff;
	[tilespmem:s10+$0x1CE50] =	vst v2  }
0x3df: {  	v4 =	vadd.s32 v0, v4;
	v2 =	vld.idx.msk [tilespmem:v6+s3+$0x0], $0xffff  }
0x3e0: {  	v6 =	vadd.s32 v0, v8;
	v8 =	vld [tilespmem:s0+$0x18E30]  }
0x3e1: {  	v1 =	vld [tilespmem:s17+$0x18E70];
	[tilespmem:s17+$0x1CE30] =	vst v5  }
0x3e2: {  	v5 =	vld.idx.msk [tilespmem:v9+s3+$0x0], $0xffff;
	v9 =	vadd.s32 v0, v7  }
0x3e3: {  	[tilespmem:s0+$0x1CE10] =	vst v3;
	v3 =	vadd.s32 v0, v10;
	v10 =	vld [tilespmem:s17+$0x18E60]  }
0x3e4: {  	v4 =	vld.idx.msk [tilespmem:v4+s3+$0x0], $0xffff  }
0x3e5: {  	v7 =	vld.idx.msk [tilespmem:v6+s3+$0x0], $0xffff;
	v63 =	vadd.s32 v0, v8  }
0x3e6: {  	[tilespmem:s10+$0x1CE60] =	vst v2;
	v6 =	vld [tilespmem:s0+$0x18E40]  }
0x3e7: {  	v2 =	vld.idx.msk [tilespmem:v9+s3+$0x0], $0xffff;
	v9 =	vadd.s32 v0, v11  }
0x3e8: {  	[tilespmem:s17+$0x1CE40] =	vst v5;
	v8 =	vld [tilespmem:s18+$0x18E20]  }
0x3e9: {  	v3 =	vld.idx.msk [tilespmem:v3+s3+$0x0], $0xffff;
	[tilespmem:s0+$0x1CE20] =	vst v4  }
0x3ea: {  	s19 =	simm.s32 $0xA00;
	s2 =	simm.s32 $0x200;
	v4 =	vadd.s32 v0, v10;
	v5 =	vld.idx.msk [tilespmem:v63+s3+$0x0], $0xffff  }
.LBB2_40:
0x3eb: {  	p3 =	sne.s32 s19, $0x7E00;
	v10 =	vld [tilespmem:s2+$0x18E00];
	[tilespmem:s18+$0x1CE00] =	vst v7  }
0x3ec: {  	v7 =	vld.idx.msk [tilespmem:v9+s3+$0x0], $0xffff;
	v6 =	vadd.s32 v0, v6;
	[tilespmem:s10+$0x1CE70] =	vst v2;
	s10 =	smov.u32 s17;
	s17 =	smov.u32 s0;
	s0 =	smov.u32 s18  }
0x3ed: {  	s18 =	smov.u32 s2;
	v2 =	vld [tilespmem:s17+$0x18E70]  }
0x3ee: {  	v8 =	vadd.s32 v0, v8;
	v9 =	vld [tilespmem:s17+$0x18E50];
	[tilespmem:s10+$0x1CE50] =	vst v3  }
0x3ef: {  	v3 =	vld.idx.msk [tilespmem:v4+s3+$0x0], $0xffff  }
0x3f0: {  	v4 =	vadd.s32 v0, v10;
	v10 =	vld [tilespmem:s0+$0x18E30];
	[tilespmem:s17+$0x1CE30] =	vst v5  }
0x3f1: {  	v5 =	vld.idx.msk [tilespmem:v6+s3+$0x0], $0xffff;
	v6 =	vadd.s32 v0, v1  }
0x3f2: {  	v11 =	vld [tilespmem:s18+$0x18E10];
	[tilespmem:s0+$0x1CE10] =	vst v7;
	v1 =	vmov v2  }
0x3f3: {  	v12 =	vld.idx.msk [tilespmem:v8+s3+$0x0], $0xffff;
	v8 =	vadd.s32 v0, v9  }
0x3f4: {  	v13 =	vld [tilespmem:s17+$0x18E60]  }
0x3f5: {  	v7 =	vld.idx.msk [tilespmem:v4+s3+$0x0], $0xffff;
	v4 =	vadd.s32 v0, v10;
	[tilespmem:s10+$0x1CE60] =	vst v3  }
.Ltmp29:
0x3f6: {  	v2 =	vld.idx.msk [tilespmem:v6+s3+$0x0], $0xffff;
	(pc) =	sbr.rel @p3 .LBB2_40-.Ltmp29, $4  }
0x3f7: {  	v9 =	vadd.s32 v0, v11;
	v6 =	vld [tilespmem:s0+$0x18E40];
	[tilespmem:s17+$0x1CE40] =	vst v5  }
0x3f8: {  	v3 =	vld.idx.msk [tilespmem:v8+s3+$0x0], $0xffff  }
0x3f9: {  	v8 =	vld [tilespmem:s18+$0x18E20];
	[tilespmem:s0+$0x1CE20] =	vst v12  }
0x3fa: {  	s2 =	sshra.s32 s19, $0x2;
	s19 =	sadd.s32 $0x200, s19;
	v5 =	vld.idx.msk [tilespmem:v4+s3+$0x0], $0xffff;
	v4 =	vadd.s32 v0, v13  }
0x3fb: {  	v10 =	vld [tilespmem:s2+$0x18E00];
	_ =	sdelay $0x4  }
0x3fc: {  	v10 =	vadd.s32 v0, v10  }
0x3fd: {  	v11 =	vld [tilespmem:s2+$0x18E10];
	_ =	sdelay $0x3  }
0x3fe: {  	v10 =	vld.idx.msk [tilespmem:v10+s3+$0x0], $0xffff  }
0x3ff: {  	v12 =	vld [tilespmem:s2+$0x18E20];
	[tilespmem:s18+$0x1CE00] =	vst v7;
	v11 =	vadd.s32 v0, v11  }
0x400: {  	v7 =	vld.idx.msk [tilespmem:v9+s3+$0x0], $0xffff  }
0x401: {  	v8 =	vadd.s32 v0, v8  }
0x402: {  	v38 =	vld [tilespmem:s18+$0x18E30]  }
0x403: {  	[tilespmem:s2+$0x1CE00] =	vst v10  }
0x404: {  	v37 =	vld.idx.msk [tilespmem:v11+s3+$0x0], $0xffff  }
0x405: {  	v40 =	vld [tilespmem:s2+$0x18E30];
	v39 =	vadd.s32 v0, v12;
	[tilespmem:s18+$0x1CE10] =	vst v7  }
0x406: {  	v7 =	vld.idx.msk [tilespmem:v8+s3+$0x0], $0xffff  }
0x407: {  	v41 =	vadd.s32 v0, v38  }
0x408: {  	v42 =	vld [tilespmem:s18+$0x18E40]  }
0x409: {  	v13 =	vld [tilespmem:s0+$0x18E70];
	[tilespmem:s2+$0x1CE10] =	vst v37  }
0x40a: {  	v9 =	vld.idx.msk [tilespmem:v39+s3+$0x0], $0xffff  }
0x40b: {  	v44 =	vld [tilespmem:s2+$0x18E40];
	v43 =	vadd.s32 v0, v40;
	[tilespmem:s18+$0x1CE20] =	vst v7  }
0x40c: {  	v6 =	vadd.s32 v0, v6;
	v7 =	vld.idx.msk [tilespmem:v41+s3+$0x0], $0xffff  }
0x40d: {  	v14 =	vld [tilespmem:s0+$0x18E50];
	v46 =	vadd.s32 v0, v42  }
0x40e: {  	v47 =	vld [tilespmem:s18+$0x18E50]  }
0x40f: {  	v48 =	vld [tilespmem:s2+$0x18E50];
	[tilespmem:s2+$0x1CE20] =	vst v9  }
0x410: {  	[tilespmem:s0+$0x1CE30] =	vst v5;
	v9 =	vld.idx.msk [tilespmem:v43+s3+$0x0], $0xffff  }
0x411: {  	v5 =	vadd.s32 v0, v44;
	v6 =	vld.idx.msk [tilespmem:v6+s3+$0x0], $0xffff;
	[tilespmem:s18+$0x1CE30] =	vst v7  }
0x412: {  	v14 =	vadd.s32 v0, v14;
	v8 =	vld.idx.msk [tilespmem:v46+s3+$0x0], $0xffff  }
0x413: {  	v45 =	vld [tilespmem:s0+$0x18E60];
	v50 =	vadd.s32 v0, v47  }
0x414: {  	v51 =	vld [tilespmem:s18+$0x18E60]  }
0x415: {  	v16 =	vld [tilespmem:s2+$0x18E60];
	[tilespmem:s2+$0x1CE30] =	vst v9  }
0x416: {  	[tilespmem:s0+$0x1CE40] =	vst v6;
	v5 =	vld.idx.msk [tilespmem:v5+s3+$0x0], $0xffff  }
0x417: {  	v6 =	vld.idx.msk [tilespmem:v14+s3+$0x0], $0xffff;
	v11 =	vadd.s32 v0, v48;
	[tilespmem:s18+$0x1CE40] =	vst v8  }
0x418: {  	v52 =	vadd.s32 v0, v45;
	v8 =	vld.idx.msk [tilespmem:v50+s3+$0x0], $0xffff  }
0x419: {  	v15 =	vld [tilespmem:s18+$0x18E70];
	v53 =	vadd.s32 v0, v51  }
0x41a: {  	v49 =	vld [tilespmem:s2+$0x18E70];
	[tilespmem:s17+$0x1CE50] =	vst v3  }
0x41b: {  	v3 =	vld.idx.msk [tilespmem:v4+s3+$0x0], $0xffff;
	[tilespmem:s2+$0x1CE40] =	vst v5  }
0x41c: {  	v1 =	vadd.s32 v0, v1;
	[tilespmem:s0+$0x1CE50] =	vst v6;
	v54 =	vld.idx.msk [tilespmem:v11+s3+$0x0], $0xffff  }
0x41d: {  	v55 =	vadd.s32 v0, v16;
	v56 =	vld.idx.msk [tilespmem:v52+s3+$0x0], $0xffff;
	[tilespmem:s18+$0x1CE50] =	vst v8  }
0x41e: {  	v57 =	vadd.s32 v0, v13;
	v58 =	vld.idx.msk [tilespmem:v53+s3+$0x0], $0xffff  }
0x41f: {  	v59 =	vadd.s32 v0, v15  }
0x420: {  	[tilespmem:s17+$0x1CE60] =	vst v3  }
0x421: {  	v1 =	vld.idx.msk [tilespmem:v1+s3+$0x0], $0xffff;
	[tilespmem:s2+$0x1CE50] =	vst v54  }
0x422: {  	[tilespmem:s0+$0x1CE60] =	vst v56;
	v60 =	vld.idx.msk [tilespmem:v55+s3+$0x0], $0xffff  }
0x423: {  	v61 =	vadd.s32 v0, v49;
	v62 =	vld.idx.msk [tilespmem:v57+s3+$0x0], $0xffff;
	[tilespmem:s18+$0x1CE60] =	vst v58  }
0x424: {  	v63 =	vld.idx.msk [tilespmem:v59+s3+$0x0], $0xffff  }
0x425: {  	[tilespmem:s10+$0x1CE70] =	vst v2  }
0x426: {  	[tilespmem:s17+$0x1CE70] =	vst v1  }
0x427: {  	[tilespmem:s2+$0x1CE60] =	vst v60  }
0x428: {  	[tilespmem:s0+$0x1CE70] =	vst v62;
	v0 =	vld.idx.msk [tilespmem:v61+s3+$0x0], $0xffff  }
0x429: {  	[tilespmem:s18+$0x1CE70] =	vst v63  }
0x42a: {  	s0 =	sld [smem:$0x7E8];
	_ =	sdelay $0x1  }
0x42b: {  	s10 =	simm.s32 @!p5 $0x1CE00  }
0x42c: {  	s0 =	sadd.s32 @!p5 s4, s0;
	s4 =	simm.s32 @!p5 $0x400;
	[tilespmem:s2+$0x1CE70] =	vst v0;
	s2 =	simm.s32 @!p5 $0x80  }
0x42d: {  	[hbm4b:s0+s2] =	stream.strided.scatter @!p5 [tilespmem:s10], [sflag:$0x6], $0x2000, s4, s2, $0x38;
	[tilespmem:$0x1EE00] =	vst v63  }
0x42e: {  	s0 =	sld [smem:$0x7E9];
	_ =	sdelay $0x1  }
0x42f: {  	s2 =	simm.s32 @p4 $0x80;
	s4 =	simm.s32 @p4 $0x400  }
0x430: {  	s1 =	sld [smem:$0x7BD];
	s0 =	sadd.s32 @p4 s6, s0;
	s6 =	simm.s32 @p4 $0x1CE00  }
0x431: {  	[hbm4b:s0+s2] =	stream.strided.scatter @p4 [tilespmem:s6], [sflag:$0x6], $0x2000, s4, s2, $0x38;
	[tilespmem:$0x1EE00] =	vst v63  }
0x432: {  	s0 =	sld [smem:$0x7EA]  }
0x433: {  	p1 =	seq.s32 s1, $0x1  }
0x434: {  	s19 =	sld [smem:$0x7BB];
	s2 =	simm.s32 @p1 $0x80  }
0x435: {  	s4 =	simm.s32 @p1 $0x400;
	s6 =	simm.s32 @p1 $0x1CE00;
	s0 =	sadd.s32 @p1 s8, s0  }
0x436: {  	[hbm4b:s0+s2] =	stream.strided.scatter @p1 [tilespmem:s6], [sflag:$0x6], $0x2000, s4, s2, $0x38;
	[tilespmem:$0x1EE00] =	vst v63  }
0x437: {  	s0 =	sld [smem:$0x7EB]  }
0x438: {  	p2 =	por p4, p4;
	p4 =	seq.s32 s19, $0x1  }
0x439: {  	s2 =	simm.s32 @p4 $0x80  }
0x43a: {  	s4 =	simm.s32 @p4 $0x400;
	s6 =	simm.s32 @p4 $0x1CE00;
	s0 =	sadd.s32 @p4 s9, s0  }
0x43b: {  	[hbm4b:s0+s2] =	stream.strided.scatter @p4 [tilespmem:s6], [sflag:$0x6], $0x2000, s4, s2, $0x38;
	[tilespmem:$0x1EE00] =	vst v63  }
0x43c: {  	s0 =	sld [smem:$0x7EC];
	_ =	sdelay $0x1  }
0x43d: {  	s30 =	sld [smem:$0x7C1];
	s2 =	simm.s32 @p0 $0x80  }
0x43e: {  	s4 =	simm.s32 @p0 $0x400;
	s6 =	simm.s32 @p0 $0x1CE00;
	s0 =	sadd.s32 @p0 s11, s0  }
0x43f: {  	[hbm4b:s0+s2] =	stream.strided.scatter @p0 [tilespmem:s6], [sflag:$0x6], $0x2000, s4, s2, $0x38;
	[tilespmem:$0x1EE00] =	vst v63  }
0x440: {  	s0 =	sld [smem:$0x7ED]  }
0x441: {  	p0 =	seq.s32 s30, $0x1  }
0x442: {  	s2 =	simm.s32 @p0 $0x80  }
0x443: {  	s4 =	simm.s32 @p0 $0x400;
	s6 =	simm.s32 @p0 $0x1CE00;
	s0 =	sadd.s32 @p0 s12, s0  }
0x444: {  	[hbm4b:s0+s2] =	stream.strided.scatter @p0 [tilespmem:s6], [sflag:$0x6], $0x2000, s4, s2, $0x38;
	[tilespmem:$0x1EE00] =	vst v63  }
0x445: {  	s0 =	sld [smem:$0x7EE];
	_ =	sdelay $0x1  }
0x446: {  	s31 =	sld [smem:$0x7C0];
	s2 =	simm.s32 @p6 $0x80  }
0x447: {  	s4 =	simm.s32 @p6 $0x400;
	s6 =	simm.s32 @p6 $0x1CE00;
	s0 =	sadd.s32 @p6 s16, s0  }
0x448: {  	[hbm4b:s0+s2] =	stream.strided.scatter @p6 [tilespmem:s6], [sflag:$0x6], $0x2000, s4, s2, $0x38;
	[tilespmem:$0x1EE00] =	vst v63  }
0x449: {  	s0 =	sld [smem:$0x7EF]  }
0x44a: {  	p3 =	seq.s32 s31, $0x1  }
0x44b: {  	s20 =	sadd.s32 $0x1, s20;
	s2 =	simm.s32 @p3 $0x80  }
0x44c: {  	s4 =	simm.s32 @p3 $0x400;
	s6 =	simm.s32 @p3 $0x1CE00;
	s0 =	sadd.s32 @p3 s7, s0  }
0x44d: {  	[hbm4b:s0+s2] =	stream.strided.scatter @p3 [tilespmem:s6], [sflag:$0x6], $0x2000, s4, s2, $0x38;
	[tilespmem:$0x1EE00] =	vst v63  }
0x44e: {  	p3 =	sne.s32 s20, $0xD  }
.Ltmp30:
0x44f: {  	_ = 	snop;
	(pc) =	sbr.rel @p3 .LBB2_2-.Ltmp30, $1  }
0x450: {  	_ =	sdelay $0x3  }
0x451: {  	s0 =	simm.s32 $0x5  }
0x452: {  	_ =	swait.ge [sflag:s0], $0x2000  }
0x453: {  	[sflag:s0] =	ssyncset.done $0x0  }
0x454: {  	s1 =	simm.s32 $0x6;
	[sflag:s0] =	ssyncadd.s32 $0xFFFFE000  }
0x455: {  	_ =	swait.ge [sflag:s1], $0x2000  }
0x456: {  	s2 =	sld [smem:$0x7B5];
	_ =	sdelay $0x2  }
0x457: {  	s31 =	rddreg [dreg:$0x1e];
	s2 =	sadd.s32 $0x1, s2  }
0x458: {  	p0 =	sne.s32 s2, s31  }
.Ltmp31:
0x459: {  	_ = 	snop;
	(pc) =	sbr.rel @p0 .LBB2_1-.Ltmp31, $3  }
0x45a: {  	_ =	sdelay $0x1  }
0x45b: {  	[sflag:s1] =	ssyncset.done $0x0  }
0x45c: {  	[sflag:s1] =	ssyncadd.s32 $0xFFFFE000  }
0x45d: {  	_ =	sfence.sel $0x180000  }
0x45e: {  	[bflag:$0x0] =	sbarrier.arrive $0xFFFF  }
0x45f: {  	_ =	strace $0x90000047  }
0x460: {  	s0 =	stileid.u32;
	[bflag:$0x2] =	sbarrier.arrive $0xFFFF  }
0x461: {  	p0 =	sne.s32 s0, $0x0;
	s0 =	rddreg [dreg:$0x4]  }
0x462: {  	s0 =	sadd.s32 @!p0 $0x100000, s0  }
0x463: {  	[sflag:s0] =	ssyncadd.tile.s32 @!p0 $0x1;
	_ =	shalt  }
.Lfunc_end2:
_tile_overlayer_lowered:
.L_overlay_start_2:
0x464: {  	(tag) =	ssettag $0x2  }
0x465: {  	s0 =	rddreg [dreg:$0x0];
	s2 =	stileid.u32  }
0x466: {  	s1 =	rddreg [dreg:$0x1];
	p0 =	sne.s32 s2, $0x0  }
0x467: {  	s3 =	rddreg [dreg:$0x2];
	[bflag:$0x3] =	sbarrier.arrive $0xFFFF;
	s2 =	simm.s32 @!p0 $0x1C07  }
0x468: {  	[timem:s3], [sflag:s2] =	dma.local @!p0 [hbm:s0], s1  }
0x469: {  	s0 =	simm.s32 @!p0 $0x7  }
0x46a: {  	_ =	swait.ge @!p0 [sflag:s0], s1  }
0x46b: {  	s1 =	ssub.s32 @!p0 $0x0, s1;
	[sflag:s0] =	ssyncset.done @!p0 $0x0  }
0x46c: {  	[sflag:s0] =	ssyncadd.s32 @!p0 s1  }
0x46d: {  	[bflag:$0x3] =	sbarrier.arrive $0xFFFF  }
0x46e: {  	_ =	shalt  }

</sc_bundles>
